<compile_context>
chip_gen: v7x
topology: tpu7x:2x2x1
jax: 0.10.2.dev20260603
libtpu: 0.0.44.dev20260713+nightly
codegen_flags: <defaults>
</compile_context>

<pallas_src>
import functools

import jax
import jax.numpy as jnp
from jax import lax
from jax.experimental import pallas as pl
from jax.experimental.pallas import tpu as pltpu
from jax.experimental.pallas import tpu_sc as plsc

B = 128
V = 100000
K = 100
EPS = 1e-8

NC = 2
NS = 16
NW = NC * NS
RPW = B // NW
WIN = 10000
NWIN = V // WIN
GRP = 400
NGRP = WIN // GRP
NVR = GRP // 16
CAP = 768
GPAD = 128
L = 16


def _sc_body(s_hbm, t_hbm, out_hbm, twina, twinb, cval, cidx, pbuf,
             gval, gidx, sdst, res, semta, semtb, semg):
    wid = lax.axis_index("s") * NC + lax.axis_index("c")
    lane = lax.iota(jnp.int32, 16)

    def select_thr(n):

        def cp(i, c):
            pbuf[pl.ds(i * 16, 16)] = cval[pl.ds(i * 16, 16)]
            return c

        lax.fori_loop(0, CAP // 16, cp, 0)

        def w_cond(c):
            return jnp.logical_not(c[0])

        def w_body(c):
            _, an, r, thr, m = c
            v0 = pbuf[pl.ds(0, 16)]
            pivot = v0[0]
            nv = (an + 15) // 16

            def cnt(i, cc):
                cgtv, ceqv = cc
                x = pbuf[pl.ds(i * 16, 16)]
                valid = (lane + i * 16) < an
                gt = jnp.logical_and(valid, x > pivot)
                eq = jnp.logical_and(valid, x == pivot)
                return (cgtv + plsc.all_reduce_population_count(gt),
                        ceqv + plsc.all_reduce_population_count(eq))

            zi = jnp.zeros((16,), jnp.int32)
            cgtv, ceqv = lax.fori_loop(0, nv, cnt, (zi, zi))
            cgt = cgtv[0]
            ceq = ceqv[0]
            done = jnp.logical_and(cgt <= r, cgt + ceq > r)

            def finish(an, r, thr, m):
                return (jnp.bool_(True), an, r, pivot, r - cgt + 1)

            def recurse(an, r, thr, m):
                up = cgt > r

                def cmp(i, kpv):
                    x = pbuf[pl.ds(i * 16, 16)]
                    valid = (lane + i * 16) < an
                    gt = jnp.logical_and(valid, x > pivot)
                    lt = jnp.logical_and(valid, x < pivot)
                    keep = jnp.logical_or(
                        jnp.logical_and(gt, up),
                        jnp.logical_and(lt, jnp.logical_not(up)))
                    cum = plsc.cumsum(keep.astype(jnp.int32))
                    pos = kpv + cum - 1
                    plsc.store_scatter(pbuf, [pos], x, mask=keep)
                    return kpv + plsc.all_reduce_population_count(keep)

                kpv = lax.fori_loop(0, nv, cmp, jnp.zeros((16,), jnp.int32))
                kp = kpv[0]
                r2 = jnp.where(up, r, r - (cgt + ceq))
                return (jnp.bool_(False), kp, r2, thr, m)

            return lax.cond(done, finish, recurse, an, r, thr, m)

        carry = (jnp.bool_(False), n, jnp.int32(K - 1), jnp.float32(0.0),
                 jnp.int32(0))
        _, _, _, thr, m = lax.while_loop(w_cond, w_body, carry)
        return thr, m

    def compact(n, thr, m, dval, didx):
        nv = (n + 15) // 16

        def body(i, cc):
            kpv, eqtv = cc
            x = cval[pl.ds(i * 16, 16)]
            sx = cidx[pl.ds(i * 16, 16)]
            valid = (lane + i * 16) < n
            gt = jnp.logical_and(valid, x > thr)
            eq = jnp.logical_and(valid, x == thr)
            eqc = plsc.cumsum(eq.astype(jnp.int32)) + eqtv
            take = jnp.logical_and(eq, eqc <= m)
            keep = jnp.logical_or(gt, take)
            cum = plsc.cumsum(keep.astype(jnp.int32))
            pos = kpv + cum - 1
            plsc.store_scatter(dval, [pos], x, mask=keep)
            plsc.store_scatter(didx, [pos], sx, mask=keep)
            return (kpv + plsc.all_reduce_population_count(keep),
                    eqtv + plsc.all_reduce_population_count(eq))

        zi = jnp.zeros((16,), jnp.int32)
        lax.fori_loop(0, nv, body, (zi, zi))

    def row_body(j, _):
        r = wid * RPW + j
        base = r * V

        def do_window(w, ptr, thr, twin, semt):
            pltpu.make_async_copy(t_hbm.at[pl.ds(base + w * WIN, WIN)],
                                  twin, semt).wait()

            def grp(g, carry):
                ptr, thr = carry
                off = g * GRP
                xs = [twin[pl.ds(off + q * 16, 16)] for q in range(NVR)]
                ms = [x > thr for x in xs]
                while len(ms) > 1:
                    ms = [jnp.logical_or(a, b)
                          for a, b in zip(ms[::2], ms[1::2])] + (
                              [ms[-1]] if len(ms) % 2 else [])
                hit = plsc.all_reduce_population_count(ms[0])[0] > 0

                def hit_path(ptr0, thr0):
                    def rebuild(p0, t0):
                        t2, m2 = select_thr(p0)
                        compact(p0, t2, m2, cval, cidx)
                        return jnp.int32(K), t2

                    def keep_pt(p0, t0):
                        return p0, t0

                    p1, t1 = lax.cond(ptr0 + GRP > CAP, rebuild, keep_pt,
                                      ptr0, thr0)
                    run = jnp.zeros((16,), jnp.int32) + p1
                    for q in range(NVR):
                        x = xs[q]
                        mm = x > t1
                        cum = plsc.cumsum(mm.astype(jnp.int32))
                        pos = run + cum - 1
                        plsc.store_scatter(cval, [pos], x, mask=mm)
                        colv = base + w * WIN + off + q * 16 + lane
                        plsc.store_scatter(cidx, [pos], colv, mask=mm)
                        run = run + plsc.all_reduce_population_count(mm)
                    return run[0], t1

                def miss_path(ptr0, thr0):
                    return ptr0, thr0

                ptr, thr = lax.cond(hit, hit_path, miss_path, ptr, thr)
                return ptr, thr

            return lax.fori_loop(0, NGRP, grp, (ptr, thr))

        def win2_body(w2, carry):
            ptr, thr = carry
            w = w2 * 2
            ptr, thr = do_window(w, ptr, thr, twina, semta)

            @pl.when(w + 2 < NWIN)
            def _():
                pltpu.async_copy(t_hbm.at[pl.ds(base + (w + 2) * WIN, WIN)],
                                 twina, semta)

            ptr, thr = do_window(w + 1, ptr, thr, twinb, semtb)

            @pl.when(w + 3 < NWIN)
            def _():
                pltpu.async_copy(t_hbm.at[pl.ds(base + (w + 3) * WIN, WIN)],
                                 twinb, semtb)

            return ptr, thr

        ptr, thr = lax.fori_loop(0, NWIN // 2, win2_body,
                                 (jnp.int32(0), jnp.float32(-jnp.inf)))

        @pl.when(j + 1 < RPW)
        def _():
            nbase = (r + 1) * V
            pltpu.async_copy(t_hbm.at[pl.ds(nbase, WIN)], twina, semta)
            pltpu.async_copy(t_hbm.at[pl.ds(nbase + WIN, WIN)], twinb,
                             semtb)

        for q in range(GPAD // 16):
            gval[pl.ds(q * 16, 16)] = jnp.zeros((16,), jnp.float32)
            gidx[pl.ds(q * 16, 16)] = jnp.zeros((16,), jnp.int32) + base

        t2, m2 = select_thr(ptr)
        compact(ptr, t2, m2, gval, gidx)

        pltpu.async_copy(s_hbm.at[gidx], sdst, semg).wait()

        def acc(q, cc):
            d, ss, tt = cc
            tv = gval[pl.ds(q * 16, 16)]
            sv = sdst[pl.ds(q * 16, 16)]
            valid = (lane + q * 16) < K
            sv = jnp.where(valid, sv, 0.0)
            return d + sv * tv, ss + sv * sv, tt + tv * tv

        z = jnp.zeros((16,), jnp.float32)
        dv, ssv, ttv = lax.fori_loop(0, 7, acc, (z, z, z))
        dot = jnp.sum(dv)
        ssum = jnp.sum(ssv)
        tsum = jnp.sum(ttv)
        res[...] = jnp.where(
            lane == 0, dot,
            jnp.where(lane == 1, ssum, jnp.where(lane == 2, tsum, 0.0)))
        pltpu.sync_copy(res, out_hbm.at[pl.ds(r * L, L)])
        return 0

    base0 = wid * RPW * V
    pltpu.async_copy(t_hbm.at[pl.ds(base0, WIN)], twina, semta)
    pltpu.async_copy(t_hbm.at[pl.ds(base0 + WIN, WIN)], twinb, semtb)
    lax.fori_loop(0, RPW, row_body, 0)


@functools.partial(
    pl.kernel,
    out_type=jax.ShapeDtypeStruct((B * L,), jnp.float32),
    mesh=plsc.VectorSubcoreMesh(core_axis_name="c", subcore_axis_name="s"),
    compiler_params=pltpu.CompilerParams(needs_layout_passes=False),
    scratch_types=[
        pltpu.VMEM((WIN,), jnp.float32),
        pltpu.VMEM((WIN,), jnp.float32),
        pltpu.VMEM((CAP + 16,), jnp.float32),
        pltpu.VMEM((CAP + 16,), jnp.int32),
        pltpu.VMEM((CAP + 16,), jnp.float32),
        pltpu.VMEM((GPAD,), jnp.float32),
        pltpu.VMEM((GPAD,), jnp.int32),
        pltpu.VMEM((GPAD,), jnp.float32),
        pltpu.VMEM((L,), jnp.float32),
        pltpu.SemaphoreType.DMA,
        pltpu.SemaphoreType.DMA,
        pltpu.SemaphoreType.DMA,
    ],
)
def _sc_topk(s_hbm, t_hbm, out_hbm, twina, twinb, cval, cidx, pbuf,
             gval, gidx, sdst, res, semta, semtb, semg):
    _sc_body(s_hbm, t_hbm, out_hbm, twina, twinb, cval, cidx, pbuf,
             gval, gidx, sdst, res, semta, semtb, semg)


def _cos_body(x_ref, o_ref):
    x = x_ref[...]
    dot = x[:, 0:1]
    ss = x[:, 1:2]
    tt = x[:, 2:3]
    nx = jnp.maximum(jnp.sqrt(ss), EPS)
    ny = jnp.maximum(jnp.sqrt(tt), EPS)
    cos = dot / (nx * ny)
    o_ref[...] = (jnp.sum(1.0 - cos) / B).reshape(1, 1)


def kernel(s_logits, t_logits):
    stats = _sc_topk(s_logits.reshape(-1), t_logits.reshape(-1))
    out = pl.pallas_call(
        _cos_body,
        out_shape=jax.ShapeDtypeStruct((1, 1), jnp.float32),
    )(stats.reshape(B, L))
    return out[0, 0]

# --- scband reference (transcript-rebuilt; emitter-appended) ---
"""Pipeline reference for scband-distill-cos-sim-11063835755053 (READ-ONLY COPY).

The authoritative reference and input builder live on the scoring server;
editing this copy changes nothing except your own understanding.
"""

import jax, jax.numpy as jnp
import numpy as np

B = 128
V = 100000
K = 100

def setup_inputs(seed: int = 0) -> dict:
    key = jax.random.key(seed)
    k1, k2 = jax.random.split(key)
    s_logits = jax.random.normal(k1, (B, V), dtype=jnp.float32)
    t_logits = jax.random.normal(k2, (B, V), dtype=jnp.float32)
    return {"s_logits": s_logits, "t_logits": t_logits}

def _cosine_similarity(x, y, eps=1e-8):
    dot = jnp.sum(x * y, axis=-1)
    nx = jnp.sqrt(jnp.sum(x * x, axis=-1))
    ny = jnp.sqrt(jnp.sum(y * y, axis=-1))
    return dot / (jnp.maximum(nx, eps) * jnp.maximum(ny, eps))

def reference(s_logits, t_logits):
    # top_k is not None branch; module hardcodes k=100 regardless of top_k value
    _, topk_idx = jax.lax.top_k(t_logits, K)
    t_topk = jnp.take_along_axis(t_logits, topk_idx, axis=-1)
    s_topk = jnp.take_along_axis(s_logits, topk_idx, axis=-1)
    loss = jnp.mean(1.0 - _cosine_similarity(s_topk, t_topk))
    return loss

if __name__ == "__main__":
    import jax
    _d = setup_inputs()
    print(jax.jit(kernel)(*tuple(_d.values())))

</pallas_src>

<mosaic_0001>
#map = affine_map<(d0, d1) -> (0)>
module attributes {stable_mosaic.version = 14 : i64} {
  func.func @_sc_topk(%arg0: i32, %arg1: i32, %arg2: memref<12800000xf32, #tpu.memory_space<hbm>>, %arg3: memref<12800000xf32, #tpu.memory_space<hbm>>, %arg4: memref<2048xf32, #tpu.memory_space<hbm>>, %arg5: memref<10000xf32, #tpu.memory_space<vmem>>, %arg6: memref<10000xf32, #tpu.memory_space<vmem>>, %arg7: memref<784xf32, #tpu.memory_space<vmem>>, %arg8: memref<784xi32, #tpu.memory_space<vmem>>, %arg9: memref<784xf32, #tpu.memory_space<vmem>>, %arg10: memref<128xf32, #tpu.memory_space<vmem>>, %arg11: memref<128xi32, #tpu.memory_space<vmem>>, %arg12: memref<128xf32, #tpu.memory_space<vmem>>, %arg13: memref<16xf32, #tpu.memory_space<vmem>>, %arg14: memref<!tpu.dma_semaphore, #tpu.memory_space<semaphore_mem>>, %arg15: memref<!tpu.dma_semaphore, #tpu.memory_space<semaphore_mem>>, %arg16: memref<!tpu.dma_semaphore, #tpu.memory_space<semaphore_mem>>) attributes {dimension_semantics = [#tpu.dimension_semantics<core_parallel>, #tpu.dimension_semantics<subcore_parallel>], iteration_bounds = array<i64: 2, 16>, scalar_prefetch = 0 : i64, scratch_operands = 12 : i64, tpu.core_type = #tpu.core_type<sc_vector_subcore>, window_params = [{transform_indices = #map}, {transform_indices = #map}, {transform_indices = #map}]} {
    %mul3A = arith.constant 2 : i32
    %mul3A_0 = arith.muli %arg1, %mul3A : i32
    %add3A = arith.addi %mul3A_0, %arg0 : i32
    %iota3A = tpu.iota {dimensions = array<i32: 0>} : vector<16xi32>
    %mul3A_1 = arith.constant 4 : i32
    %mul3A_2 = arith.muli %add3A, %mul3A_1 : i32
    %mul3A_3 = arith.constant 100000 : i32
    %mul3A_4 = arith.muli %mul3A_2, %mul3A_3 : i32
    %dma_start3A = tpu.memref_slice %arg3[%mul3A_4] : memref<12800000xf32, #tpu.memory_space<hbm>> -> memref<10000xf32, #tpu.memory_space<hbm>>
    %dma_start3A_5 = tpu.memref_slice %arg3[%mul3A_4] : memref<12800000xf32, #tpu.memory_space<hbm>> -> memref<10000xf32, #tpu.memory_space<hbm>>
    tpu.enqueue_dma source(%dma_start3A_5 : memref<10000xf32, #tpu.memory_space<hbm>>) target(%arg5 : memref<10000xf32, #tpu.memory_space<vmem>>) target_semaphore(%arg14 : memref<!tpu.dma_semaphore, #tpu.memory_space<semaphore_mem>>)
    %add3A_6 = arith.constant 10000 : i32
    %add3A_7 = arith.addi %mul3A_4, %add3A_6 : i32
    %dma_start3A_8 = tpu.memref_slice %arg3[%add3A_7] : memref<12800000xf32, #tpu.memory_space<hbm>> -> memref<10000xf32, #tpu.memory_space<hbm>>
    %dma_start3A_9 = tpu.memref_slice %arg3[%add3A_7] : memref<12800000xf32, #tpu.memory_space<hbm>> -> memref<10000xf32, #tpu.memory_space<hbm>>
    tpu.enqueue_dma source(%dma_start3A_9 : memref<10000xf32, #tpu.memory_space<hbm>>) target(%arg6 : memref<10000xf32, #tpu.memory_space<vmem>>) target_semaphore(%arg15 : memref<!tpu.dma_semaphore, #tpu.memory_space<semaphore_mem>>)
    %scan3A = arith.constant 0 : i32
    %scan3A_10 = arith.constant 0 : i32
    %scan3A_11 = arith.constant 4 : i32
    %scan3A_12 = arith.addi %scan3A_10, %scan3A_11 : i32
    %scan3A_13 = arith.constant 1 : i32
    %scan3A_14 = scf.for %scan3A_16 = %scan3A_10 to %scan3A_12 step %scan3A_13 iter_args(%scan3A_17 = %scan3A) -> (i32)  : i32 {
      %mul3A_18 = arith.constant 4 : i32
      %mul3A_19 = arith.muli %add3A, %mul3A_18 : i32
      %add3A_20 = arith.addi %mul3A_19, %scan3A_16 : i32
      %mul3A_21 = arith.constant 100000 : i32
      %mul3A_22 = arith.muli %add3A_20, %mul3A_21 : i32
      %scan3A_23 = arith.constant 0 : i32
      %scan3A_24 = arith.constant 0xFF800000 : f32
      %scan3A_25 = arith.constant 0 : i32
      %scan3A_26 = arith.constant 5 : i32
      %scan3A_27 = arith.addi %scan3A_25, %scan3A_26 : i32
      %scan3A_28 = arith.constant 1 : i32
      %scan3A_29:2 = scf.for %scan3A_197 = %scan3A_25 to %scan3A_27 step %scan3A_28 iter_args(%scan3A_198 = %scan3A_23, %scan3A_199 = %scan3A_24) -> (i32, f32)  : i32 {
        %mul3A_200 = arith.constant 2 : i32
        %mul3A_201 = arith.muli %scan3A_197, %mul3A_200 : i32
        %mul3A_202 = arith.constant 10000 : i32
        %mul3A_203 = arith.muli %mul3A_201, %mul3A_202 : i32
        %add3A_204 = arith.addi %mul3A_22, %mul3A_203 : i32
        %dma_wait3A_205 = tpu.memref_slice %arg3[%add3A_204] : memref<12800000xf32, #tpu.memory_space<hbm>> -> memref<10000xf32, #tpu.memory_space<hbm>>
        %dma_wait3A_206 = tpu.memref_slice %arg3[%add3A_204] : memref<12800000xf32, #tpu.memory_space<hbm>> -> memref<10000xf32, #tpu.memory_space<hbm>>
        tpu.wait_dma2 semaphore(%arg14 : memref<!tpu.dma_semaphore, #tpu.memory_space<semaphore_mem>>) src(%dma_wait3A_206 : memref<10000xf32, #tpu.memory_space<hbm>>) dst(%arg5 : memref<10000xf32, #tpu.memory_space<vmem>>)
        %scan3A_207 = arith.constant 0 : i32
        %scan3A_208 = arith.constant 25 : i32
        %scan3A_209 = arith.addi %scan3A_207, %scan3A_208 : i32
        %scan3A_210 = arith.constant 1 : i32
        %scan3A_211:2 = scf.for %scan3A_240 = %scan3A_207 to %scan3A_209 step %scan3A_210 iter_args(%scan3A_241 = %scan3A_198, %scan3A_242 = %scan3A_199) -> (i32, f32)  : i32 {
          %mul3A_243 = arith.constant 400 : i32
          %mul3A_244 = arith.muli %scan3A_240, %mul3A_243 : i32
          %add3A_245 = arith.constant 0 : i32
          %add3A_246 = arith.addi %mul3A_244, %add3A_245 : i32
          %get3A = arith.index_cast %add3A_246 : i32 to index
          %get3A_247 = tpu.vector_load %arg5[%get3A] {strides = array<i32>} : memref<10000xf32, #tpu.memory_space<vmem>>, vector<16xf32>,
          %add3A_248 = arith.constant 16 : i32
          %add3A_249 = arith.addi %mul3A_244, %add3A_248 : i32
          %get3A_250 = arith.index_cast %add3A_249 : i32 to index
          %get3A_251 = tpu.vector_load %arg5[%get3A_250] {strides = array<i32>} : memref<10000xf32, #tpu.memory_space<vmem>>, vector<16xf32>,
          %add3A_252 = arith.constant 32 : i32
          %add3A_253 = arith.addi %mul3A_244, %add3A_252 : i32
          %get3A_254 = arith.index_cast %add3A_253 : i32 to index
          %get3A_255 = tpu.vector_load %arg5[%get3A_254] {strides = array<i32>} : memref<10000xf32, #tpu.memory_space<vmem>>, vector<16xf32>,
          %add3A_256 = arith.constant 48 : i32
          %add3A_257 = arith.addi %mul3A_244, %add3A_256 : i32
          %get3A_258 = arith.index_cast %add3A_257 : i32 to index
          %get3A_259 = tpu.vector_load %arg5[%get3A_258] {strides = array<i32>} : memref<10000xf32, #tpu.memory_space<vmem>>, vector<16xf32>,
          %add3A_260 = arith.constant 64 : i32
          %add3A_261 = arith.addi %mul3A_244, %add3A_260 : i32
          %get3A_262 = arith.index_cast %add3A_261 : i32 to index
          %get3A_263 = tpu.vector_load %arg5[%get3A_262] {strides = array<i32>} : memref<10000xf32, #tpu.memory_space<vmem>>, vector<16xf32>,
          %add3A_264 = arith.constant 80 : i32
          %add3A_265 = arith.addi %mul3A_244, %add3A_264 : i32
          %get3A_266 = arith.index_cast %add3A_265 : i32 to index
          %get3A_267 = tpu.vector_load %arg5[%get3A_266] {strides = array<i32>} : memref<10000xf32, #tpu.memory_space<vmem>>, vector<16xf32>,
          %add3A_268 = arith.constant 96 : i32
          %add3A_269 = arith.addi %mul3A_244, %add3A_268 : i32
          %get3A_270 = arith.index_cast %add3A_269 : i32 to index
          %get3A_271 = tpu.vector_load %arg5[%get3A_270] {strides = array<i32>} : memref<10000xf32, #tpu.memory_space<vmem>>, vector<16xf32>,
          %add3A_272 = arith.constant 112 : i32
          %add3A_273 = arith.addi %mul3A_244, %add3A_272 : i32
          %get3A_274 = arith.index_cast %add3A_273 : i32 to index
          %get3A_275 = tpu.vector_load %arg5[%get3A_274] {strides = array<i32>} : memref<10000xf32, #tpu.memory_space<vmem>>, vector<16xf32>,
          %add3A_276 = arith.constant 128 : i32
          %add3A_277 = arith.addi %mul3A_244, %add3A_276 : i32
          %get3A_278 = arith.index_cast %add3A_277 : i32 to index
          %get3A_279 = tpu.vector_load %arg5[%get3A_278] {strides = array<i32>} : memref<10000xf32, #tpu.memory_space<vmem>>, vector<16xf32>,
          %add3A_280 = arith.constant 144 : i32
          %add3A_281 = arith.addi %mul3A_244, %add3A_280 : i32
          %get3A_282 = arith.index_cast %add3A_281 : i32 to index
          %get3A_283 = tpu.vector_load %arg5[%get3A_282] {strides = array<i32>} : memref<10000xf32, #tpu.memory_space<vmem>>, vector<16xf32>,
          %add3A_284 = arith.constant 160 : i32
          %add3A_285 = arith.addi %mul3A_244, %add3A_284 : i32
          %get3A_286 = arith.index_cast %add3A_285 : i32 to index
          %get3A_287 = tpu.vector_load %arg5[%get3A_286] {strides = array<i32>} : memref<10000xf32, #tpu.memory_space<vmem>>, vector<16xf32>,
          %add3A_288 = arith.constant 176 : i32
          %add3A_289 = arith.addi %mul3A_244, %add3A_288 : i32
          %get3A_290 = arith.index_cast %add3A_289 : i32 to index
          %get3A_291 = tpu.vector_load %arg5[%get3A_290] {strides = array<i32>} : memref<10000xf32, #tpu.memory_space<vmem>>, vector<16xf32>,
          %add3A_292 = arith.constant 192 : i32
          %add3A_293 = arith.addi %mul3A_244, %add3A_292 : i32
          %get3A_294 = arith.index_cast %add3A_293 : i32 to index
          %get3A_295 = tpu.vector_load %arg5[%get3A_294] {strides = array<i32>} : memref<10000xf32, #tpu.memory_space<vmem>>, vector<16xf32>,
          %add3A_296 = arith.constant 208 : i32
          %add3A_297 = arith.addi %mul3A_244, %add3A_296 : i32
          %get3A_298 = arith.index_cast %add3A_297 : i32 to index
          %get3A_299 = tpu.vector_load %arg5[%get3A_298] {strides = array<i32>} : memref<10000xf32, #tpu.memory_space<vmem>>, vector<16xf32>,
          %add3A_300 = arith.constant 224 : i32
          %add3A_301 = arith.addi %mul3A_244, %add3A_300 : i32
          %get3A_302 = arith.index_cast %add3A_301 : i32 to index
          %get3A_303 = tpu.vector_load %arg5[%get3A_302] {strides = array<i32>} : memref<10000xf32, #tpu.memory_space<vmem>>, vector<16xf32>,
          %add3A_304 = arith.constant 240 : i32
          %add3A_305 = arith.addi %mul3A_244, %add3A_304 : i32
          %get3A_306 = arith.index_cast %add3A_305 : i32 to index
          %get3A_307 = tpu.vector_load %arg5[%get3A_306] {strides = array<i32>} : memref<10000xf32, #tpu.memory_space<vmem>>, vector<16xf32>,
          %add3A_308 = arith.constant 256 : i32
          %add3A_309 = arith.addi %mul3A_244, %add3A_308 : i32
          %get3A_310 = arith.index_cast %add3A_309 : i32 to index
          %get3A_311 = tpu.vector_load %arg5[%get3A_310] {strides = array<i32>} : memref<10000xf32, #tpu.memory_space<vmem>>, vector<16xf32>,
          %add3A_312 = arith.constant 272 : i32
          %add3A_313 = arith.addi %mul3A_244, %add3A_312 : i32
          %get3A_314 = arith.index_cast %add3A_313 : i32 to index
          %get3A_315 = tpu.vector_load %arg5[%get3A_314] {strides = array<i32>} : memref<10000xf32, #tpu.memory_space<vmem>>, vector<16xf32>,
          %add3A_316 = arith.constant 288 : i32
          %add3A_317 = arith.addi %mul3A_244, %add3A_316 : i32
          %get3A_318 = arith.index_cast %add3A_317 : i32 to index
          %get3A_319 = tpu.vector_load %arg5[%get3A_318] {strides = array<i32>} : memref<10000xf32, #tpu.memory_space<vmem>>, vector<16xf32>,
          %add3A_320 = arith.constant 304 : i32
          %add3A_321 = arith.addi %mul3A_244, %add3A_320 : i32
          %get3A_322 = arith.index_cast %add3A_321 : i32 to index
          %get3A_323 = tpu.vector_load %arg5[%get3A_322] {strides = array<i32>} : memref<10000xf32, #tpu.memory_space<vmem>>, vector<16xf32>,
          %add3A_324 = arith.constant 320 : i32
          %add3A_325 = arith.addi %mul3A_244, %add3A_324 : i32
          %get3A_326 = arith.index_cast %add3A_325 : i32 to index
          %get3A_327 = tpu.vector_load %arg5[%get3A_326] {strides = array<i32>} : memref<10000xf32, #tpu.memory_space<vmem>>, vector<16xf32>,
          %add3A_328 = arith.constant 336 : i32
          %add3A_329 = arith.addi %mul3A_244, %add3A_328 : i32
          %get3A_330 = arith.index_cast %add3A_329 : i32 to index
          %get3A_331 = tpu.vector_load %arg5[%get3A_330] {strides = array<i32>} : memref<10000xf32, #tpu.memory_space<vmem>>, vector<16xf32>,
          %add3A_332 = arith.constant 352 : i32
          %add3A_333 = arith.addi %mul3A_244, %add3A_332 : i32
          %get3A_334 = arith.index_cast %add3A_333 : i32 to index
          %get3A_335 = tpu.vector_load %arg5[%get3A_334] {strides = array<i32>} : memref<10000xf32, #tpu.memory_space<vmem>>, vector<16xf32>,
          %add3A_336 = arith.constant 368 : i32
          %add3A_337 = arith.addi %mul3A_244, %add3A_336 : i32
          %get3A_338 = arith.index_cast %add3A_337 : i32 to index
          %get3A_339 = tpu.vector_load %arg5[%get3A_338] {strides = array<i32>} : memref<10000xf32, #tpu.memory_space<vmem>>, vector<16xf32>,
          %add3A_340 = arith.constant 384 : i32
          %add3A_341 = arith.addi %mul3A_244, %add3A_340 : i32
          %get3A_342 = arith.index_cast %add3A_341 : i32 to index
          %get3A_343 = tpu.vector_load %arg5[%get3A_342] {strides = array<i32>} : memref<10000xf32, #tpu.memory_space<vmem>>, vector<16xf32>,
          %gt3A = vector.broadcast %scan3A_242 : f32 to vector<16xf32>
          %gt3A_344 = arith.cmpf ogt, %get3A_247, %gt3A : vector<16xf32>
          %gt3A_345 = vector.broadcast %scan3A_242 : f32 to vector<16xf32>
          %gt3A_346 = arith.cmpf ogt, %get3A_251, %gt3A_345 : vector<16xf32>
          %gt3A_347 = vector.broadcast %scan3A_242 : f32 to vector<16xf32>
          %gt3A_348 = arith.cmpf ogt, %get3A_255, %gt3A_347 : vector<16xf32>
          %gt3A_349 = vector.broadcast %scan3A_242 : f32 to vector<16xf32>
          %gt3A_350 = arith.cmpf ogt, %get3A_259, %gt3A_349 : vector<16xf32>
          %gt3A_351 = vector.broadcast %scan3A_242 : f32 to vector<16xf32>
          %gt3A_352 = arith.cmpf ogt, %get3A_263, %gt3A_351 : vector<16xf32>
          %gt3A_353 = vector.broadcast %scan3A_242 : f32 to vector<16xf32>
          %gt3A_354 = arith.cmpf ogt, %get3A_267, %gt3A_353 : vector<16xf32>
          %gt3A_355 = vector.broadcast %scan3A_242 : f32 to vector<16xf32>
          %gt3A_356 = arith.cmpf ogt, %get3A_271, %gt3A_355 : vector<16xf32>
          %gt3A_357 = vector.broadcast %scan3A_242 : f32 to vector<16xf32>
          %gt3A_358 = arith.cmpf ogt, %get3A_275, %gt3A_357 : vector<16xf32>
          %gt3A_359 = vector.broadcast %scan3A_242 : f32 to vector<16xf32>
          %gt3A_360 = arith.cmpf ogt, %get3A_279, %gt3A_359 : vector<16xf32>
          %gt3A_361 = vector.broadcast %scan3A_242 : f32 to vector<16xf32>
          %gt3A_362 = arith.cmpf ogt, %get3A_283, %gt3A_361 : vector<16xf32>
          %gt3A_363 = vector.broadcast %scan3A_242 : f32 to vector<16xf32>
          %gt3A_364 = arith.cmpf ogt, %get3A_287, %gt3A_363 : vector<16xf32>
          %gt3A_365 = vector.broadcast %scan3A_242 : f32 to vector<16xf32>
          %gt3A_366 = arith.cmpf ogt, %get3A_291, %gt3A_365 : vector<16xf32>
          %gt3A_367 = vector.broadcast %scan3A_242 : f32 to vector<16xf32>
          %gt3A_368 = arith.cmpf ogt, %get3A_295, %gt3A_367 : vector<16xf32>
          %gt3A_369 = vector.broadcast %scan3A_242 : f32 to vector<16xf32>
          %gt3A_370 = arith.cmpf ogt, %get3A_299, %gt3A_369 : vector<16xf32>
          %gt3A_371 = vector.broadcast %scan3A_242 : f32 to vector<16xf32>
          %gt3A_372 = arith.cmpf ogt, %get3A_303, %gt3A_371 : vector<16xf32>
          %gt3A_373 = vector.broadcast %scan3A_242 : f32 to vector<16xf32>
          %gt3A_374 = arith.cmpf ogt, %get3A_307, %gt3A_373 : vector<16xf32>
          %gt3A_375 = vector.broadcast %scan3A_242 : f32 to vector<16xf32>
          %gt3A_376 = arith.cmpf ogt, %get3A_311, %gt3A_375 : vector<16xf32>
          %gt3A_377 = vector.broadcast %scan3A_242 : f32 to vector<16xf32>
          %gt3A_378 = arith.cmpf ogt, %get3A_315, %gt3A_377 : vector<16xf32>
          %gt3A_379 = vector.broadcast %scan3A_242 : f32 to vector<16xf32>
          %gt3A_380 = arith.cmpf ogt, %get3A_319, %gt3A_379 : vector<16xf32>
          %gt3A_381 = vector.broadcast %scan3A_242 : f32 to vector<16xf32>
          %gt3A_382 = arith.cmpf ogt, %get3A_323, %gt3A_381 : vector<16xf32>
          %gt3A_383 = vector.broadcast %scan3A_242 : f32 to vector<16xf32>
          %gt3A_384 = arith.cmpf ogt, %get3A_327, %gt3A_383 : vector<16xf32>
          %gt3A_385 = vector.broadcast %scan3A_242 : f32 to vector<16xf32>
          %gt3A_386 = arith.cmpf ogt, %get3A_331, %gt3A_385 : vector<16xf32>
          %gt3A_387 = vector.broadcast %scan3A_242 : f32 to vector<16xf32>
          %gt3A_388 = arith.cmpf ogt, %get3A_335, %gt3A_387 : vector<16xf32>
          %gt3A_389 = vector.broadcast %scan3A_242 : f32 to vector<16xf32>
          %gt3A_390 = arith.cmpf ogt, %get3A_339, %gt3A_389 : vector<16xf32>
          %gt3A_391 = vector.broadcast %scan3A_242 : f32 to vector<16xf32>
          %gt3A_392 = arith.cmpf ogt, %get3A_343, %gt3A_391 : vector<16xf32>
          %or3A = arith.ori %gt3A_344, %gt3A_346 : vector<16xi1>
          %or3A_393 = arith.ori %gt3A_348, %gt3A_350 : vector<16xi1>
          %or3A_394 = arith.ori %gt3A_352, %gt3A_354 : vector<16xi1>
          %or3A_395 = arith.ori %gt3A_356, %gt3A_358 : vector<16xi1>
          %or3A_396 = arith.ori %gt3A_360, %gt3A_362 : vector<16xi1>
          %or3A_397 = arith.ori %gt3A_364, %gt3A_366 : vector<16xi1>
          %or3A_398 = arith.ori %gt3A_368, %gt3A_370 : vector<16xi1>
          %or3A_399 = arith.ori %gt3A_372, %gt3A_374 : vector<16xi1>
          %or3A_400 = arith.ori %gt3A_376, %gt3A_378 : vector<16xi1>
          %or3A_401 = arith.ori %gt3A_380, %gt3A_382 : vector<16xi1>
          %or3A_402 = arith.ori %gt3A_384, %gt3A_386 : vector<16xi1>
          %or3A_403 = arith.ori %gt3A_388, %gt3A_390 : vector<16xi1>
          %or3A_404 = arith.ori %or3A, %or3A_393 : vector<16xi1>
          %or3A_405 = arith.ori %or3A_394, %or3A_395 : vector<16xi1>
          %or3A_406 = arith.ori %or3A_396, %or3A_397 : vector<16xi1>
          %or3A_407 = arith.ori %or3A_398, %or3A_399 : vector<16xi1>
          %or3A_408 = arith.ori %or3A_400, %or3A_401 : vector<16xi1>
          %or3A_409 = arith.ori %or3A_402, %or3A_403 : vector<16xi1>
          %or3A_410 = arith.ori %or3A_404, %or3A_405 : vector<16xi1>
          %or3A_411 = arith.ori %or3A_406, %or3A_407 : vector<16xi1>
          %or3A_412 = arith.ori %or3A_408, %or3A_409 : vector<16xi1>
          %or3A_413 = arith.ori %or3A_410, %or3A_411 : vector<16xi1>
          %or3A_414 = arith.ori %or3A_412, %gt3A_392 : vector<16xi1>
          %or3A_415 = arith.ori %or3A_413, %or3A_414 : vector<16xi1>
          %all_reduce_population_count3A = tpu.all_reduce %or3A_415 {dim = 0 : i64, kind = #tpu.reduction_kind<sum>} : vector<16xi1> -> vector<16xi32>
          %slice3A = vector.extract_strided_slice %all_reduce_population_count3A {offsets = [0], sizes = [1], strides = [1]} : vector<16xi32> to vector<1xi32>
          %squeeze3A = vector.extract %slice3A[0] : i32 from vector<1xi32>
          %gt3A_416 = arith.constant 0 : i32
          %gt3A_417 = arith.cmpi sgt, %squeeze3A, %gt3A_416 : i32
          %convert_element_type3A_418 = arith.extui %gt3A_417 : i1 to i32
          %cond3A_419 = arith.constant 0 : i32
          %cond3A_420 = arith.cmpi ne, %convert_element_type3A_418, %cond3A_419 : i32
          %cond3A_421:2 = scf.if %cond3A_420 -> (i32, f32) {
            %add3A_422 = arith.constant 400 : i32
            %add3A_423 = arith.addi %scan3A_241, %add3A_422 : i32
            %gt3A_424 = arith.constant 768 : i32
            %gt3A_425 = arith.cmpi sgt, %add3A_423, %gt3A_424 : i32
            %convert_element_type3A_426 = arith.extui %gt3A_425 : i1 to i32
            %cond3A_427 = arith.constant 0 : i32
            %cond3A_428 = arith.cmpi ne, %convert_element_type3A_426, %cond3A_427 : i32
            %cond3A_429:2 = scf.if %cond3A_428 -> (i32, f32) {
              %scan3A_935 = arith.constant 0 : i32
              %scan3A_936 = arith.constant 0 : i32
              %scan3A_937 = arith.constant 48 : i32
              %scan3A_938 = arith.addi %scan3A_936, %scan3A_937 : i32
              %scan3A_939 = arith.constant 1 : i32
              scf.for %scan3A_986 = %scan3A_936 to %scan3A_938 step %scan3A_939  : i32 {
                %mul3A_987 = arith.constant 16 : i32
                %mul3A_988 = arith.muli %scan3A_986, %mul3A_987 : i32
                %get3A_989 = arith.index_cast %mul3A_988 : i32 to index
                %get3A_990 = tpu.vector_load %arg7[%get3A_989] {strides = array<i32>} : memref<784xf32, #tpu.memory_space<vmem>>, vector<16xf32>,
                %mul3A_991 = arith.constant 16 : i32
                %mul3A_992 = arith.muli %scan3A_986, %mul3A_991 : i32
                %swap3A_993 = arith.index_cast %mul3A_992 : i32 to index
                %swap3A_994 = tpu.vector_load %arg9[%swap3A_993] {strides = array<i32>} : memref<784xf32, #tpu.memory_space<vmem>>, vector<16xf32>,
                tpu.vector_store %arg9[%swap3A_993], %get3A_990 {strides = array<i32>} : memref<784xf32, #tpu.memory_space<vmem>>, vector<16xf32>,
              }
              %scan3A_940 = arith.constant 48 : i32
              %while3A_941 = arith.constant false
              %while3A_942 = arith.constant 99 : i32
              %while3A_943 = arith.constant 0.000000e+00 : f32
              %while3A_944 = arith.constant 0 : i32
              %while3A_945:5 = scf.while (%while3A_986 = %while3A_941, %while3A_987 = %scan3A_241, %while3A_988 = %while3A_942, %while3A_989 = %while3A_943, %while3A_990 = %while3A_944) : (i1, i32, i32, f32, i32) -> (i1, i32, i32, f32, i32) {
                %not3A = arith.constant true
                %not3A_991 = arith.xori %while3A_986, %not3A : i1
                scf.condition(%not3A_991) %while3A_986, %while3A_987, %while3A_988, %while3A_989, %while3A_990 : i1, i32, i32, f32, i32
              } do {
              ^bb0(%while3A_986: i1, %while3A_987: i32, %while3A_988: i32, %while3A_989: f32, %while3A_990: i32):
                %get3A_991 = arith.constant 0 : index
                %get3A_992 = tpu.vector_load %arg9[%get3A_991] {strides = array<i32>} : memref<784xf32, #tpu.memory_space<vmem>>, vector<16xf32>,
                %slice3A_993 = vector.extract_strided_slice %get3A_992 {offsets = [0], sizes = [1], strides = [1]} : vector<16xf32> to vector<1xf32>
                %squeeze3A_994 = vector.extract %slice3A_993[0] : f32 from vector<1xf32>
                %add3A_995 = arith.constant 15 : i32
                %add3A_996 = arith.addi %while3A_987, %add3A_995 : i32
                %jit3A_997 = arith.constant 16 : i32
                %div3A_998 = arith.divsi %add3A_996, %jit3A_997 : i32
                %sign3A_999 = arith.constant 0 : i32
                %sign3A_1000 = arith.cmpi sgt, %add3A_996, %sign3A_999 : i32
                %sign3A_1001 = arith.extui %sign3A_1000 : i1 to i32
                %sign3A_1002 = arith.constant 0 : i32
                %sign3A_1003 = arith.cmpi slt, %add3A_996, %sign3A_1002 : i32
                %sign3A_1004 = arith.extui %sign3A_1003 : i1 to i32
                %sign3A_1005 = arith.subi %sign3A_1001, %sign3A_1004 : i32
                %sign3A_1006 = arith.constant 0 : i32
                %sign3A_1007 = arith.cmpi sgt, %jit3A_997, %sign3A_1006 : i32
                %sign3A_1008 = arith.extui %sign3A_1007 : i1 to i32
                %sign3A_1009 = arith.constant 0 : i32
                %sign3A_1010 = arith.cmpi slt, %jit3A_997, %sign3A_1009 : i32
                %sign3A_1011 = arith.extui %sign3A_1010 : i1 to i32
                %sign3A_1012 = arith.subi %sign3A_1008, %sign3A_1011 : i32
                %ne3A_1013 = arith.cmpi ne, %sign3A_1005, %sign3A_1012 : i32
                %rem3A_1014 = arith.remsi %add3A_996, %jit3A_997 : i32
                %ne3A_1015 = arith.constant 0 : i32
                %ne3A_1016 = arith.cmpi ne, %rem3A_1014, %ne3A_1015 : i32
                %and3A_1017 = arith.andi %ne3A_1013, %ne3A_1016 : i1
                %sub3A_1018 = arith.constant 1 : i32
                %sub3A_1019 = arith.subi %div3A_998, %sub3A_1018 : i32
                %select_n3A_1020 = arith.select %and3A_1017, %sub3A_1019, %div3A_998 : i32
                %broadcast_in_dim3A_1021 = arith.constant 0 : i32
                %broadcast_in_dim3A_1022 = vector.broadcast %broadcast_in_dim3A_1021 : i32 to vector<16xi32>
                %while3A_1023 = arith.constant 0 : i32
                %while3A_1024 = arith.subi %select_n3A_1020, %while3A_1023 : i32
                %while3A_1025 = arith.addi %while3A_1023, %while3A_1024 : i32
                %while3A_1026 = arith.constant 1 : i32
                %while3A_1027 = arith.divsi %while3A_1024, %while3A_1026 : i32
                %while3A_1028 = arith.muli %while3A_1027, %while3A_1026 : i32
                %while3A_1029 = arith.addi %while3A_1023, %while3A_1028 : i32
                %while3A_1030 = arith.constant 1 : i32
                %while3A_1031:2 = scf.for %while3A_1045 = %while3A_1023 to %while3A_1029 step %while3A_1030 iter_args(%while3A_1046 = %broadcast_in_dim3A_1022, %while3A_1047 = %broadcast_in_dim3A_1022) -> (vector<16xi32>, vector<16xi32>)  : i32 {
                  %mul3A_1048 = arith.constant 16 : i32
                  %mul3A_1049 = arith.muli %while3A_1045, %mul3A_1048 : i32
                  %get3A_1050 = arith.index_cast %mul3A_1049 : i32 to index
                  %get3A_1051 = tpu.vector_load %arg9[%get3A_1050] {strides = array<i32>} : memref<784xf32, #tpu.memory_space<vmem>>, vector<16xf32>,
                  %mul3A_1052 = arith.constant 16 : i32
                  %mul3A_1053 = arith.muli %while3A_1045, %mul3A_1052 : i32
                  %add3A_1054 = vector.broadcast %mul3A_1053 : i32 to vector<16xi32>
                  %add3A_1055 = arith.addi %iota3A, %add3A_1054 : vector<16xi32>
                  %lt3A_1056 = vector.broadcast %while3A_987 : i32 to vector<16xi32>
                  %lt3A_1057 = arith.cmpi slt, %add3A_1055, %lt3A_1056 : vector<16xi32>
                  %gt3A_1058 = vector.broadcast %squeeze3A_994 : f32 to vector<16xf32>
                  %gt3A_1059 = arith.cmpf ogt, %get3A_1051, %gt3A_1058 : vector<16xf32>
                  %and3A_1060 = arith.andi %lt3A_1057, %gt3A_1059 : vector<16xi1>
                  %eq3A_1061 = vector.broadcast %squeeze3A_994 : f32 to vector<16xf32>
                  %eq3A_1062 = arith.cmpf oeq, %get3A_1051, %eq3A_1061 : vector<16xf32>
                  %and3A_1063 = arith.andi %lt3A_1057, %eq3A_1062 : vector<16xi1>
                  %all_reduce_population_count3A_1064 = tpu.all_reduce %and3A_1060 {dim = 0 : i64, kind = #tpu.reduction_kind<sum>} : vector<16xi1> -> vector<16xi32>
                  %add3A_1065 = arith.addi %while3A_1046, %all_reduce_population_count3A_1064 : vector<16xi32>
                  %all_reduce_population_count3A_1066 = tpu.all_reduce %and3A_1063 {dim = 0 : i64, kind = #tpu.reduction_kind<sum>} : vector<16xi1> -> vector<16xi32>
                  %add3A_1067 = arith.addi %while3A_1047, %all_reduce_population_count3A_1066 : vector<16xi32>
                  scf.yield %add3A_1065, %add3A_1067 : vector<16xi32>, vector<16xi32>
                }
                %while3A_1032 = arith.constant 1 : i32
                %while3A_1033:2 = scf.for %while3A_1045 = %while3A_1029 to %while3A_1025 step %while3A_1032 iter_args(%while3A_1046 = %while3A_1031#0, %while3A_1047 = %while3A_1031#1) -> (vector<16xi32>, vector<16xi32>)  : i32 {
                  %mul3A_1048 = arith.constant 16 : i32
                  %mul3A_1049 = arith.muli %while3A_1045, %mul3A_1048 : i32
                  %get3A_1050 = arith.index_cast %mul3A_1049 : i32 to index
                  %get3A_1051 = tpu.vector_load %arg9[%get3A_1050] {strides = array<i32>} : memref<784xf32, #tpu.memory_space<vmem>>, vector<16xf32>,
                  %mul3A_1052 = arith.constant 16 : i32
                  %mul3A_1053 = arith.muli %while3A_1045, %mul3A_1052 : i32
                  %add3A_1054 = vector.broadcast %mul3A_1053 : i32 to vector<16xi32>
                  %add3A_1055 = arith.addi %iota3A, %add3A_1054 : vector<16xi32>
                  %lt3A_1056 = vector.broadcast %while3A_987 : i32 to vector<16xi32>
                  %lt3A_1057 = arith.cmpi slt, %add3A_1055, %lt3A_1056 : vector<16xi32>
                  %gt3A_1058 = vector.broadcast %squeeze3A_994 : f32 to vector<16xf32>
                  %gt3A_1059 = arith.cmpf ogt, %get3A_1051, %gt3A_1058 : vector<16xf32>
                  %and3A_1060 = arith.andi %lt3A_1057, %gt3A_1059 : vector<16xi1>
                  %eq3A_1061 = vector.broadcast %squeeze3A_994 : f32 to vector<16xf32>
                  %eq3A_1062 = arith.cmpf oeq, %get3A_1051, %eq3A_1061 : vector<16xf32>
                  %and3A_1063 = arith.andi %lt3A_1057, %eq3A_1062 : vector<16xi1>
                  %all_reduce_population_count3A_1064 = tpu.all_reduce %and3A_1060 {dim = 0 : i64, kind = #tpu.reduction_kind<sum>} : vector<16xi1> -> vector<16xi32>
                  %add3A_1065 = arith.addi %while3A_1046, %all_reduce_population_count3A_1064 : vector<16xi32>
                  %all_reduce_population_count3A_1066 = tpu.all_reduce %and3A_1063 {dim = 0 : i64, kind = #tpu.reduction_kind<sum>} : vector<16xi1> -> vector<16xi32>
                  %add3A_1067 = arith.addi %while3A_1047, %all_reduce_population_count3A_1066 : vector<16xi32>
                  scf.yield %add3A_1065, %add3A_1067 : vector<16xi32>, vector<16xi32>
                }
                %slice3A_1034 = vector.extract_strided_slice %while3A_1033#0 {offsets = [0], sizes = [1], strides = [1]} : vector<16xi32> to vector<1xi32>
                %squeeze3A_1035 = vector.extract %slice3A_1034[0] : i32 from vector<1xi32>
                %slice3A_1036 = vector.extract_strided_slice %while3A_1033#1 {offsets = [0], sizes = [1], strides = [1]} : vector<16xi32> to vector<1xi32>
                %squeeze3A_1037 = vector.extract %slice3A_1036[0] : i32 from vector<1xi32>
                %le3A = arith.cmpi sle, %squeeze3A_1035, %while3A_988 : i32
                %add3A_1038 = arith.addi %squeeze3A_1035, %squeeze3A_1037 : i32
                %gt3A_1039 = arith.cmpi sgt, %add3A_1038, %while3A_988 : i32
                %and3A_1040 = arith.andi %le3A, %gt3A_1039 : i1
                %convert_element_type3A_1041 = arith.extui %and3A_1040 : i1 to i32
                %cond3A_1042 = arith.constant 0 : i32
                %cond3A_1043 = arith.cmpi ne, %convert_element_type3A_1041, %cond3A_1042 : i32
                %cond3A_1044:5 = scf.if %cond3A_1043 -> (i1, i32, i32, f32, i32) {
                  %sub3A_1045 = arith.subi %while3A_988, %squeeze3A_1035 : i32
                  %add3A_1046 = arith.constant 1 : i32
                  %add3A_1047 = arith.addi %sub3A_1045, %add3A_1046 : i32
                  %cond3A_1048 = arith.constant true
                  scf.yield %cond3A_1048, %while3A_987, %while3A_988, %squeeze3A_994, %add3A_1047 : i1, i32, i32, f32, i32
                } else {
                  %gt3A_1045 = arith.cmpi sgt, %squeeze3A_1035, %while3A_988 : i32
                  %broadcast_in_dim3A_1046 = arith.constant 0 : i32
                  %broadcast_in_dim3A_1047 = vector.broadcast %broadcast_in_dim3A_1046 : i32 to vector<16xi32>
                  %while3A_1048 = arith.constant 0 : i32
                  %while3A_1049 = arith.subi %select_n3A_1020, %while3A_1048 : i32
                  %while3A_1050 = arith.addi %while3A_1048, %while3A_1049 : i32
                  %while3A_1051 = arith.constant 1 : i32
                  %while3A_1052 = arith.divsi %while3A_1049, %while3A_1051 : i32
                  %while3A_1053 = arith.muli %while3A_1052, %while3A_1051 : i32
                  %while3A_1054 = arith.addi %while3A_1048, %while3A_1053 : i32
                  %while3A_1055 = arith.constant 1 : i32
                  %while3A_1056 = scf.for %while3A_1065 = %while3A_1048 to %while3A_1054 step %while3A_1055 iter_args(%while3A_1066 = %broadcast_in_dim3A_1047) -> (vector<16xi32>)  : i32 {
                    %mul3A_1067 = arith.constant 16 : i32
                    %mul3A_1068 = arith.muli %while3A_1065, %mul3A_1067 : i32
                    %get3A_1069 = arith.index_cast %mul3A_1068 : i32 to index
                    %get3A_1070 = tpu.vector_load %arg9[%get3A_1069] {strides = array<i32>} : memref<784xf32, #tpu.memory_space<vmem>>, vector<16xf32>,
                    %mul3A_1071 = arith.constant 16 : i32
                    %mul3A_1072 = arith.muli %while3A_1065, %mul3A_1071 : i32
                    %add3A_1073 = vector.broadcast %mul3A_1072 : i32 to vector<16xi32>
                    %add3A_1074 = arith.addi %iota3A, %add3A_1073 : vector<16xi32>
                    %lt3A_1075 = vector.broadcast %while3A_987 : i32 to vector<16xi32>
                    %lt3A_1076 = arith.cmpi slt, %add3A_1074, %lt3A_1075 : vector<16xi32>
                    %gt3A_1077 = vector.broadcast %squeeze3A_994 : f32 to vector<16xf32>
                    %gt3A_1078 = arith.cmpf ogt, %get3A_1070, %gt3A_1077 : vector<16xf32>
                    %and3A_1079 = arith.andi %lt3A_1076, %gt3A_1078 : vector<16xi1>
                    %lt3A_1080 = vector.broadcast %squeeze3A_994 : f32 to vector<16xf32>
                    %lt3A_1081 = arith.cmpf olt, %get3A_1070, %lt3A_1080 : vector<16xf32>
                    %and3A_1082 = arith.andi %lt3A_1076, %lt3A_1081 : vector<16xi1>
                    %and3A_1083 = vector.broadcast %gt3A_1045 : i1 to vector<16xi1>
                    %and3A_1084 = arith.andi %and3A_1079, %and3A_1083 : vector<16xi1>
                    %not3A = arith.constant true
                    %not3A_1085 = arith.xori %gt3A_1045, %not3A : i1
                    %and3A_1086 = vector.broadcast %not3A_1085 : i1 to vector<16xi1>
                    %and3A_1087 = arith.andi %and3A_1082, %and3A_1086 : vector<16xi1>
                    %or3A_1088 = arith.ori %and3A_1084, %and3A_1087 : vector<16xi1>
                    %convert_element_type3A_1089 = arith.extui %or3A_1088 : vector<16xi1> to vector<16xi32>
                    %broadcast_in_dim3A_1090 = arith.constant true
                    %broadcast_in_dim3A_1091 = vector.broadcast %broadcast_in_dim3A_1090 : i1 to vector<16xi1>
                    %masked_cumsum3A_1092 = tpu.scan <sum>, %convert_element_type3A_1089 masked %broadcast_in_dim3A_1091 : vector<16xi32>, vector<16xi1> -> vector<16xi32>
                    %add3A_1093 = arith.addi %while3A_1066, %masked_cumsum3A_1092 : vector<16xi32>
                    %sub3A_1094 = arith.constant 1 : i32
                    %sub3A_1095 = vector.broadcast %sub3A_1094 : i32 to vector<16xi32>
                    %sub3A_1096 = arith.subi %add3A_1093, %sub3A_1095 : vector<16xi32>
                    tpu.vector_store_idx %arg9[%sub3A_1096], %get3A_1070 masked %or3A_1088 : memref<784xf32, #tpu.memory_space<vmem>>[vector<16xi32>], vector<16xf32>, vector<16xi1>
                    %all_reduce_population_count3A_1097 = tpu.all_reduce %or3A_1088 {dim = 0 : i64, kind = #tpu.reduction_kind<sum>} : vector<16xi1> -> vector<16xi32>
                    %add3A_1098 = arith.addi %while3A_1066, %all_reduce_population_count3A_1097 : vector<16xi32>
                    scf.yield %add3A_1098 : vector<16xi32>
                  }
                  %while3A_1057 = arith.constant 1 : i32
                  %while3A_1058 = scf.for %while3A_1065 = %while3A_1054 to %while3A_1050 step %while3A_1057 iter_args(%while3A_1066 = %while3A_1056) -> (vector<16xi32>)  : i32 {
                    %mul3A_1067 = arith.constant 16 : i32
                    %mul3A_1068 = arith.muli %while3A_1065, %mul3A_1067 : i32
                    %get3A_1069 = arith.index_cast %mul3A_1068 : i32 to index
                    %get3A_1070 = tpu.vector_load %arg9[%get3A_1069] {strides = array<i32>} : memref<784xf32, #tpu.memory_space<vmem>>, vector<16xf32>,
                    %mul3A_1071 = arith.constant 16 : i32
                    %mul3A_1072 = arith.muli %while3A_1065, %mul3A_1071 : i32
                    %add3A_1073 = vector.broadcast %mul3A_1072 : i32 to vector<16xi32>
                    %add3A_1074 = arith.addi %iota3A, %add3A_1073 : vector<16xi32>
                    %lt3A_1075 = vector.broadcast %while3A_987 : i32 to vector<16xi32>
                    %lt3A_1076 = arith.cmpi slt, %add3A_1074, %lt3A_1075 : vector<16xi32>
                    %gt3A_1077 = vector.broadcast %squeeze3A_994 : f32 to vector<16xf32>
                    %gt3A_1078 = arith.cmpf ogt, %get3A_1070, %gt3A_1077 : vector<16xf32>
                    %and3A_1079 = arith.andi %lt3A_1076, %gt3A_1078 : vector<16xi1>
                    %lt3A_1080 = vector.broadcast %squeeze3A_994 : f32 to vector<16xf32>
                    %lt3A_1081 = arith.cmpf olt, %get3A_1070, %lt3A_1080 : vector<16xf32>
                    %and3A_1082 = arith.andi %lt3A_1076, %lt3A_1081 : vector<16xi1>
                    %and3A_1083 = vector.broadcast %gt3A_1045 : i1 to vector<16xi1>
                    %and3A_1084 = arith.andi %and3A_1079, %and3A_1083 : vector<16xi1>
                    %not3A = arith.constant true
                    %not3A_1085 = arith.xori %gt3A_1045, %not3A : i1
                    %and3A_1086 = vector.broadcast %not3A_1085 : i1 to vector<16xi1>
                    %and3A_1087 = arith.andi %and3A_1082, %and3A_1086 : vector<16xi1>
                    %or3A_1088 = arith.ori %and3A_1084, %and3A_1087 : vector<16xi1>
                    %convert_element_type3A_1089 = arith.extui %or3A_1088 : vector<16xi1> to vector<16xi32>
                    %broadcast_in_dim3A_1090 = arith.constant true
                    %broadcast_in_dim3A_1091 = vector.broadcast %broadcast_in_dim3A_1090 : i1 to vector<16xi1>
                    %masked_cumsum3A_1092 = tpu.scan <sum>, %convert_element_type3A_1089 masked %broadcast_in_dim3A_1091 : vector<16xi32>, vector<16xi1> -> vector<16xi32>
                    %add3A_1093 = arith.addi %while3A_1066, %masked_cumsum3A_1092 : vector<16xi32>
                    %sub3A_1094 = arith.constant 1 : i32
                    %sub3A_1095 = vector.broadcast %sub3A_1094 : i32 to vector<16xi32>
                    %sub3A_1096 = arith.subi %add3A_1093, %sub3A_1095 : vector<16xi32>
                    tpu.vector_store_idx %arg9[%sub3A_1096], %get3A_1070 masked %or3A_1088 : memref<784xf32, #tpu.memory_space<vmem>>[vector<16xi32>], vector<16xf32>, vector<16xi1>
                    %all_reduce_population_count3A_1097 = tpu.all_reduce %or3A_1088 {dim = 0 : i64, kind = #tpu.reduction_kind<sum>} : vector<16xi1> -> vector<16xi32>
                    %add3A_1098 = arith.addi %while3A_1066, %all_reduce_population_count3A_1097 : vector<16xi32>
                    scf.yield %add3A_1098 : vector<16xi32>
                  }
                  %slice3A_1059 = vector.extract_strided_slice %while3A_1058 {offsets = [0], sizes = [1], strides = [1]} : vector<16xi32> to vector<1xi32>
                  %squeeze3A_1060 = vector.extract %slice3A_1059[0] : i32 from vector<1xi32>
                  %add3A_1061 = arith.addi %squeeze3A_1035, %squeeze3A_1037 : i32
                  %sub3A_1062 = arith.subi %while3A_988, %add3A_1061 : i32
                  %select_n3A_1063 = arith.select %gt3A_1045, %while3A_988, %sub3A_1062 : i32
                  %cond3A_1064 = arith.constant false
                  scf.yield %cond3A_1064, %squeeze3A_1060, %select_n3A_1063, %while3A_989, %while3A_990 : i1, i32, i32, f32, i32
                }
                scf.yield %cond3A_1044#0, %cond3A_1044#1, %cond3A_1044#2, %cond3A_1044#3, %cond3A_1044#4 : i1, i32, i32, f32, i32
              }
              %add3A_946 = arith.constant 15 : i32
              %add3A_947 = arith.addi %scan3A_241, %add3A_946 : i32
              %jit3A_948 = arith.constant 16 : i32
              %div3A_949 = arith.divsi %add3A_947, %jit3A_948 : i32
              %sign3A_950 = arith.constant 0 : i32
              %sign3A_951 = arith.cmpi sgt, %add3A_947, %sign3A_950 : i32
              %sign3A_952 = arith.extui %sign3A_951 : i1 to i32
              %sign3A_953 = arith.constant 0 : i32
              %sign3A_954 = arith.cmpi slt, %add3A_947, %sign3A_953 : i32
              %sign3A_955 = arith.extui %sign3A_954 : i1 to i32
              %sign3A_956 = arith.subi %sign3A_952, %sign3A_955 : i32
              %sign3A_957 = arith.constant 0 : i32
              %sign3A_958 = arith.cmpi sgt, %jit3A_948, %sign3A_957 : i32
              %sign3A_959 = arith.extui %sign3A_958 : i1 to i32
              %sign3A_960 = arith.constant 0 : i32
              %sign3A_961 = arith.cmpi slt, %jit3A_948, %sign3A_960 : i32
              %sign3A_962 = arith.extui %sign3A_961 : i1 to i32
              %sign3A_963 = arith.subi %sign3A_959, %sign3A_962 : i32
              %ne3A_964 = arith.cmpi ne, %sign3A_956, %sign3A_963 : i32
              %rem3A_965 = arith.remsi %add3A_947, %jit3A_948 : i32
              %ne3A_966 = arith.constant 0 : i32
              %ne3A_967 = arith.cmpi ne, %rem3A_965, %ne3A_966 : i32
              %and3A_968 = arith.andi %ne3A_964, %ne3A_967 : i1
              %sub3A_969 = arith.constant 1 : i32
              %sub3A_970 = arith.subi %div3A_949, %sub3A_969 : i32
              %select_n3A_971 = arith.select %and3A_968, %sub3A_970, %div3A_949 : i32
              %broadcast_in_dim3A_972 = arith.constant 0 : i32
              %broadcast_in_dim3A_973 = vector.broadcast %broadcast_in_dim3A_972 : i32 to vector<16xi32>
              %while3A_974 = arith.constant 0 : i32
              %while3A_975 = arith.subi %select_n3A_971, %while3A_974 : i32
              %while3A_976 = arith.addi %while3A_974, %while3A_975 : i32
              %while3A_977 = arith.constant 1 : i32
              %while3A_978 = arith.divsi %while3A_975, %while3A_977 : i32
              %while3A_979 = arith.muli %while3A_978, %while3A_977 : i32
              %while3A_980 = arith.addi %while3A_974, %while3A_979 : i32
              %while3A_981 = arith.constant 1 : i32
              %while3A_982:2 = scf.for %while3A_986 = %while3A_974 to %while3A_980 step %while3A_981 iter_args(%while3A_987 = %broadcast_in_dim3A_973, %while3A_988 = %broadcast_in_dim3A_973) -> (vector<16xi32>, vector<16xi32>)  : i32 {
                %mul3A_989 = arith.constant 16 : i32
                %mul3A_990 = arith.muli %while3A_986, %mul3A_989 : i32
                %get3A_991 = arith.index_cast %mul3A_990 : i32 to index
                %get3A_992 = tpu.vector_load %arg7[%get3A_991] {strides = array<i32>} : memref<784xf32, #tpu.memory_space<vmem>>, vector<16xf32>,
                %mul3A_993 = arith.constant 16 : i32
                %mul3A_994 = arith.muli %while3A_986, %mul3A_993 : i32
                %get3A_995 = arith.index_cast %mul3A_994 : i32 to index
                %get3A_996 = tpu.vector_load %arg8[%get3A_995] {strides = array<i32>} : memref<784xi32, #tpu.memory_space<vmem>>, vector<16xi32>,
                %mul3A_997 = arith.constant 16 : i32
                %mul3A_998 = arith.muli %while3A_986, %mul3A_997 : i32
                %add3A_999 = vector.broadcast %mul3A_998 : i32 to vector<16xi32>
                %add3A_1000 = arith.addi %iota3A, %add3A_999 : vector<16xi32>
                %lt3A_1001 = vector.broadcast %scan3A_241 : i32 to vector<16xi32>
                %lt3A_1002 = arith.cmpi slt, %add3A_1000, %lt3A_1001 : vector<16xi32>
                %gt3A_1003 = vector.broadcast %while3A_945#3 : f32 to vector<16xf32>
                %gt3A_1004 = arith.cmpf ogt, %get3A_992, %gt3A_1003 : vector<16xf32>
                %and3A_1005 = arith.andi %lt3A_1002, %gt3A_1004 : vector<16xi1>
                %eq3A_1006 = vector.broadcast %while3A_945#3 : f32 to vector<16xf32>
                %eq3A_1007 = arith.cmpf oeq, %get3A_992, %eq3A_1006 : vector<16xf32>
                %and3A_1008 = arith.andi %lt3A_1002, %eq3A_1007 : vector<16xi1>
                %convert_element_type3A_1009 = arith.extui %and3A_1008 : vector<16xi1> to vector<16xi32>
                %broadcast_in_dim3A_1010 = arith.constant true
                %broadcast_in_dim3A_1011 = vector.broadcast %broadcast_in_dim3A_1010 : i1 to vector<16xi1>
                %masked_cumsum3A_1012 = tpu.scan <sum>, %convert_element_type3A_1009 masked %broadcast_in_dim3A_1011 : vector<16xi32>, vector<16xi1> -> vector<16xi32>
                %add3A_1013 = arith.addi %masked_cumsum3A_1012, %while3A_988 : vector<16xi32>
                %le3A = vector.broadcast %while3A_945#4 : i32 to vector<16xi32>
                %le3A_1014 = arith.cmpi sle, %add3A_1013, %le3A : vector<16xi32>
                %and3A_1015 = arith.andi %and3A_1008, %le3A_1014 : vector<16xi1>
                %or3A_1016 = arith.ori %and3A_1005, %and3A_1015 : vector<16xi1>
                %convert_element_type3A_1017 = arith.extui %or3A_1016 : vector<16xi1> to vector<16xi32>
                %broadcast_in_dim3A_1018 = arith.constant true
                %broadcast_in_dim3A_1019 = vector.broadcast %broadcast_in_dim3A_1018 : i1 to vector<16xi1>
                %masked_cumsum3A_1020 = tpu.scan <sum>, %convert_element_type3A_1017 masked %broadcast_in_dim3A_1019 : vector<16xi32>, vector<16xi1> -> vector<16xi32>
                %add3A_1021 = arith.addi %while3A_987, %masked_cumsum3A_1020 : vector<16xi32>
                %sub3A_1022 = arith.constant 1 : i32
                %sub3A_1023 = vector.broadcast %sub3A_1022 : i32 to vector<16xi32>
                %sub3A_1024 = arith.subi %add3A_1021, %sub3A_1023 : vector<16xi32>
                tpu.vector_store_idx %arg7[%sub3A_1024], %get3A_992 masked %or3A_1016 : memref<784xf32, #tpu.memory_space<vmem>>[vector<16xi32>], vector<16xf32>, vector<16xi1>
                tpu.vector_store_idx %arg8[%sub3A_1024], %get3A_996 masked %or3A_1016 : memref<784xi32, #tpu.memory_space<vmem>>[vector<16xi32>], vector<16xi32>, vector<16xi1>
                %all_reduce_population_count3A_1025 = tpu.all_reduce %or3A_1016 {dim = 0 : i64, kind = #tpu.reduction_kind<sum>} : vector<16xi1> -> vector<16xi32>
                %add3A_1026 = arith.addi %while3A_987, %all_reduce_population_count3A_1025 : vector<16xi32>
                %all_reduce_population_count3A_1027 = tpu.all_reduce %and3A_1008 {dim = 0 : i64, kind = #tpu.reduction_kind<sum>} : vector<16xi1> -> vector<16xi32>
                %add3A_1028 = arith.addi %while3A_988, %all_reduce_population_count3A_1027 : vector<16xi32>
                scf.yield %add3A_1026, %add3A_1028 : vector<16xi32>, vector<16xi32>
              }
              %while3A_983 = arith.constant 1 : i32
              %while3A_984:2 = scf.for %while3A_986 = %while3A_980 to %while3A_976 step %while3A_983 iter_args(%while3A_987 = %while3A_982#0, %while3A_988 = %while3A_982#1) -> (vector<16xi32>, vector<16xi32>)  : i32 {
                %mul3A_989 = arith.constant 16 : i32
                %mul3A_990 = arith.muli %while3A_986, %mul3A_989 : i32
                %get3A_991 = arith.index_cast %mul3A_990 : i32 to index
                %get3A_992 = tpu.vector_load %arg7[%get3A_991] {strides = array<i32>} : memref<784xf32, #tpu.memory_space<vmem>>, vector<16xf32>,
                %mul3A_993 = arith.constant 16 : i32
                %mul3A_994 = arith.muli %while3A_986, %mul3A_993 : i32
                %get3A_995 = arith.index_cast %mul3A_994 : i32 to index
                %get3A_996 = tpu.vector_load %arg8[%get3A_995] {strides = array<i32>} : memref<784xi32, #tpu.memory_space<vmem>>, vector<16xi32>,
                %mul3A_997 = arith.constant 16 : i32
                %mul3A_998 = arith.muli %while3A_986, %mul3A_997 : i32
                %add3A_999 = vector.broadcast %mul3A_998 : i32 to vector<16xi32>
                %add3A_1000 = arith.addi %iota3A, %add3A_999 : vector<16xi32>
                %lt3A_1001 = vector.broadcast %scan3A_241 : i32 to vector<16xi32>
                %lt3A_1002 = arith.cmpi slt, %add3A_1000, %lt3A_1001 : vector<16xi32>
                %gt3A_1003 = vector.broadcast %while3A_945#3 : f32 to vector<16xf32>
                %gt3A_1004 = arith.cmpf ogt, %get3A_992, %gt3A_1003 : vector<16xf32>
                %and3A_1005 = arith.andi %lt3A_1002, %gt3A_1004 : vector<16xi1>
                %eq3A_1006 = vector.broadcast %while3A_945#3 : f32 to vector<16xf32>
                %eq3A_1007 = arith.cmpf oeq, %get3A_992, %eq3A_1006 : vector<16xf32>
                %and3A_1008 = arith.andi %lt3A_1002, %eq3A_1007 : vector<16xi1>
                %convert_element_type3A_1009 = arith.extui %and3A_1008 : vector<16xi1> to vector<16xi32>
                %broadcast_in_dim3A_1010 = arith.constant true
                %broadcast_in_dim3A_1011 = vector.broadcast %broadcast_in_dim3A_1010 : i1 to vector<16xi1>
                %masked_cumsum3A_1012 = tpu.scan <sum>, %convert_element_type3A_1009 masked %broadcast_in_dim3A_1011 : vector<16xi32>, vector<16xi1> -> vector<16xi32>
                %add3A_1013 = arith.addi %masked_cumsum3A_1012, %while3A_988 : vector<16xi32>
                %le3A = vector.broadcast %while3A_945#4 : i32 to vector<16xi32>
                %le3A_1014 = arith.cmpi sle, %add3A_1013, %le3A : vector<16xi32>
                %and3A_1015 = arith.andi %and3A_1008, %le3A_1014 : vector<16xi1>
                %or3A_1016 = arith.ori %and3A_1005, %and3A_1015 : vector<16xi1>
                %convert_element_type3A_1017 = arith.extui %or3A_1016 : vector<16xi1> to vector<16xi32>
                %broadcast_in_dim3A_1018 = arith.constant true
                %broadcast_in_dim3A_1019 = vector.broadcast %broadcast_in_dim3A_1018 : i1 to vector<16xi1>
                %masked_cumsum3A_1020 = tpu.scan <sum>, %convert_element_type3A_1017 masked %broadcast_in_dim3A_1019 : vector<16xi32>, vector<16xi1> -> vector<16xi32>
                %add3A_1021 = arith.addi %while3A_987, %masked_cumsum3A_1020 : vector<16xi32>
                %sub3A_1022 = arith.constant 1 : i32
                %sub3A_1023 = vector.broadcast %sub3A_1022 : i32 to vector<16xi32>
                %sub3A_1024 = arith.subi %add3A_1021, %sub3A_1023 : vector<16xi32>
                tpu.vector_store_idx %arg7[%sub3A_1024], %get3A_992 masked %or3A_1016 : memref<784xf32, #tpu.memory_space<vmem>>[vector<16xi32>], vector<16xf32>, vector<16xi1>
                tpu.vector_store_idx %arg8[%sub3A_1024], %get3A_996 masked %or3A_1016 : memref<784xi32, #tpu.memory_space<vmem>>[vector<16xi32>], vector<16xi32>, vector<16xi1>
                %all_reduce_population_count3A_1025 = tpu.all_reduce %or3A_1016 {dim = 0 : i64, kind = #tpu.reduction_kind<sum>} : vector<16xi1> -> vector<16xi32>
                %add3A_1026 = arith.addi %while3A_987, %all_reduce_population_count3A_1025 : vector<16xi32>
                %all_reduce_population_count3A_1027 = tpu.all_reduce %and3A_1008 {dim = 0 : i64, kind = #tpu.reduction_kind<sum>} : vector<16xi1> -> vector<16xi32>
                %add3A_1028 = arith.addi %while3A_988, %all_reduce_population_count3A_1027 : vector<16xi32>
                scf.yield %add3A_1026, %add3A_1028 : vector<16xi32>, vector<16xi32>
              }
              %cond3A_985 = arith.constant 100 : i32
              scf.yield %cond3A_985, %while3A_945#3 : i32, f32
            } else {
              scf.yield %scan3A_241, %scan3A_242 : i32, f32
            }
            %broadcast_in_dim3A_430 = arith.constant 0 : i32
            %broadcast_in_dim3A_431 = vector.broadcast %broadcast_in_dim3A_430 : i32 to vector<16xi32>
            %add3A_432 = vector.broadcast %cond3A_429#0 : i32 to vector<16xi32>
            %add3A_433 = arith.addi %broadcast_in_dim3A_431, %add3A_432 : vector<16xi32>
            %gt3A_434 = vector.broadcast %cond3A_429#1 : f32 to vector<16xf32>
            %gt3A_435 = arith.cmpf ogt, %get3A_247, %gt3A_434 : vector<16xf32>
            %convert_element_type3A_436 = arith.extui %gt3A_435 : vector<16xi1> to vector<16xi32>
            %broadcast_in_dim3A_437 = arith.constant true
            %broadcast_in_dim3A_438 = vector.broadcast %broadcast_in_dim3A_437 : i1 to vector<16xi1>
            %masked_cumsum3A = tpu.scan <sum>, %convert_element_type3A_436 masked %broadcast_in_dim3A_438 : vector<16xi32>, vector<16xi1> -> vector<16xi32>
            %add3A_439 = arith.addi %add3A_433, %masked_cumsum3A : vector<16xi32>
            %sub3A_440 = arith.constant 1 : i32
            %sub3A_441 = vector.broadcast %sub3A_440 : i32 to vector<16xi32>
            %sub3A_442 = arith.subi %add3A_439, %sub3A_441 : vector<16xi32>
            tpu.vector_store_idx %arg7[%sub3A_442], %get3A_247 masked %gt3A_435 : memref<784xf32, #tpu.memory_space<vmem>>[vector<16xi32>], vector<16xf32>, vector<16xi1>
            %mul3A_443 = arith.constant 10000 : i32
            %mul3A_444 = arith.muli %mul3A_201, %mul3A_443 : i32
            %add3A_445 = arith.addi %mul3A_22, %mul3A_444 : i32
            %add3A_446 = arith.addi %add3A_445, %mul3A_244 : i32
            %add3A_447 = arith.constant 0 : i32
            %add3A_448 = arith.addi %add3A_446, %add3A_447 : i32
            %add3A_449 = vector.broadcast %add3A_448 : i32 to vector<16xi32>
            %add3A_450 = arith.addi %add3A_449, %iota3A : vector<16xi32>
            tpu.vector_store_idx %arg8[%sub3A_442], %add3A_450 masked %gt3A_435 : memref<784xi32, #tpu.memory_space<vmem>>[vector<16xi32>], vector<16xi32>, vector<16xi1>
            %all_reduce_population_count3A_451 = tpu.all_reduce %gt3A_435 {dim = 0 : i64, kind = #tpu.reduction_kind<sum>} : vector<16xi1> -> vector<16xi32>
            %add3A_452 = arith.addi %add3A_433, %all_reduce_population_count3A_451 : vector<16xi32>
            %gt3A_453 = vector.broadcast %cond3A_429#1 : f32 to vector<16xf32>
            %gt3A_454 = arith.cmpf ogt, %get3A_251, %gt3A_453 : vector<16xf32>
            %convert_element_type3A_455 = arith.extui %gt3A_454 : vector<16xi1> to vector<16xi32>
            %broadcast_in_dim3A_456 = arith.constant true
            %broadcast_in_dim3A_457 = vector.broadcast %broadcast_in_dim3A_456 : i1 to vector<16xi1>
            %masked_cumsum3A_458 = tpu.scan <sum>, %convert_element_type3A_455 masked %broadcast_in_dim3A_457 : vector<16xi32>, vector<16xi1> -> vector<16xi32>
            %add3A_459 = arith.addi %add3A_452, %masked_cumsum3A_458 : vector<16xi32>
            %sub3A_460 = arith.constant 1 : i32
            %sub3A_461 = vector.broadcast %sub3A_460 : i32 to vector<16xi32>
            %sub3A_462 = arith.subi %add3A_459, %sub3A_461 : vector<16xi32>
            tpu.vector_store_idx %arg7[%sub3A_462], %get3A_251 masked %gt3A_454 : memref<784xf32, #tpu.memory_space<vmem>>[vector<16xi32>], vector<16xf32>, vector<16xi1>
            %mul3A_463 = arith.constant 10000 : i32
            %mul3A_464 = arith.muli %mul3A_201, %mul3A_463 : i32
            %add3A_465 = arith.addi %mul3A_22, %mul3A_464 : i32
            %add3A_466 = arith.addi %add3A_465, %mul3A_244 : i32
            %add3A_467 = arith.constant 16 : i32
            %add3A_468 = arith.addi %add3A_466, %add3A_467 : i32
            %add3A_469 = vector.broadcast %add3A_468 : i32 to vector<16xi32>
            %add3A_470 = arith.addi %add3A_469, %iota3A : vector<16xi32>
            tpu.vector_store_idx %arg8[%sub3A_462], %add3A_470 masked %gt3A_454 : memref<784xi32, #tpu.memory_space<vmem>>[vector<16xi32>], vector<16xi32>, vector<16xi1>
            %all_reduce_population_count3A_471 = tpu.all_reduce %gt3A_454 {dim = 0 : i64, kind = #tpu.reduction_kind<sum>} : vector<16xi1> -> vector<16xi32>
            %add3A_472 = arith.addi %add3A_452, %all_reduce_population_count3A_471 : vector<16xi32>
            %gt3A_473 = vector.broadcast %cond3A_429#1 : f32 to vector<16xf32>
            %gt3A_474 = arith.cmpf ogt, %get3A_255, %gt3A_473 : vector<16xf32>
            %convert_element_type3A_475 = arith.extui %gt3A_474 : vector<16xi1> to vector<16xi32>
            %broadcast_in_dim3A_476 = arith.constant true
            %broadcast_in_dim3A_477 = vector.broadcast %broadcast_in_dim3A_476 : i1 to vector<16xi1>
            %masked_cumsum3A_478 = tpu.scan <sum>, %convert_element_type3A_475 masked %broadcast_in_dim3A_477 : vector<16xi32>, vector<16xi1> -> vector<16xi32>
            %add3A_479 = arith.addi %add3A_472, %masked_cumsum3A_478 : vector<16xi32>
            %sub3A_480 = arith.constant 1 : i32
            %sub3A_481 = vector.broadcast %sub3A_480 : i32 to vector<16xi32>
            %sub3A_482 = arith.subi %add3A_479, %sub3A_481 : vector<16xi32>
            tpu.vector_store_idx %arg7[%sub3A_482], %get3A_255 masked %gt3A_474 : memref<784xf32, #tpu.memory_space<vmem>>[vector<16xi32>], vector<16xf32>, vector<16xi1>
            %mul3A_483 = arith.constant 10000 : i32
            %mul3A_484 = arith.muli %mul3A_201, %mul3A_483 : i32
            %add3A_485 = arith.addi %mul3A_22, %mul3A_484 : i32
            %add3A_486 = arith.addi %add3A_485, %mul3A_244 : i32
            %add3A_487 = arith.constant 32 : i32
            %add3A_488 = arith.addi %add3A_486, %add3A_487 : i32
            %add3A_489 = vector.broadcast %add3A_488 : i32 to vector<16xi32>
            %add3A_490 = arith.addi %add3A_489, %iota3A : vector<16xi32>
            tpu.vector_store_idx %arg8[%sub3A_482], %add3A_490 masked %gt3A_474 : memref<784xi32, #tpu.memory_space<vmem>>[vector<16xi32>], vector<16xi32>, vector<16xi1>
            %all_reduce_population_count3A_491 = tpu.all_reduce %gt3A_474 {dim = 0 : i64, kind = #tpu.reduction_kind<sum>} : vector<16xi1> -> vector<16xi32>
            %add3A_492 = arith.addi %add3A_472, %all_reduce_population_count3A_491 : vector<16xi32>
            %gt3A_493 = vector.broadcast %cond3A_429#1 : f32 to vector<16xf32>
            %gt3A_494 = arith.cmpf ogt, %get3A_259, %gt3A_493 : vector<16xf32>
            %convert_element_type3A_495 = arith.extui %gt3A_494 : vector<16xi1> to vector<16xi32>
            %broadcast_in_dim3A_496 = arith.constant true
            %broadcast_in_dim3A_497 = vector.broadcast %broadcast_in_dim3A_496 : i1 to vector<16xi1>
            %masked_cumsum3A_498 = tpu.scan <sum>, %convert_element_type3A_495 masked %broadcast_in_dim3A_497 : vector<16xi32>, vector<16xi1> -> vector<16xi32>
            %add3A_499 = arith.addi %add3A_492, %masked_cumsum3A_498 : vector<16xi32>
            %sub3A_500 = arith.constant 1 : i32
            %sub3A_501 = vector.broadcast %sub3A_500 : i32 to vector<16xi32>
            %sub3A_502 = arith.subi %add3A_499, %sub3A_501 : vector<16xi32>
            tpu.vector_store_idx %arg7[%sub3A_502], %get3A_259 masked %gt3A_494 : memref<784xf32, #tpu.memory_space<vmem>>[vector<16xi32>], vector<16xf32>, vector<16xi1>
            %mul3A_503 = arith.constant 10000 : i32
            %mul3A_504 = arith.muli %mul3A_201, %mul3A_503 : i32
            %add3A_505 = arith.addi %mul3A_22, %mul3A_504 : i32
            %add3A_506 = arith.addi %add3A_505, %mul3A_244 : i32
            %add3A_507 = arith.constant 48 : i32
            %add3A_508 = arith.addi %add3A_506, %add3A_507 : i32
            %add3A_509 = vector.broadcast %add3A_508 : i32 to vector<16xi32>
            %add3A_510 = arith.addi %add3A_509, %iota3A : vector<16xi32>
            tpu.vector_store_idx %arg8[%sub3A_502], %add3A_510 masked %gt3A_494 : memref<784xi32, #tpu.memory_space<vmem>>[vector<16xi32>], vector<16xi32>, vector<16xi1>
            %all_reduce_population_count3A_511 = tpu.all_reduce %gt3A_494 {dim = 0 : i64, kind = #tpu.reduction_kind<sum>} : vector<16xi1> -> vector<16xi32>
            %add3A_512 = arith.addi %add3A_492, %all_reduce_population_count3A_511 : vector<16xi32>
            %gt3A_513 = vector.broadcast %cond3A_429#1 : f32 to vector<16xf32>
            %gt3A_514 = arith.cmpf ogt, %get3A_263, %gt3A_513 : vector<16xf32>
            %convert_element_type3A_515 = arith.extui %gt3A_514 : vector<16xi1> to vector<16xi32>
            %broadcast_in_dim3A_516 = arith.constant true
            %broadcast_in_dim3A_517 = vector.broadcast %broadcast_in_dim3A_516 : i1 to vector<16xi1>
            %masked_cumsum3A_518 = tpu.scan <sum>, %convert_element_type3A_515 masked %broadcast_in_dim3A_517 : vector<16xi32>, vector<16xi1> -> vector<16xi32>
            %add3A_519 = arith.addi %add3A_512, %masked_cumsum3A_518 : vector<16xi32>
            %sub3A_520 = arith.constant 1 : i32
            %sub3A_521 = vector.broadcast %sub3A_520 : i32 to vector<16xi32>
            %sub3A_522 = arith.subi %add3A_519, %sub3A_521 : vector<16xi32>
            tpu.vector_store_idx %arg7[%sub3A_522], %get3A_263 masked %gt3A_514 : memref<784xf32, #tpu.memory_space<vmem>>[vector<16xi32>], vector<16xf32>, vector<16xi1>
            %mul3A_523 = arith.constant 10000 : i32
            %mul3A_524 = arith.muli %mul3A_201, %mul3A_523 : i32
            %add3A_525 = arith.addi %mul3A_22, %mul3A_524 : i32
            %add3A_526 = arith.addi %add3A_525, %mul3A_244 : i32
            %add3A_527 = arith.constant 64 : i32
            %add3A_528 = arith.addi %add3A_526, %add3A_527 : i32
            %add3A_529 = vector.broadcast %add3A_528 : i32 to vector<16xi32>
            %add3A_530 = arith.addi %add3A_529, %iota3A : vector<16xi32>
            tpu.vector_store_idx %arg8[%sub3A_522], %add3A_530 masked %gt3A_514 : memref<784xi32, #tpu.memory_space<vmem>>[vector<16xi32>], vector<16xi32>, vector<16xi1>
            %all_reduce_population_count3A_531 = tpu.all_reduce %gt3A_514 {dim = 0 : i64, kind = #tpu.reduction_kind<sum>} : vector<16xi1> -> vector<16xi32>
            %add3A_532 = arith.addi %add3A_512, %all_reduce_population_count3A_531 : vector<16xi32>
            %gt3A_533 = vector.broadcast %cond3A_429#1 : f32 to vector<16xf32>
            %gt3A_534 = arith.cmpf ogt, %get3A_267, %gt3A_533 : vector<16xf32>
            %convert_element_type3A_535 = arith.extui %gt3A_534 : vector<16xi1> to vector<16xi32>
            %broadcast_in_dim3A_536 = arith.constant true
            %broadcast_in_dim3A_537 = vector.broadcast %broadcast_in_dim3A_536 : i1 to vector<16xi1>
            %masked_cumsum3A_538 = tpu.scan <sum>, %convert_element_type3A_535 masked %broadcast_in_dim3A_537 : vector<16xi32>, vector<16xi1> -> vector<16xi32>
            %add3A_539 = arith.addi %add3A_532, %masked_cumsum3A_538 : vector<16xi32>
            %sub3A_540 = arith.constant 1 : i32
            %sub3A_541 = vector.broadcast %sub3A_540 : i32 to vector<16xi32>
            %sub3A_542 = arith.subi %add3A_539, %sub3A_541 : vector<16xi32>
            tpu.vector_store_idx %arg7[%sub3A_542], %get3A_267 masked %gt3A_534 : memref<784xf32, #tpu.memory_space<vmem>>[vector<16xi32>], vector<16xf32>, vector<16xi1>
            %mul3A_543 = arith.constant 10000 : i32
            %mul3A_544 = arith.muli %mul3A_201, %mul3A_543 : i32
            %add3A_545 = arith.addi %mul3A_22, %mul3A_544 : i32
            %add3A_546 = arith.addi %add3A_545, %mul3A_244 : i32
            %add3A_547 = arith.constant 80 : i32
            %add3A_548 = arith.addi %add3A_546, %add3A_547 : i32
            %add3A_549 = vector.broadcast %add3A_548 : i32 to vector<16xi32>
            %add3A_550 = arith.addi %add3A_549, %iota3A : vector<16xi32>
            tpu.vector_store_idx %arg8[%sub3A_542], %add3A_550 masked %gt3A_534 : memref<784xi32, #tpu.memory_space<vmem>>[vector<16xi32>], vector<16xi32>, vector<16xi1>
            %all_reduce_population_count3A_551 = tpu.all_reduce %gt3A_534 {dim = 0 : i64, kind = #tpu.reduction_kind<sum>} : vector<16xi1> -> vector<16xi32>
            %add3A_552 = arith.addi %add3A_532, %all_reduce_population_count3A_551 : vector<16xi32>
            %gt3A_553 = vector.broadcast %cond3A_429#1 : f32 to vector<16xf32>
            %gt3A_554 = arith.cmpf ogt, %get3A_271, %gt3A_553 : vector<16xf32>
            %convert_element_type3A_555 = arith.extui %gt3A_554 : vector<16xi1> to vector<16xi32>
            %broadcast_in_dim3A_556 = arith.constant true
            %broadcast_in_dim3A_557 = vector.broadcast %broadcast_in_dim3A_556 : i1 to vector<16xi1>
            %masked_cumsum3A_558 = tpu.scan <sum>, %convert_element_type3A_555 masked %broadcast_in_dim3A_557 : vector<16xi32>, vector<16xi1> -> vector<16xi32>
            %add3A_559 = arith.addi %add3A_552, %masked_cumsum3A_558 : vector<16xi32>
            %sub3A_560 = arith.constant 1 : i32
            %sub3A_561 = vector.broadcast %sub3A_560 : i32 to vector<16xi32>
            %sub3A_562 = arith.subi %add3A_559, %sub3A_561 : vector<16xi32>
            tpu.vector_store_idx %arg7[%sub3A_562], %get3A_271 masked %gt3A_554 : memref<784xf32, #tpu.memory_space<vmem>>[vector<16xi32>], vector<16xf32>, vector<16xi1>
            %mul3A_563 = arith.constant 10000 : i32
            %mul3A_564 = arith.muli %mul3A_201, %mul3A_563 : i32
            %add3A_565 = arith.addi %mul3A_22, %mul3A_564 : i32
            %add3A_566 = arith.addi %add3A_565, %mul3A_244 : i32
            %add3A_567 = arith.constant 96 : i32
            %add3A_568 = arith.addi %add3A_566, %add3A_567 : i32
            %add3A_569 = vector.broadcast %add3A_568 : i32 to vector<16xi32>
            %add3A_570 = arith.addi %add3A_569, %iota3A : vector<16xi32>
            tpu.vector_store_idx %arg8[%sub3A_562], %add3A_570 masked %gt3A_554 : memref<784xi32, #tpu.memory_space<vmem>>[vector<16xi32>], vector<16xi32>, vector<16xi1>
            %all_reduce_population_count3A_571 = tpu.all_reduce %gt3A_554 {dim = 0 : i64, kind = #tpu.reduction_kind<sum>} : vector<16xi1> -> vector<16xi32>
            %add3A_572 = arith.addi %add3A_552, %all_reduce_population_count3A_571 : vector<16xi32>
            %gt3A_573 = vector.broadcast %cond3A_429#1 : f32 to vector<16xf32>
            %gt3A_574 = arith.cmpf ogt, %get3A_275, %gt3A_573 : vector<16xf32>
            %convert_element_type3A_575 = arith.extui %gt3A_574 : vector<16xi1> to vector<16xi32>
            %broadcast_in_dim3A_576 = arith.constant true
            %broadcast_in_dim3A_577 = vector.broadcast %broadcast_in_dim3A_576 : i1 to vector<16xi1>
            %masked_cumsum3A_578 = tpu.scan <sum>, %convert_element_type3A_575 masked %broadcast_in_dim3A_577 : vector<16xi32>, vector<16xi1> -> vector<16xi32>
            %add3A_579 = arith.addi %add3A_572, %masked_cumsum3A_578 : vector<16xi32>
            %sub3A_580 = arith.constant 1 : i32
            %sub3A_581 = vector.broadcast %sub3A_580 : i32 to vector<16xi32>
            %sub3A_582 = arith.subi %add3A_579, %sub3A_581 : vector<16xi32>
            tpu.vector_store_idx %arg7[%sub3A_582], %get3A_275 masked %gt3A_574 : memref<784xf32, #tpu.memory_space<vmem>>[vector<16xi32>], vector<16xf32>, vector<16xi1>
            %mul3A_583 = arith.constant 10000 : i32
            %mul3A_584 = arith.muli %mul3A_201, %mul3A_583 : i32
            %add3A_585 = arith.addi %mul3A_22, %mul3A_584 : i32
            %add3A_586 = arith.addi %add3A_585, %mul3A_244 : i32
            %add3A_587 = arith.constant 112 : i32
            %add3A_588 = arith.addi %add3A_586, %add3A_587 : i32
            %add3A_589 = vector.broadcast %add3A_588 : i32 to vector<16xi32>
            %add3A_590 = arith.addi %add3A_589, %iota3A : vector<16xi32>
            tpu.vector_store_idx %arg8[%sub3A_582], %add3A_590 masked %gt3A_574 : memref<784xi32, #tpu.memory_space<vmem>>[vector<16xi32>], vector<16xi32>, vector<16xi1>
            %all_reduce_population_count3A_591 = tpu.all_reduce %gt3A_574 {dim = 0 : i64, kind = #tpu.reduction_kind<sum>} : vector<16xi1> -> vector<16xi32>
            %add3A_592 = arith.addi %add3A_572, %all_reduce_population_count3A_591 : vector<16xi32>
            %gt3A_593 = vector.broadcast %cond3A_429#1 : f32 to vector<16xf32>
            %gt3A_594 = arith.cmpf ogt, %get3A_279, %gt3A_593 : vector<16xf32>
            %convert_element_type3A_595 = arith.extui %gt3A_594 : vector<16xi1> to vector<16xi32>
            %broadcast_in_dim3A_596 = arith.constant true
            %broadcast_in_dim3A_597 = vector.broadcast %broadcast_in_dim3A_596 : i1 to vector<16xi1>
            %masked_cumsum3A_598 = tpu.scan <sum>, %convert_element_type3A_595 masked %broadcast_in_dim3A_597 : vector<16xi32>, vector<16xi1> -> vector<16xi32>
            %add3A_599 = arith.addi %add3A_592, %masked_cumsum3A_598 : vector<16xi32>
            %sub3A_600 = arith.constant 1 : i32
            %sub3A_601 = vector.broadcast %sub3A_600 : i32 to vector<16xi32>
            %sub3A_602 = arith.subi %add3A_599, %sub3A_601 : vector<16xi32>
            tpu.vector_store_idx %arg7[%sub3A_602], %get3A_279 masked %gt3A_594 : memref<784xf32, #tpu.memory_space<vmem>>[vector<16xi32>], vector<16xf32>, vector<16xi1>
            %mul3A_603 = arith.constant 10000 : i32
            %mul3A_604 = arith.muli %mul3A_201, %mul3A_603 : i32
            %add3A_605 = arith.addi %mul3A_22, %mul3A_604 : i32
            %add3A_606 = arith.addi %add3A_605, %mul3A_244 : i32
            %add3A_607 = arith.constant 128 : i32
            %add3A_608 = arith.addi %add3A_606, %add3A_607 : i32
            %add3A_609 = vector.broadcast %add3A_608 : i32 to vector<16xi32>
            %add3A_610 = arith.addi %add3A_609, %iota3A : vector<16xi32>
            tpu.vector_store_idx %arg8[%sub3A_602], %add3A_610 masked %gt3A_594 : memref<784xi32, #tpu.memory_space<vmem>>[vector<16xi32>], vector<16xi32>, vector<16xi1>
            %all_reduce_population_count3A_611 = tpu.all_reduce %gt3A_594 {dim = 0 : i64, kind = #tpu.reduction_kind<sum>} : vector<16xi1> -> vector<16xi32>
            %add3A_612 = arith.addi %add3A_592, %all_reduce_population_count3A_611 : vector<16xi32>
            %gt3A_613 = vector.broadcast %cond3A_429#1 : f32 to vector<16xf32>
            %gt3A_614 = arith.cmpf ogt, %get3A_283, %gt3A_613 : vector<16xf32>
            %convert_element_type3A_615 = arith.extui %gt3A_614 : vector<16xi1> to vector<16xi32>
            %broadcast_in_dim3A_616 = arith.constant true
            %broadcast_in_dim3A_617 = vector.broadcast %broadcast_in_dim3A_616 : i1 to vector<16xi1>
            %masked_cumsum3A_618 = tpu.scan <sum>, %convert_element_type3A_615 masked %broadcast_in_dim3A_617 : vector<16xi32>, vector<16xi1> -> vector<16xi32>
            %add3A_619 = arith.addi %add3A_612, %masked_cumsum3A_618 : vector<16xi32>
            %sub3A_620 = arith.constant 1 : i32
            %sub3A_621 = vector.broadcast %sub3A_620 : i32 to vector<16xi32>
            %sub3A_622 = arith.subi %add3A_619, %sub3A_621 : vector<16xi32>
            tpu.vector_store_idx %arg7[%sub3A_622], %get3A_283 masked %gt3A_614 : memref<784xf32, #tpu.memory_space<vmem>>[vector<16xi32>], vector<16xf32>, vector<16xi1>
            %mul3A_623 = arith.constant 10000 : i32
            %mul3A_624 = arith.muli %mul3A_201, %mul3A_623 : i32
            %add3A_625 = arith.addi %mul3A_22, %mul3A_624 : i32
            %add3A_626 = arith.addi %add3A_625, %mul3A_244 : i32
            %add3A_627 = arith.constant 144 : i32
            %add3A_628 = arith.addi %add3A_626, %add3A_627 : i32
            %add3A_629 = vector.broadcast %add3A_628 : i32 to vector<16xi32>
            %add3A_630 = arith.addi %add3A_629, %iota3A : vector<16xi32>
            tpu.vector_store_idx %arg8[%sub3A_622], %add3A_630 masked %gt3A_614 : memref<784xi32, #tpu.memory_space<vmem>>[vector<16xi32>], vector<16xi32>, vector<16xi1>
            %all_reduce_population_count3A_631 = tpu.all_reduce %gt3A_614 {dim = 0 : i64, kind = #tpu.reduction_kind<sum>} : vector<16xi1> -> vector<16xi32>
            %add3A_632 = arith.addi %add3A_612, %all_reduce_population_count3A_631 : vector<16xi32>
            %gt3A_633 = vector.broadcast %cond3A_429#1 : f32 to vector<16xf32>
            %gt3A_634 = arith.cmpf ogt, %get3A_287, %gt3A_633 : vector<16xf32>
            %convert_element_type3A_635 = arith.extui %gt3A_634 : vector<16xi1> to vector<16xi32>
            %broadcast_in_dim3A_636 = arith.constant true
            %broadcast_in_dim3A_637 = vector.broadcast %broadcast_in_dim3A_636 : i1 to vector<16xi1>
            %masked_cumsum3A_638 = tpu.scan <sum>, %convert_element_type3A_635 masked %broadcast_in_dim3A_637 : vector<16xi32>, vector<16xi1> -> vector<16xi32>
            %add3A_639 = arith.addi %add3A_632, %masked_cumsum3A_638 : vector<16xi32>
            %sub3A_640 = arith.constant 1 : i32
            %sub3A_641 = vector.broadcast %sub3A_640 : i32 to vector<16xi32>
            %sub3A_642 = arith.subi %add3A_639, %sub3A_641 : vector<16xi32>
            tpu.vector_store_idx %arg7[%sub3A_642], %get3A_287 masked %gt3A_634 : memref<784xf32, #tpu.memory_space<vmem>>[vector<16xi32>], vector<16xf32>, vector<16xi1>
            %mul3A_643 = arith.constant 10000 : i32
            %mul3A_644 = arith.muli %mul3A_201, %mul3A_643 : i32
            %add3A_645 = arith.addi %mul3A_22, %mul3A_644 : i32
            %add3A_646 = arith.addi %add3A_645, %mul3A_244 : i32
            %add3A_647 = arith.constant 160 : i32
            %add3A_648 = arith.addi %add3A_646, %add3A_647 : i32
            %add3A_649 = vector.broadcast %add3A_648 : i32 to vector<16xi32>
            %add3A_650 = arith.addi %add3A_649, %iota3A : vector<16xi32>
            tpu.vector_store_idx %arg8[%sub3A_642], %add3A_650 masked %gt3A_634 : memref<784xi32, #tpu.memory_space<vmem>>[vector<16xi32>], vector<16xi32>, vector<16xi1>
            %all_reduce_population_count3A_651 = tpu.all_reduce %gt3A_634 {dim = 0 : i64, kind = #tpu.reduction_kind<sum>} : vector<16xi1> -> vector<16xi32>
            %add3A_652 = arith.addi %add3A_632, %all_reduce_population_count3A_651 : vector<16xi32>
            %gt3A_653 = vector.broadcast %cond3A_429#1 : f32 to vector<16xf32>
            %gt3A_654 = arith.cmpf ogt, %get3A_291, %gt3A_653 : vector<16xf32>
            %convert_element_type3A_655 = arith.extui %gt3A_654 : vector<16xi1> to vector<16xi32>
            %broadcast_in_dim3A_656 = arith.constant true
            %broadcast_in_dim3A_657 = vector.broadcast %broadcast_in_dim3A_656 : i1 to vector<16xi1>
            %masked_cumsum3A_658 = tpu.scan <sum>, %convert_element_type3A_655 masked %broadcast_in_dim3A_657 : vector<16xi32>, vector<16xi1> -> vector<16xi32>
            %add3A_659 = arith.addi %add3A_652, %masked_cumsum3A_658 : vector<16xi32>
            %sub3A_660 = arith.constant 1 : i32
            %sub3A_661 = vector.broadcast %sub3A_660 : i32 to vector<16xi32>
            %sub3A_662 = arith.subi %add3A_659, %sub3A_661 : vector<16xi32>
            tpu.vector_store_idx %arg7[%sub3A_662], %get3A_291 masked %gt3A_654 : memref<784xf32, #tpu.memory_space<vmem>>[vector<16xi32>], vector<16xf32>, vector<16xi1>
            %mul3A_663 = arith.constant 10000 : i32
            %mul3A_664 = arith.muli %mul3A_201, %mul3A_663 : i32
            %add3A_665 = arith.addi %mul3A_22, %mul3A_664 : i32
            %add3A_666 = arith.addi %add3A_665, %mul3A_244 : i32
            %add3A_667 = arith.constant 176 : i32
            %add3A_668 = arith.addi %add3A_666, %add3A_667 : i32
            %add3A_669 = vector.broadcast %add3A_668 : i32 to vector<16xi32>
            %add3A_670 = arith.addi %add3A_669, %iota3A : vector<16xi32>
            tpu.vector_store_idx %arg8[%sub3A_662], %add3A_670 masked %gt3A_654 : memref<784xi32, #tpu.memory_space<vmem>>[vector<16xi32>], vector<16xi32>, vector<16xi1>
            %all_reduce_population_count3A_671 = tpu.all_reduce %gt3A_654 {dim = 0 : i64, kind = #tpu.reduction_kind<sum>} : vector<16xi1> -> vector<16xi32>
            %add3A_672 = arith.addi %add3A_652, %all_reduce_population_count3A_671 : vector<16xi32>
            %gt3A_673 = vector.broadcast %cond3A_429#1 : f32 to vector<16xf32>
            %gt3A_674 = arith.cmpf ogt, %get3A_295, %gt3A_673 : vector<16xf32>
            %convert_element_type3A_675 = arith.extui %gt3A_674 : vector<16xi1> to vector<16xi32>
            %broadcast_in_dim3A_676 = arith.constant true
            %broadcast_in_dim3A_677 = vector.broadcast %broadcast_in_dim3A_676 : i1 to vector<16xi1>
            %masked_cumsum3A_678 = tpu.scan <sum>, %convert_element_type3A_675 masked %broadcast_in_dim3A_677 : vector<16xi32>, vector<16xi1> -> vector<16xi32>
            %add3A_679 = arith.addi %add3A_672, %masked_cumsum3A_678 : vector<16xi32>
            %sub3A_680 = arith.constant 1 : i32
            %sub3A_681 = vector.broadcast %sub3A_680 : i32 to vector<16xi32>
            %sub3A_682 = arith.subi %add3A_679, %sub3A_681 : vector<16xi32>
            tpu.vector_store_idx %arg7[%sub3A_682], %get3A_295 masked %gt3A_674 : memref<784xf32, #tpu.memory_space<vmem>>[vector<16xi32>], vector<16xf32>, vector<16xi1>
            %mul3A_683 = arith.constant 10000 : i32
            %mul3A_684 = arith.muli %mul3A_201, %mul3A_683 : i32
            %add3A_685 = arith.addi %mul3A_22, %mul3A_684 : i32
            %add3A_686 = arith.addi %add3A_685, %mul3A_244 : i32
            %add3A_687 = arith.constant 192 : i32
            %add3A_688 = arith.addi %add3A_686, %add3A_687 : i32
            %add3A_689 = vector.broadcast %add3A_688 : i32 to vector<16xi32>
            %add3A_690 = arith.addi %add3A_689, %iota3A : vector<16xi32>
            tpu.vector_store_idx %arg8[%sub3A_682], %add3A_690 masked %gt3A_674 : memref<784xi32, #tpu.memory_space<vmem>>[vector<16xi32>], vector<16xi32>, vector<16xi1>
            %all_reduce_population_count3A_691 = tpu.all_reduce %gt3A_674 {dim = 0 : i64, kind = #tpu.reduction_kind<sum>} : vector<16xi1> -> vector<16xi32>
            %add3A_692 = arith.addi %add3A_672, %all_reduce_population_count3A_691 : vector<16xi32>
            %gt3A_693 = vector.broadcast %cond3A_429#1 : f32 to vector<16xf32>
            %gt3A_694 = arith.cmpf ogt, %get3A_299, %gt3A_693 : vector<16xf32>
            %convert_element_type3A_695 = arith.extui %gt3A_694 : vector<16xi1> to vector<16xi32>
            %broadcast_in_dim3A_696 = arith.constant true
            %broadcast_in_dim3A_697 = vector.broadcast %broadcast_in_dim3A_696 : i1 to vector<16xi1>
            %masked_cumsum3A_698 = tpu.scan <sum>, %convert_element_type3A_695 masked %broadcast_in_dim3A_697 : vector<16xi32>, vector<16xi1> -> vector<16xi32>
            %add3A_699 = arith.addi %add3A_692, %masked_cumsum3A_698 : vector<16xi32>
            %sub3A_700 = arith.constant 1 : i32
            %sub3A_701 = vector.broadcast %sub3A_700 : i32 to vector<16xi32>
            %sub3A_702 = arith.subi %add3A_699, %sub3A_701 : vector<16xi32>
            tpu.vector_store_idx %arg7[%sub3A_702], %get3A_299 masked %gt3A_694 : memref<784xf32, #tpu.memory_space<vmem>>[vector<16xi32>], vector<16xf32>, vector<16xi1>
            %mul3A_703 = arith.constant 10000 : i32
            %mul3A_704 = arith.muli %mul3A_201, %mul3A_703 : i32
            %add3A_705 = arith.addi %mul3A_22, %mul3A_704 : i32
            %add3A_706 = arith.addi %add3A_705, %mul3A_244 : i32
            %add3A_707 = arith.constant 208 : i32
            %add3A_708 = arith.addi %add3A_706, %add3A_707 : i32
            %add3A_709 = vector.broadcast %add3A_708 : i32 to vector<16xi32>
            %add3A_710 = arith.addi %add3A_709, %iota3A : vector<16xi32>
            tpu.vector_store_idx %arg8[%sub3A_702], %add3A_710 masked %gt3A_694 : memref<784xi32, #tpu.memory_space<vmem>>[vector<16xi32>], vector<16xi32>, vector<16xi1>
            %all_reduce_population_count3A_711 = tpu.all_reduce %gt3A_694 {dim = 0 : i64, kind = #tpu.reduction_kind<sum>} : vector<16xi1> -> vector<16xi32>
            %add3A_712 = arith.addi %add3A_692, %all_reduce_population_count3A_711 : vector<16xi32>
            %gt3A_713 = vector.broadcast %cond3A_429#1 : f32 to vector<16xf32>
            %gt3A_714 = arith.cmpf ogt, %get3A_303, %gt3A_713 : vector<16xf32>
            %convert_element_type3A_715 = arith.extui %gt3A_714 : vector<16xi1> to vector<16xi32>
            %broadcast_in_dim3A_716 = arith.constant true
            %broadcast_in_dim3A_717 = vector.broadcast %broadcast_in_dim3A_716 : i1 to vector<16xi1>
            %masked_cumsum3A_718 = tpu.scan <sum>, %convert_element_type3A_715 masked %broadcast_in_dim3A_717 : vector<16xi32>, vector<16xi1> -> vector<16xi32>
            %add3A_719 = arith.addi %add3A_712, %masked_cumsum3A_718 : vector<16xi32>
            %sub3A_720 = arith.constant 1 : i32
            %sub3A_721 = vector.broadcast %sub3A_720 : i32 to vector<16xi32>
            %sub3A_722 = arith.subi %add3A_719, %sub3A_721 : vector<16xi32>
            tpu.vector_store_idx %arg7[%sub3A_722], %get3A_303 masked %gt3A_714 : memref<784xf32, #tpu.memory_space<vmem>>[vector<16xi32>], vector<16xf32>, vector<16xi1>
            %mul3A_723 = arith.constant 10000 : i32
            %mul3A_724 = arith.muli %mul3A_201, %mul3A_723 : i32
            %add3A_725 = arith.addi %mul3A_22, %mul3A_724 : i32
            %add3A_726 = arith.addi %add3A_725, %mul3A_244 : i32
            %add3A_727 = arith.constant 224 : i32
            %add3A_728 = arith.addi %add3A_726, %add3A_727 : i32
            %add3A_729 = vector.broadcast %add3A_728 : i32 to vector<16xi32>
            %add3A_730 = arith.addi %add3A_729, %iota3A : vector<16xi32>
            tpu.vector_store_idx %arg8[%sub3A_722], %add3A_730 masked %gt3A_714 : memref<784xi32, #tpu.memory_space<vmem>>[vector<16xi32>], vector<16xi32>, vector<16xi1>
            %all_reduce_population_count3A_731 = tpu.all_reduce %gt3A_714 {dim = 0 : i64, kind = #tpu.reduction_kind<sum>} : vector<16xi1> -> vector<16xi32>
            %add3A_732 = arith.addi %add3A_712, %all_reduce_population_count3A_731 : vector<16xi32>
            %gt3A_733 = vector.broadcast %cond3A_429#1 : f32 to vector<16xf32>
            %gt3A_734 = arith.cmpf ogt, %get3A_307, %gt3A_733 : vector<16xf32>
            %convert_element_type3A_735 = arith.extui %gt3A_734 : vector<16xi1> to vector<16xi32>
            %broadcast_in_dim3A_736 = arith.constant true
            %broadcast_in_dim3A_737 = vector.broadcast %broadcast_in_dim3A_736 : i1 to vector<16xi1>
            %masked_cumsum3A_738 = tpu.scan <sum>, %convert_element_type3A_735 masked %broadcast_in_dim3A_737 : vector<16xi32>, vector<16xi1> -> vector<16xi32>
            %add3A_739 = arith.addi %add3A_732, %masked_cumsum3A_738 : vector<16xi32>
            %sub3A_740 = arith.constant 1 : i32
            %sub3A_741 = vector.broadcast %sub3A_740 : i32 to vector<16xi32>
            %sub3A_742 = arith.subi %add3A_739, %sub3A_741 : vector<16xi32>
            tpu.vector_store_idx %arg7[%sub3A_742], %get3A_307 masked %gt3A_734 : memref<784xf32, #tpu.memory_space<vmem>>[vector<16xi32>], vector<16xf32>, vector<16xi1>
            %mul3A_743 = arith.constant 10000 : i32
            %mul3A_744 = arith.muli %mul3A_201, %mul3A_743 : i32
            %add3A_745 = arith.addi %mul3A_22, %mul3A_744 : i32
            %add3A_746 = arith.addi %add3A_745, %mul3A_244 : i32
            %add3A_747 = arith.constant 240 : i32
            %add3A_748 = arith.addi %add3A_746, %add3A_747 : i32
            %add3A_749 = vector.broadcast %add3A_748 : i32 to vector<16xi32>
            %add3A_750 = arith.addi %add3A_749, %iota3A : vector<16xi32>
            tpu.vector_store_idx %arg8[%sub3A_742], %add3A_750 masked %gt3A_734 : memref<784xi32, #tpu.memory_space<vmem>>[vector<16xi32>], vector<16xi32>, vector<16xi1>
            %all_reduce_population_count3A_751 = tpu.all_reduce %gt3A_734 {dim = 0 : i64, kind = #tpu.reduction_kind<sum>} : vector<16xi1> -> vector<16xi32>
            %add3A_752 = arith.addi %add3A_732, %all_reduce_population_count3A_751 : vector<16xi32>
            %gt3A_753 = vector.broadcast %cond3A_429#1 : f32 to vector<16xf32>
            %gt3A_754 = arith.cmpf ogt, %get3A_311, %gt3A_753 : vector<16xf32>
            %convert_element_type3A_755 = arith.extui %gt3A_754 : vector<16xi1> to vector<16xi32>
            %broadcast_in_dim3A_756 = arith.constant true
            %broadcast_in_dim3A_757 = vector.broadcast %broadcast_in_dim3A_756 : i1 to vector<16xi1>
            %masked_cumsum3A_758 = tpu.scan <sum>, %convert_element_type3A_755 masked %broadcast_in_dim3A_757 : vector<16xi32>, vector<16xi1> -> vector<16xi32>
            %add3A_759 = arith.addi %add3A_752, %masked_cumsum3A_758 : vector<16xi32>
            %sub3A_760 = arith.constant 1 : i32
            %sub3A_761 = vector.broadcast %sub3A_760 : i32 to vector<16xi32>
            %sub3A_762 = arith.subi %add3A_759, %sub3A_761 : vector<16xi32>
            tpu.vector_store_idx %arg7[%sub3A_762], %get3A_311 masked %gt3A_754 : memref<784xf32, #tpu.memory_space<vmem>>[vector<16xi32>], vector<16xf32>, vector<16xi1>
            %mul3A_763 = arith.constant 10000 : i32
            %mul3A_764 = arith.muli %mul3A_201, %mul3A_763 : i32
            %add3A_765 = arith.addi %mul3A_22, %mul3A_764 : i32
            %add3A_766 = arith.addi %add3A_765, %mul3A_244 : i32
            %add3A_767 = arith.constant 256 : i32
            %add3A_768 = arith.addi %add3A_766, %add3A_767 : i32
            %add3A_769 = vector.broadcast %add3A_768 : i32 to vector<16xi32>
            %add3A_770 = arith.addi %add3A_769, %iota3A : vector<16xi32>
            tpu.vector_store_idx %arg8[%sub3A_762], %add3A_770 masked %gt3A_754 : memref<784xi32, #tpu.memory_space<vmem>>[vector<16xi32>], vector<16xi32>, vector<16xi1>
            %all_reduce_population_count3A_771 = tpu.all_reduce %gt3A_754 {dim = 0 : i64, kind = #tpu.reduction_kind<sum>} : vector<16xi1> -> vector<16xi32>
            %add3A_772 = arith.addi %add3A_752, %all_reduce_population_count3A_771 : vector<16xi32>
            %gt3A_773 = vector.broadcast %cond3A_429#1 : f32 to vector<16xf32>
            %gt3A_774 = arith.cmpf ogt, %get3A_315, %gt3A_773 : vector<16xf32>
            %convert_element_type3A_775 = arith.extui %gt3A_774 : vector<16xi1> to vector<16xi32>
            %broadcast_in_dim3A_776 = arith.constant true
            %broadcast_in_dim3A_777 = vector.broadcast %broadcast_in_dim3A_776 : i1 to vector<16xi1>
            %masked_cumsum3A_778 = tpu.scan <sum>, %convert_element_type3A_775 masked %broadcast_in_dim3A_777 : vector<16xi32>, vector<16xi1> -> vector<16xi32>
            %add3A_779 = arith.addi %add3A_772, %masked_cumsum3A_778 : vector<16xi32>
            %sub3A_780 = arith.constant 1 : i32
            %sub3A_781 = vector.broadcast %sub3A_780 : i32 to vector<16xi32>
            %sub3A_782 = arith.subi %add3A_779, %sub3A_781 : vector<16xi32>
            tpu.vector_store_idx %arg7[%sub3A_782], %get3A_315 masked %gt3A_774 : memref<784xf32, #tpu.memory_space<vmem>>[vector<16xi32>], vector<16xf32>, vector<16xi1>
            %mul3A_783 = arith.constant 10000 : i32
            %mul3A_784 = arith.muli %mul3A_201, %mul3A_783 : i32
            %add3A_785 = arith.addi %mul3A_22, %mul3A_784 : i32
            %add3A_786 = arith.addi %add3A_785, %mul3A_244 : i32
            %add3A_787 = arith.constant 272 : i32
            %add3A_788 = arith.addi %add3A_786, %add3A_787 : i32
            %add3A_789 = vector.broadcast %add3A_788 : i32 to vector<16xi32>
            %add3A_790 = arith.addi %add3A_789, %iota3A : vector<16xi32>
            tpu.vector_store_idx %arg8[%sub3A_782], %add3A_790 masked %gt3A_774 : memref<784xi32, #tpu.memory_space<vmem>>[vector<16xi32>], vector<16xi32>, vector<16xi1>
            %all_reduce_population_count3A_791 = tpu.all_reduce %gt3A_774 {dim = 0 : i64, kind = #tpu.reduction_kind<sum>} : vector<16xi1> -> vector<16xi32>
            %add3A_792 = arith.addi %add3A_772, %all_reduce_population_count3A_791 : vector<16xi32>
            %gt3A_793 = vector.broadcast %cond3A_429#1 : f32 to vector<16xf32>
            %gt3A_794 = arith.cmpf ogt, %get3A_319, %gt3A_793 : vector<16xf32>
            %convert_element_type3A_795 = arith.extui %gt3A_794 : vector<16xi1> to vector<16xi32>
            %broadcast_in_dim3A_796 = arith.constant true
            %broadcast_in_dim3A_797 = vector.broadcast %broadcast_in_dim3A_796 : i1 to vector<16xi1>
            %masked_cumsum3A_798 = tpu.scan <sum>, %convert_element_type3A_795 masked %broadcast_in_dim3A_797 : vector<16xi32>, vector<16xi1> -> vector<16xi32>
            %add3A_799 = arith.addi %add3A_792, %masked_cumsum3A_798 : vector<16xi32>
            %sub3A_800 = arith.constant 1 : i32
            %sub3A_801 = vector.broadcast %sub3A_800 : i32 to vector<16xi32>
            %sub3A_802 = arith.subi %add3A_799, %sub3A_801 : vector<16xi32>
            tpu.vector_store_idx %arg7[%sub3A_802], %get3A_319 masked %gt3A_794 : memref<784xf32, #tpu.memory_space<vmem>>[vector<16xi32>], vector<16xf32>, vector<16xi1>
            %mul3A_803 = arith.constant 10000 : i32
            %mul3A_804 = arith.muli %mul3A_201, %mul3A_803 : i32
            %add3A_805 = arith.addi %mul3A_22, %mul3A_804 : i32
            %add3A_806 = arith.addi %add3A_805, %mul3A_244 : i32
            %add3A_807 = arith.constant 288 : i32
            %add3A_808 = arith.addi %add3A_806, %add3A_807 : i32
            %add3A_809 = vector.broadcast %add3A_808 : i32 to vector<16xi32>
            %add3A_810 = arith.addi %add3A_809, %iota3A : vector<16xi32>
            tpu.vector_store_idx %arg8[%sub3A_802], %add3A_810 masked %gt3A_794 : memref<784xi32, #tpu.memory_space<vmem>>[vector<16xi32>], vector<16xi32>, vector<16xi1>
            %all_reduce_population_count3A_811 = tpu.all_reduce %gt3A_794 {dim = 0 : i64, kind = #tpu.reduction_kind<sum>} : vector<16xi1> -> vector<16xi32>
            %add3A_812 = arith.addi %add3A_792, %all_reduce_population_count3A_811 : vector<16xi32>
            %gt3A_813 = vector.broadcast %cond3A_429#1 : f32 to vector<16xf32>
            %gt3A_814 = arith.cmpf ogt, %get3A_323, %gt3A_813 : vector<16xf32>
            %convert_element_type3A_815 = arith.extui %gt3A_814 : vector<16xi1> to vector<16xi32>
            %broadcast_in_dim3A_816 = arith.constant true
            %broadcast_in_dim3A_817 = vector.broadcast %broadcast_in_dim3A_816 : i1 to vector<16xi1>
            %masked_cumsum3A_818 = tpu.scan <sum>, %convert_element_type3A_815 masked %broadcast_in_dim3A_817 : vector<16xi32>, vector<16xi1> -> vector<16xi32>
            %add3A_819 = arith.addi %add3A_812, %masked_cumsum3A_818 : vector<16xi32>
            %sub3A_820 = arith.constant 1 : i32
            %sub3A_821 = vector.broadcast %sub3A_820 : i32 to vector<16xi32>
            %sub3A_822 = arith.subi %add3A_819, %sub3A_821 : vector<16xi32>
            tpu.vector_store_idx %arg7[%sub3A_822], %get3A_323 masked %gt3A_814 : memref<784xf32, #tpu.memory_space<vmem>>[vector<16xi32>], vector<16xf32>, vector<16xi1>
            %mul3A_823 = arith.constant 10000 : i32
            %mul3A_824 = arith.muli %mul3A_201, %mul3A_823 : i32
            %add3A_825 = arith.addi %mul3A_22, %mul3A_824 : i32
            %add3A_826 = arith.addi %add3A_825, %mul3A_244 : i32
            %add3A_827 = arith.constant 304 : i32
            %add3A_828 = arith.addi %add3A_826, %add3A_827 : i32
            %add3A_829 = vector.broadcast %add3A_828 : i32 to vector<16xi32>
            %add3A_830 = arith.addi %add3A_829, %iota3A : vector<16xi32>
            tpu.vector_store_idx %arg8[%sub3A_822], %add3A_830 masked %gt3A_814 : memref<784xi32, #tpu.memory_space<vmem>>[vector<16xi32>], vector<16xi32>, vector<16xi1>
            %all_reduce_population_count3A_831 = tpu.all_reduce %gt3A_814 {dim = 0 : i64, kind = #tpu.reduction_kind<sum>} : vector<16xi1> -> vector<16xi32>
            %add3A_832 = arith.addi %add3A_812, %all_reduce_population_count3A_831 : vector<16xi32>
            %gt3A_833 = vector.broadcast %cond3A_429#1 : f32 to vector<16xf32>
            %gt3A_834 = arith.cmpf ogt, %get3A_327, %gt3A_833 : vector<16xf32>
            %convert_element_type3A_835 = arith.extui %gt3A_834 : vector<16xi1> to vector<16xi32>
            %broadcast_in_dim3A_836 = arith.constant true
            %broadcast_in_dim3A_837 = vector.broadcast %broadcast_in_dim3A_836 : i1 to vector<16xi1>
            %masked_cumsum3A_838 = tpu.scan <sum>, %convert_element_type3A_835 masked %broadcast_in_dim3A_837 : vector<16xi32>, vector<16xi1> -> vector<16xi32>
            %add3A_839 = arith.addi %add3A_832, %masked_cumsum3A_838 : vector<16xi32>
            %sub3A_840 = arith.constant 1 : i32
            %sub3A_841 = vector.broadcast %sub3A_840 : i32 to vector<16xi32>
            %sub3A_842 = arith.subi %add3A_839, %sub3A_841 : vector<16xi32>
            tpu.vector_store_idx %arg7[%sub3A_842], %get3A_327 masked %gt3A_834 : memref<784xf32, #tpu.memory_space<vmem>>[vector<16xi32>], vector<16xf32>, vector<16xi1>
            %mul3A_843 = arith.constant 10000 : i32
            %mul3A_844 = arith.muli %mul3A_201, %mul3A_843 : i32
            %add3A_845 = arith.addi %mul3A_22, %mul3A_844 : i32
            %add3A_846 = arith.addi %add3A_845, %mul3A_244 : i32
            %add3A_847 = arith.constant 320 : i32
            %add3A_848 = arith.addi %add3A_846, %add3A_847 : i32
            %add3A_849 = vector.broadcast %add3A_848 : i32 to vector<16xi32>
            %add3A_850 = arith.addi %add3A_849, %iota3A : vector<16xi32>
            tpu.vector_store_idx %arg8[%sub3A_842], %add3A_850 masked %gt3A_834 : memref<784xi32, #tpu.memory_space<vmem>>[vector<16xi32>], vector<16xi32>, vector<16xi1>
            %all_reduce_population_count3A_851 = tpu.all_reduce %gt3A_834 {dim = 0 : i64, kind = #tpu.reduction_kind<sum>} : vector<16xi1> -> vector<16xi32>
            %add3A_852 = arith.addi %add3A_832, %all_reduce_population_count3A_851 : vector<16xi32>
            %gt3A_853 = vector.broadcast %cond3A_429#1 : f32 to vector<16xf32>
            %gt3A_854 = arith.cmpf ogt, %get3A_331, %gt3A_853 : vector<16xf32>
            %convert_element_type3A_855 = arith.extui %gt3A_854 : vector<16xi1> to vector<16xi32>
            %broadcast_in_dim3A_856 = arith.constant true
            %broadcast_in_dim3A_857 = vector.broadcast %broadcast_in_dim3A_856 : i1 to vector<16xi1>
            %masked_cumsum3A_858 = tpu.scan <sum>, %convert_element_type3A_855 masked %broadcast_in_dim3A_857 : vector<16xi32>, vector<16xi1> -> vector<16xi32>
            %add3A_859 = arith.addi %add3A_852, %masked_cumsum3A_858 : vector<16xi32>
            %sub3A_860 = arith.constant 1 : i32
            %sub3A_861 = vector.broadcast %sub3A_860 : i32 to vector<16xi32>
            %sub3A_862 = arith.subi %add3A_859, %sub3A_861 : vector<16xi32>
            tpu.vector_store_idx %arg7[%sub3A_862], %get3A_331 masked %gt3A_854 : memref<784xf32, #tpu.memory_space<vmem>>[vector<16xi32>], vector<16xf32>, vector<16xi1>
            %mul3A_863 = arith.constant 10000 : i32
            %mul3A_864 = arith.muli %mul3A_201, %mul3A_863 : i32
            %add3A_865 = arith.addi %mul3A_22, %mul3A_864 : i32
            %add3A_866 = arith.addi %add3A_865, %mul3A_244 : i32
            %add3A_867 = arith.constant 336 : i32
            %add3A_868 = arith.addi %add3A_866, %add3A_867 : i32
            %add3A_869 = vector.broadcast %add3A_868 : i32 to vector<16xi32>
            %add3A_870 = arith.addi %add3A_869, %iota3A : vector<16xi32>
            tpu.vector_store_idx %arg8[%sub3A_862], %add3A_870 masked %gt3A_854 : memref<784xi32, #tpu.memory_space<vmem>>[vector<16xi32>], vector<16xi32>, vector<16xi1>
            %all_reduce_population_count3A_871 = tpu.all_reduce %gt3A_854 {dim = 0 : i64, kind = #tpu.reduction_kind<sum>} : vector<16xi1> -> vector<16xi32>
            %add3A_872 = arith.addi %add3A_852, %all_reduce_population_count3A_871 : vector<16xi32>
            %gt3A_873 = vector.broadcast %cond3A_429#1 : f32 to vector<16xf32>
            %gt3A_874 = arith.cmpf ogt, %get3A_335, %gt3A_873 : vector<16xf32>
            %convert_element_type3A_875 = arith.extui %gt3A_874 : vector<16xi1> to vector<16xi32>
            %broadcast_in_dim3A_876 = arith.constant true
            %broadcast_in_dim3A_877 = vector.broadcast %broadcast_in_dim3A_876 : i1 to vector<16xi1>
            %masked_cumsum3A_878 = tpu.scan <sum>, %convert_element_type3A_875 masked %broadcast_in_dim3A_877 : vector<16xi32>, vector<16xi1> -> vector<16xi32>
            %add3A_879 = arith.addi %add3A_872, %masked_cumsum3A_878 : vector<16xi32>
            %sub3A_880 = arith.constant 1 : i32
            %sub3A_881 = vector.broadcast %sub3A_880 : i32 to vector<16xi32>
            %sub3A_882 = arith.subi %add3A_879, %sub3A_881 : vector<16xi32>
            tpu.vector_store_idx %arg7[%sub3A_882], %get3A_335 masked %gt3A_874 : memref<784xf32, #tpu.memory_space<vmem>>[vector<16xi32>], vector<16xf32>, vector<16xi1>
            %mul3A_883 = arith.constant 10000 : i32
            %mul3A_884 = arith.muli %mul3A_201, %mul3A_883 : i32
            %add3A_885 = arith.addi %mul3A_22, %mul3A_884 : i32
            %add3A_886 = arith.addi %add3A_885, %mul3A_244 : i32
            %add3A_887 = arith.constant 352 : i32
            %add3A_888 = arith.addi %add3A_886, %add3A_887 : i32
            %add3A_889 = vector.broadcast %add3A_888 : i32 to vector<16xi32>
            %add3A_890 = arith.addi %add3A_889, %iota3A : vector<16xi32>
            tpu.vector_store_idx %arg8[%sub3A_882], %add3A_890 masked %gt3A_874 : memref<784xi32, #tpu.memory_space<vmem>>[vector<16xi32>], vector<16xi32>, vector<16xi1>
            %all_reduce_population_count3A_891 = tpu.all_reduce %gt3A_874 {dim = 0 : i64, kind = #tpu.reduction_kind<sum>} : vector<16xi1> -> vector<16xi32>
            %add3A_892 = arith.addi %add3A_872, %all_reduce_population_count3A_891 : vector<16xi32>
            %gt3A_893 = vector.broadcast %cond3A_429#1 : f32 to vector<16xf32>
            %gt3A_894 = arith.cmpf ogt, %get3A_339, %gt3A_893 : vector<16xf32>
            %convert_element_type3A_895 = arith.extui %gt3A_894 : vector<16xi1> to vector<16xi32>
            %broadcast_in_dim3A_896 = arith.constant true
            %broadcast_in_dim3A_897 = vector.broadcast %broadcast_in_dim3A_896 : i1 to vector<16xi1>
            %masked_cumsum3A_898 = tpu.scan <sum>, %convert_element_type3A_895 masked %broadcast_in_dim3A_897 : vector<16xi32>, vector<16xi1> -> vector<16xi32>
            %add3A_899 = arith.addi %add3A_892, %masked_cumsum3A_898 : vector<16xi32>
            %sub3A_900 = arith.constant 1 : i32
            %sub3A_901 = vector.broadcast %sub3A_900 : i32 to vector<16xi32>
            %sub3A_902 = arith.subi %add3A_899, %sub3A_901 : vector<16xi32>
            tpu.vector_store_idx %arg7[%sub3A_902], %get3A_339 masked %gt3A_894 : memref<784xf32, #tpu.memory_space<vmem>>[vector<16xi32>], vector<16xf32>, vector<16xi1>
            %mul3A_903 = arith.constant 10000 : i32
            %mul3A_904 = arith.muli %mul3A_201, %mul3A_903 : i32
            %add3A_905 = arith.addi %mul3A_22, %mul3A_904 : i32
            %add3A_906 = arith.addi %add3A_905, %mul3A_244 : i32
            %add3A_907 = arith.constant 368 : i32
            %add3A_908 = arith.addi %add3A_906, %add3A_907 : i32
            %add3A_909 = vector.broadcast %add3A_908 : i32 to vector<16xi32>
            %add3A_910 = arith.addi %add3A_909, %iota3A : vector<16xi32>
            tpu.vector_store_idx %arg8[%sub3A_902], %add3A_910 masked %gt3A_894 : memref<784xi32, #tpu.memory_space<vmem>>[vector<16xi32>], vector<16xi32>, vector<16xi1>
            %all_reduce_population_count3A_911 = tpu.all_reduce %gt3A_894 {dim = 0 : i64, kind = #tpu.reduction_kind<sum>} : vector<16xi1> -> vector<16xi32>
            %add3A_912 = arith.addi %add3A_892, %all_reduce_population_count3A_911 : vector<16xi32>
            %gt3A_913 = vector.broadcast %cond3A_429#1 : f32 to vector<16xf32>
            %gt3A_914 = arith.cmpf ogt, %get3A_343, %gt3A_913 : vector<16xf32>
            %convert_element_type3A_915 = arith.extui %gt3A_914 : vector<16xi1> to vector<16xi32>
            %broadcast_in_dim3A_916 = arith.constant true
            %broadcast_in_dim3A_917 = vector.broadcast %broadcast_in_dim3A_916 : i1 to vector<16xi1>
            %masked_cumsum3A_918 = tpu.scan <sum>, %convert_element_type3A_915 masked %broadcast_in_dim3A_917 : vector<16xi32>, vector<16xi1> -> vector<16xi32>
            %add3A_919 = arith.addi %add3A_912, %masked_cumsum3A_918 : vector<16xi32>
            %sub3A_920 = arith.constant 1 : i32
            %sub3A_921 = vector.broadcast %sub3A_920 : i32 to vector<16xi32>
            %sub3A_922 = arith.subi %add3A_919, %sub3A_921 : vector<16xi32>
            tpu.vector_store_idx %arg7[%sub3A_922], %get3A_343 masked %gt3A_914 : memref<784xf32, #tpu.memory_space<vmem>>[vector<16xi32>], vector<16xf32>, vector<16xi1>
            %mul3A_923 = arith.constant 10000 : i32
            %mul3A_924 = arith.muli %mul3A_201, %mul3A_923 : i32
            %add3A_925 = arith.addi %mul3A_22, %mul3A_924 : i32
            %add3A_926 = arith.addi %add3A_925, %mul3A_244 : i32
            %add3A_927 = arith.constant 384 : i32
            %add3A_928 = arith.addi %add3A_926, %add3A_927 : i32
            %add3A_929 = vector.broadcast %add3A_928 : i32 to vector<16xi32>
            %add3A_930 = arith.addi %add3A_929, %iota3A : vector<16xi32>
            tpu.vector_store_idx %arg8[%sub3A_922], %add3A_930 masked %gt3A_914 : memref<784xi32, #tpu.memory_space<vmem>>[vector<16xi32>], vector<16xi32>, vector<16xi1>
            %all_reduce_population_count3A_931 = tpu.all_reduce %gt3A_914 {dim = 0 : i64, kind = #tpu.reduction_kind<sum>} : vector<16xi1> -> vector<16xi32>
            %add3A_932 = arith.addi %add3A_912, %all_reduce_population_count3A_931 : vector<16xi32>
            %slice3A_933 = vector.extract_strided_slice %add3A_932 {offsets = [0], sizes = [1], strides = [1]} : vector<16xi32> to vector<1xi32>
            %squeeze3A_934 = vector.extract %slice3A_933[0] : i32 from vector<1xi32>
            scf.yield %squeeze3A_934, %cond3A_429#1 : i32, f32
          } else {
            scf.yield %scan3A_241, %scan3A_242 : i32, f32
          }
          scf.yield %cond3A_421#0, %cond3A_421#1 : i32, f32
        }
        %scan3A_212 = arith.constant 25 : i32
        %add3A_213 = arith.constant 2 : i32
        %add3A_214 = arith.addi %mul3A_201, %add3A_213 : i32
        %lt3A_215 = arith.constant 10 : i32
        %lt3A_216 = arith.cmpi slt, %add3A_214, %lt3A_215 : i32
        %convert_element_type3A_217 = arith.extui %lt3A_216 : i1 to i32
        %cond3A_218 = arith.constant 0 : i32
        %cond3A_219 = arith.cmpi ne, %convert_element_type3A_217, %cond3A_218 : i32
        scf.if %cond3A_219 {
          %add3A_240 = arith.constant 2 : i32
          %add3A_241 = arith.addi %mul3A_201, %add3A_240 : i32
          %mul3A_242 = arith.constant 10000 : i32
          %mul3A_243 = arith.muli %add3A_241, %mul3A_242 : i32
          %add3A_244 = arith.addi %mul3A_22, %mul3A_243 : i32
          %dma_start3A_245 = tpu.memref_slice %arg3[%add3A_244] : memref<12800000xf32, #tpu.memory_space<hbm>> -> memref<10000xf32, #tpu.memory_space<hbm>>
          %dma_start3A_246 = tpu.memref_slice %arg3[%add3A_244] : memref<12800000xf32, #tpu.memory_space<hbm>> -> memref<10000xf32, #tpu.memory_space<hbm>>
          tpu.enqueue_dma source(%dma_start3A_246 : memref<10000xf32, #tpu.memory_space<hbm>>) target(%arg5 : memref<10000xf32, #tpu.memory_space<vmem>>) target_semaphore(%arg14 : memref<!tpu.dma_semaphore, #tpu.memory_space<semaphore_mem>>)
        } else {
        }
        %add3A_220 = arith.constant 1 : i32
        %add3A_221 = arith.addi %mul3A_201, %add3A_220 : i32
        %mul3A_222 = arith.constant 10000 : i32
        %mul3A_223 = arith.muli %add3A_221, %mul3A_222 : i32
        %add3A_224 = arith.addi %mul3A_22, %mul3A_223 : i32
        %dma_wait3A_225 = tpu.memref_slice %arg3[%add3A_224] : memref<12800000xf32, #tpu.memory_space<hbm>> -> memref<10000xf32, #tpu.memory_space<hbm>>
        %dma_wait3A_226 = tpu.memref_slice %arg3[%add3A_224] : memref<12800000xf32, #tpu.memory_space<hbm>> -> memref<10000xf32, #tpu.memory_space<hbm>>
        tpu.wait_dma2 semaphore(%arg15 : memref<!tpu.dma_semaphore, #tpu.memory_space<semaphore_mem>>) src(%dma_wait3A_226 : memref<10000xf32, #tpu.memory_space<hbm>>) dst(%arg6 : memref<10000xf32, #tpu.memory_space<vmem>>)
        %scan3A_227 = arith.constant 0 : i32
        %scan3A_228 = arith.constant 25 : i32
        %scan3A_229 = arith.addi %scan3A_227, %scan3A_228 : i32
        %scan3A_230 = arith.constant 1 : i32
        %scan3A_231:2 = scf.for %scan3A_240 = %scan3A_227 to %scan3A_229 step %scan3A_230 iter_args(%scan3A_241 = %scan3A_211#0, %scan3A_242 = %scan3A_211#1) -> (i32, f32)  : i32 {
          %mul3A_243 = arith.constant 400 : i32
          %mul3A_244 = arith.muli %scan3A_240, %mul3A_243 : i32
          %add3A_245 = arith.constant 0 : i32
          %add3A_246 = arith.addi %mul3A_244, %add3A_245 : i32
          %get3A = arith.index_cast %add3A_246 : i32 to index
          %get3A_247 = tpu.vector_load %arg6[%get3A] {strides = array<i32>} : memref<10000xf32, #tpu.memory_space<vmem>>, vector<16xf32>,
          %add3A_248 = arith.constant 16 : i32
          %add3A_249 = arith.addi %mul3A_244, %add3A_248 : i32
          %get3A_250 = arith.index_cast %add3A_249 : i32 to index
          %get3A_251 = tpu.vector_load %arg6[%get3A_250] {strides = array<i32>} : memref<10000xf32, #tpu.memory_space<vmem>>, vector<16xf32>,
          %add3A_252 = arith.constant 32 : i32
          %add3A_253 = arith.addi %mul3A_244, %add3A_252 : i32
          %get3A_254 = arith.index_cast %add3A_253 : i32 to index
          %get3A_255 = tpu.vector_load %arg6[%get3A_254] {strides = array<i32>} : memref<10000xf32, #tpu.memory_space<vmem>>, vector<16xf32>,
          %add3A_256 = arith.constant 48 : i32
          %add3A_257 = arith.addi %mul3A_244, %add3A_256 : i32
          %get3A_258 = arith.index_cast %add3A_257 : i32 to index
          %get3A_259 = tpu.vector_load %arg6[%get3A_258] {strides = array<i32>} : memref<10000xf32, #tpu.memory_space<vmem>>, vector<16xf32>,
          %add3A_260 = arith.constant 64 : i32
          %add3A_261 = arith.addi %mul3A_244, %add3A_260 : i32
          %get3A_262 = arith.index_cast %add3A_261 : i32 to index
          %get3A_263 = tpu.vector_load %arg6[%get3A_262] {strides = array<i32>} : memref<10000xf32, #tpu.memory_space<vmem>>, vector<16xf32>,
          %add3A_264 = arith.constant 80 : i32
          %add3A_265 = arith.addi %mul3A_244, %add3A_264 : i32
          %get3A_266 = arith.index_cast %add3A_265 : i32 to index
          %get3A_267 = tpu.vector_load %arg6[%get3A_266] {strides = array<i32>} : memref<10000xf32, #tpu.memory_space<vmem>>, vector<16xf32>,
          %add3A_268 = arith.constant 96 : i32
          %add3A_269 = arith.addi %mul3A_244, %add3A_268 : i32
          %get3A_270 = arith.index_cast %add3A_269 : i32 to index
          %get3A_271 = tpu.vector_load %arg6[%get3A_270] {strides = array<i32>} : memref<10000xf32, #tpu.memory_space<vmem>>, vector<16xf32>,
          %add3A_272 = arith.constant 112 : i32
          %add3A_273 = arith.addi %mul3A_244, %add3A_272 : i32
          %get3A_274 = arith.index_cast %add3A_273 : i32 to index
          %get3A_275 = tpu.vector_load %arg6[%get3A_274] {strides = array<i32>} : memref<10000xf32, #tpu.memory_space<vmem>>, vector<16xf32>,
          %add3A_276 = arith.constant 128 : i32
          %add3A_277 = arith.addi %mul3A_244, %add3A_276 : i32
          %get3A_278 = arith.index_cast %add3A_277 : i32 to index
          %get3A_279 = tpu.vector_load %arg6[%get3A_278] {strides = array<i32>} : memref<10000xf32, #tpu.memory_space<vmem>>, vector<16xf32>,
          %add3A_280 = arith.constant 144 : i32
          %add3A_281 = arith.addi %mul3A_244, %add3A_280 : i32
          %get3A_282 = arith.index_cast %add3A_281 : i32 to index
          %get3A_283 = tpu.vector_load %arg6[%get3A_282] {strides = array<i32>} : memref<10000xf32, #tpu.memory_space<vmem>>, vector<16xf32>,
          %add3A_284 = arith.constant 160 : i32
          %add3A_285 = arith.addi %mul3A_244, %add3A_284 : i32
          %get3A_286 = arith.index_cast %add3A_285 : i32 to index
          %get3A_287 = tpu.vector_load %arg6[%get3A_286] {strides = array<i32>} : memref<10000xf32, #tpu.memory_space<vmem>>, vector<16xf32>,
          %add3A_288 = arith.constant 176 : i32
          %add3A_289 = arith.addi %mul3A_244, %add3A_288 : i32
          %get3A_290 = arith.index_cast %add3A_289 : i32 to index
          %get3A_291 = tpu.vector_load %arg6[%get3A_290] {strides = array<i32>} : memref<10000xf32, #tpu.memory_space<vmem>>, vector<16xf32>,
          %add3A_292 = arith.constant 192 : i32
          %add3A_293 = arith.addi %mul3A_244, %add3A_292 : i32
          %get3A_294 = arith.index_cast %add3A_293 : i32 to index
          %get3A_295 = tpu.vector_load %arg6[%get3A_294] {strides = array<i32>} : memref<10000xf32, #tpu.memory_space<vmem>>, vector<16xf32>,
          %add3A_296 = arith.constant 208 : i32
          %add3A_297 = arith.addi %mul3A_244, %add3A_296 : i32
          %get3A_298 = arith.index_cast %add3A_297 : i32 to index
          %get3A_299 = tpu.vector_load %arg6[%get3A_298] {strides = array<i32>} : memref<10000xf32, #tpu.memory_space<vmem>>, vector<16xf32>,
          %add3A_300 = arith.constant 224 : i32
          %add3A_301 = arith.addi %mul3A_244, %add3A_300 : i32
          %get3A_302 = arith.index_cast %add3A_301 : i32 to index
          %get3A_303 = tpu.vector_load %arg6[%get3A_302] {strides = array<i32>} : memref<10000xf32, #tpu.memory_space<vmem>>, vector<16xf32>,
          %add3A_304 = arith.constant 240 : i32
          %add3A_305 = arith.addi %mul3A_244, %add3A_304 : i32
          %get3A_306 = arith.index_cast %add3A_305 : i32 to index
          %get3A_307 = tpu.vector_load %arg6[%get3A_306] {strides = array<i32>} : memref<10000xf32, #tpu.memory_space<vmem>>, vector<16xf32>,
          %add3A_308 = arith.constant 256 : i32
          %add3A_309 = arith.addi %mul3A_244, %add3A_308 : i32
          %get3A_310 = arith.index_cast %add3A_309 : i32 to index
          %get3A_311 = tpu.vector_load %arg6[%get3A_310] {strides = array<i32>} : memref<10000xf32, #tpu.memory_space<vmem>>, vector<16xf32>,
          %add3A_312 = arith.constant 272 : i32
          %add3A_313 = arith.addi %mul3A_244, %add3A_312 : i32
          %get3A_314 = arith.index_cast %add3A_313 : i32 to index
          %get3A_315 = tpu.vector_load %arg6[%get3A_314] {strides = array<i32>} : memref<10000xf32, #tpu.memory_space<vmem>>, vector<16xf32>,
          %add3A_316 = arith.constant 288 : i32
          %add3A_317 = arith.addi %mul3A_244, %add3A_316 : i32
          %get3A_318 = arith.index_cast %add3A_317 : i32 to index
          %get3A_319 = tpu.vector_load %arg6[%get3A_318] {strides = array<i32>} : memref<10000xf32, #tpu.memory_space<vmem>>, vector<16xf32>,
          %add3A_320 = arith.constant 304 : i32
          %add3A_321 = arith.addi %mul3A_244, %add3A_320 : i32
          %get3A_322 = arith.index_cast %add3A_321 : i32 to index
          %get3A_323 = tpu.vector_load %arg6[%get3A_322] {strides = array<i32>} : memref<10000xf32, #tpu.memory_space<vmem>>, vector<16xf32>,
          %add3A_324 = arith.constant 320 : i32
          %add3A_325 = arith.addi %mul3A_244, %add3A_324 : i32
          %get3A_326 = arith.index_cast %add3A_325 : i32 to index
          %get3A_327 = tpu.vector_load %arg6[%get3A_326] {strides = array<i32>} : memref<10000xf32, #tpu.memory_space<vmem>>, vector<16xf32>,
          %add3A_328 = arith.constant 336 : i32
          %add3A_329 = arith.addi %mul3A_244, %add3A_328 : i32
          %get3A_330 = arith.index_cast %add3A_329 : i32 to index
          %get3A_331 = tpu.vector_load %arg6[%get3A_330] {strides = array<i32>} : memref<10000xf32, #tpu.memory_space<vmem>>, vector<16xf32>,
          %add3A_332 = arith.constant 352 : i32
          %add3A_333 = arith.addi %mul3A_244, %add3A_332 : i32
          %get3A_334 = arith.index_cast %add3A_333 : i32 to index
          %get3A_335 = tpu.vector_load %arg6[%get3A_334] {strides = array<i32>} : memref<10000xf32, #tpu.memory_space<vmem>>, vector<16xf32>,
          %add3A_336 = arith.constant 368 : i32
          %add3A_337 = arith.addi %mul3A_244, %add3A_336 : i32
          %get3A_338 = arith.index_cast %add3A_337 : i32 to index
          %get3A_339 = tpu.vector_load %arg6[%get3A_338] {strides = array<i32>} : memref<10000xf32, #tpu.memory_space<vmem>>, vector<16xf32>,
          %add3A_340 = arith.constant 384 : i32
          %add3A_341 = arith.addi %mul3A_244, %add3A_340 : i32
          %get3A_342 = arith.index_cast %add3A_341 : i32 to index
          %get3A_343 = tpu.vector_load %arg6[%get3A_342] {strides = array<i32>} : memref<10000xf32, #tpu.memory_space<vmem>>, vector<16xf32>,
          %gt3A = vector.broadcast %scan3A_242 : f32 to vector<16xf32>
          %gt3A_344 = arith.cmpf ogt, %get3A_247, %gt3A : vector<16xf32>
          %gt3A_345 = vector.broadcast %scan3A_242 : f32 to vector<16xf32>
          %gt3A_346 = arith.cmpf ogt, %get3A_251, %gt3A_345 : vector<16xf32>
          %gt3A_347 = vector.broadcast %scan3A_242 : f32 to vector<16xf32>
          %gt3A_348 = arith.cmpf ogt, %get3A_255, %gt3A_347 : vector<16xf32>
          %gt3A_349 = vector.broadcast %scan3A_242 : f32 to vector<16xf32>
          %gt3A_350 = arith.cmpf ogt, %get3A_259, %gt3A_349 : vector<16xf32>
          %gt3A_351 = vector.broadcast %scan3A_242 : f32 to vector<16xf32>
          %gt3A_352 = arith.cmpf ogt, %get3A_263, %gt3A_351 : vector<16xf32>
          %gt3A_353 = vector.broadcast %scan3A_242 : f32 to vector<16xf32>
          %gt3A_354 = arith.cmpf ogt, %get3A_267, %gt3A_353 : vector<16xf32>
          %gt3A_355 = vector.broadcast %scan3A_242 : f32 to vector<16xf32>
          %gt3A_356 = arith.cmpf ogt, %get3A_271, %gt3A_355 : vector<16xf32>
          %gt3A_357 = vector.broadcast %scan3A_242 : f32 to vector<16xf32>
          %gt3A_358 = arith.cmpf ogt, %get3A_275, %gt3A_357 : vector<16xf32>
          %gt3A_359 = vector.broadcast %scan3A_242 : f32 to vector<16xf32>
          %gt3A_360 = arith.cmpf ogt, %get3A_279, %gt3A_359 : vector<16xf32>
          %gt3A_361 = vector.broadcast %scan3A_242 : f32 to vector<16xf32>
          %gt3A_362 = arith.cmpf ogt, %get3A_283, %gt3A_361 : vector<16xf32>
          %gt3A_363 = vector.broadcast %scan3A_242 : f32 to vector<16xf32>
          %gt3A_364 = arith.cmpf ogt, %get3A_287, %gt3A_363 : vector<16xf32>
          %gt3A_365 = vector.broadcast %scan3A_242 : f32 to vector<16xf32>
          %gt3A_366 = arith.cmpf ogt, %get3A_291, %gt3A_365 : vector<16xf32>
          %gt3A_367 = vector.broadcast %scan3A_242 : f32 to vector<16xf32>
          %gt3A_368 = arith.cmpf ogt, %get3A_295, %gt3A_367 : vector<16xf32>
          %gt3A_369 = vector.broadcast %scan3A_242 : f32 to vector<16xf32>
          %gt3A_370 = arith.cmpf ogt, %get3A_299, %gt3A_369 : vector<16xf32>
          %gt3A_371 = vector.broadcast %scan3A_242 : f32 to vector<16xf32>
          %gt3A_372 = arith.cmpf ogt, %get3A_303, %gt3A_371 : vector<16xf32>
          %gt3A_373 = vector.broadcast %scan3A_242 : f32 to vector<16xf32>
          %gt3A_374 = arith.cmpf ogt, %get3A_307, %gt3A_373 : vector<16xf32>
          %gt3A_375 = vector.broadcast %scan3A_242 : f32 to vector<16xf32>
          %gt3A_376 = arith.cmpf ogt, %get3A_311, %gt3A_375 : vector<16xf32>
          %gt3A_377 = vector.broadcast %scan3A_242 : f32 to vector<16xf32>
          %gt3A_378 = arith.cmpf ogt, %get3A_315, %gt3A_377 : vector<16xf32>
          %gt3A_379 = vector.broadcast %scan3A_242 : f32 to vector<16xf32>
          %gt3A_380 = arith.cmpf ogt, %get3A_319, %gt3A_379 : vector<16xf32>
          %gt3A_381 = vector.broadcast %scan3A_242 : f32 to vector<16xf32>
          %gt3A_382 = arith.cmpf ogt, %get3A_323, %gt3A_381 : vector<16xf32>
          %gt3A_383 = vector.broadcast %scan3A_242 : f32 to vector<16xf32>
          %gt3A_384 = arith.cmpf ogt, %get3A_327, %gt3A_383 : vector<16xf32>
          %gt3A_385 = vector.broadcast %scan3A_242 : f32 to vector<16xf32>
          %gt3A_386 = arith.cmpf ogt, %get3A_331, %gt3A_385 : vector<16xf32>
          %gt3A_387 = vector.broadcast %scan3A_242 : f32 to vector<16xf32>
          %gt3A_388 = arith.cmpf ogt, %get3A_335, %gt3A_387 : vector<16xf32>
          %gt3A_389 = vector.broadcast %scan3A_242 : f32 to vector<16xf32>
          %gt3A_390 = arith.cmpf ogt, %get3A_339, %gt3A_389 : vector<16xf32>
          %gt3A_391 = vector.broadcast %scan3A_242 : f32 to vector<16xf32>
          %gt3A_392 = arith.cmpf ogt, %get3A_343, %gt3A_391 : vector<16xf32>
          %or3A = arith.ori %gt3A_344, %gt3A_346 : vector<16xi1>
          %or3A_393 = arith.ori %gt3A_348, %gt3A_350 : vector<16xi1>
          %or3A_394 = arith.ori %gt3A_352, %gt3A_354 : vector<16xi1>
          %or3A_395 = arith.ori %gt3A_356, %gt3A_358 : vector<16xi1>
          %or3A_396 = arith.ori %gt3A_360, %gt3A_362 : vector<16xi1>
          %or3A_397 = arith.ori %gt3A_364, %gt3A_366 : vector<16xi1>
          %or3A_398 = arith.ori %gt3A_368, %gt3A_370 : vector<16xi1>
          %or3A_399 = arith.ori %gt3A_372, %gt3A_374 : vector<16xi1>
          %or3A_400 = arith.ori %gt3A_376, %gt3A_378 : vector<16xi1>
          %or3A_401 = arith.ori %gt3A_380, %gt3A_382 : vector<16xi1>
          %or3A_402 = arith.ori %gt3A_384, %gt3A_386 : vector<16xi1>
          %or3A_403 = arith.ori %gt3A_388, %gt3A_390 : vector<16xi1>
          %or3A_404 = arith.ori %or3A, %or3A_393 : vector<16xi1>
          %or3A_405 = arith.ori %or3A_394, %or3A_395 : vector<16xi1>
          %or3A_406 = arith.ori %or3A_396, %or3A_397 : vector<16xi1>
          %or3A_407 = arith.ori %or3A_398, %or3A_399 : vector<16xi1>
          %or3A_408 = arith.ori %or3A_400, %or3A_401 : vector<16xi1>
          %or3A_409 = arith.ori %or3A_402, %or3A_403 : vector<16xi1>
          %or3A_410 = arith.ori %or3A_404, %or3A_405 : vector<16xi1>
          %or3A_411 = arith.ori %or3A_406, %or3A_407 : vector<16xi1>
          %or3A_412 = arith.ori %or3A_408, %or3A_409 : vector<16xi1>
          %or3A_413 = arith.ori %or3A_410, %or3A_411 : vector<16xi1>
          %or3A_414 = arith.ori %or3A_412, %gt3A_392 : vector<16xi1>
          %or3A_415 = arith.ori %or3A_413, %or3A_414 : vector<16xi1>
          %all_reduce_population_count3A = tpu.all_reduce %or3A_415 {dim = 0 : i64, kind = #tpu.reduction_kind<sum>} : vector<16xi1> -> vector<16xi32>
          %slice3A = vector.extract_strided_slice %all_reduce_population_count3A {offsets = [0], sizes = [1], strides = [1]} : vector<16xi32> to vector<1xi32>
          %squeeze3A = vector.extract %slice3A[0] : i32 from vector<1xi32>
          %gt3A_416 = arith.constant 0 : i32
          %gt3A_417 = arith.cmpi sgt, %squeeze3A, %gt3A_416 : i32
          %convert_element_type3A_418 = arith.extui %gt3A_417 : i1 to i32
          %cond3A_419 = arith.constant 0 : i32
          %cond3A_420 = arith.cmpi ne, %convert_element_type3A_418, %cond3A_419 : i32
          %cond3A_421:2 = scf.if %cond3A_420 -> (i32, f32) {
            %add3A_422 = arith.constant 400 : i32
            %add3A_423 = arith.addi %scan3A_241, %add3A_422 : i32
            %gt3A_424 = arith.constant 768 : i32
            %gt3A_425 = arith.cmpi sgt, %add3A_423, %gt3A_424 : i32
            %convert_element_type3A_426 = arith.extui %gt3A_425 : i1 to i32
            %cond3A_427 = arith.constant 0 : i32
            %cond3A_428 = arith.cmpi ne, %convert_element_type3A_426, %cond3A_427 : i32
            %cond3A_429:2 = scf.if %cond3A_428 -> (i32, f32) {
              %scan3A_935 = arith.constant 0 : i32
              %scan3A_936 = arith.constant 0 : i32
              %scan3A_937 = arith.constant 48 : i32
              %scan3A_938 = arith.addi %scan3A_936, %scan3A_937 : i32
              %scan3A_939 = arith.constant 1 : i32
              scf.for %scan3A_986 = %scan3A_936 to %scan3A_938 step %scan3A_939  : i32 {
                %mul3A_987 = arith.constant 16 : i32
                %mul3A_988 = arith.muli %scan3A_986, %mul3A_987 : i32
                %get3A_989 = arith.index_cast %mul3A_988 : i32 to index
                %get3A_990 = tpu.vector_load %arg7[%get3A_989] {strides = array<i32>} : memref<784xf32, #tpu.memory_space<vmem>>, vector<16xf32>,
                %mul3A_991 = arith.constant 16 : i32
                %mul3A_992 = arith.muli %scan3A_986, %mul3A_991 : i32
                %swap3A_993 = arith.index_cast %mul3A_992 : i32 to index
                %swap3A_994 = tpu.vector_load %arg9[%swap3A_993] {strides = array<i32>} : memref<784xf32, #tpu.memory_space<vmem>>, vector<16xf32>,
                tpu.vector_store %arg9[%swap3A_993], %get3A_990 {strides = array<i32>} : memref<784xf32, #tpu.memory_space<vmem>>, vector<16xf32>,
              }
              %scan3A_940 = arith.constant 48 : i32
              %while3A_941 = arith.constant false
              %while3A_942 = arith.constant 99 : i32
              %while3A_943 = arith.constant 0.000000e+00 : f32
              %while3A_944 = arith.constant 0 : i32
              %while3A_945:5 = scf.while (%while3A_986 = %while3A_941, %while3A_987 = %scan3A_241, %while3A_988 = %while3A_942, %while3A_989 = %while3A_943, %while3A_990 = %while3A_944) : (i1, i32, i32, f32, i32) -> (i1, i32, i32, f32, i32) {
                %not3A = arith.constant true
                %not3A_991 = arith.xori %while3A_986, %not3A : i1
                scf.condition(%not3A_991) %while3A_986, %while3A_987, %while3A_988, %while3A_989, %while3A_990 : i1, i32, i32, f32, i32
              } do {
              ^bb0(%while3A_986: i1, %while3A_987: i32, %while3A_988: i32, %while3A_989: f32, %while3A_990: i32):
                %get3A_991 = arith.constant 0 : index
                %get3A_992 = tpu.vector_load %arg9[%get3A_991] {strides = array<i32>} : memref<784xf32, #tpu.memory_space<vmem>>, vector<16xf32>,
                %slice3A_993 = vector.extract_strided_slice %get3A_992 {offsets = [0], sizes = [1], strides = [1]} : vector<16xf32> to vector<1xf32>
                %squeeze3A_994 = vector.extract %slice3A_993[0] : f32 from vector<1xf32>
                %add3A_995 = arith.constant 15 : i32
                %add3A_996 = arith.addi %while3A_987, %add3A_995 : i32
                %jit3A_997 = arith.constant 16 : i32
                %div3A_998 = arith.divsi %add3A_996, %jit3A_997 : i32
                %sign3A_999 = arith.constant 0 : i32
                %sign3A_1000 = arith.cmpi sgt, %add3A_996, %sign3A_999 : i32
                %sign3A_1001 = arith.extui %sign3A_1000 : i1 to i32
                %sign3A_1002 = arith.constant 0 : i32
                %sign3A_1003 = arith.cmpi slt, %add3A_996, %sign3A_1002 : i32
                %sign3A_1004 = arith.extui %sign3A_1003 : i1 to i32
                %sign3A_1005 = arith.subi %sign3A_1001, %sign3A_1004 : i32
                %sign3A_1006 = arith.constant 0 : i32
                %sign3A_1007 = arith.cmpi sgt, %jit3A_997, %sign3A_1006 : i32
                %sign3A_1008 = arith.extui %sign3A_1007 : i1 to i32
                %sign3A_1009 = arith.constant 0 : i32
                %sign3A_1010 = arith.cmpi slt, %jit3A_997, %sign3A_1009 : i32
                %sign3A_1011 = arith.extui %sign3A_1010 : i1 to i32
                %sign3A_1012 = arith.subi %sign3A_1008, %sign3A_1011 : i32
                %ne3A_1013 = arith.cmpi ne, %sign3A_1005, %sign3A_1012 : i32
                %rem3A_1014 = arith.remsi %add3A_996, %jit3A_997 : i32
                %ne3A_1015 = arith.constant 0 : i32
                %ne3A_1016 = arith.cmpi ne, %rem3A_1014, %ne3A_1015 : i32
                %and3A_1017 = arith.andi %ne3A_1013, %ne3A_1016 : i1
                %sub3A_1018 = arith.constant 1 : i32
                %sub3A_1019 = arith.subi %div3A_998, %sub3A_1018 : i32
                %select_n3A_1020 = arith.select %and3A_1017, %sub3A_1019, %div3A_998 : i32
                %broadcast_in_dim3A_1021 = arith.constant 0 : i32
                %broadcast_in_dim3A_1022 = vector.broadcast %broadcast_in_dim3A_1021 : i32 to vector<16xi32>
                %while3A_1023 = arith.constant 0 : i32
                %while3A_1024 = arith.subi %select_n3A_1020, %while3A_1023 : i32
                %while3A_1025 = arith.addi %while3A_1023, %while3A_1024 : i32
                %while3A_1026 = arith.constant 1 : i32
                %while3A_1027 = arith.divsi %while3A_1024, %while3A_1026 : i32
                %while3A_1028 = arith.muli %while3A_1027, %while3A_1026 : i32
                %while3A_1029 = arith.addi %while3A_1023, %while3A_1028 : i32
                %while3A_1030 = arith.constant 1 : i32
                %while3A_1031:2 = scf.for %while3A_1045 = %while3A_1023 to %while3A_1029 step %while3A_1030 iter_args(%while3A_1046 = %broadcast_in_dim3A_1022, %while3A_1047 = %broadcast_in_dim3A_1022) -> (vector<16xi32>, vector<16xi32>)  : i32 {
                  %mul3A_1048 = arith.constant 16 : i32
                  %mul3A_1049 = arith.muli %while3A_1045, %mul3A_1048 : i32
                  %get3A_1050 = arith.index_cast %mul3A_1049 : i32 to index
                  %get3A_1051 = tpu.vector_load %arg9[%get3A_1050] {strides = array<i32>} : memref<784xf32, #tpu.memory_space<vmem>>, vector<16xf32>,
                  %mul3A_1052 = arith.constant 16 : i32
                  %mul3A_1053 = arith.muli %while3A_1045, %mul3A_1052 : i32
                  %add3A_1054 = vector.broadcast %mul3A_1053 : i32 to vector<16xi32>
                  %add3A_1055 = arith.addi %iota3A, %add3A_1054 : vector<16xi32>
                  %lt3A_1056 = vector.broadcast %while3A_987 : i32 to vector<16xi32>
                  %lt3A_1057 = arith.cmpi slt, %add3A_1055, %lt3A_1056 : vector<16xi32>
                  %gt3A_1058 = vector.broadcast %squeeze3A_994 : f32 to vector<16xf32>
                  %gt3A_1059 = arith.cmpf ogt, %get3A_1051, %gt3A_1058 : vector<16xf32>
                  %and3A_1060 = arith.andi %lt3A_1057, %gt3A_1059 : vector<16xi1>
                  %eq3A_1061 = vector.broadcast %squeeze3A_994 : f32 to vector<16xf32>
                  %eq3A_1062 = arith.cmpf oeq, %get3A_1051, %eq3A_1061 : vector<16xf32>
                  %and3A_1063 = arith.andi %lt3A_1057, %eq3A_1062 : vector<16xi1>
                  %all_reduce_population_count3A_1064 = tpu.all_reduce %and3A_1060 {dim = 0 : i64, kind = #tpu.reduction_kind<sum>} : vector<16xi1> -> vector<16xi32>
                  %add3A_1065 = arith.addi %while3A_1046, %all_reduce_population_count3A_1064 : vector<16xi32>
                  %all_reduce_population_count3A_1066 = tpu.all_reduce %and3A_1063 {dim = 0 : i64, kind = #tpu.reduction_kind<sum>} : vector<16xi1> -> vector<16xi32>
                  %add3A_1067 = arith.addi %while3A_1047, %all_reduce_population_count3A_1066 : vector<16xi32>
                  scf.yield %add3A_1065, %add3A_1067 : vector<16xi32>, vector<16xi32>
                }
                %while3A_1032 = arith.constant 1 : i32
                %while3A_1033:2 = scf.for %while3A_1045 = %while3A_1029 to %while3A_1025 step %while3A_1032 iter_args(%while3A_1046 = %while3A_1031#0, %while3A_1047 = %while3A_1031#1) -> (vector<16xi32>, vector<16xi32>)  : i32 {
                  %mul3A_1048 = arith.constant 16 : i32
                  %mul3A_1049 = arith.muli %while3A_1045, %mul3A_1048 : i32
                  %get3A_1050 = arith.index_cast %mul3A_1049 : i32 to index
                  %get3A_1051 = tpu.vector_load %arg9[%get3A_1050] {strides = array<i32>} : memref<784xf32, #tpu.memory_space<vmem>>, vector<16xf32>,
                  %mul3A_1052 = arith.constant 16 : i32
                  %mul3A_1053 = arith.muli %while3A_1045, %mul3A_1052 : i32
                  %add3A_1054 = vector.broadcast %mul3A_1053 : i32 to vector<16xi32>
                  %add3A_1055 = arith.addi %iota3A, %add3A_1054 : vector<16xi32>
                  %lt3A_1056 = vector.broadcast %while3A_987 : i32 to vector<16xi32>
                  %lt3A_1057 = arith.cmpi slt, %add3A_1055, %lt3A_1056 : vector<16xi32>
                  %gt3A_1058 = vector.broadcast %squeeze3A_994 : f32 to vector<16xf32>
                  %gt3A_1059 = arith.cmpf ogt, %get3A_1051, %gt3A_1058 : vector<16xf32>
                  %and3A_1060 = arith.andi %lt3A_1057, %gt3A_1059 : vector<16xi1>
                  %eq3A_1061 = vector.broadcast %squeeze3A_994 : f32 to vector<16xf32>
                  %eq3A_1062 = arith.cmpf oeq, %get3A_1051, %eq3A_1061 : vector<16xf32>
                  %and3A_1063 = arith.andi %lt3A_1057, %eq3A_1062 : vector<16xi1>
                  %all_reduce_population_count3A_1064 = tpu.all_reduce %and3A_1060 {dim = 0 : i64, kind = #tpu.reduction_kind<sum>} : vector<16xi1> -> vector<16xi32>
                  %add3A_1065 = arith.addi %while3A_1046, %all_reduce_population_count3A_1064 : vector<16xi32>
                  %all_reduce_population_count3A_1066 = tpu.all_reduce %and3A_1063 {dim = 0 : i64, kind = #tpu.reduction_kind<sum>} : vector<16xi1> -> vector<16xi32>
                  %add3A_1067 = arith.addi %while3A_1047, %all_reduce_population_count3A_1066 : vector<16xi32>
                  scf.yield %add3A_1065, %add3A_1067 : vector<16xi32>, vector<16xi32>
                }
                %slice3A_1034 = vector.extract_strided_slice %while3A_1033#0 {offsets = [0], sizes = [1], strides = [1]} : vector<16xi32> to vector<1xi32>
                %squeeze3A_1035 = vector.extract %slice3A_1034[0] : i32 from vector<1xi32>
                %slice3A_1036 = vector.extract_strided_slice %while3A_1033#1 {offsets = [0], sizes = [1], strides = [1]} : vector<16xi32> to vector<1xi32>
                %squeeze3A_1037 = vector.extract %slice3A_1036[0] : i32 from vector<1xi32>
                %le3A = arith.cmpi sle, %squeeze3A_1035, %while3A_988 : i32
                %add3A_1038 = arith.addi %squeeze3A_1035, %squeeze3A_1037 : i32
                %gt3A_1039 = arith.cmpi sgt, %add3A_1038, %while3A_988 : i32
                %and3A_1040 = arith.andi %le3A, %gt3A_1039 : i1
                %convert_element_type3A_1041 = arith.extui %and3A_1040 : i1 to i32
                %cond3A_1042 = arith.constant 0 : i32
                %cond3A_1043 = arith.cmpi ne, %convert_element_type3A_1041, %cond3A_1042 : i32
                %cond3A_1044:5 = scf.if %cond3A_1043 -> (i1, i32, i32, f32, i32) {
                  %sub3A_1045 = arith.subi %while3A_988, %squeeze3A_1035 : i32
                  %add3A_1046 = arith.constant 1 : i32
                  %add3A_1047 = arith.addi %sub3A_1045, %add3A_1046 : i32
                  %cond3A_1048 = arith.constant true
                  scf.yield %cond3A_1048, %while3A_987, %while3A_988, %squeeze3A_994, %add3A_1047 : i1, i32, i32, f32, i32
                } else {
                  %gt3A_1045 = arith.cmpi sgt, %squeeze3A_1035, %while3A_988 : i32
                  %broadcast_in_dim3A_1046 = arith.constant 0 : i32
                  %broadcast_in_dim3A_1047 = vector.broadcast %broadcast_in_dim3A_1046 : i32 to vector<16xi32>
                  %while3A_1048 = arith.constant 0 : i32
                  %while3A_1049 = arith.subi %select_n3A_1020, %while3A_1048 : i32
                  %while3A_1050 = arith.addi %while3A_1048, %while3A_1049 : i32
                  %while3A_1051 = arith.constant 1 : i32
                  %while3A_1052 = arith.divsi %while3A_1049, %while3A_1051 : i32
                  %while3A_1053 = arith.muli %while3A_1052, %while3A_1051 : i32
                  %while3A_1054 = arith.addi %while3A_1048, %while3A_1053 : i32
                  %while3A_1055 = arith.constant 1 : i32
                  %while3A_1056 = scf.for %while3A_1065 = %while3A_1048 to %while3A_1054 step %while3A_1055 iter_args(%while3A_1066 = %broadcast_in_dim3A_1047) -> (vector<16xi32>)  : i32 {
                    %mul3A_1067 = arith.constant 16 : i32
                    %mul3A_1068 = arith.muli %while3A_1065, %mul3A_1067 : i32
                    %get3A_1069 = arith.index_cast %mul3A_1068 : i32 to index
                    %get3A_1070 = tpu.vector_load %arg9[%get3A_1069] {strides = array<i32>} : memref<784xf32, #tpu.memory_space<vmem>>, vector<16xf32>,
                    %mul3A_1071 = arith.constant 16 : i32
                    %mul3A_1072 = arith.muli %while3A_1065, %mul3A_1071 : i32
                    %add3A_1073 = vector.broadcast %mul3A_1072 : i32 to vector<16xi32>
                    %add3A_1074 = arith.addi %iota3A, %add3A_1073 : vector<16xi32>
                    %lt3A_1075 = vector.broadcast %while3A_987 : i32 to vector<16xi32>
                    %lt3A_1076 = arith.cmpi slt, %add3A_1074, %lt3A_1075 : vector<16xi32>
                    %gt3A_1077 = vector.broadcast %squeeze3A_994 : f32 to vector<16xf32>
                    %gt3A_1078 = arith.cmpf ogt, %get3A_1070, %gt3A_1077 : vector<16xf32>
                    %and3A_1079 = arith.andi %lt3A_1076, %gt3A_1078 : vector<16xi1>
                    %lt3A_1080 = vector.broadcast %squeeze3A_994 : f32 to vector<16xf32>
                    %lt3A_1081 = arith.cmpf olt, %get3A_1070, %lt3A_1080 : vector<16xf32>
                    %and3A_1082 = arith.andi %lt3A_1076, %lt3A_1081 : vector<16xi1>
                    %and3A_1083 = vector.broadcast %gt3A_1045 : i1 to vector<16xi1>
                    %and3A_1084 = arith.andi %and3A_1079, %and3A_1083 : vector<16xi1>
                    %not3A = arith.constant true
                    %not3A_1085 = arith.xori %gt3A_1045, %not3A : i1
                    %and3A_1086 = vector.broadcast %not3A_1085 : i1 to vector<16xi1>
                    %and3A_1087 = arith.andi %and3A_1082, %and3A_1086 : vector<16xi1>
                    %or3A_1088 = arith.ori %and3A_1084, %and3A_1087 : vector<16xi1>
                    %convert_element_type3A_1089 = arith.extui %or3A_1088 : vector<16xi1> to vector<16xi32>
                    %broadcast_in_dim3A_1090 = arith.constant true
                    %broadcast_in_dim3A_1091 = vector.broadcast %broadcast_in_dim3A_1090 : i1 to vector<16xi1>
                    %masked_cumsum3A_1092 = tpu.scan <sum>, %convert_element_type3A_1089 masked %broadcast_in_dim3A_1091 : vector<16xi32>, vector<16xi1> -> vector<16xi32>
                    %add3A_1093 = arith.addi %while3A_1066, %masked_cumsum3A_1092 : vector<16xi32>
                    %sub3A_1094 = arith.constant 1 : i32
                    %sub3A_1095 = vector.broadcast %sub3A_1094 : i32 to vector<16xi32>
                    %sub3A_1096 = arith.subi %add3A_1093, %sub3A_1095 : vector<16xi32>
                    tpu.vector_store_idx %arg9[%sub3A_1096], %get3A_1070 masked %or3A_1088 : memref<784xf32, #tpu.memory_space<vmem>>[vector<16xi32>], vector<16xf32>, vector<16xi1>
                    %all_reduce_population_count3A_1097 = tpu.all_reduce %or3A_1088 {dim = 0 : i64, kind = #tpu.reduction_kind<sum>} : vector<16xi1> -> vector<16xi32>
                    %add3A_1098 = arith.addi %while3A_1066, %all_reduce_population_count3A_1097 : vector<16xi32>
                    scf.yield %add3A_1098 : vector<16xi32>
                  }
                  %while3A_1057 = arith.constant 1 : i32
                  %while3A_1058 = scf.for %while3A_1065 = %while3A_1054 to %while3A_1050 step %while3A_1057 iter_args(%while3A_1066 = %while3A_1056) -> (vector<16xi32>)  : i32 {
                    %mul3A_1067 = arith.constant 16 : i32
                    %mul3A_1068 = arith.muli %while3A_1065, %mul3A_1067 : i32
                    %get3A_1069 = arith.index_cast %mul3A_1068 : i32 to index
                    %get3A_1070 = tpu.vector_load %arg9[%get3A_1069] {strides = array<i32>} : memref<784xf32, #tpu.memory_space<vmem>>, vector<16xf32>,
                    %mul3A_1071 = arith.constant 16 : i32
                    %mul3A_1072 = arith.muli %while3A_1065, %mul3A_1071 : i32
                    %add3A_1073 = vector.broadcast %mul3A_1072 : i32 to vector<16xi32>
                    %add3A_1074 = arith.addi %iota3A, %add3A_1073 : vector<16xi32>
                    %lt3A_1075 = vector.broadcast %while3A_987 : i32 to vector<16xi32>
                    %lt3A_1076 = arith.cmpi slt, %add3A_1074, %lt3A_1075 : vector<16xi32>
                    %gt3A_1077 = vector.broadcast %squeeze3A_994 : f32 to vector<16xf32>
                    %gt3A_1078 = arith.cmpf ogt, %get3A_1070, %gt3A_1077 : vector<16xf32>
                    %and3A_1079 = arith.andi %lt3A_1076, %gt3A_1078 : vector<16xi1>
                    %lt3A_1080 = vector.broadcast %squeeze3A_994 : f32 to vector<16xf32>
                    %lt3A_1081 = arith.cmpf olt, %get3A_1070, %lt3A_1080 : vector<16xf32>
                    %and3A_1082 = arith.andi %lt3A_1076, %lt3A_1081 : vector<16xi1>
                    %and3A_1083 = vector.broadcast %gt3A_1045 : i1 to vector<16xi1>
                    %and3A_1084 = arith.andi %and3A_1079, %and3A_1083 : vector<16xi1>
                    %not3A = arith.constant true
                    %not3A_1085 = arith.xori %gt3A_1045, %not3A : i1
                    %and3A_1086 = vector.broadcast %not3A_1085 : i1 to vector<16xi1>
                    %and3A_1087 = arith.andi %and3A_1082, %and3A_1086 : vector<16xi1>
                    %or3A_1088 = arith.ori %and3A_1084, %and3A_1087 : vector<16xi1>
                    %convert_element_type3A_1089 = arith.extui %or3A_1088 : vector<16xi1> to vector<16xi32>
                    %broadcast_in_dim3A_1090 = arith.constant true
                    %broadcast_in_dim3A_1091 = vector.broadcast %broadcast_in_dim3A_1090 : i1 to vector<16xi1>
                    %masked_cumsum3A_1092 = tpu.scan <sum>, %convert_element_type3A_1089 masked %broadcast_in_dim3A_1091 : vector<16xi32>, vector<16xi1> -> vector<16xi32>
                    %add3A_1093 = arith.addi %while3A_1066, %masked_cumsum3A_1092 : vector<16xi32>
                    %sub3A_1094 = arith.constant 1 : i32
                    %sub3A_1095 = vector.broadcast %sub3A_1094 : i32 to vector<16xi32>
                    %sub3A_1096 = arith.subi %add3A_1093, %sub3A_1095 : vector<16xi32>
                    tpu.vector_store_idx %arg9[%sub3A_1096], %get3A_1070 masked %or3A_1088 : memref<784xf32, #tpu.memory_space<vmem>>[vector<16xi32>], vector<16xf32>, vector<16xi1>
                    %all_reduce_population_count3A_1097 = tpu.all_reduce %or3A_1088 {dim = 0 : i64, kind = #tpu.reduction_kind<sum>} : vector<16xi1> -> vector<16xi32>
                    %add3A_1098 = arith.addi %while3A_1066, %all_reduce_population_count3A_1097 : vector<16xi32>
                    scf.yield %add3A_1098 : vector<16xi32>
                  }
                  %slice3A_1059 = vector.extract_strided_slice %while3A_1058 {offsets = [0], sizes = [1], strides = [1]} : vector<16xi32> to vector<1xi32>
                  %squeeze3A_1060 = vector.extract %slice3A_1059[0] : i32 from vector<1xi32>
                  %add3A_1061 = arith.addi %squeeze3A_1035, %squeeze3A_1037 : i32
                  %sub3A_1062 = arith.subi %while3A_988, %add3A_1061 : i32
                  %select_n3A_1063 = arith.select %gt3A_1045, %while3A_988, %sub3A_1062 : i32
                  %cond3A_1064 = arith.constant false
                  scf.yield %cond3A_1064, %squeeze3A_1060, %select_n3A_1063, %while3A_989, %while3A_990 : i1, i32, i32, f32, i32
                }
                scf.yield %cond3A_1044#0, %cond3A_1044#1, %cond3A_1044#2, %cond3A_1044#3, %cond3A_1044#4 : i1, i32, i32, f32, i32
              }
              %add3A_946 = arith.constant 15 : i32
              %add3A_947 = arith.addi %scan3A_241, %add3A_946 : i32
              %jit3A_948 = arith.constant 16 : i32
              %div3A_949 = arith.divsi %add3A_947, %jit3A_948 : i32
              %sign3A_950 = arith.constant 0 : i32
              %sign3A_951 = arith.cmpi sgt, %add3A_947, %sign3A_950 : i32
              %sign3A_952 = arith.extui %sign3A_951 : i1 to i32
              %sign3A_953 = arith.constant 0 : i32
              %sign3A_954 = arith.cmpi slt, %add3A_947, %sign3A_953 : i32
              %sign3A_955 = arith.extui %sign3A_954 : i1 to i32
              %sign3A_956 = arith.subi %sign3A_952, %sign3A_955 : i32
              %sign3A_957 = arith.constant 0 : i32
              %sign3A_958 = arith.cmpi sgt, %jit3A_948, %sign3A_957 : i32
              %sign3A_959 = arith.extui %sign3A_958 : i1 to i32
              %sign3A_960 = arith.constant 0 : i32
              %sign3A_961 = arith.cmpi slt, %jit3A_948, %sign3A_960 : i32
              %sign3A_962 = arith.extui %sign3A_961 : i1 to i32
              %sign3A_963 = arith.subi %sign3A_959, %sign3A_962 : i32
              %ne3A_964 = arith.cmpi ne, %sign3A_956, %sign3A_963 : i32
              %rem3A_965 = arith.remsi %add3A_947, %jit3A_948 : i32
              %ne3A_966 = arith.constant 0 : i32
              %ne3A_967 = arith.cmpi ne, %rem3A_965, %ne3A_966 : i32
              %and3A_968 = arith.andi %ne3A_964, %ne3A_967 : i1
              %sub3A_969 = arith.constant 1 : i32
              %sub3A_970 = arith.subi %div3A_949, %sub3A_969 : i32
              %select_n3A_971 = arith.select %and3A_968, %sub3A_970, %div3A_949 : i32
              %broadcast_in_dim3A_972 = arith.constant 0 : i32
              %broadcast_in_dim3A_973 = vector.broadcast %broadcast_in_dim3A_972 : i32 to vector<16xi32>
              %while3A_974 = arith.constant 0 : i32
              %while3A_975 = arith.subi %select_n3A_971, %while3A_974 : i32
              %while3A_976 = arith.addi %while3A_974, %while3A_975 : i32
              %while3A_977 = arith.constant 1 : i32
              %while3A_978 = arith.divsi %while3A_975, %while3A_977 : i32
              %while3A_979 = arith.muli %while3A_978, %while3A_977 : i32
              %while3A_980 = arith.addi %while3A_974, %while3A_979 : i32
              %while3A_981 = arith.constant 1 : i32
              %while3A_982:2 = scf.for %while3A_986 = %while3A_974 to %while3A_980 step %while3A_981 iter_args(%while3A_987 = %broadcast_in_dim3A_973, %while3A_988 = %broadcast_in_dim3A_973) -> (vector<16xi32>, vector<16xi32>)  : i32 {
                %mul3A_989 = arith.constant 16 : i32
                %mul3A_990 = arith.muli %while3A_986, %mul3A_989 : i32
                %get3A_991 = arith.index_cast %mul3A_990 : i32 to index
                %get3A_992 = tpu.vector_load %arg7[%get3A_991] {strides = array<i32>} : memref<784xf32, #tpu.memory_space<vmem>>, vector<16xf32>,
                %mul3A_993 = arith.constant 16 : i32
                %mul3A_994 = arith.muli %while3A_986, %mul3A_993 : i32
                %get3A_995 = arith.index_cast %mul3A_994 : i32 to index
                %get3A_996 = tpu.vector_load %arg8[%get3A_995] {strides = array<i32>} : memref<784xi32, #tpu.memory_space<vmem>>, vector<16xi32>,
                %mul3A_997 = arith.constant 16 : i32
                %mul3A_998 = arith.muli %while3A_986, %mul3A_997 : i32
                %add3A_999 = vector.broadcast %mul3A_998 : i32 to vector<16xi32>
                %add3A_1000 = arith.addi %iota3A, %add3A_999 : vector<16xi32>
                %lt3A_1001 = vector.broadcast %scan3A_241 : i32 to vector<16xi32>
                %lt3A_1002 = arith.cmpi slt, %add3A_1000, %lt3A_1001 : vector<16xi32>
                %gt3A_1003 = vector.broadcast %while3A_945#3 : f32 to vector<16xf32>
                %gt3A_1004 = arith.cmpf ogt, %get3A_992, %gt3A_1003 : vector<16xf32>
                %and3A_1005 = arith.andi %lt3A_1002, %gt3A_1004 : vector<16xi1>
                %eq3A_1006 = vector.broadcast %while3A_945#3 : f32 to vector<16xf32>
                %eq3A_1007 = arith.cmpf oeq, %get3A_992, %eq3A_1006 : vector<16xf32>
                %and3A_1008 = arith.andi %lt3A_1002, %eq3A_1007 : vector<16xi1>
                %convert_element_type3A_1009 = arith.extui %and3A_1008 : vector<16xi1> to vector<16xi32>
                %broadcast_in_dim3A_1010 = arith.constant true
                %broadcast_in_dim3A_1011 = vector.broadcast %broadcast_in_dim3A_1010 : i1 to vector<16xi1>
                %masked_cumsum3A_1012 = tpu.scan <sum>, %convert_element_type3A_1009 masked %broadcast_in_dim3A_1011 : vector<16xi32>, vector<16xi1> -> vector<16xi32>
                %add3A_1013 = arith.addi %masked_cumsum3A_1012, %while3A_988 : vector<16xi32>
                %le3A = vector.broadcast %while3A_945#4 : i32 to vector<16xi32>
                %le3A_1014 = arith.cmpi sle, %add3A_1013, %le3A : vector<16xi32>
                %and3A_1015 = arith.andi %and3A_1008, %le3A_1014 : vector<16xi1>
                %or3A_1016 = arith.ori %and3A_1005, %and3A_1015 : vector<16xi1>
                %convert_element_type3A_1017 = arith.extui %or3A_1016 : vector<16xi1> to vector<16xi32>
                %broadcast_in_dim3A_1018 = arith.constant true
                %broadcast_in_dim3A_1019 = vector.broadcast %broadcast_in_dim3A_1018 : i1 to vector<16xi1>
                %masked_cumsum3A_1020 = tpu.scan <sum>, %convert_element_type3A_1017 masked %broadcast_in_dim3A_1019 : vector<16xi32>, vector<16xi1> -> vector<16xi32>
                %add3A_1021 = arith.addi %while3A_987, %masked_cumsum3A_1020 : vector<16xi32>
                %sub3A_1022 = arith.constant 1 : i32
                %sub3A_1023 = vector.broadcast %sub3A_1022 : i32 to vector<16xi32>
                %sub3A_1024 = arith.subi %add3A_1021, %sub3A_1023 : vector<16xi32>
                tpu.vector_store_idx %arg7[%sub3A_1024], %get3A_992 masked %or3A_1016 : memref<784xf32, #tpu.memory_space<vmem>>[vector<16xi32>], vector<16xf32>, vector<16xi1>
                tpu.vector_store_idx %arg8[%sub3A_1024], %get3A_996 masked %or3A_1016 : memref<784xi32, #tpu.memory_space<vmem>>[vector<16xi32>], vector<16xi32>, vector<16xi1>
                %all_reduce_population_count3A_1025 = tpu.all_reduce %or3A_1016 {dim = 0 : i64, kind = #tpu.reduction_kind<sum>} : vector<16xi1> -> vector<16xi32>
                %add3A_1026 = arith.addi %while3A_987, %all_reduce_population_count3A_1025 : vector<16xi32>
                %all_reduce_population_count3A_1027 = tpu.all_reduce %and3A_1008 {dim = 0 : i64, kind = #tpu.reduction_kind<sum>} : vector<16xi1> -> vector<16xi32>
                %add3A_1028 = arith.addi %while3A_988, %all_reduce_population_count3A_1027 : vector<16xi32>
                scf.yield %add3A_1026, %add3A_1028 : vector<16xi32>, vector<16xi32>
              }
              %while3A_983 = arith.constant 1 : i32
              %while3A_984:2 = scf.for %while3A_986 = %while3A_980 to %while3A_976 step %while3A_983 iter_args(%while3A_987 = %while3A_982#0, %while3A_988 = %while3A_982#1) -> (vector<16xi32>, vector<16xi32>)  : i32 {
                %mul3A_989 = arith.constant 16 : i32
                %mul3A_990 = arith.muli %while3A_986, %mul3A_989 : i32
                %get3A_991 = arith.index_cast %mul3A_990 : i32 to index
                %get3A_992 = tpu.vector_load %arg7[%get3A_991] {strides = array<i32>} : memref<784xf32, #tpu.memory_space<vmem>>, vector<16xf32>,
                %mul3A_993 = arith.constant 16 : i32
                %mul3A_994 = arith.muli %while3A_986, %mul3A_993 : i32
                %get3A_995 = arith.index_cast %mul3A_994 : i32 to index
                %get3A_996 = tpu.vector_load %arg8[%get3A_995] {strides = array<i32>} : memref<784xi32, #tpu.memory_space<vmem>>, vector<16xi32>,
                %mul3A_997 = arith.constant 16 : i32
                %mul3A_998 = arith.muli %while3A_986, %mul3A_997 : i32
                %add3A_999 = vector.broadcast %mul3A_998 : i32 to vector<16xi32>
                %add3A_1000 = arith.addi %iota3A, %add3A_999 : vector<16xi32>
                %lt3A_1001 = vector.broadcast %scan3A_241 : i32 to vector<16xi32>
                %lt3A_1002 = arith.cmpi slt, %add3A_1000, %lt3A_1001 : vector<16xi32>
                %gt3A_1003 = vector.broadcast %while3A_945#3 : f32 to vector<16xf32>
                %gt3A_1004 = arith.cmpf ogt, %get3A_992, %gt3A_1003 : vector<16xf32>
                %and3A_1005 = arith.andi %lt3A_1002, %gt3A_1004 : vector<16xi1>
                %eq3A_1006 = vector.broadcast %while3A_945#3 : f32 to vector<16xf32>
                %eq3A_1007 = arith.cmpf oeq, %get3A_992, %eq3A_1006 : vector<16xf32>
                %and3A_1008 = arith.andi %lt3A_1002, %eq3A_1007 : vector<16xi1>
                %convert_element_type3A_1009 = arith.extui %and3A_1008 : vector<16xi1> to vector<16xi32>
                %broadcast_in_dim3A_1010 = arith.constant true
                %broadcast_in_dim3A_1011 = vector.broadcast %broadcast_in_dim3A_1010 : i1 to vector<16xi1>
                %masked_cumsum3A_1012 = tpu.scan <sum>, %convert_element_type3A_1009 masked %broadcast_in_dim3A_1011 : vector<16xi32>, vector<16xi1> -> vector<16xi32>
                %add3A_1013 = arith.addi %masked_cumsum3A_1012, %while3A_988 : vector<16xi32>
                %le3A = vector.broadcast %while3A_945#4 : i32 to vector<16xi32>
                %le3A_1014 = arith.cmpi sle, %add3A_1013, %le3A : vector<16xi32>
                %and3A_1015 = arith.andi %and3A_1008, %le3A_1014 : vector<16xi1>
                %or3A_1016 = arith.ori %and3A_1005, %and3A_1015 : vector<16xi1>
                %convert_element_type3A_1017 = arith.extui %or3A_1016 : vector<16xi1> to vector<16xi32>
                %broadcast_in_dim3A_1018 = arith.constant true
                %broadcast_in_dim3A_1019 = vector.broadcast %broadcast_in_dim3A_1018 : i1 to vector<16xi1>
                %masked_cumsum3A_1020 = tpu.scan <sum>, %convert_element_type3A_1017 masked %broadcast_in_dim3A_1019 : vector<16xi32>, vector<16xi1> -> vector<16xi32>
                %add3A_1021 = arith.addi %while3A_987, %masked_cumsum3A_1020 : vector<16xi32>
                %sub3A_1022 = arith.constant 1 : i32
                %sub3A_1023 = vector.broadcast %sub3A_1022 : i32 to vector<16xi32>
                %sub3A_1024 = arith.subi %add3A_1021, %sub3A_1023 : vector<16xi32>
                tpu.vector_store_idx %arg7[%sub3A_1024], %get3A_992 masked %or3A_1016 : memref<784xf32, #tpu.memory_space<vmem>>[vector<16xi32>], vector<16xf32>, vector<16xi1>
                tpu.vector_store_idx %arg8[%sub3A_1024], %get3A_996 masked %or3A_1016 : memref<784xi32, #tpu.memory_space<vmem>>[vector<16xi32>], vector<16xi32>, vector<16xi1>
                %all_reduce_population_count3A_1025 = tpu.all_reduce %or3A_1016 {dim = 0 : i64, kind = #tpu.reduction_kind<sum>} : vector<16xi1> -> vector<16xi32>
                %add3A_1026 = arith.addi %while3A_987, %all_reduce_population_count3A_1025 : vector<16xi32>
                %all_reduce_population_count3A_1027 = tpu.all_reduce %and3A_1008 {dim = 0 : i64, kind = #tpu.reduction_kind<sum>} : vector<16xi1> -> vector<16xi32>
                %add3A_1028 = arith.addi %while3A_988, %all_reduce_population_count3A_1027 : vector<16xi32>
                scf.yield %add3A_1026, %add3A_1028 : vector<16xi32>, vector<16xi32>
              }
              %cond3A_985 = arith.constant 100 : i32
              scf.yield %cond3A_985, %while3A_945#3 : i32, f32
            } else {
              scf.yield %scan3A_241, %scan3A_242 : i32, f32
            }
            %broadcast_in_dim3A_430 = arith.constant 0 : i32
            %broadcast_in_dim3A_431 = vector.broadcast %broadcast_in_dim3A_430 : i32 to vector<16xi32>
            %add3A_432 = vector.broadcast %cond3A_429#0 : i32 to vector<16xi32>
            %add3A_433 = arith.addi %broadcast_in_dim3A_431, %add3A_432 : vector<16xi32>
            %gt3A_434 = vector.broadcast %cond3A_429#1 : f32 to vector<16xf32>
            %gt3A_435 = arith.cmpf ogt, %get3A_247, %gt3A_434 : vector<16xf32>
            %convert_element_type3A_436 = arith.extui %gt3A_435 : vector<16xi1> to vector<16xi32>
            %broadcast_in_dim3A_437 = arith.constant true
            %broadcast_in_dim3A_438 = vector.broadcast %broadcast_in_dim3A_437 : i1 to vector<16xi1>
            %masked_cumsum3A = tpu.scan <sum>, %convert_element_type3A_436 masked %broadcast_in_dim3A_438 : vector<16xi32>, vector<16xi1> -> vector<16xi32>
            %add3A_439 = arith.addi %add3A_433, %masked_cumsum3A : vector<16xi32>
            %sub3A_440 = arith.constant 1 : i32
            %sub3A_441 = vector.broadcast %sub3A_440 : i32 to vector<16xi32>
            %sub3A_442 = arith.subi %add3A_439, %sub3A_441 : vector<16xi32>
            tpu.vector_store_idx %arg7[%sub3A_442], %get3A_247 masked %gt3A_435 : memref<784xf32, #tpu.memory_space<vmem>>[vector<16xi32>], vector<16xf32>, vector<16xi1>
            %mul3A_443 = arith.constant 10000 : i32
            %mul3A_444 = arith.muli %add3A_221, %mul3A_443 : i32
            %add3A_445 = arith.addi %mul3A_22, %mul3A_444 : i32
            %add3A_446 = arith.addi %add3A_445, %mul3A_244 : i32
            %add3A_447 = arith.constant 0 : i32
            %add3A_448 = arith.addi %add3A_446, %add3A_447 : i32
            %add3A_449 = vector.broadcast %add3A_448 : i32 to vector<16xi32>
            %add3A_450 = arith.addi %add3A_449, %iota3A : vector<16xi32>
            tpu.vector_store_idx %arg8[%sub3A_442], %add3A_450 masked %gt3A_435 : memref<784xi32, #tpu.memory_space<vmem>>[vector<16xi32>], vector<16xi32>, vector<16xi1>
            %all_reduce_population_count3A_451 = tpu.all_reduce %gt3A_435 {dim = 0 : i64, kind = #tpu.reduction_kind<sum>} : vector<16xi1> -> vector<16xi32>
            %add3A_452 = arith.addi %add3A_433, %all_reduce_population_count3A_451 : vector<16xi32>
            %gt3A_453 = vector.broadcast %cond3A_429#1 : f32 to vector<16xf32>
            %gt3A_454 = arith.cmpf ogt, %get3A_251, %gt3A_453 : vector<16xf32>
            %convert_element_type3A_455 = arith.extui %gt3A_454 : vector<16xi1> to vector<16xi32>
            %broadcast_in_dim3A_456 = arith.constant true
            %broadcast_in_dim3A_457 = vector.broadcast %broadcast_in_dim3A_456 : i1 to vector<16xi1>
            %masked_cumsum3A_458 = tpu.scan <sum>, %convert_element_type3A_455 masked %broadcast_in_dim3A_457 : vector<16xi32>, vector<16xi1> -> vector<16xi32>
            %add3A_459 = arith.addi %add3A_452, %masked_cumsum3A_458 : vector<16xi32>
            %sub3A_460 = arith.constant 1 : i32
            %sub3A_461 = vector.broadcast %sub3A_460 : i32 to vector<16xi32>
            %sub3A_462 = arith.subi %add3A_459, %sub3A_461 : vector<16xi32>
            tpu.vector_store_idx %arg7[%sub3A_462], %get3A_251 masked %gt3A_454 : memref<784xf32, #tpu.memory_space<vmem>>[vector<16xi32>], vector<16xf32>, vector<16xi1>
            %mul3A_463 = arith.constant 10000 : i32
            %mul3A_464 = arith.muli %add3A_221, %mul3A_463 : i32
            %add3A_465 = arith.addi %mul3A_22, %mul3A_464 : i32
            %add3A_466 = arith.addi %add3A_465, %mul3A_244 : i32
            %add3A_467 = arith.constant 16 : i32
            %add3A_468 = arith.addi %add3A_466, %add3A_467 : i32
            %add3A_469 = vector.broadcast %add3A_468 : i32 to vector<16xi32>
            %add3A_470 = arith.addi %add3A_469, %iota3A : vector<16xi32>
            tpu.vector_store_idx %arg8[%sub3A_462], %add3A_470 masked %gt3A_454 : memref<784xi32, #tpu.memory_space<vmem>>[vector<16xi32>], vector<16xi32>, vector<16xi1>
            %all_reduce_population_count3A_471 = tpu.all_reduce %gt3A_454 {dim = 0 : i64, kind = #tpu.reduction_kind<sum>} : vector<16xi1> -> vector<16xi32>
            %add3A_472 = arith.addi %add3A_452, %all_reduce_population_count3A_471 : vector<16xi32>
            %gt3A_473 = vector.broadcast %cond3A_429#1 : f32 to vector<16xf32>
            %gt3A_474 = arith.cmpf ogt, %get3A_255, %gt3A_473 : vector<16xf32>
            %convert_element_type3A_475 = arith.extui %gt3A_474 : vector<16xi1> to vector<16xi32>
            %broadcast_in_dim3A_476 = arith.constant true
            %broadcast_in_dim3A_477 = vector.broadcast %broadcast_in_dim3A_476 : i1 to vector<16xi1>
            %masked_cumsum3A_478 = tpu.scan <sum>, %convert_element_type3A_475 masked %broadcast_in_dim3A_477 : vector<16xi32>, vector<16xi1> -> vector<16xi32>
            %add3A_479 = arith.addi %add3A_472, %masked_cumsum3A_478 : vector<16xi32>
            %sub3A_480 = arith.constant 1 : i32
            %sub3A_481 = vector.broadcast %sub3A_480 : i32 to vector<16xi32>
            %sub3A_482 = arith.subi %add3A_479, %sub3A_481 : vector<16xi32>
            tpu.vector_store_idx %arg7[%sub3A_482], %get3A_255 masked %gt3A_474 : memref<784xf32, #tpu.memory_space<vmem>>[vector<16xi32>], vector<16xf32>, vector<16xi1>
            %mul3A_483 = arith.constant 10000 : i32
            %mul3A_484 = arith.muli %add3A_221, %mul3A_483 : i32
            %add3A_485 = arith.addi %mul3A_22, %mul3A_484 : i32
            %add3A_486 = arith.addi %add3A_485, %mul3A_244 : i32
            %add3A_487 = arith.constant 32 : i32
            %add3A_488 = arith.addi %add3A_486, %add3A_487 : i32
            %add3A_489 = vector.broadcast %add3A_488 : i32 to vector<16xi32>
            %add3A_490 = arith.addi %add3A_489, %iota3A : vector<16xi32>
            tpu.vector_store_idx %arg8[%sub3A_482], %add3A_490 masked %gt3A_474 : memref<784xi32, #tpu.memory_space<vmem>>[vector<16xi32>], vector<16xi32>, vector<16xi1>
            %all_reduce_population_count3A_491 = tpu.all_reduce %gt3A_474 {dim = 0 : i64, kind = #tpu.reduction_kind<sum>} : vector<16xi1> -> vector<16xi32>
            %add3A_492 = arith.addi %add3A_472, %all_reduce_population_count3A_491 : vector<16xi32>
            %gt3A_493 = vector.broadcast %cond3A_429#1 : f32 to vector<16xf32>
            %gt3A_494 = arith.cmpf ogt, %get3A_259, %gt3A_493 : vector<16xf32>
            %convert_element_type3A_495 = arith.extui %gt3A_494 : vector<16xi1> to vector<16xi32>
            %broadcast_in_dim3A_496 = arith.constant true
            %broadcast_in_dim3A_497 = vector.broadcast %broadcast_in_dim3A_496 : i1 to vector<16xi1>
            %masked_cumsum3A_498 = tpu.scan <sum>, %convert_element_type3A_495 masked %broadcast_in_dim3A_497 : vector<16xi32>, vector<16xi1> -> vector<16xi32>
            %add3A_499 = arith.addi %add3A_492, %masked_cumsum3A_498 : vector<16xi32>
            %sub3A_500 = arith.constant 1 : i32
            %sub3A_501 = vector.broadcast %sub3A_500 : i32 to vector<16xi32>
            %sub3A_502 = arith.subi %add3A_499, %sub3A_501 : vector<16xi32>
            tpu.vector_store_idx %arg7[%sub3A_502], %get3A_259 masked %gt3A_494 : memref<784xf32, #tpu.memory_space<vmem>>[vector<16xi32>], vector<16xf32>, vector<16xi1>
            %mul3A_503 = arith.constant 10000 : i32
            %mul3A_504 = arith.muli %add3A_221, %mul3A_503 : i32
            %add3A_505 = arith.addi %mul3A_22, %mul3A_504 : i32
            %add3A_506 = arith.addi %add3A_505, %mul3A_244 : i32
            %add3A_507 = arith.constant 48 : i32
            %add3A_508 = arith.addi %add3A_506, %add3A_507 : i32
            %add3A_509 = vector.broadcast %add3A_508 : i32 to vector<16xi32>
            %add3A_510 = arith.addi %add3A_509, %iota3A : vector<16xi32>
            tpu.vector_store_idx %arg8[%sub3A_502], %add3A_510 masked %gt3A_494 : memref<784xi32, #tpu.memory_space<vmem>>[vector<16xi32>], vector<16xi32>, vector<16xi1>
            %all_reduce_population_count3A_511 = tpu.all_reduce %gt3A_494 {dim = 0 : i64, kind = #tpu.reduction_kind<sum>} : vector<16xi1> -> vector<16xi32>
            %add3A_512 = arith.addi %add3A_492, %all_reduce_population_count3A_511 : vector<16xi32>
            %gt3A_513 = vector.broadcast %cond3A_429#1 : f32 to vector<16xf32>
            %gt3A_514 = arith.cmpf ogt, %get3A_263, %gt3A_513 : vector<16xf32>
            %convert_element_type3A_515 = arith.extui %gt3A_514 : vector<16xi1> to vector<16xi32>
            %broadcast_in_dim3A_516 = arith.constant true
            %broadcast_in_dim3A_517 = vector.broadcast %broadcast_in_dim3A_516 : i1 to vector<16xi1>
            %masked_cumsum3A_518 = tpu.scan <sum>, %convert_element_type3A_515 masked %broadcast_in_dim3A_517 : vector<16xi32>, vector<16xi1> -> vector<16xi32>
            %add3A_519 = arith.addi %add3A_512, %masked_cumsum3A_518 : vector<16xi32>
            %sub3A_520 = arith.constant 1 : i32
            %sub3A_521 = vector.broadcast %sub3A_520 : i32 to vector<16xi32>
            %sub3A_522 = arith.subi %add3A_519, %sub3A_521 : vector<16xi32>
            tpu.vector_store_idx %arg7[%sub3A_522], %get3A_263 masked %gt3A_514 : memref<784xf32, #tpu.memory_space<vmem>>[vector<16xi32>], vector<16xf32>, vector<16xi1>
            %mul3A_523 = arith.constant 10000 : i32
            %mul3A_524 = arith.muli %add3A_221, %mul3A_523 : i32
            %add3A_525 = arith.addi %mul3A_22, %mul3A_524 : i32
            %add3A_526 = arith.addi %add3A_525, %mul3A_244 : i32
            %add3A_527 = arith.constant 64 : i32
            %add3A_528 = arith.addi %add3A_526, %add3A_527 : i32
            %add3A_529 = vector.broadcast %add3A_528 : i32 to vector<16xi32>
            %add3A_530 = arith.addi %add3A_529, %iota3A : vector<16xi32>
            tpu.vector_store_idx %arg8[%sub3A_522], %add3A_530 masked %gt3A_514 : memref<784xi32, #tpu.memory_space<vmem>>[vector<16xi32>], vector<16xi32>, vector<16xi1>
            %all_reduce_population_count3A_531 = tpu.all_reduce %gt3A_514 {dim = 0 : i64, kind = #tpu.reduction_kind<sum>} : vector<16xi1> -> vector<16xi32>
            %add3A_532 = arith.addi %add3A_512, %all_reduce_population_count3A_531 : vector<16xi32>
            %gt3A_533 = vector.broadcast %cond3A_429#1 : f32 to vector<16xf32>
            %gt3A_534 = arith.cmpf ogt, %get3A_267, %gt3A_533 : vector<16xf32>
            %convert_element_type3A_535 = arith.extui %gt3A_534 : vector<16xi1> to vector<16xi32>
            %broadcast_in_dim3A_536 = arith.constant true
            %broadcast_in_dim3A_537 = vector.broadcast %broadcast_in_dim3A_536 : i1 to vector<16xi1>
            %masked_cumsum3A_538 = tpu.scan <sum>, %convert_element_type3A_535 masked %broadcast_in_dim3A_537 : vector<16xi32>, vector<16xi1> -> vector<16xi32>
            %add3A_539 = arith.addi %add3A_532, %masked_cumsum3A_538 : vector<16xi32>
            %sub3A_540 = arith.constant 1 : i32
            %sub3A_541 = vector.broadcast %sub3A_540 : i32 to vector<16xi32>
            %sub3A_542 = arith.subi %add3A_539, %sub3A_541 : vector<16xi32>
            tpu.vector_store_idx %arg7[%sub3A_542], %get3A_267 masked %gt3A_534 : memref<784xf32, #tpu.memory_space<vmem>>[vector<16xi32>], vector<16xf32>, vector<16xi1>
            %mul3A_543 = arith.constant 10000 : i32
            %mul3A_544 = arith.muli %add3A_221, %mul3A_543 : i32
            %add3A_545 = arith.addi %mul3A_22, %mul3A_544 : i32
            %add3A_546 = arith.addi %add3A_545, %mul3A_244 : i32
            %add3A_547 = arith.constant 80 : i32
            %add3A_548 = arith.addi %add3A_546, %add3A_547 : i32
            %add3A_549 = vector.broadcast %add3A_548 : i32 to vector<16xi32>
            %add3A_550 = arith.addi %add3A_549, %iota3A : vector<16xi32>
            tpu.vector_store_idx %arg8[%sub3A_542], %add3A_550 masked %gt3A_534 : memref<784xi32, #tpu.memory_space<vmem>>[vector<16xi32>], vector<16xi32>, vector<16xi1>
            %all_reduce_population_count3A_551 = tpu.all_reduce %gt3A_534 {dim = 0 : i64, kind = #tpu.reduction_kind<sum>} : vector<16xi1> -> vector<16xi32>
            %add3A_552 = arith.addi %add3A_532, %all_reduce_population_count3A_551 : vector<16xi32>
            %gt3A_553 = vector.broadcast %cond3A_429#1 : f32 to vector<16xf32>
            %gt3A_554 = arith.cmpf ogt, %get3A_271, %gt3A_553 : vector<16xf32>
            %convert_element_type3A_555 = arith.extui %gt3A_554 : vector<16xi1> to vector<16xi32>
            %broadcast_in_dim3A_556 = arith.constant true
            %broadcast_in_dim3A_557 = vector.broadcast %broadcast_in_dim3A_556 : i1 to vector<16xi1>
            %masked_cumsum3A_558 = tpu.scan <sum>, %convert_element_type3A_555 masked %broadcast_in_dim3A_557 : vector<16xi32>, vector<16xi1> -> vector<16xi32>
            %add3A_559 = arith.addi %add3A_552, %masked_cumsum3A_558 : vector<16xi32>
            %sub3A_560 = arith.constant 1 : i32
            %sub3A_561 = vector.broadcast %sub3A_560 : i32 to vector<16xi32>
            %sub3A_562 = arith.subi %add3A_559, %sub3A_561 : vector<16xi32>
            tpu.vector_store_idx %arg7[%sub3A_562], %get3A_271 masked %gt3A_554 : memref<784xf32, #tpu.memory_space<vmem>>[vector<16xi32>], vector<16xf32>, vector<16xi1>
            %mul3A_563 = arith.constant 10000 : i32
            %mul3A_564 = arith.muli %add3A_221, %mul3A_563 : i32
            %add3A_565 = arith.addi %mul3A_22, %mul3A_564 : i32
            %add3A_566 = arith.addi %add3A_565, %mul3A_244 : i32
            %add3A_567 = arith.constant 96 : i32
            %add3A_568 = arith.addi %add3A_566, %add3A_567 : i32
            %add3A_569 = vector.broadcast %add3A_568 : i32 to vector<16xi32>
            %add3A_570 = arith.addi %add3A_569, %iota3A : vector<16xi32>
            tpu.vector_store_idx %arg8[%sub3A_562], %add3A_570 masked %gt3A_554 : memref<784xi32, #tpu.memory_space<vmem>>[vector<16xi32>], vector<16xi32>, vector<16xi1>
            %all_reduce_population_count3A_571 = tpu.all_reduce %gt3A_554 {dim = 0 : i64, kind = #tpu.reduction_kind<sum>} : vector<16xi1> -> vector<16xi32>
            %add3A_572 = arith.addi %add3A_552, %all_reduce_population_count3A_571 : vector<16xi32>
            %gt3A_573 = vector.broadcast %cond3A_429#1 : f32 to vector<16xf32>
            %gt3A_574 = arith.cmpf ogt, %get3A_275, %gt3A_573 : vector<16xf32>
            %convert_element_type3A_575 = arith.extui %gt3A_574 : vector<16xi1> to vector<16xi32>
            %broadcast_in_dim3A_576 = arith.constant true
            %broadcast_in_dim3A_577 = vector.broadcast %broadcast_in_dim3A_576 : i1 to vector<16xi1>
            %masked_cumsum3A_578 = tpu.scan <sum>, %convert_element_type3A_575 masked %broadcast_in_dim3A_577 : vector<16xi32>, vector<16xi1> -> vector<16xi32>
            %add3A_579 = arith.addi %add3A_572, %masked_cumsum3A_578 : vector<16xi32>
            %sub3A_580 = arith.constant 1 : i32
            %sub3A_581 = vector.broadcast %sub3A_580 : i32 to vector<16xi32>
            %sub3A_582 = arith.subi %add3A_579, %sub3A_581 : vector<16xi32>
            tpu.vector_store_idx %arg7[%sub3A_582], %get3A_275 masked %gt3A_574 : memref<784xf32, #tpu.memory_space<vmem>>[vector<16xi32>], vector<16xf32>, vector<16xi1>
            %mul3A_583 = arith.constant 10000 : i32
            %mul3A_584 = arith.muli %add3A_221, %mul3A_583 : i32
            %add3A_585 = arith.addi %mul3A_22, %mul3A_584 : i32
            %add3A_586 = arith.addi %add3A_585, %mul3A_244 : i32
            %add3A_587 = arith.constant 112 : i32
            %add3A_588 = arith.addi %add3A_586, %add3A_587 : i32
            %add3A_589 = vector.broadcast %add3A_588 : i32 to vector<16xi32>
            %add3A_590 = arith.addi %add3A_589, %iota3A : vector<16xi32>
            tpu.vector_store_idx %arg8[%sub3A_582], %add3A_590 masked %gt3A_574 : memref<784xi32, #tpu.memory_space<vmem>>[vector<16xi32>], vector<16xi32>, vector<16xi1>
            %all_reduce_population_count3A_591 = tpu.all_reduce %gt3A_574 {dim = 0 : i64, kind = #tpu.reduction_kind<sum>} : vector<16xi1> -> vector<16xi32>
            %add3A_592 = arith.addi %add3A_572, %all_reduce_population_count3A_591 : vector<16xi32>
            %gt3A_593 = vector.broadcast %cond3A_429#1 : f32 to vector<16xf32>
            %gt3A_594 = arith.cmpf ogt, %get3A_279, %gt3A_593 : vector<16xf32>
            %convert_element_type3A_595 = arith.extui %gt3A_594 : vector<16xi1> to vector<16xi32>
            %broadcast_in_dim3A_596 = arith.constant true
            %broadcast_in_dim3A_597 = vector.broadcast %broadcast_in_dim3A_596 : i1 to vector<16xi1>
            %masked_cumsum3A_598 = tpu.scan <sum>, %convert_element_type3A_595 masked %broadcast_in_dim3A_597 : vector<16xi32>, vector<16xi1> -> vector<16xi32>
            %add3A_599 = arith.addi %add3A_592, %masked_cumsum3A_598 : vector<16xi32>
            %sub3A_600 = arith.constant 1 : i32
            %sub3A_601 = vector.broadcast %sub3A_600 : i32 to vector<16xi32>
            %sub3A_602 = arith.subi %add3A_599, %sub3A_601 : vector<16xi32>
            tpu.vector_store_idx %arg7[%sub3A_602], %get3A_279 masked %gt3A_594 : memref<784xf32, #tpu.memory_space<vmem>>[vector<16xi32>], vector<16xf32>, vector<16xi1>
            %mul3A_603 = arith.constant 10000 : i32
            %mul3A_604 = arith.muli %add3A_221, %mul3A_603 : i32
            %add3A_605 = arith.addi %mul3A_22, %mul3A_604 : i32
            %add3A_606 = arith.addi %add3A_605, %mul3A_244 : i32
            %add3A_607 = arith.constant 128 : i32
            %add3A_608 = arith.addi %add3A_606, %add3A_607 : i32
            %add3A_609 = vector.broadcast %add3A_608 : i32 to vector<16xi32>
            %add3A_610 = arith.addi %add3A_609, %iota3A : vector<16xi32>
            tpu.vector_store_idx %arg8[%sub3A_602], %add3A_610 masked %gt3A_594 : memref<784xi32, #tpu.memory_space<vmem>>[vector<16xi32>], vector<16xi32>, vector<16xi1>
            %all_reduce_population_count3A_611 = tpu.all_reduce %gt3A_594 {dim = 0 : i64, kind = #tpu.reduction_kind<sum>} : vector<16xi1> -> vector<16xi32>
            %add3A_612 = arith.addi %add3A_592, %all_reduce_population_count3A_611 : vector<16xi32>
            %gt3A_613 = vector.broadcast %cond3A_429#1 : f32 to vector<16xf32>
            %gt3A_614 = arith.cmpf ogt, %get3A_283, %gt3A_613 : vector<16xf32>
            %convert_element_type3A_615 = arith.extui %gt3A_614 : vector<16xi1> to vector<16xi32>
            %broadcast_in_dim3A_616 = arith.constant true
            %broadcast_in_dim3A_617 = vector.broadcast %broadcast_in_dim3A_616 : i1 to vector<16xi1>
            %masked_cumsum3A_618 = tpu.scan <sum>, %convert_element_type3A_615 masked %broadcast_in_dim3A_617 : vector<16xi32>, vector<16xi1> -> vector<16xi32>
            %add3A_619 = arith.addi %add3A_612, %masked_cumsum3A_618 : vector<16xi32>
            %sub3A_620 = arith.constant 1 : i32
            %sub3A_621 = vector.broadcast %sub3A_620 : i32 to vector<16xi32>
            %sub3A_622 = arith.subi %add3A_619, %sub3A_621 : vector<16xi32>
            tpu.vector_store_idx %arg7[%sub3A_622], %get3A_283 masked %gt3A_614 : memref<784xf32, #tpu.memory_space<vmem>>[vector<16xi32>], vector<16xf32>, vector<16xi1>
            %mul3A_623 = arith.constant 10000 : i32
            %mul3A_624 = arith.muli %add3A_221, %mul3A_623 : i32
            %add3A_625 = arith.addi %mul3A_22, %mul3A_624 : i32
            %add3A_626 = arith.addi %add3A_625, %mul3A_244 : i32
            %add3A_627 = arith.constant 144 : i32
            %add3A_628 = arith.addi %add3A_626, %add3A_627 : i32
            %add3A_629 = vector.broadcast %add3A_628 : i32 to vector<16xi32>
            %add3A_630 = arith.addi %add3A_629, %iota3A : vector<16xi32>
            tpu.vector_store_idx %arg8[%sub3A_622], %add3A_630 masked %gt3A_614 : memref<784xi32, #tpu.memory_space<vmem>>[vector<16xi32>], vector<16xi32>, vector<16xi1>
            %all_reduce_population_count3A_631 = tpu.all_reduce %gt3A_614 {dim = 0 : i64, kind = #tpu.reduction_kind<sum>} : vector<16xi1> -> vector<16xi32>
            %add3A_632 = arith.addi %add3A_612, %all_reduce_population_count3A_631 : vector<16xi32>
            %gt3A_633 = vector.broadcast %cond3A_429#1 : f32 to vector<16xf32>
            %gt3A_634 = arith.cmpf ogt, %get3A_287, %gt3A_633 : vector<16xf32>
            %convert_element_type3A_635 = arith.extui %gt3A_634 : vector<16xi1> to vector<16xi32>
            %broadcast_in_dim3A_636 = arith.constant true
            %broadcast_in_dim3A_637 = vector.broadcast %broadcast_in_dim3A_636 : i1 to vector<16xi1>
            %masked_cumsum3A_638 = tpu.scan <sum>, %convert_element_type3A_635 masked %broadcast_in_dim3A_637 : vector<16xi32>, vector<16xi1> -> vector<16xi32>
            %add3A_639 = arith.addi %add3A_632, %masked_cumsum3A_638 : vector<16xi32>
            %sub3A_640 = arith.constant 1 : i32
            %sub3A_641 = vector.broadcast %sub3A_640 : i32 to vector<16xi32>
            %sub3A_642 = arith.subi %add3A_639, %sub3A_641 : vector<16xi32>
            tpu.vector_store_idx %arg7[%sub3A_642], %get3A_287 masked %gt3A_634 : memref<784xf32, #tpu.memory_space<vmem>>[vector<16xi32>], vector<16xf32>, vector<16xi1>
            %mul3A_643 = arith.constant 10000 : i32
            %mul3A_644 = arith.muli %add3A_221, %mul3A_643 : i32
            %add3A_645 = arith.addi %mul3A_22, %mul3A_644 : i32
            %add3A_646 = arith.addi %add3A_645, %mul3A_244 : i32
            %add3A_647 = arith.constant 160 : i32
            %add3A_648 = arith.addi %add3A_646, %add3A_647 : i32
            %add3A_649 = vector.broadcast %add3A_648 : i32 to vector<16xi32>
            %add3A_650 = arith.addi %add3A_649, %iota3A : vector<16xi32>
            tpu.vector_store_idx %arg8[%sub3A_642], %add3A_650 masked %gt3A_634 : memref<784xi32, #tpu.memory_space<vmem>>[vector<16xi32>], vector<16xi32>, vector<16xi1>
            %all_reduce_population_count3A_651 = tpu.all_reduce %gt3A_634 {dim = 0 : i64, kind = #tpu.reduction_kind<sum>} : vector<16xi1> -> vector<16xi32>
            %add3A_652 = arith.addi %add3A_632, %all_reduce_population_count3A_651 : vector<16xi32>
            %gt3A_653 = vector.broadcast %cond3A_429#1 : f32 to vector<16xf32>
            %gt3A_654 = arith.cmpf ogt, %get3A_291, %gt3A_653 : vector<16xf32>
            %convert_element_type3A_655 = arith.extui %gt3A_654 : vector<16xi1> to vector<16xi32>
            %broadcast_in_dim3A_656 = arith.constant true
            %broadcast_in_dim3A_657 = vector.broadcast %broadcast_in_dim3A_656 : i1 to vector<16xi1>
            %masked_cumsum3A_658 = tpu.scan <sum>, %convert_element_type3A_655 masked %broadcast_in_dim3A_657 : vector<16xi32>, vector<16xi1> -> vector<16xi32>
            %add3A_659 = arith.addi %add3A_652, %masked_cumsum3A_658 : vector<16xi32>
            %sub3A_660 = arith.constant 1 : i32
            %sub3A_661 = vector.broadcast %sub3A_660 : i32 to vector<16xi32>
            %sub3A_662 = arith.subi %add3A_659, %sub3A_661 : vector<16xi32>
            tpu.vector_store_idx %arg7[%sub3A_662], %get3A_291 masked %gt3A_654 : memref<784xf32, #tpu.memory_space<vmem>>[vector<16xi32>], vector<16xf32>, vector<16xi1>
            %mul3A_663 = arith.constant 10000 : i32
            %mul3A_664 = arith.muli %add3A_221, %mul3A_663 : i32
            %add3A_665 = arith.addi %mul3A_22, %mul3A_664 : i32
            %add3A_666 = arith.addi %add3A_665, %mul3A_244 : i32
            %add3A_667 = arith.constant 176 : i32
            %add3A_668 = arith.addi %add3A_666, %add3A_667 : i32
            %add3A_669 = vector.broadcast %add3A_668 : i32 to vector<16xi32>
            %add3A_670 = arith.addi %add3A_669, %iota3A : vector<16xi32>
            tpu.vector_store_idx %arg8[%sub3A_662], %add3A_670 masked %gt3A_654 : memref<784xi32, #tpu.memory_space<vmem>>[vector<16xi32>], vector<16xi32>, vector<16xi1>
            %all_reduce_population_count3A_671 = tpu.all_reduce %gt3A_654 {dim = 0 : i64, kind = #tpu.reduction_kind<sum>} : vector<16xi1> -> vector<16xi32>
            %add3A_672 = arith.addi %add3A_652, %all_reduce_population_count3A_671 : vector<16xi32>
            %gt3A_673 = vector.broadcast %cond3A_429#1 : f32 to vector<16xf32>
            %gt3A_674 = arith.cmpf ogt, %get3A_295, %gt3A_673 : vector<16xf32>
            %convert_element_type3A_675 = arith.extui %gt3A_674 : vector<16xi1> to vector<16xi32>
            %broadcast_in_dim3A_676 = arith.constant true
            %broadcast_in_dim3A_677 = vector.broadcast %broadcast_in_dim3A_676 : i1 to vector<16xi1>
            %masked_cumsum3A_678 = tpu.scan <sum>, %convert_element_type3A_675 masked %broadcast_in_dim3A_677 : vector<16xi32>, vector<16xi1> -> vector<16xi32>
            %add3A_679 = arith.addi %add3A_672, %masked_cumsum3A_678 : vector<16xi32>
            %sub3A_680 = arith.constant 1 : i32
            %sub3A_681 = vector.broadcast %sub3A_680 : i32 to vector<16xi32>
            %sub3A_682 = arith.subi %add3A_679, %sub3A_681 : vector<16xi32>
            tpu.vector_store_idx %arg7[%sub3A_682], %get3A_295 masked %gt3A_674 : memref<784xf32, #tpu.memory_space<vmem>>[vector<16xi32>], vector<16xf32>, vector<16xi1>
            %mul3A_683 = arith.constant 10000 : i32
            %mul3A_684 = arith.muli %add3A_221, %mul3A_683 : i32
            %add3A_685 = arith.addi %mul3A_22, %mul3A_684 : i32
            %add3A_686 = arith.addi %add3A_685, %mul3A_244 : i32
            %add3A_687 = arith.constant 192 : i32
            %add3A_688 = arith.addi %add3A_686, %add3A_687 : i32
            %add3A_689 = vector.broadcast %add3A_688 : i32 to vector<16xi32>
            %add3A_690 = arith.addi %add3A_689, %iota3A : vector<16xi32>
            tpu.vector_store_idx %arg8[%sub3A_682], %add3A_690 masked %gt3A_674 : memref<784xi32, #tpu.memory_space<vmem>>[vector<16xi32>], vector<16xi32>, vector<16xi1>
            %all_reduce_population_count3A_691 = tpu.all_reduce %gt3A_674 {dim = 0 : i64, kind = #tpu.reduction_kind<sum>} : vector<16xi1> -> vector<16xi32>
            %add3A_692 = arith.addi %add3A_672, %all_reduce_population_count3A_691 : vector<16xi32>
            %gt3A_693 = vector.broadcast %cond3A_429#1 : f32 to vector<16xf32>
            %gt3A_694 = arith.cmpf ogt, %get3A_299, %gt3A_693 : vector<16xf32>
            %convert_element_type3A_695 = arith.extui %gt3A_694 : vector<16xi1> to vector<16xi32>
            %broadcast_in_dim3A_696 = arith.constant true
            %broadcast_in_dim3A_697 = vector.broadcast %broadcast_in_dim3A_696 : i1 to vector<16xi1>
            %masked_cumsum3A_698 = tpu.scan <sum>, %convert_element_type3A_695 masked %broadcast_in_dim3A_697 : vector<16xi32>, vector<16xi1> -> vector<16xi32>
            %add3A_699 = arith.addi %add3A_692, %masked_cumsum3A_698 : vector<16xi32>
            %sub3A_700 = arith.constant 1 : i32
            %sub3A_701 = vector.broadcast %sub3A_700 : i32 to vector<16xi32>
            %sub3A_702 = arith.subi %add3A_699, %sub3A_701 : vector<16xi32>
            tpu.vector_store_idx %arg7[%sub3A_702], %get3A_299 masked %gt3A_694 : memref<784xf32, #tpu.memory_space<vmem>>[vector<16xi32>], vector<16xf32>, vector<16xi1>
            %mul3A_703 = arith.constant 10000 : i32
            %mul3A_704 = arith.muli %add3A_221, %mul3A_703 : i32
            %add3A_705 = arith.addi %mul3A_22, %mul3A_704 : i32
            %add3A_706 = arith.addi %add3A_705, %mul3A_244 : i32
            %add3A_707 = arith.constant 208 : i32
            %add3A_708 = arith.addi %add3A_706, %add3A_707 : i32
            %add3A_709 = vector.broadcast %add3A_708 : i32 to vector<16xi32>
            %add3A_710 = arith.addi %add3A_709, %iota3A : vector<16xi32>
            tpu.vector_store_idx %arg8[%sub3A_702], %add3A_710 masked %gt3A_694 : memref<784xi32, #tpu.memory_space<vmem>>[vector<16xi32>], vector<16xi32>, vector<16xi1>
            %all_reduce_population_count3A_711 = tpu.all_reduce %gt3A_694 {dim = 0 : i64, kind = #tpu.reduction_kind<sum>} : vector<16xi1> -> vector<16xi32>
            %add3A_712 = arith.addi %add3A_692, %all_reduce_population_count3A_711 : vector<16xi32>
            %gt3A_713 = vector.broadcast %cond3A_429#1 : f32 to vector<16xf32>
            %gt3A_714 = arith.cmpf ogt, %get3A_303, %gt3A_713 : vector<16xf32>
            %convert_element_type3A_715 = arith.extui %gt3A_714 : vector<16xi1> to vector<16xi32>
            %broadcast_in_dim3A_716 = arith.constant true
            %broadcast_in_dim3A_717 = vector.broadcast %broadcast_in_dim3A_716 : i1 to vector<16xi1>
            %masked_cumsum3A_718 = tpu.scan <sum>, %convert_element_type3A_715 masked %broadcast_in_dim3A_717 : vector<16xi32>, vector<16xi1> -> vector<16xi32>
            %add3A_719 = arith.addi %add3A_712, %masked_cumsum3A_718 : vector<16xi32>
            %sub3A_720 = arith.constant 1 : i32
            %sub3A_721 = vector.broadcast %sub3A_720 : i32 to vector<16xi32>
            %sub3A_722 = arith.subi %add3A_719, %sub3A_721 : vector<16xi32>
            tpu.vector_store_idx %arg7[%sub3A_722], %get3A_303 masked %gt3A_714 : memref<784xf32, #tpu.memory_space<vmem>>[vector<16xi32>], vector<16xf32>, vector<16xi1>
            %mul3A_723 = arith.constant 10000 : i32
            %mul3A_724 = arith.muli %add3A_221, %mul3A_723 : i32
            %add3A_725 = arith.addi %mul3A_22, %mul3A_724 : i32
            %add3A_726 = arith.addi %add3A_725, %mul3A_244 : i32
            %add3A_727 = arith.constant 224 : i32
            %add3A_728 = arith.addi %add3A_726, %add3A_727 : i32
            %add3A_729 = vector.broadcast %add3A_728 : i32 to vector<16xi32>
            %add3A_730 = arith.addi %add3A_729, %iota3A : vector<16xi32>
            tpu.vector_store_idx %arg8[%sub3A_722], %add3A_730 masked %gt3A_714 : memref<784xi32, #tpu.memory_space<vmem>>[vector<16xi32>], vector<16xi32>, vector<16xi1>
            %all_reduce_population_count3A_731 = tpu.all_reduce %gt3A_714 {dim = 0 : i64, kind = #tpu.reduction_kind<sum>} : vector<16xi1> -> vector<16xi32>
            %add3A_732 = arith.addi %add3A_712, %all_reduce_population_count3A_731 : vector<16xi32>
            %gt3A_733 = vector.broadcast %cond3A_429#1 : f32 to vector<16xf32>
            %gt3A_734 = arith.cmpf ogt, %get3A_307, %gt3A_733 : vector<16xf32>
            %convert_element_type3A_735 = arith.extui %gt3A_734 : vector<16xi1> to vector<16xi32>
            %broadcast_in_dim3A_736 = arith.constant true
            %broadcast_in_dim3A_737 = vector.broadcast %broadcast_in_dim3A_736 : i1 to vector<16xi1>
            %masked_cumsum3A_738 = tpu.scan <sum>, %convert_element_type3A_735 masked %broadcast_in_dim3A_737 : vector<16xi32>, vector<16xi1> -> vector<16xi32>
            %add3A_739 = arith.addi %add3A_732, %masked_cumsum3A_738 : vector<16xi32>
            %sub3A_740 = arith.constant 1 : i32
            %sub3A_741 = vector.broadcast %sub3A_740 : i32 to vector<16xi32>
            %sub3A_742 = arith.subi %add3A_739, %sub3A_741 : vector<16xi32>
            tpu.vector_store_idx %arg7[%sub3A_742], %get3A_307 masked %gt3A_734 : memref<784xf32, #tpu.memory_space<vmem>>[vector<16xi32>], vector<16xf32>, vector<16xi1>
            %mul3A_743 = arith.constant 10000 : i32
            %mul3A_744 = arith.muli %add3A_221, %mul3A_743 : i32
            %add3A_745 = arith.addi %mul3A_22, %mul3A_744 : i32
            %add3A_746 = arith.addi %add3A_745, %mul3A_244 : i32
            %add3A_747 = arith.constant 240 : i32
            %add3A_748 = arith.addi %add3A_746, %add3A_747 : i32
            %add3A_749 = vector.broadcast %add3A_748 : i32 to vector<16xi32>
            %add3A_750 = arith.addi %add3A_749, %iota3A : vector<16xi32>
            tpu.vector_store_idx %arg8[%sub3A_742], %add3A_750 masked %gt3A_734 : memref<784xi32, #tpu.memory_space<vmem>>[vector<16xi32>], vector<16xi32>, vector<16xi1>
            %all_reduce_population_count3A_751 = tpu.all_reduce %gt3A_734 {dim = 0 : i64, kind = #tpu.reduction_kind<sum>} : vector<16xi1> -> vector<16xi32>
            %add3A_752 = arith.addi %add3A_732, %all_reduce_population_count3A_751 : vector<16xi32>
            %gt3A_753 = vector.broadcast %cond3A_429#1 : f32 to vector<16xf32>
            %gt3A_754 = arith.cmpf ogt, %get3A_311, %gt3A_753 : vector<16xf32>
            %convert_element_type3A_755 = arith.extui %gt3A_754 : vector<16xi1> to vector<16xi32>
            %broadcast_in_dim3A_756 = arith.constant true
            %broadcast_in_dim3A_757 = vector.broadcast %broadcast_in_dim3A_756 : i1 to vector<16xi1>
            %masked_cumsum3A_758 = tpu.scan <sum>, %convert_element_type3A_755 masked %broadcast_in_dim3A_757 : vector<16xi32>, vector<16xi1> -> vector<16xi32>
            %add3A_759 = arith.addi %add3A_752, %masked_cumsum3A_758 : vector<16xi32>
            %sub3A_760 = arith.constant 1 : i32
            %sub3A_761 = vector.broadcast %sub3A_760 : i32 to vector<16xi32>
            %sub3A_762 = arith.subi %add3A_759, %sub3A_761 : vector<16xi32>
            tpu.vector_store_idx %arg7[%sub3A_762], %get3A_311 masked %gt3A_754 : memref<784xf32, #tpu.memory_space<vmem>>[vector<16xi32>], vector<16xf32>, vector<16xi1>
            %mul3A_763 = arith.constant 10000 : i32
            %mul3A_764 = arith.muli %add3A_221, %mul3A_763 : i32
            %add3A_765 = arith.addi %mul3A_22, %mul3A_764 : i32
            %add3A_766 = arith.addi %add3A_765, %mul3A_244 : i32
            %add3A_767 = arith.constant 256 : i32
            %add3A_768 = arith.addi %add3A_766, %add3A_767 : i32
            %add3A_769 = vector.broadcast %add3A_768 : i32 to vector<16xi32>
            %add3A_770 = arith.addi %add3A_769, %iota3A : vector<16xi32>
            tpu.vector_store_idx %arg8[%sub3A_762], %add3A_770 masked %gt3A_754 : memref<784xi32, #tpu.memory_space<vmem>>[vector<16xi32>], vector<16xi32>, vector<16xi1>
            %all_reduce_population_count3A_771 = tpu.all_reduce %gt3A_754 {dim = 0 : i64, kind = #tpu.reduction_kind<sum>} : vector<16xi1> -> vector<16xi32>
            %add3A_772 = arith.addi %add3A_752, %all_reduce_population_count3A_771 : vector<16xi32>
            %gt3A_773 = vector.broadcast %cond3A_429#1 : f32 to vector<16xf32>
            %gt3A_774 = arith.cmpf ogt, %get3A_315, %gt3A_773 : vector<16xf32>
            %convert_element_type3A_775 = arith.extui %gt3A_774 : vector<16xi1> to vector<16xi32>
            %broadcast_in_dim3A_776 = arith.constant true
            %broadcast_in_dim3A_777 = vector.broadcast %broadcast_in_dim3A_776 : i1 to vector<16xi1>
            %masked_cumsum3A_778 = tpu.scan <sum>, %convert_element_type3A_775 masked %broadcast_in_dim3A_777 : vector<16xi32>, vector<16xi1> -> vector<16xi32>
            %add3A_779 = arith.addi %add3A_772, %masked_cumsum3A_778 : vector<16xi32>
            %sub3A_780 = arith.constant 1 : i32
            %sub3A_781 = vector.broadcast %sub3A_780 : i32 to vector<16xi32>
            %sub3A_782 = arith.subi %add3A_779, %sub3A_781 : vector<16xi32>
            tpu.vector_store_idx %arg7[%sub3A_782], %get3A_315 masked %gt3A_774 : memref<784xf32, #tpu.memory_space<vmem>>[vector<16xi32>], vector<16xf32>, vector<16xi1>
            %mul3A_783 = arith.constant 10000 : i32
            %mul3A_784 = arith.muli %add3A_221, %mul3A_783 : i32
            %add3A_785 = arith.addi %mul3A_22, %mul3A_784 : i32
            %add3A_786 = arith.addi %add3A_785, %mul3A_244 : i32
            %add3A_787 = arith.constant 272 : i32
            %add3A_788 = arith.addi %add3A_786, %add3A_787 : i32
            %add3A_789 = vector.broadcast %add3A_788 : i32 to vector<16xi32>
            %add3A_790 = arith.addi %add3A_789, %iota3A : vector<16xi32>
            tpu.vector_store_idx %arg8[%sub3A_782], %add3A_790 masked %gt3A_774 : memref<784xi32, #tpu.memory_space<vmem>>[vector<16xi32>], vector<16xi32>, vector<16xi1>
            %all_reduce_population_count3A_791 = tpu.all_reduce %gt3A_774 {dim = 0 : i64, kind = #tpu.reduction_kind<sum>} : vector<16xi1> -> vector<16xi32>
            %add3A_792 = arith.addi %add3A_772, %all_reduce_population_count3A_791 : vector<16xi32>
            %gt3A_793 = vector.broadcast %cond3A_429#1 : f32 to vector<16xf32>
            %gt3A_794 = arith.cmpf ogt, %get3A_319, %gt3A_793 : vector<16xf32>
            %convert_element_type3A_795 = arith.extui %gt3A_794 : vector<16xi1> to vector<16xi32>
            %broadcast_in_dim3A_796 = arith.constant true
            %broadcast_in_dim3A_797 = vector.broadcast %broadcast_in_dim3A_796 : i1 to vector<16xi1>
            %masked_cumsum3A_798 = tpu.scan <sum>, %convert_element_type3A_795 masked %broadcast_in_dim3A_797 : vector<16xi32>, vector<16xi1> -> vector<16xi32>
            %add3A_799 = arith.addi %add3A_792, %masked_cumsum3A_798 : vector<16xi32>
            %sub3A_800 = arith.constant 1 : i32
            %sub3A_801 = vector.broadcast %sub3A_800 : i32 to vector<16xi32>
            %sub3A_802 = arith.subi %add3A_799, %sub3A_801 : vector<16xi32>
            tpu.vector_store_idx %arg7[%sub3A_802], %get3A_319 masked %gt3A_794 : memref<784xf32, #tpu.memory_space<vmem>>[vector<16xi32>], vector<16xf32>, vector<16xi1>
            %mul3A_803 = arith.constant 10000 : i32
            %mul3A_804 = arith.muli %add3A_221, %mul3A_803 : i32
            %add3A_805 = arith.addi %mul3A_22, %mul3A_804 : i32
            %add3A_806 = arith.addi %add3A_805, %mul3A_244 : i32
            %add3A_807 = arith.constant 288 : i32
            %add3A_808 = arith.addi %add3A_806, %add3A_807 : i32
            %add3A_809 = vector.broadcast %add3A_808 : i32 to vector<16xi32>
            %add3A_810 = arith.addi %add3A_809, %iota3A : vector<16xi32>
            tpu.vector_store_idx %arg8[%sub3A_802], %add3A_810 masked %gt3A_794 : memref<784xi32, #tpu.memory_space<vmem>>[vector<16xi32>], vector<16xi32>, vector<16xi1>
            %all_reduce_population_count3A_811 = tpu.all_reduce %gt3A_794 {dim = 0 : i64, kind = #tpu.reduction_kind<sum>} : vector<16xi1> -> vector<16xi32>
            %add3A_812 = arith.addi %add3A_792, %all_reduce_population_count3A_811 : vector<16xi32>
            %gt3A_813 = vector.broadcast %cond3A_429#1 : f32 to vector<16xf32>
            %gt3A_814 = arith.cmpf ogt, %get3A_323, %gt3A_813 : vector<16xf32>
            %convert_element_type3A_815 = arith.extui %gt3A_814 : vector<16xi1> to vector<16xi32>
            %broadcast_in_dim3A_816 = arith.constant true
            %broadcast_in_dim3A_817 = vector.broadcast %broadcast_in_dim3A_816 : i1 to vector<16xi1>
            %masked_cumsum3A_818 = tpu.scan <sum>, %convert_element_type3A_815 masked %broadcast_in_dim3A_817 : vector<16xi32>, vector<16xi1> -> vector<16xi32>
            %add3A_819 = arith.addi %add3A_812, %masked_cumsum3A_818 : vector<16xi32>
            %sub3A_820 = arith.constant 1 : i32
            %sub3A_821 = vector.broadcast %sub3A_820 : i32 to vector<16xi32>
            %sub3A_822 = arith.subi %add3A_819, %sub3A_821 : vector<16xi32>
            tpu.vector_store_idx %arg7[%sub3A_822], %get3A_323 masked %gt3A_814 : memref<784xf32, #tpu.memory_space<vmem>>[vector<16xi32>], vector<16xf32>, vector<16xi1>
            %mul3A_823 = arith.constant 10000 : i32
            %mul3A_824 = arith.muli %add3A_221, %mul3A_823 : i32
            %add3A_825 = arith.addi %mul3A_22, %mul3A_824 : i32
            %add3A_826 = arith.addi %add3A_825, %mul3A_244 : i32
            %add3A_827 = arith.constant 304 : i32
            %add3A_828 = arith.addi %add3A_826, %add3A_827 : i32
            %add3A_829 = vector.broadcast %add3A_828 : i32 to vector<16xi32>
            %add3A_830 = arith.addi %add3A_829, %iota3A : vector<16xi32>
            tpu.vector_store_idx %arg8[%sub3A_822], %add3A_830 masked %gt3A_814 : memref<784xi32, #tpu.memory_space<vmem>>[vector<16xi32>], vector<16xi32>, vector<16xi1>
            %all_reduce_population_count3A_831 = tpu.all_reduce %gt3A_814 {dim = 0 : i64, kind = #tpu.reduction_kind<sum>} : vector<16xi1> -> vector<16xi32>
            %add3A_832 = arith.addi %add3A_812, %all_reduce_population_count3A_831 : vector<16xi32>
            %gt3A_833 = vector.broadcast %cond3A_429#1 : f32 to vector<16xf32>
            %gt3A_834 = arith.cmpf ogt, %get3A_327, %gt3A_833 : vector<16xf32>
            %convert_element_type3A_835 = arith.extui %gt3A_834 : vector<16xi1> to vector<16xi32>
            %broadcast_in_dim3A_836 = arith.constant true
            %broadcast_in_dim3A_837 = vector.broadcast %broadcast_in_dim3A_836 : i1 to vector<16xi1>
            %masked_cumsum3A_838 = tpu.scan <sum>, %convert_element_type3A_835 masked %broadcast_in_dim3A_837 : vector<16xi32>, vector<16xi1> -> vector<16xi32>
            %add3A_839 = arith.addi %add3A_832, %masked_cumsum3A_838 : vector<16xi32>
            %sub3A_840 = arith.constant 1 : i32
            %sub3A_841 = vector.broadcast %sub3A_840 : i32 to vector<16xi32>
            %sub3A_842 = arith.subi %add3A_839, %sub3A_841 : vector<16xi32>
            tpu.vector_store_idx %arg7[%sub3A_842], %get3A_327 masked %gt3A_834 : memref<784xf32, #tpu.memory_space<vmem>>[vector<16xi32>], vector<16xf32>, vector<16xi1>
            %mul3A_843 = arith.constant 10000 : i32
            %mul3A_844 = arith.muli %add3A_221, %mul3A_843 : i32
            %add3A_845 = arith.addi %mul3A_22, %mul3A_844 : i32
            %add3A_846 = arith.addi %add3A_845, %mul3A_244 : i32
            %add3A_847 = arith.constant 320 : i32
            %add3A_848 = arith.addi %add3A_846, %add3A_847 : i32
            %add3A_849 = vector.broadcast %add3A_848 : i32 to vector<16xi32>
            %add3A_850 = arith.addi %add3A_849, %iota3A : vector<16xi32>
            tpu.vector_store_idx %arg8[%sub3A_842], %add3A_850 masked %gt3A_834 : memref<784xi32, #tpu.memory_space<vmem>>[vector<16xi32>], vector<16xi32>, vector<16xi1>
            %all_reduce_population_count3A_851 = tpu.all_reduce %gt3A_834 {dim = 0 : i64, kind = #tpu.reduction_kind<sum>} : vector<16xi1> -> vector<16xi32>
            %add3A_852 = arith.addi %add3A_832, %all_reduce_population_count3A_851 : vector<16xi32>
            %gt3A_853 = vector.broadcast %cond3A_429#1 : f32 to vector<16xf32>
            %gt3A_854 = arith.cmpf ogt, %get3A_331, %gt3A_853 : vector<16xf32>
            %convert_element_type3A_855 = arith.extui %gt3A_854 : vector<16xi1> to vector<16xi32>
            %broadcast_in_dim3A_856 = arith.constant true
            %broadcast_in_dim3A_857 = vector.broadcast %broadcast_in_dim3A_856 : i1 to vector<16xi1>
            %masked_cumsum3A_858 = tpu.scan <sum>, %convert_element_type3A_855 masked %broadcast_in_dim3A_857 : vector<16xi32>, vector<16xi1> -> vector<16xi32>
            %add3A_859 = arith.addi %add3A_852, %masked_cumsum3A_858 : vector<16xi32>
            %sub3A_860 = arith.constant 1 : i32
            %sub3A_861 = vector.broadcast %sub3A_860 : i32 to vector<16xi32>
            %sub3A_862 = arith.subi %add3A_859, %sub3A_861 : vector<16xi32>
            tpu.vector_store_idx %arg7[%sub3A_862], %get3A_331 masked %gt3A_854 : memref<784xf32, #tpu.memory_space<vmem>>[vector<16xi32>], vector<16xf32>, vector<16xi1>
            %mul3A_863 = arith.constant 10000 : i32
            %mul3A_864 = arith.muli %add3A_221, %mul3A_863 : i32
            %add3A_865 = arith.addi %mul3A_22, %mul3A_864 : i32
            %add3A_866 = arith.addi %add3A_865, %mul3A_244 : i32
            %add3A_867 = arith.constant 336 : i32
            %add3A_868 = arith.addi %add3A_866, %add3A_867 : i32
            %add3A_869 = vector.broadcast %add3A_868 : i32 to vector<16xi32>
            %add3A_870 = arith.addi %add3A_869, %iota3A : vector<16xi32>
            tpu.vector_store_idx %arg8[%sub3A_862], %add3A_870 masked %gt3A_854 : memref<784xi32, #tpu.memory_space<vmem>>[vector<16xi32>], vector<16xi32>, vector<16xi1>
            %all_reduce_population_count3A_871 = tpu.all_reduce %gt3A_854 {dim = 0 : i64, kind = #tpu.reduction_kind<sum>} : vector<16xi1> -> vector<16xi32>
            %add3A_872 = arith.addi %add3A_852, %all_reduce_population_count3A_871 : vector<16xi32>
            %gt3A_873 = vector.broadcast %cond3A_429#1 : f32 to vector<16xf32>
            %gt3A_874 = arith.cmpf ogt, %get3A_335, %gt3A_873 : vector<16xf32>
            %convert_element_type3A_875 = arith.extui %gt3A_874 : vector<16xi1> to vector<16xi32>
            %broadcast_in_dim3A_876 = arith.constant true
            %broadcast_in_dim3A_877 = vector.broadcast %broadcast_in_dim3A_876 : i1 to vector<16xi1>
            %masked_cumsum3A_878 = tpu.scan <sum>, %convert_element_type3A_875 masked %broadcast_in_dim3A_877 : vector<16xi32>, vector<16xi1> -> vector<16xi32>
            %add3A_879 = arith.addi %add3A_872, %masked_cumsum3A_878 : vector<16xi32>
            %sub3A_880 = arith.constant 1 : i32
            %sub3A_881 = vector.broadcast %sub3A_880 : i32 to vector<16xi32>
            %sub3A_882 = arith.subi %add3A_879, %sub3A_881 : vector<16xi32>
            tpu.vector_store_idx %arg7[%sub3A_882], %get3A_335 masked %gt3A_874 : memref<784xf32, #tpu.memory_space<vmem>>[vector<16xi32>], vector<16xf32>, vector<16xi1>
            %mul3A_883 = arith.constant 10000 : i32
            %mul3A_884 = arith.muli %add3A_221, %mul3A_883 : i32
            %add3A_885 = arith.addi %mul3A_22, %mul3A_884 : i32
            %add3A_886 = arith.addi %add3A_885, %mul3A_244 : i32
            %add3A_887 = arith.constant 352 : i32
            %add3A_888 = arith.addi %add3A_886, %add3A_887 : i32
            %add3A_889 = vector.broadcast %add3A_888 : i32 to vector<16xi32>
            %add3A_890 = arith.addi %add3A_889, %iota3A : vector<16xi32>
            tpu.vector_store_idx %arg8[%sub3A_882], %add3A_890 masked %gt3A_874 : memref<784xi32, #tpu.memory_space<vmem>>[vector<16xi32>], vector<16xi32>, vector<16xi1>
            %all_reduce_population_count3A_891 = tpu.all_reduce %gt3A_874 {dim = 0 : i64, kind = #tpu.reduction_kind<sum>} : vector<16xi1> -> vector<16xi32>
            %add3A_892 = arith.addi %add3A_872, %all_reduce_population_count3A_891 : vector<16xi32>
            %gt3A_893 = vector.broadcast %cond3A_429#1 : f32 to vector<16xf32>
            %gt3A_894 = arith.cmpf ogt, %get3A_339, %gt3A_893 : vector<16xf32>
            %convert_element_type3A_895 = arith.extui %gt3A_894 : vector<16xi1> to vector<16xi32>
            %broadcast_in_dim3A_896 = arith.constant true
            %broadcast_in_dim3A_897 = vector.broadcast %broadcast_in_dim3A_896 : i1 to vector<16xi1>
            %masked_cumsum3A_898 = tpu.scan <sum>, %convert_element_type3A_895 masked %broadcast_in_dim3A_897 : vector<16xi32>, vector<16xi1> -> vector<16xi32>
            %add3A_899 = arith.addi %add3A_892, %masked_cumsum3A_898 : vector<16xi32>
            %sub3A_900 = arith.constant 1 : i32
            %sub3A_901 = vector.broadcast %sub3A_900 : i32 to vector<16xi32>
            %sub3A_902 = arith.subi %add3A_899, %sub3A_901 : vector<16xi32>
            tpu.vector_store_idx %arg7[%sub3A_902], %get3A_339 masked %gt3A_894 : memref<784xf32, #tpu.memory_space<vmem>>[vector<16xi32>], vector<16xf32>, vector<16xi1>
            %mul3A_903 = arith.constant 10000 : i32
            %mul3A_904 = arith.muli %add3A_221, %mul3A_903 : i32
            %add3A_905 = arith.addi %mul3A_22, %mul3A_904 : i32
            %add3A_906 = arith.addi %add3A_905, %mul3A_244 : i32
            %add3A_907 = arith.constant 368 : i32
            %add3A_908 = arith.addi %add3A_906, %add3A_907 : i32
            %add3A_909 = vector.broadcast %add3A_908 : i32 to vector<16xi32>
            %add3A_910 = arith.addi %add3A_909, %iota3A : vector<16xi32>
            tpu.vector_store_idx %arg8[%sub3A_902], %add3A_910 masked %gt3A_894 : memref<784xi32, #tpu.memory_space<vmem>>[vector<16xi32>], vector<16xi32>, vector<16xi1>
            %all_reduce_population_count3A_911 = tpu.all_reduce %gt3A_894 {dim = 0 : i64, kind = #tpu.reduction_kind<sum>} : vector<16xi1> -> vector<16xi32>
            %add3A_912 = arith.addi %add3A_892, %all_reduce_population_count3A_911 : vector<16xi32>
            %gt3A_913 = vector.broadcast %cond3A_429#1 : f32 to vector<16xf32>
            %gt3A_914 = arith.cmpf ogt, %get3A_343, %gt3A_913 : vector<16xf32>
            %convert_element_type3A_915 = arith.extui %gt3A_914 : vector<16xi1> to vector<16xi32>
            %broadcast_in_dim3A_916 = arith.constant true
            %broadcast_in_dim3A_917 = vector.broadcast %broadcast_in_dim3A_916 : i1 to vector<16xi1>
            %masked_cumsum3A_918 = tpu.scan <sum>, %convert_element_type3A_915 masked %broadcast_in_dim3A_917 : vector<16xi32>, vector<16xi1> -> vector<16xi32>
            %add3A_919 = arith.addi %add3A_912, %masked_cumsum3A_918 : vector<16xi32>
            %sub3A_920 = arith.constant 1 : i32
            %sub3A_921 = vector.broadcast %sub3A_920 : i32 to vector<16xi32>
            %sub3A_922 = arith.subi %add3A_919, %sub3A_921 : vector<16xi32>
            tpu.vector_store_idx %arg7[%sub3A_922], %get3A_343 masked %gt3A_914 : memref<784xf32, #tpu.memory_space<vmem>>[vector<16xi32>], vector<16xf32>, vector<16xi1>
            %mul3A_923 = arith.constant 10000 : i32
            %mul3A_924 = arith.muli %add3A_221, %mul3A_923 : i32
            %add3A_925 = arith.addi %mul3A_22, %mul3A_924 : i32
            %add3A_926 = arith.addi %add3A_925, %mul3A_244 : i32
            %add3A_927 = arith.constant 384 : i32
            %add3A_928 = arith.addi %add3A_926, %add3A_927 : i32
            %add3A_929 = vector.broadcast %add3A_928 : i32 to vector<16xi32>
            %add3A_930 = arith.addi %add3A_929, %iota3A : vector<16xi32>
            tpu.vector_store_idx %arg8[%sub3A_922], %add3A_930 masked %gt3A_914 : memref<784xi32, #tpu.memory_space<vmem>>[vector<16xi32>], vector<16xi32>, vector<16xi1>
            %all_reduce_population_count3A_931 = tpu.all_reduce %gt3A_914 {dim = 0 : i64, kind = #tpu.reduction_kind<sum>} : vector<16xi1> -> vector<16xi32>
            %add3A_932 = arith.addi %add3A_912, %all_reduce_population_count3A_931 : vector<16xi32>
            %slice3A_933 = vector.extract_strided_slice %add3A_932 {offsets = [0], sizes = [1], strides = [1]} : vector<16xi32> to vector<1xi32>
            %squeeze3A_934 = vector.extract %slice3A_933[0] : i32 from vector<1xi32>
            scf.yield %squeeze3A_934, %cond3A_429#1 : i32, f32
          } else {
            scf.yield %scan3A_241, %scan3A_242 : i32, f32
          }
          scf.yield %cond3A_421#0, %cond3A_421#1 : i32, f32
        }
        %scan3A_232 = arith.constant 25 : i32
        %add3A_233 = arith.constant 3 : i32
        %add3A_234 = arith.addi %mul3A_201, %add3A_233 : i32
        %lt3A_235 = arith.constant 10 : i32
        %lt3A_236 = arith.cmpi slt, %add3A_234, %lt3A_235 : i32
        %convert_element_type3A_237 = arith.extui %lt3A_236 : i1 to i32
        %cond3A_238 = arith.constant 0 : i32
        %cond3A_239 = arith.cmpi ne, %convert_element_type3A_237, %cond3A_238 : i32
        scf.if %cond3A_239 {
          %add3A_240 = arith.constant 3 : i32
          %add3A_241 = arith.addi %mul3A_201, %add3A_240 : i32
          %mul3A_242 = arith.constant 10000 : i32
          %mul3A_243 = arith.muli %add3A_241, %mul3A_242 : i32
          %add3A_244 = arith.addi %mul3A_22, %mul3A_243 : i32
          %dma_start3A_245 = tpu.memref_slice %arg3[%add3A_244] : memref<12800000xf32, #tpu.memory_space<hbm>> -> memref<10000xf32, #tpu.memory_space<hbm>>
          %dma_start3A_246 = tpu.memref_slice %arg3[%add3A_244] : memref<12800000xf32, #tpu.memory_space<hbm>> -> memref<10000xf32, #tpu.memory_space<hbm>>
          tpu.enqueue_dma source(%dma_start3A_246 : memref<10000xf32, #tpu.memory_space<hbm>>) target(%arg6 : memref<10000xf32, #tpu.memory_space<vmem>>) target_semaphore(%arg15 : memref<!tpu.dma_semaphore, #tpu.memory_space<semaphore_mem>>)
        } else {
        }
        scf.yield %scan3A_231#0, %scan3A_231#1 : i32, f32
      }
      %scan3A_30 = arith.constant 5 : i32
      %add3A_31 = arith.constant 1 : i32
      %add3A_32 = arith.addi %scan3A_16, %add3A_31 : i32
      %lt3A = arith.constant 4 : i32
      %lt3A_33 = arith.cmpi slt, %add3A_32, %lt3A : i32
      %convert_element_type3A = arith.extui %lt3A_33 : i1 to i32
      %cond3A = arith.constant 0 : i32
      %cond3A_34 = arith.cmpi ne, %convert_element_type3A, %cond3A : i32
      scf.if %cond3A_34 {
        %add3A_197 = arith.constant 1 : i32
        %add3A_198 = arith.addi %add3A_20, %add3A_197 : i32
        %mul3A_199 = arith.constant 100000 : i32
        %mul3A_200 = arith.muli %add3A_198, %mul3A_199 : i32
        %dma_start3A_201 = tpu.memref_slice %arg3[%mul3A_200] : memref<12800000xf32, #tpu.memory_space<hbm>> -> memref<10000xf32, #tpu.memory_space<hbm>>
        %dma_start3A_202 = tpu.memref_slice %arg3[%mul3A_200] : memref<12800000xf32, #tpu.memory_space<hbm>> -> memref<10000xf32, #tpu.memory_space<hbm>>
        tpu.enqueue_dma source(%dma_start3A_202 : memref<10000xf32, #tpu.memory_space<hbm>>) target(%arg5 : memref<10000xf32, #tpu.memory_space<vmem>>) target_semaphore(%arg14 : memref<!tpu.dma_semaphore, #tpu.memory_space<semaphore_mem>>)
        %add3A_203 = arith.constant 10000 : i32
        %add3A_204 = arith.addi %mul3A_200, %add3A_203 : i32
        %dma_start3A_205 = tpu.memref_slice %arg3[%add3A_204] : memref<12800000xf32, #tpu.memory_space<hbm>> -> memref<10000xf32, #tpu.memory_space<hbm>>
        %dma_start3A_206 = tpu.memref_slice %arg3[%add3A_204] : memref<12800000xf32, #tpu.memory_space<hbm>> -> memref<10000xf32, #tpu.memory_space<hbm>>
        tpu.enqueue_dma source(%dma_start3A_206 : memref<10000xf32, #tpu.memory_space<hbm>>) target(%arg6 : memref<10000xf32, #tpu.memory_space<vmem>>) target_semaphore(%arg15 : memref<!tpu.dma_semaphore, #tpu.memory_space<semaphore_mem>>)
      } else {
      }
      %broadcast_in_dim3A = arith.constant 0.000000e+00 : f32
      %broadcast_in_dim3A_35 = vector.broadcast %broadcast_in_dim3A : f32 to vector<16xf32>
      %swap3A = arith.constant 0 : index
      %swap3A_36 = tpu.vector_load %arg10[%swap3A] {strides = array<i32>} : memref<128xf32, #tpu.memory_space<vmem>>, vector<16xf32>,
      tpu.vector_store %arg10[%swap3A], %broadcast_in_dim3A_35 {strides = array<i32>} : memref<128xf32, #tpu.memory_space<vmem>>, vector<16xf32>,
      %broadcast_in_dim3A_37 = arith.constant 0 : i32
      %broadcast_in_dim3A_38 = vector.broadcast %broadcast_in_dim3A_37 : i32 to vector<16xi32>
      %add3A_39 = vector.broadcast %mul3A_22 : i32 to vector<16xi32>
      %add3A_40 = arith.addi %broadcast_in_dim3A_38, %add3A_39 : vector<16xi32>
      %swap3A_41 = arith.constant 0 : index
      %swap3A_42 = tpu.vector_load %arg11[%swap3A_41] {strides = array<i32>} : memref<128xi32, #tpu.memory_space<vmem>>, vector<16xi32>,
      tpu.vector_store %arg11[%swap3A_41], %add3A_40 {strides = array<i32>} : memref<128xi32, #tpu.memory_space<vmem>>, vector<16xi32>,
      %broadcast_in_dim3A_43 = arith.constant 0.000000e+00 : f32
      %broadcast_in_dim3A_44 = vector.broadcast %broadcast_in_dim3A_43 : f32 to vector<16xf32>
      %swap3A_45 = arith.constant 16 : index
      %swap3A_46 = tpu.vector_load %arg10[%swap3A_45] {strides = array<i32>} : memref<128xf32, #tpu.memory_space<vmem>>, vector<16xf32>,
      tpu.vector_store %arg10[%swap3A_45], %broadcast_in_dim3A_44 {strides = array<i32>} : memref<128xf32, #tpu.memory_space<vmem>>, vector<16xf32>,
      %broadcast_in_dim3A_47 = arith.constant 0 : i32
      %broadcast_in_dim3A_48 = vector.broadcast %broadcast_in_dim3A_47 : i32 to vector<16xi32>
      %add3A_49 = vector.broadcast %mul3A_22 : i32 to vector<16xi32>
      %add3A_50 = arith.addi %broadcast_in_dim3A_48, %add3A_49 : vector<16xi32>
      %swap3A_51 = arith.constant 16 : index
      %swap3A_52 = tpu.vector_load %arg11[%swap3A_51] {strides = array<i32>} : memref<128xi32, #tpu.memory_space<vmem>>, vector<16xi32>,
      tpu.vector_store %arg11[%swap3A_51], %add3A_50 {strides = array<i32>} : memref<128xi32, #tpu.memory_space<vmem>>, vector<16xi32>,
      %broadcast_in_dim3A_53 = arith.constant 0.000000e+00 : f32
      %broadcast_in_dim3A_54 = vector.broadcast %broadcast_in_dim3A_53 : f32 to vector<16xf32>
      %swap3A_55 = arith.constant 32 : index
      %swap3A_56 = tpu.vector_load %arg10[%swap3A_55] {strides = array<i32>} : memref<128xf32, #tpu.memory_space<vmem>>, vector<16xf32>,
      tpu.vector_store %arg10[%swap3A_55], %broadcast_in_dim3A_54 {strides = array<i32>} : memref<128xf32, #tpu.memory_space<vmem>>, vector<16xf32>,
      %broadcast_in_dim3A_57 = arith.constant 0 : i32
      %broadcast_in_dim3A_58 = vector.broadcast %broadcast_in_dim3A_57 : i32 to vector<16xi32>
      %add3A_59 = vector.broadcast %mul3A_22 : i32 to vector<16xi32>
      %add3A_60 = arith.addi %broadcast_in_dim3A_58, %add3A_59 : vector<16xi32>
      %swap3A_61 = arith.constant 32 : index
      %swap3A_62 = tpu.vector_load %arg11[%swap3A_61] {strides = array<i32>} : memref<128xi32, #tpu.memory_space<vmem>>, vector<16xi32>,
      tpu.vector_store %arg11[%swap3A_61], %add3A_60 {strides = array<i32>} : memref<128xi32, #tpu.memory_space<vmem>>, vector<16xi32>,
      %broadcast_in_dim3A_63 = arith.constant 0.000000e+00 : f32
      %broadcast_in_dim3A_64 = vector.broadcast %broadcast_in_dim3A_63 : f32 to vector<16xf32>
      %swap3A_65 = arith.constant 48 : index
      %swap3A_66 = tpu.vector_load %arg10[%swap3A_65] {strides = array<i32>} : memref<128xf32, #tpu.memory_space<vmem>>, vector<16xf32>,
      tpu.vector_store %arg10[%swap3A_65], %broadcast_in_dim3A_64 {strides = array<i32>} : memref<128xf32, #tpu.memory_space<vmem>>, vector<16xf32>,
      %broadcast_in_dim3A_67 = arith.constant 0 : i32
      %broadcast_in_dim3A_68 = vector.broadcast %broadcast_in_dim3A_67 : i32 to vector<16xi32>
      %add3A_69 = vector.broadcast %mul3A_22 : i32 to vector<16xi32>
      %add3A_70 = arith.addi %broadcast_in_dim3A_68, %add3A_69 : vector<16xi32>
      %swap3A_71 = arith.constant 48 : index
      %swap3A_72 = tpu.vector_load %arg11[%swap3A_71] {strides = array<i32>} : memref<128xi32, #tpu.memory_space<vmem>>, vector<16xi32>,
      tpu.vector_store %arg11[%swap3A_71], %add3A_70 {strides = array<i32>} : memref<128xi32, #tpu.memory_space<vmem>>, vector<16xi32>,
      %broadcast_in_dim3A_73 = arith.constant 0.000000e+00 : f32
      %broadcast_in_dim3A_74 = vector.broadcast %broadcast_in_dim3A_73 : f32 to vector<16xf32>
      %swap3A_75 = arith.constant 64 : index
      %swap3A_76 = tpu.vector_load %arg10[%swap3A_75] {strides = array<i32>} : memref<128xf32, #tpu.memory_space<vmem>>, vector<16xf32>,
      tpu.vector_store %arg10[%swap3A_75], %broadcast_in_dim3A_74 {strides = array<i32>} : memref<128xf32, #tpu.memory_space<vmem>>, vector<16xf32>,
      %broadcast_in_dim3A_77 = arith.constant 0 : i32
      %broadcast_in_dim3A_78 = vector.broadcast %broadcast_in_dim3A_77 : i32 to vector<16xi32>
      %add3A_79 = vector.broadcast %mul3A_22 : i32 to vector<16xi32>
      %add3A_80 = arith.addi %broadcast_in_dim3A_78, %add3A_79 : vector<16xi32>
      %swap3A_81 = arith.constant 64 : index
      %swap3A_82 = tpu.vector_load %arg11[%swap3A_81] {strides = array<i32>} : memref<128xi32, #tpu.memory_space<vmem>>, vector<16xi32>,
      tpu.vector_store %arg11[%swap3A_81], %add3A_80 {strides = array<i32>} : memref<128xi32, #tpu.memory_space<vmem>>, vector<16xi32>,
      %broadcast_in_dim3A_83 = arith.constant 0.000000e+00 : f32
      %broadcast_in_dim3A_84 = vector.broadcast %broadcast_in_dim3A_83 : f32 to vector<16xf32>
      %swap3A_85 = arith.constant 80 : index
      %swap3A_86 = tpu.vector_load %arg10[%swap3A_85] {strides = array<i32>} : memref<128xf32, #tpu.memory_space<vmem>>, vector<16xf32>,
      tpu.vector_store %arg10[%swap3A_85], %broadcast_in_dim3A_84 {strides = array<i32>} : memref<128xf32, #tpu.memory_space<vmem>>, vector<16xf32>,
      %broadcast_in_dim3A_87 = arith.constant 0 : i32
      %broadcast_in_dim3A_88 = vector.broadcast %broadcast_in_dim3A_87 : i32 to vector<16xi32>
      %add3A_89 = vector.broadcast %mul3A_22 : i32 to vector<16xi32>
      %add3A_90 = arith.addi %broadcast_in_dim3A_88, %add3A_89 : vector<16xi32>
      %swap3A_91 = arith.constant 80 : index
      %swap3A_92 = tpu.vector_load %arg11[%swap3A_91] {strides = array<i32>} : memref<128xi32, #tpu.memory_space<vmem>>, vector<16xi32>,
      tpu.vector_store %arg11[%swap3A_91], %add3A_90 {strides = array<i32>} : memref<128xi32, #tpu.memory_space<vmem>>, vector<16xi32>,
      %broadcast_in_dim3A_93 = arith.constant 0.000000e+00 : f32
      %broadcast_in_dim3A_94 = vector.broadcast %broadcast_in_dim3A_93 : f32 to vector<16xf32>
      %swap3A_95 = arith.constant 96 : index
      %swap3A_96 = tpu.vector_load %arg10[%swap3A_95] {strides = array<i32>} : memref<128xf32, #tpu.memory_space<vmem>>, vector<16xf32>,
      tpu.vector_store %arg10[%swap3A_95], %broadcast_in_dim3A_94 {strides = array<i32>} : memref<128xf32, #tpu.memory_space<vmem>>, vector<16xf32>,
      %broadcast_in_dim3A_97 = arith.constant 0 : i32
      %broadcast_in_dim3A_98 = vector.broadcast %broadcast_in_dim3A_97 : i32 to vector<16xi32>
      %add3A_99 = vector.broadcast %mul3A_22 : i32 to vector<16xi32>
      %add3A_100 = arith.addi %broadcast_in_dim3A_98, %add3A_99 : vector<16xi32>
      %swap3A_101 = arith.constant 96 : index
      %swap3A_102 = tpu.vector_load %arg11[%swap3A_101] {strides = array<i32>} : memref<128xi32, #tpu.memory_space<vmem>>, vector<16xi32>,
      tpu.vector_store %arg11[%swap3A_101], %add3A_100 {strides = array<i32>} : memref<128xi32, #tpu.memory_space<vmem>>, vector<16xi32>,
      %broadcast_in_dim3A_103 = arith.constant 0.000000e+00 : f32
      %broadcast_in_dim3A_104 = vector.broadcast %broadcast_in_dim3A_103 : f32 to vector<16xf32>
      %swap3A_105 = arith.constant 112 : index
      %swap3A_106 = tpu.vector_load %arg10[%swap3A_105] {strides = array<i32>} : memref<128xf32, #tpu.memory_space<vmem>>, vector<16xf32>,
      tpu.vector_store %arg10[%swap3A_105], %broadcast_in_dim3A_104 {strides = array<i32>} : memref<128xf32, #tpu.memory_space<vmem>>, vector<16xf32>,
      %broadcast_in_dim3A_107 = arith.constant 0 : i32
      %broadcast_in_dim3A_108 = vector.broadcast %broadcast_in_dim3A_107 : i32 to vector<16xi32>
      %add3A_109 = vector.broadcast %mul3A_22 : i32 to vector<16xi32>
      %add3A_110 = arith.addi %broadcast_in_dim3A_108, %add3A_109 : vector<16xi32>
      %swap3A_111 = arith.constant 112 : index
      %swap3A_112 = tpu.vector_load %arg11[%swap3A_111] {strides = array<i32>} : memref<128xi32, #tpu.memory_space<vmem>>, vector<16xi32>,
      tpu.vector_store %arg11[%swap3A_111], %add3A_110 {strides = array<i32>} : memref<128xi32, #tpu.memory_space<vmem>>, vector<16xi32>,
      %scan3A_113 = arith.constant 0 : i32
      %scan3A_114 = arith.constant 0 : i32
      %scan3A_115 = arith.constant 48 : i32
      %scan3A_116 = arith.addi %scan3A_114, %scan3A_115 : i32
      %scan3A_117 = arith.constant 1 : i32
      scf.for %scan3A_197 = %scan3A_114 to %scan3A_116 step %scan3A_117  : i32 {
        %mul3A_198 = arith.constant 16 : i32
        %mul3A_199 = arith.muli %scan3A_197, %mul3A_198 : i32
        %get3A = arith.index_cast %mul3A_199 : i32 to index
        %get3A_200 = tpu.vector_load %arg7[%get3A] {strides = array<i32>} : memref<784xf32, #tpu.memory_space<vmem>>, vector<16xf32>,
        %mul3A_201 = arith.constant 16 : i32
        %mul3A_202 = arith.muli %scan3A_197, %mul3A_201 : i32
        %swap3A_203 = arith.index_cast %mul3A_202 : i32 to index
        %swap3A_204 = tpu.vector_load %arg9[%swap3A_203] {strides = array<i32>} : memref<784xf32, #tpu.memory_space<vmem>>, vector<16xf32>,
        tpu.vector_store %arg9[%swap3A_203], %get3A_200 {strides = array<i32>} : memref<784xf32, #tpu.memory_space<vmem>>, vector<16xf32>,
      }
      %scan3A_118 = arith.constant 48 : i32
      %while3A = arith.constant false
      %while3A_119 = arith.constant 99 : i32
      %while3A_120 = arith.constant 0.000000e+00 : f32
      %while3A_121 = arith.constant 0 : i32
      %while3A_122:5 = scf.while (%while3A_197 = %while3A, %while3A_198 = %scan3A_29#0, %while3A_199 = %while3A_119, %while3A_200 = %while3A_120, %while3A_201 = %while3A_121) : (i1, i32, i32, f32, i32) -> (i1, i32, i32, f32, i32) {
        %not3A = arith.constant true
        %not3A_202 = arith.xori %while3A_197, %not3A : i1
        scf.condition(%not3A_202) %while3A_197, %while3A_198, %while3A_199, %while3A_200, %while3A_201 : i1, i32, i32, f32, i32
      } do {
      ^bb0(%while3A_197: i1, %while3A_198: i32, %while3A_199: i32, %while3A_200: f32, %while3A_201: i32):
        %get3A = arith.constant 0 : index
        %get3A_202 = tpu.vector_load %arg9[%get3A] {strides = array<i32>} : memref<784xf32, #tpu.memory_space<vmem>>, vector<16xf32>,
        %slice3A = vector.extract_strided_slice %get3A_202 {offsets = [0], sizes = [1], strides = [1]} : vector<16xf32> to vector<1xf32>
        %squeeze3A = vector.extract %slice3A[0] : f32 from vector<1xf32>
        %add3A_203 = arith.constant 15 : i32
        %add3A_204 = arith.addi %while3A_198, %add3A_203 : i32
        %jit3A_205 = arith.constant 16 : i32
        %div3A_206 = arith.divsi %add3A_204, %jit3A_205 : i32
        %sign3A_207 = arith.constant 0 : i32
        %sign3A_208 = arith.cmpi sgt, %add3A_204, %sign3A_207 : i32
        %sign3A_209 = arith.extui %sign3A_208 : i1 to i32
        %sign3A_210 = arith.constant 0 : i32
        %sign3A_211 = arith.cmpi slt, %add3A_204, %sign3A_210 : i32
        %sign3A_212 = arith.extui %sign3A_211 : i1 to i32
        %sign3A_213 = arith.subi %sign3A_209, %sign3A_212 : i32
        %sign3A_214 = arith.constant 0 : i32
        %sign3A_215 = arith.cmpi sgt, %jit3A_205, %sign3A_214 : i32
        %sign3A_216 = arith.extui %sign3A_215 : i1 to i32
        %sign3A_217 = arith.constant 0 : i32
        %sign3A_218 = arith.cmpi slt, %jit3A_205, %sign3A_217 : i32
        %sign3A_219 = arith.extui %sign3A_218 : i1 to i32
        %sign3A_220 = arith.subi %sign3A_216, %sign3A_219 : i32
        %ne3A_221 = arith.cmpi ne, %sign3A_213, %sign3A_220 : i32
        %rem3A_222 = arith.remsi %add3A_204, %jit3A_205 : i32
        %ne3A_223 = arith.constant 0 : i32
        %ne3A_224 = arith.cmpi ne, %rem3A_222, %ne3A_223 : i32
        %and3A_225 = arith.andi %ne3A_221, %ne3A_224 : i1
        %sub3A_226 = arith.constant 1 : i32
        %sub3A_227 = arith.subi %div3A_206, %sub3A_226 : i32
        %select_n3A_228 = arith.select %and3A_225, %sub3A_227, %div3A_206 : i32
        %broadcast_in_dim3A_229 = arith.constant 0 : i32
        %broadcast_in_dim3A_230 = vector.broadcast %broadcast_in_dim3A_229 : i32 to vector<16xi32>
        %while3A_231 = arith.constant 0 : i32
        %while3A_232 = arith.subi %select_n3A_228, %while3A_231 : i32
        %while3A_233 = arith.addi %while3A_231, %while3A_232 : i32
        %while3A_234 = arith.constant 1 : i32
        %while3A_235 = arith.divsi %while3A_232, %while3A_234 : i32
        %while3A_236 = arith.muli %while3A_235, %while3A_234 : i32
        %while3A_237 = arith.addi %while3A_231, %while3A_236 : i32
        %while3A_238 = arith.constant 1 : i32
        %while3A_239:2 = scf.for %while3A_252 = %while3A_231 to %while3A_237 step %while3A_238 iter_args(%while3A_253 = %broadcast_in_dim3A_230, %while3A_254 = %broadcast_in_dim3A_230) -> (vector<16xi32>, vector<16xi32>)  : i32 {
          %mul3A_255 = arith.constant 16 : i32
          %mul3A_256 = arith.muli %while3A_252, %mul3A_255 : i32
          %get3A_257 = arith.index_cast %mul3A_256 : i32 to index
          %get3A_258 = tpu.vector_load %arg9[%get3A_257] {strides = array<i32>} : memref<784xf32, #tpu.memory_space<vmem>>, vector<16xf32>,
          %mul3A_259 = arith.constant 16 : i32
          %mul3A_260 = arith.muli %while3A_252, %mul3A_259 : i32
          %add3A_261 = vector.broadcast %mul3A_260 : i32 to vector<16xi32>
          %add3A_262 = arith.addi %iota3A, %add3A_261 : vector<16xi32>
          %lt3A_263 = vector.broadcast %while3A_198 : i32 to vector<16xi32>
          %lt3A_264 = arith.cmpi slt, %add3A_262, %lt3A_263 : vector<16xi32>
          %gt3A_265 = vector.broadcast %squeeze3A : f32 to vector<16xf32>
          %gt3A_266 = arith.cmpf ogt, %get3A_258, %gt3A_265 : vector<16xf32>
          %and3A_267 = arith.andi %lt3A_264, %gt3A_266 : vector<16xi1>
          %eq3A_268 = vector.broadcast %squeeze3A : f32 to vector<16xf32>
          %eq3A_269 = arith.cmpf oeq, %get3A_258, %eq3A_268 : vector<16xf32>
          %and3A_270 = arith.andi %lt3A_264, %eq3A_269 : vector<16xi1>
          %all_reduce_population_count3A = tpu.all_reduce %and3A_267 {dim = 0 : i64, kind = #tpu.reduction_kind<sum>} : vector<16xi1> -> vector<16xi32>
          %add3A_271 = arith.addi %while3A_253, %all_reduce_population_count3A : vector<16xi32>
          %all_reduce_population_count3A_272 = tpu.all_reduce %and3A_270 {dim = 0 : i64, kind = #tpu.reduction_kind<sum>} : vector<16xi1> -> vector<16xi32>
          %add3A_273 = arith.addi %while3A_254, %all_reduce_population_count3A_272 : vector<16xi32>
          scf.yield %add3A_271, %add3A_273 : vector<16xi32>, vector<16xi32>
        }
        %while3A_240 = arith.constant 1 : i32
        %while3A_241:2 = scf.for %while3A_252 = %while3A_237 to %while3A_233 step %while3A_240 iter_args(%while3A_253 = %while3A_239#0, %while3A_254 = %while3A_239#1) -> (vector<16xi32>, vector<16xi32>)  : i32 {
          %mul3A_255 = arith.constant 16 : i32
          %mul3A_256 = arith.muli %while3A_252, %mul3A_255 : i32
          %get3A_257 = arith.index_cast %mul3A_256 : i32 to index
          %get3A_258 = tpu.vector_load %arg9[%get3A_257] {strides = array<i32>} : memref<784xf32, #tpu.memory_space<vmem>>, vector<16xf32>,
          %mul3A_259 = arith.constant 16 : i32
          %mul3A_260 = arith.muli %while3A_252, %mul3A_259 : i32
          %add3A_261 = vector.broadcast %mul3A_260 : i32 to vector<16xi32>
          %add3A_262 = arith.addi %iota3A, %add3A_261 : vector<16xi32>
          %lt3A_263 = vector.broadcast %while3A_198 : i32 to vector<16xi32>
          %lt3A_264 = arith.cmpi slt, %add3A_262, %lt3A_263 : vector<16xi32>
          %gt3A_265 = vector.broadcast %squeeze3A : f32 to vector<16xf32>
          %gt3A_266 = arith.cmpf ogt, %get3A_258, %gt3A_265 : vector<16xf32>
          %and3A_267 = arith.andi %lt3A_264, %gt3A_266 : vector<16xi1>
          %eq3A_268 = vector.broadcast %squeeze3A : f32 to vector<16xf32>
          %eq3A_269 = arith.cmpf oeq, %get3A_258, %eq3A_268 : vector<16xf32>
          %and3A_270 = arith.andi %lt3A_264, %eq3A_269 : vector<16xi1>
          %all_reduce_population_count3A = tpu.all_reduce %and3A_267 {dim = 0 : i64, kind = #tpu.reduction_kind<sum>} : vector<16xi1> -> vector<16xi32>
          %add3A_271 = arith.addi %while3A_253, %all_reduce_population_count3A : vector<16xi32>
          %all_reduce_population_count3A_272 = tpu.all_reduce %and3A_270 {dim = 0 : i64, kind = #tpu.reduction_kind<sum>} : vector<16xi1> -> vector<16xi32>
          %add3A_273 = arith.addi %while3A_254, %all_reduce_population_count3A_272 : vector<16xi32>
          scf.yield %add3A_271, %add3A_273 : vector<16xi32>, vector<16xi32>
        }
        %slice3A_242 = vector.extract_strided_slice %while3A_241#0 {offsets = [0], sizes = [1], strides = [1]} : vector<16xi32> to vector<1xi32>
        %squeeze3A_243 = vector.extract %slice3A_242[0] : i32 from vector<1xi32>
        %slice3A_244 = vector.extract_strided_slice %while3A_241#1 {offsets = [0], sizes = [1], strides = [1]} : vector<16xi32> to vector<1xi32>
        %squeeze3A_245 = vector.extract %slice3A_244[0] : i32 from vector<1xi32>
        %le3A = arith.cmpi sle, %squeeze3A_243, %while3A_199 : i32
        %add3A_246 = arith.addi %squeeze3A_243, %squeeze3A_245 : i32
        %gt3A = arith.cmpi sgt, %add3A_246, %while3A_199 : i32
        %and3A_247 = arith.andi %le3A, %gt3A : i1
        %convert_element_type3A_248 = arith.extui %and3A_247 : i1 to i32
        %cond3A_249 = arith.constant 0 : i32
        %cond3A_250 = arith.cmpi ne, %convert_element_type3A_248, %cond3A_249 : i32
        %cond3A_251:5 = scf.if %cond3A_250 -> (i1, i32, i32, f32, i32) {
          %sub3A_252 = arith.subi %while3A_199, %squeeze3A_243 : i32
          %add3A_253 = arith.constant 1 : i32
          %add3A_254 = arith.addi %sub3A_252, %add3A_253 : i32
          %cond3A_255 = arith.constant true
          scf.yield %cond3A_255, %while3A_198, %while3A_199, %squeeze3A, %add3A_254 : i1, i32, i32, f32, i32
        } else {
          %gt3A_252 = arith.cmpi sgt, %squeeze3A_243, %while3A_199 : i32
          %broadcast_in_dim3A_253 = arith.constant 0 : i32
          %broadcast_in_dim3A_254 = vector.broadcast %broadcast_in_dim3A_253 : i32 to vector<16xi32>
          %while3A_255 = arith.constant 0 : i32
          %while3A_256 = arith.subi %select_n3A_228, %while3A_255 : i32
          %while3A_257 = arith.addi %while3A_255, %while3A_256 : i32
          %while3A_258 = arith.constant 1 : i32
          %while3A_259 = arith.divsi %while3A_256, %while3A_258 : i32
          %while3A_260 = arith.muli %while3A_259, %while3A_258 : i32
          %while3A_261 = arith.addi %while3A_255, %while3A_260 : i32
          %while3A_262 = arith.constant 1 : i32
          %while3A_263 = scf.for %while3A_272 = %while3A_255 to %while3A_261 step %while3A_262 iter_args(%while3A_273 = %broadcast_in_dim3A_254) -> (vector<16xi32>)  : i32 {
            %mul3A_274 = arith.constant 16 : i32
            %mul3A_275 = arith.muli %while3A_272, %mul3A_274 : i32
            %get3A_276 = arith.index_cast %mul3A_275 : i32 to index
            %get3A_277 = tpu.vector_load %arg9[%get3A_276] {strides = array<i32>} : memref<784xf32, #tpu.memory_space<vmem>>, vector<16xf32>,
            %mul3A_278 = arith.constant 16 : i32
            %mul3A_279 = arith.muli %while3A_272, %mul3A_278 : i32
            %add3A_280 = vector.broadcast %mul3A_279 : i32 to vector<16xi32>
            %add3A_281 = arith.addi %iota3A, %add3A_280 : vector<16xi32>
            %lt3A_282 = vector.broadcast %while3A_198 : i32 to vector<16xi32>
            %lt3A_283 = arith.cmpi slt, %add3A_281, %lt3A_282 : vector<16xi32>
            %gt3A_284 = vector.broadcast %squeeze3A : f32 to vector<16xf32>
            %gt3A_285 = arith.cmpf ogt, %get3A_277, %gt3A_284 : vector<16xf32>
            %and3A_286 = arith.andi %lt3A_283, %gt3A_285 : vector<16xi1>
            %lt3A_287 = vector.broadcast %squeeze3A : f32 to vector<16xf32>
            %lt3A_288 = arith.cmpf olt, %get3A_277, %lt3A_287 : vector<16xf32>
            %and3A_289 = arith.andi %lt3A_283, %lt3A_288 : vector<16xi1>
            %and3A_290 = vector.broadcast %gt3A_252 : i1 to vector<16xi1>
            %and3A_291 = arith.andi %and3A_286, %and3A_290 : vector<16xi1>
            %not3A = arith.constant true
            %not3A_292 = arith.xori %gt3A_252, %not3A : i1
            %and3A_293 = vector.broadcast %not3A_292 : i1 to vector<16xi1>
            %and3A_294 = arith.andi %and3A_289, %and3A_293 : vector<16xi1>
            %or3A = arith.ori %and3A_291, %and3A_294 : vector<16xi1>
            %convert_element_type3A_295 = arith.extui %or3A : vector<16xi1> to vector<16xi32>
            %broadcast_in_dim3A_296 = arith.constant true
            %broadcast_in_dim3A_297 = vector.broadcast %broadcast_in_dim3A_296 : i1 to vector<16xi1>
            %masked_cumsum3A = tpu.scan <sum>, %convert_element_type3A_295 masked %broadcast_in_dim3A_297 : vector<16xi32>, vector<16xi1> -> vector<16xi32>
            %add3A_298 = arith.addi %while3A_273, %masked_cumsum3A : vector<16xi32>
            %sub3A_299 = arith.constant 1 : i32
            %sub3A_300 = vector.broadcast %sub3A_299 : i32 to vector<16xi32>
            %sub3A_301 = arith.subi %add3A_298, %sub3A_300 : vector<16xi32>
            tpu.vector_store_idx %arg9[%sub3A_301], %get3A_277 masked %or3A : memref<784xf32, #tpu.memory_space<vmem>>[vector<16xi32>], vector<16xf32>, vector<16xi1>
            %all_reduce_population_count3A = tpu.all_reduce %or3A {dim = 0 : i64, kind = #tpu.reduction_kind<sum>} : vector<16xi1> -> vector<16xi32>
            %add3A_302 = arith.addi %while3A_273, %all_reduce_population_count3A : vector<16xi32>
            scf.yield %add3A_302 : vector<16xi32>
          }
          %while3A_264 = arith.constant 1 : i32
          %while3A_265 = scf.for %while3A_272 = %while3A_261 to %while3A_257 step %while3A_264 iter_args(%while3A_273 = %while3A_263) -> (vector<16xi32>)  : i32 {
            %mul3A_274 = arith.constant 16 : i32
            %mul3A_275 = arith.muli %while3A_272, %mul3A_274 : i32
            %get3A_276 = arith.index_cast %mul3A_275 : i32 to index
            %get3A_277 = tpu.vector_load %arg9[%get3A_276] {strides = array<i32>} : memref<784xf32, #tpu.memory_space<vmem>>, vector<16xf32>,
            %mul3A_278 = arith.constant 16 : i32
            %mul3A_279 = arith.muli %while3A_272, %mul3A_278 : i32
            %add3A_280 = vector.broadcast %mul3A_279 : i32 to vector<16xi32>
            %add3A_281 = arith.addi %iota3A, %add3A_280 : vector<16xi32>
            %lt3A_282 = vector.broadcast %while3A_198 : i32 to vector<16xi32>
            %lt3A_283 = arith.cmpi slt, %add3A_281, %lt3A_282 : vector<16xi32>
            %gt3A_284 = vector.broadcast %squeeze3A : f32 to vector<16xf32>
            %gt3A_285 = arith.cmpf ogt, %get3A_277, %gt3A_284 : vector<16xf32>
            %and3A_286 = arith.andi %lt3A_283, %gt3A_285 : vector<16xi1>
            %lt3A_287 = vector.broadcast %squeeze3A : f32 to vector<16xf32>
            %lt3A_288 = arith.cmpf olt, %get3A_277, %lt3A_287 : vector<16xf32>
            %and3A_289 = arith.andi %lt3A_283, %lt3A_288 : vector<16xi1>
            %and3A_290 = vector.broadcast %gt3A_252 : i1 to vector<16xi1>
            %and3A_291 = arith.andi %and3A_286, %and3A_290 : vector<16xi1>
            %not3A = arith.constant true
            %not3A_292 = arith.xori %gt3A_252, %not3A : i1
            %and3A_293 = vector.broadcast %not3A_292 : i1 to vector<16xi1>
            %and3A_294 = arith.andi %and3A_289, %and3A_293 : vector<16xi1>
            %or3A = arith.ori %and3A_291, %and3A_294 : vector<16xi1>
            %convert_element_type3A_295 = arith.extui %or3A : vector<16xi1> to vector<16xi32>
            %broadcast_in_dim3A_296 = arith.constant true
            %broadcast_in_dim3A_297 = vector.broadcast %broadcast_in_dim3A_296 : i1 to vector<16xi1>
            %masked_cumsum3A = tpu.scan <sum>, %convert_element_type3A_295 masked %broadcast_in_dim3A_297 : vector<16xi32>, vector<16xi1> -> vector<16xi32>
            %add3A_298 = arith.addi %while3A_273, %masked_cumsum3A : vector<16xi32>
            %sub3A_299 = arith.constant 1 : i32
            %sub3A_300 = vector.broadcast %sub3A_299 : i32 to vector<16xi32>
            %sub3A_301 = arith.subi %add3A_298, %sub3A_300 : vector<16xi32>
            tpu.vector_store_idx %arg9[%sub3A_301], %get3A_277 masked %or3A : memref<784xf32, #tpu.memory_space<vmem>>[vector<16xi32>], vector<16xf32>, vector<16xi1>
            %all_reduce_population_count3A = tpu.all_reduce %or3A {dim = 0 : i64, kind = #tpu.reduction_kind<sum>} : vector<16xi1> -> vector<16xi32>
            %add3A_302 = arith.addi %while3A_273, %all_reduce_population_count3A : vector<16xi32>
            scf.yield %add3A_302 : vector<16xi32>
          }
          %slice3A_266 = vector.extract_strided_slice %while3A_265 {offsets = [0], sizes = [1], strides = [1]} : vector<16xi32> to vector<1xi32>
          %squeeze3A_267 = vector.extract %slice3A_266[0] : i32 from vector<1xi32>
          %add3A_268 = arith.addi %squeeze3A_243, %squeeze3A_245 : i32
          %sub3A_269 = arith.subi %while3A_199, %add3A_268 : i32
          %select_n3A_270 = arith.select %gt3A_252, %while3A_199, %sub3A_269 : i32
          %cond3A_271 = arith.constant false
          scf.yield %cond3A_271, %squeeze3A_267, %select_n3A_270, %while3A_200, %while3A_201 : i1, i32, i32, f32, i32
        }
        scf.yield %cond3A_251#0, %cond3A_251#1, %cond3A_251#2, %cond3A_251#3, %cond3A_251#4 : i1, i32, i32, f32, i32
      }
      %add3A_123 = arith.constant 15 : i32
      %add3A_124 = arith.addi %scan3A_29#0, %add3A_123 : i32
      %jit3A = arith.constant 16 : i32
      %div3A = arith.divsi %add3A_124, %jit3A : i32
      %sign3A = arith.constant 0 : i32
      %sign3A_125 = arith.cmpi sgt, %add3A_124, %sign3A : i32
      %sign3A_126 = arith.extui %sign3A_125 : i1 to i32
      %sign3A_127 = arith.constant 0 : i32
      %sign3A_128 = arith.cmpi slt, %add3A_124, %sign3A_127 : i32
      %sign3A_129 = arith.extui %sign3A_128 : i1 to i32
      %sign3A_130 = arith.subi %sign3A_126, %sign3A_129 : i32
      %sign3A_131 = arith.constant 0 : i32
      %sign3A_132 = arith.cmpi sgt, %jit3A, %sign3A_131 : i32
      %sign3A_133 = arith.extui %sign3A_132 : i1 to i32
      %sign3A_134 = arith.constant 0 : i32
      %sign3A_135 = arith.cmpi slt, %jit3A, %sign3A_134 : i32
      %sign3A_136 = arith.extui %sign3A_135 : i1 to i32
      %sign3A_137 = arith.subi %sign3A_133, %sign3A_136 : i32
      %ne3A = arith.cmpi ne, %sign3A_130, %sign3A_137 : i32
      %rem3A = arith.remsi %add3A_124, %jit3A : i32
      %ne3A_138 = arith.constant 0 : i32
      %ne3A_139 = arith.cmpi ne, %rem3A, %ne3A_138 : i32
      %and3A = arith.andi %ne3A, %ne3A_139 : i1
      %sub3A = arith.constant 1 : i32
      %sub3A_140 = arith.subi %div3A, %sub3A : i32
      %select_n3A = arith.select %and3A, %sub3A_140, %div3A : i32
      %broadcast_in_dim3A_141 = arith.constant 0 : i32
      %broadcast_in_dim3A_142 = vector.broadcast %broadcast_in_dim3A_141 : i32 to vector<16xi32>
      %while3A_143 = arith.constant 0 : i32
      %while3A_144 = arith.subi %select_n3A, %while3A_143 : i32
      %while3A_145 = arith.addi %while3A_143, %while3A_144 : i32
      %while3A_146 = arith.constant 1 : i32
      %while3A_147 = arith.divsi %while3A_144, %while3A_146 : i32
      %while3A_148 = arith.muli %while3A_147, %while3A_146 : i32
      %while3A_149 = arith.addi %while3A_143, %while3A_148 : i32
      %while3A_150 = arith.constant 1 : i32
      %while3A_151:2 = scf.for %while3A_197 = %while3A_143 to %while3A_149 step %while3A_150 iter_args(%while3A_198 = %broadcast_in_dim3A_142, %while3A_199 = %broadcast_in_dim3A_142) -> (vector<16xi32>, vector<16xi32>)  : i32 {
        %mul3A_200 = arith.constant 16 : i32
        %mul3A_201 = arith.muli %while3A_197, %mul3A_200 : i32
        %get3A = arith.index_cast %mul3A_201 : i32 to index
        %get3A_202 = tpu.vector_load %arg7[%get3A] {strides = array<i32>} : memref<784xf32, #tpu.memory_space<vmem>>, vector<16xf32>,
        %mul3A_203 = arith.constant 16 : i32
        %mul3A_204 = arith.muli %while3A_197, %mul3A_203 : i32
        %get3A_205 = arith.index_cast %mul3A_204 : i32 to index
        %get3A_206 = tpu.vector_load %arg8[%get3A_205] {strides = array<i32>} : memref<784xi32, #tpu.memory_space<vmem>>, vector<16xi32>,
        %mul3A_207 = arith.constant 16 : i32
        %mul3A_208 = arith.muli %while3A_197, %mul3A_207 : i32
        %add3A_209 = vector.broadcast %mul3A_208 : i32 to vector<16xi32>
        %add3A_210 = arith.addi %iota3A, %add3A_209 : vector<16xi32>
        %lt3A_211 = vector.broadcast %scan3A_29#0 : i32 to vector<16xi32>
        %lt3A_212 = arith.cmpi slt, %add3A_210, %lt3A_211 : vector<16xi32>
        %gt3A = vector.broadcast %while3A_122#3 : f32 to vector<16xf32>
        %gt3A_213 = arith.cmpf ogt, %get3A_202, %gt3A : vector<16xf32>
        %and3A_214 = arith.andi %lt3A_212, %gt3A_213 : vector<16xi1>
        %eq3A_215 = vector.broadcast %while3A_122#3 : f32 to vector<16xf32>
        %eq3A_216 = arith.cmpf oeq, %get3A_202, %eq3A_215 : vector<16xf32>
        %and3A_217 = arith.andi %lt3A_212, %eq3A_216 : vector<16xi1>
        %convert_element_type3A_218 = arith.extui %and3A_217 : vector<16xi1> to vector<16xi32>
        %broadcast_in_dim3A_219 = arith.constant true
        %broadcast_in_dim3A_220 = vector.broadcast %broadcast_in_dim3A_219 : i1 to vector<16xi1>
        %masked_cumsum3A = tpu.scan <sum>, %convert_element_type3A_218 masked %broadcast_in_dim3A_220 : vector<16xi32>, vector<16xi1> -> vector<16xi32>
        %add3A_221 = arith.addi %masked_cumsum3A, %while3A_199 : vector<16xi32>
        %le3A = vector.broadcast %while3A_122#4 : i32 to vector<16xi32>
        %le3A_222 = arith.cmpi sle, %add3A_221, %le3A : vector<16xi32>
        %and3A_223 = arith.andi %and3A_217, %le3A_222 : vector<16xi1>
        %or3A = arith.ori %and3A_214, %and3A_223 : vector<16xi1>
        %convert_element_type3A_224 = arith.extui %or3A : vector<16xi1> to vector<16xi32>
        %broadcast_in_dim3A_225 = arith.constant true
        %broadcast_in_dim3A_226 = vector.broadcast %broadcast_in_dim3A_225 : i1 to vector<16xi1>
        %masked_cumsum3A_227 = tpu.scan <sum>, %convert_element_type3A_224 masked %broadcast_in_dim3A_226 : vector<16xi32>, vector<16xi1> -> vector<16xi32>
        %add3A_228 = arith.addi %while3A_198, %masked_cumsum3A_227 : vector<16xi32>
        %sub3A_229 = arith.constant 1 : i32
        %sub3A_230 = vector.broadcast %sub3A_229 : i32 to vector<16xi32>
        %sub3A_231 = arith.subi %add3A_228, %sub3A_230 : vector<16xi32>
        tpu.vector_store_idx %arg10[%sub3A_231], %get3A_202 masked %or3A : memref<128xf32, #tpu.memory_space<vmem>>[vector<16xi32>], vector<16xf32>, vector<16xi1>
        tpu.vector_store_idx %arg11[%sub3A_231], %get3A_206 masked %or3A : memref<128xi32, #tpu.memory_space<vmem>>[vector<16xi32>], vector<16xi32>, vector<16xi1>
        %all_reduce_population_count3A = tpu.all_reduce %or3A {dim = 0 : i64, kind = #tpu.reduction_kind<sum>} : vector<16xi1> -> vector<16xi32>
        %add3A_232 = arith.addi %while3A_198, %all_reduce_population_count3A : vector<16xi32>
        %all_reduce_population_count3A_233 = tpu.all_reduce %and3A_217 {dim = 0 : i64, kind = #tpu.reduction_kind<sum>} : vector<16xi1> -> vector<16xi32>
        %add3A_234 = arith.addi %while3A_199, %all_reduce_population_count3A_233 : vector<16xi32>
        scf.yield %add3A_232, %add3A_234 : vector<16xi32>, vector<16xi32>
      }
      %while3A_152 = arith.constant 1 : i32
      %while3A_153:2 = scf.for %while3A_197 = %while3A_149 to %while3A_145 step %while3A_152 iter_args(%while3A_198 = %while3A_151#0, %while3A_199 = %while3A_151#1) -> (vector<16xi32>, vector<16xi32>)  : i32 {
        %mul3A_200 = arith.constant 16 : i32
        %mul3A_201 = arith.muli %while3A_197, %mul3A_200 : i32
        %get3A = arith.index_cast %mul3A_201 : i32 to index
        %get3A_202 = tpu.vector_load %arg7[%get3A] {strides = array<i32>} : memref<784xf32, #tpu.memory_space<vmem>>, vector<16xf32>,
        %mul3A_203 = arith.constant 16 : i32
        %mul3A_204 = arith.muli %while3A_197, %mul3A_203 : i32
        %get3A_205 = arith.index_cast %mul3A_204 : i32 to index
        %get3A_206 = tpu.vector_load %arg8[%get3A_205] {strides = array<i32>} : memref<784xi32, #tpu.memory_space<vmem>>, vector<16xi32>,
        %mul3A_207 = arith.constant 16 : i32
        %mul3A_208 = arith.muli %while3A_197, %mul3A_207 : i32
        %add3A_209 = vector.broadcast %mul3A_208 : i32 to vector<16xi32>
        %add3A_210 = arith.addi %iota3A, %add3A_209 : vector<16xi32>
        %lt3A_211 = vector.broadcast %scan3A_29#0 : i32 to vector<16xi32>
        %lt3A_212 = arith.cmpi slt, %add3A_210, %lt3A_211 : vector<16xi32>
        %gt3A = vector.broadcast %while3A_122#3 : f32 to vector<16xf32>
        %gt3A_213 = arith.cmpf ogt, %get3A_202, %gt3A : vector<16xf32>
        %and3A_214 = arith.andi %lt3A_212, %gt3A_213 : vector<16xi1>
        %eq3A_215 = vector.broadcast %while3A_122#3 : f32 to vector<16xf32>
        %eq3A_216 = arith.cmpf oeq, %get3A_202, %eq3A_215 : vector<16xf32>
        %and3A_217 = arith.andi %lt3A_212, %eq3A_216 : vector<16xi1>
        %convert_element_type3A_218 = arith.extui %and3A_217 : vector<16xi1> to vector<16xi32>
        %broadcast_in_dim3A_219 = arith.constant true
        %broadcast_in_dim3A_220 = vector.broadcast %broadcast_in_dim3A_219 : i1 to vector<16xi1>
        %masked_cumsum3A = tpu.scan <sum>, %convert_element_type3A_218 masked %broadcast_in_dim3A_220 : vector<16xi32>, vector<16xi1> -> vector<16xi32>
        %add3A_221 = arith.addi %masked_cumsum3A, %while3A_199 : vector<16xi32>
        %le3A = vector.broadcast %while3A_122#4 : i32 to vector<16xi32>
        %le3A_222 = arith.cmpi sle, %add3A_221, %le3A : vector<16xi32>
        %and3A_223 = arith.andi %and3A_217, %le3A_222 : vector<16xi1>
        %or3A = arith.ori %and3A_214, %and3A_223 : vector<16xi1>
        %convert_element_type3A_224 = arith.extui %or3A : vector<16xi1> to vector<16xi32>
        %broadcast_in_dim3A_225 = arith.constant true
        %broadcast_in_dim3A_226 = vector.broadcast %broadcast_in_dim3A_225 : i1 to vector<16xi1>
        %masked_cumsum3A_227 = tpu.scan <sum>, %convert_element_type3A_224 masked %broadcast_in_dim3A_226 : vector<16xi32>, vector<16xi1> -> vector<16xi32>
        %add3A_228 = arith.addi %while3A_198, %masked_cumsum3A_227 : vector<16xi32>
        %sub3A_229 = arith.constant 1 : i32
        %sub3A_230 = vector.broadcast %sub3A_229 : i32 to vector<16xi32>
        %sub3A_231 = arith.subi %add3A_228, %sub3A_230 : vector<16xi32>
        tpu.vector_store_idx %arg10[%sub3A_231], %get3A_202 masked %or3A : memref<128xf32, #tpu.memory_space<vmem>>[vector<16xi32>], vector<16xf32>, vector<16xi1>
        tpu.vector_store_idx %arg11[%sub3A_231], %get3A_206 masked %or3A : memref<128xi32, #tpu.memory_space<vmem>>[vector<16xi32>], vector<16xi32>, vector<16xi1>
        %all_reduce_population_count3A = tpu.all_reduce %or3A {dim = 0 : i64, kind = #tpu.reduction_kind<sum>} : vector<16xi1> -> vector<16xi32>
        %add3A_232 = arith.addi %while3A_198, %all_reduce_population_count3A : vector<16xi32>
        %all_reduce_population_count3A_233 = tpu.all_reduce %and3A_217 {dim = 0 : i64, kind = #tpu.reduction_kind<sum>} : vector<16xi1> -> vector<16xi32>
        %add3A_234 = arith.addi %while3A_199, %all_reduce_population_count3A_233 : vector<16xi32>
        scf.yield %add3A_232, %add3A_234 : vector<16xi32>, vector<16xi32>
      }
      %dma_start3A_154 = arith.constant 0 : i32
      %dma_start3A_155 = tpu.memref_slice %arg2[%dma_start3A_154] : memref<12800000xf32, #tpu.memory_space<hbm>> -> memref<12800000xf32, #tpu.memory_space<hbm>>
      tpu.enqueue_indirect_dma source(%dma_start3A_155 : memref<12800000xf32, #tpu.memory_space<hbm>>) target(%arg12 : memref<128xf32, #tpu.memory_space<vmem>>) offsets(%arg11 : memref<128xi32, #tpu.memory_space<vmem>>) semaphore(%arg16 : memref<!tpu.dma_semaphore, #tpu.memory_space<semaphore_mem>>)
      %dma_wait3A = arith.constant 0 : i32
      %dma_wait3A_156 = tpu.memref_slice %arg2[%dma_wait3A] : memref<12800000xf32, #tpu.memory_space<hbm>> -> memref<12800000xf32, #tpu.memory_space<hbm>>
      tpu.wait_indirect_dma semaphore(%arg16 : memref<!tpu.dma_semaphore, #tpu.memory_space<semaphore_mem>>) src(%dma_wait3A_156 : memref<12800000xf32, #tpu.memory_space<hbm>>) dst(%arg12 : memref<128xf32, #tpu.memory_space<vmem>>)
      %broadcast_in_dim3A_157 = arith.constant 0.000000e+00 : f32
      %broadcast_in_dim3A_158 = vector.broadcast %broadcast_in_dim3A_157 : f32 to vector<16xf32>
      %scan3A_159 = arith.constant 0 : i32
      %scan3A_160 = arith.constant 7 : i32
      %scan3A_161 = arith.addi %scan3A_159, %scan3A_160 : i32
      %scan3A_162 = arith.constant 1 : i32
      %scan3A_163:3 = scf.for %scan3A_197 = %scan3A_159 to %scan3A_161 step %scan3A_162 iter_args(%scan3A_198 = %broadcast_in_dim3A_158, %scan3A_199 = %broadcast_in_dim3A_158, %scan3A_200 = %broadcast_in_dim3A_158) -> (vector<16xf32>, vector<16xf32>, vector<16xf32>)  : i32 {
        %mul3A_201 = arith.constant 16 : i32
        %mul3A_202 = arith.muli %scan3A_197, %mul3A_201 : i32
        %get3A = arith.index_cast %mul3A_202 : i32 to index
        %get3A_203 = tpu.vector_load %arg10[%get3A] {strides = array<i32>} : memref<128xf32, #tpu.memory_space<vmem>>, vector<16xf32>,
        %mul3A_204 = arith.constant 16 : i32
        %mul3A_205 = arith.muli %scan3A_197, %mul3A_204 : i32
        %get3A_206 = arith.index_cast %mul3A_205 : i32 to index
        %get3A_207 = tpu.vector_load %arg12[%get3A_206] {strides = array<i32>} : memref<128xf32, #tpu.memory_space<vmem>>, vector<16xf32>,
        %mul3A_208 = arith.constant 16 : i32
        %mul3A_209 = arith.muli %scan3A_197, %mul3A_208 : i32
        %add3A_210 = vector.broadcast %mul3A_209 : i32 to vector<16xi32>
        %add3A_211 = arith.addi %iota3A, %add3A_210 : vector<16xi32>
        %lt3A_212 = arith.constant 100 : i32
        %lt3A_213 = vector.broadcast %lt3A_212 : i32 to vector<16xi32>
        %lt3A_214 = arith.cmpi slt, %add3A_211, %lt3A_213 : vector<16xi32>
        %jit3A_215 = arith.constant 0.000000e+00 : f32
        %broadcast_in_dim3A_216 = vector.broadcast %jit3A_215 : f32 to vector<16xf32>
        %select_n3A_217 = arith.select %lt3A_214, %get3A_207, %broadcast_in_dim3A_216 : vector<16xi1>, vector<16xf32>
        %mul3A_218 = arith.mulf %select_n3A_217, %get3A_203 : vector<16xf32>
        %add3A_219 = arith.addf %scan3A_198, %mul3A_218 : vector<16xf32>
        %mul3A_220 = arith.mulf %select_n3A_217, %select_n3A_217 : vector<16xf32>
        %add3A_221 = arith.addf %scan3A_199, %mul3A_220 : vector<16xf32>
        %mul3A_222 = arith.mulf %get3A_203, %get3A_203 : vector<16xf32>
        %add3A_223 = arith.addf %scan3A_200, %mul3A_222 : vector<16xf32>
        scf.yield %add3A_219, %add3A_221, %add3A_223 : vector<16xf32>, vector<16xf32>, vector<16xf32>
      }
      %scan3A_164 = arith.constant 7 : i32
      %reduce_sum3A = arith.constant true
      %reduce_sum3A_165 = vector.broadcast %reduce_sum3A : i1 to vector<16xi1>
      %reduce_sum3A_166 = tpu.scan <sum>, %scan3A_163#0 masked %reduce_sum3A_165 : vector<16xf32>, vector<16xi1> -> vector<16xf32>
      %reduce_sum3A_167 = vector.extract %reduce_sum3A_166[15] : f32 from vector<16xf32>
      %reduce_sum3A_168 = arith.constant true
      %reduce_sum3A_169 = vector.broadcast %reduce_sum3A_168 : i1 to vector<16xi1>
      %reduce_sum3A_170 = tpu.scan <sum>, %scan3A_163#1 masked %reduce_sum3A_169 : vector<16xf32>, vector<16xi1> -> vector<16xf32>
      %reduce_sum3A_171 = vector.extract %reduce_sum3A_170[15] : f32 from vector<16xf32>
      %reduce_sum3A_172 = arith.constant true
      %reduce_sum3A_173 = vector.broadcast %reduce_sum3A_172 : i1 to vector<16xi1>
      %reduce_sum3A_174 = tpu.scan <sum>, %scan3A_163#2 masked %reduce_sum3A_173 : vector<16xf32>, vector<16xi1> -> vector<16xf32>
      %reduce_sum3A_175 = vector.extract %reduce_sum3A_174[15] : f32 from vector<16xf32>
      %eq3A = arith.constant 0 : i32
      %eq3A_176 = vector.broadcast %eq3A : i32 to vector<16xi32>
      %eq3A_177 = arith.cmpi eq, %iota3A, %eq3A_176 : vector<16xi32>
      %eq3A_178 = arith.constant 1 : i32
      %eq3A_179 = vector.broadcast %eq3A_178 : i32 to vector<16xi32>
      %eq3A_180 = arith.cmpi eq, %iota3A, %eq3A_179 : vector<16xi32>
      %eq3A_181 = arith.constant 2 : i32
      %eq3A_182 = vector.broadcast %eq3A_181 : i32 to vector<16xi32>
      %eq3A_183 = arith.cmpi eq, %iota3A, %eq3A_182 : vector<16xi32>
      %jit3A_184 = arith.constant 0.000000e+00 : f32
      %broadcast_in_dim3A_185 = vector.broadcast %reduce_sum3A_175 : f32 to vector<16xf32>
      %broadcast_in_dim3A_186 = vector.broadcast %jit3A_184 : f32 to vector<16xf32>
      %select_n3A_187 = arith.select %eq3A_183, %broadcast_in_dim3A_185, %broadcast_in_dim3A_186 : vector<16xi1>, vector<16xf32>
      %broadcast_in_dim3A_188 = vector.broadcast %reduce_sum3A_171 : f32 to vector<16xf32>
      %select_n3A_189 = arith.select %eq3A_180, %broadcast_in_dim3A_188, %select_n3A_187 : vector<16xi1>, vector<16xf32>
      %broadcast_in_dim3A_190 = vector.broadcast %reduce_sum3A_167 : f32 to vector<16xf32>
      %select_n3A_191 = arith.select %eq3A_177, %broadcast_in_dim3A_190, %select_n3A_189 : vector<16xi1>, vector<16xf32>
      %swap3A_192 = arith.constant 0 : index
      %swap3A_193 = tpu.vector_load %arg13[%swap3A_192] {strides = array<i32>} : memref<16xf32, #tpu.memory_space<vmem>>, vector<16xf32>,
      tpu.vector_store %arg13[%swap3A_192], %select_n3A_191 {strides = array<i32>} : memref<16xf32, #tpu.memory_space<vmem>>, vector<16xf32>,
      %mul3A_194 = arith.constant 16 : i32
      %mul3A_195 = arith.muli %add3A_20, %mul3A_194 : i32
      "tpu.region"() ({
        %run_scoped3A = tpu.sem_alloc : memref<!tpu.dma_semaphore, #tpu.memory_space<semaphore_mem>>
        %dma_start3A_197 = tpu.memref_slice %arg4[%mul3A_195] : memref<2048xf32, #tpu.memory_space<hbm>> -> memref<16xf32, #tpu.memory_space<hbm>>
        %dma_start3A_198 = tpu.memref_slice %arg4[%mul3A_195] : memref<2048xf32, #tpu.memory_space<hbm>> -> memref<16xf32, #tpu.memory_space<hbm>>
        tpu.enqueue_dma source(%arg13 : memref<16xf32, #tpu.memory_space<vmem>>) target(%dma_start3A_198 : memref<16xf32, #tpu.memory_space<hbm>>) target_semaphore(%run_scoped3A : memref<!tpu.dma_semaphore, #tpu.memory_space<semaphore_mem>>)
        %dma_wait3A_199 = tpu.memref_slice %arg4[%mul3A_195] : memref<2048xf32, #tpu.memory_space<hbm>> -> memref<16xf32, #tpu.memory_space<hbm>>
        %dma_wait3A_200 = tpu.memref_slice %arg4[%mul3A_195] : memref<2048xf32, #tpu.memory_space<hbm>> -> memref<16xf32, #tpu.memory_space<hbm>>
        tpu.wait_dma2 semaphore(%run_scoped3A : memref<!tpu.dma_semaphore, #tpu.memory_space<semaphore_mem>>) src(%arg13 : memref<16xf32, #tpu.memory_space<vmem>>) dst(%dma_wait3A_200 : memref<16xf32, #tpu.memory_space<hbm>>)
        tpu.yield
      }) : () -> ()
      %scan3A_196 = arith.constant 0 : i32
      scf.yield %scan3A_196 : i32
    }
    %scan3A_15 = arith.constant 4 : i32
    return
  }
}

module attributes {stable_mosaic.version = 14 : i64} {
  func.func @_cos_body(%arg0: memref<128x16xf32, #tpu.memory_space<vmem>>, %arg1: memref<1x1xf32, #tpu.memory_space<vmem>>) attributes {dimension_semantics = [], scalar_prefetch = 0 : i64, scratch_operands = 0 : i64, tpu.core_type = #tpu.core_type<tc>} {
    %get3A = arith.constant 0 : index
    %get3A_0 = arith.constant 0 : index
    %get3A_1 = vector.load %arg0[%get3A, %get3A_0] : memref<128x16xf32, #tpu.memory_space<vmem>>, vector<128x16xf32>
    %slice3A = vector.extract_strided_slice %get3A_1 {offsets = [0, 0], sizes = [128, 1], strides = [1, 1]} : vector<128x16xf32> to vector<128x1xf32>
    %slice3A_2 = vector.extract_strided_slice %get3A_1 {offsets = [0, 1], sizes = [128, 1], strides = [1, 1]} : vector<128x16xf32> to vector<128x1xf32>
    %slice3A_3 = vector.extract_strided_slice %get3A_1 {offsets = [0, 2], sizes = [128, 1], strides = [1, 1]} : vector<128x16xf32> to vector<128x1xf32>
    %sqrt3A = math.sqrt %slice3A_2 : vector<128x1xf32>
    %max3A = arith.constant 9.99999993E-9 : f32
    %max3A_4 = vector.broadcast %max3A : f32 to vector<128x1xf32>
    %max3A_5 = arith.maximumf %sqrt3A, %max3A_4 : vector<128x1xf32>
    %sqrt3A_6 = math.sqrt %slice3A_3 : vector<128x1xf32>
    %max3A_7 = arith.constant 9.99999993E-9 : f32
    %max3A_8 = vector.broadcast %max3A_7 : f32 to vector<128x1xf32>
    %max3A_9 = arith.maximumf %sqrt3A_6, %max3A_8 : vector<128x1xf32>
    %mul3A = arith.mulf %max3A_5, %max3A_9 : vector<128x1xf32>
    %div3A = arith.divf %slice3A, %mul3A : vector<128x1xf32>
    %sub3A = arith.constant 1.000000e+00 : f32
    %sub3A_10 = vector.broadcast %sub3A : f32 to vector<128x1xf32>
    %sub3A_11 = arith.subf %sub3A_10, %div3A : vector<128x1xf32>
    %reduce_sum3A = vector.shape_cast %sub3A_11 : vector<128x1xf32> to vector<1x128x1xf32>
    %reduce_sum3A_12 = arith.constant dense<0.000000e+00> : vector<1xf32>
    %reduce_sum3A_13 = vector.multi_reduction <add>, %reduce_sum3A, %reduce_sum3A_12 [1, 2] : vector<1x128x1xf32> to vector<1xf32>
    %reduce_sum3A_14 = vector.shape_cast %reduce_sum3A_13 : vector<1xf32> to vector<1x1x1xf32>
    %reduce_sum3A_15 = vector.extract %reduce_sum3A_14[0, 0, 0] : f32 from vector<1x1x1xf32>
    %div3A_16 = arith.constant 1.280000e+02 : f32
    %div3A_17 = arith.divf %reduce_sum3A_15, %div3A_16 : f32
    %reshape3A = vector.broadcast %div3A_17 : f32 to vector<1x1xf32>
    %swap3A = arith.constant 0 : index
    %swap3A_18 = arith.constant 0 : index
    %swap3A_19 = vector.load %arg1[%swap3A, %swap3A_18] : memref<1x1xf32, #tpu.memory_space<vmem>>, vector<1x1xf32>
    tpu.vector_store %arg1[%swap3A, %swap3A_18], %reshape3A {strides = array<i32>} : memref<1x1xf32, #tpu.memory_space<vmem>>, vector<1x1xf32>,
    return
  }
}

</mosaic_0001>

<sc_bundles>
// kernel: kernel.4.cloned.1.call-start
scs
__scs_entry_jumppad:
0x0: {  	(pc) =	sbr.rel $0x88, $3  }
0x1: {  	(tag) =	ssettag $0x0;
	lr =	simm.s32 $0x1  }
0x2: {  	[smem:$0x3F9F] =	sst lr;
	_ =	strace $0xD0000000  }
0x3: {  	_ = 	snop  }
0x4: {  	_ = 	snop  }
0x5: {  	_ = 	snop  }
0x6: {  	_ = 	snop  }
0x7: {  	_ = 	snop  }
__scs_overlays_trampoline_lowered:
0x8: {  	[smem:$0x3FAE] =	sst s0  }
0x9: {  	[smem:$0x3FAF] =	sst s1  }
0xa: {  	[smem:$0x3FB0] =	sst s2  }
0xb: {  	[smem:$0x3FB1] =	sst s3  }
0xc: {  	[smem:$0x3FB2] =	sst s4  }
0xd: {  	[smem:$0x3FB3] =	sst s5  }
0xe: {  	[smem:$0x3FB4] =	sst s6  }
0xf: {  	[smem:$0x3FB5] =	sst s7  }
0x10: {  	[smem:$0x3FB6] =	sst s8  }
0x11: {  	[smem:$0x3FB7] =	sst s9;
	s0 =	simm.s32 @!p0 $0x0  }
0x12: {  	s1 =	sld [smem:$0x3F9D];
	s0 =	simm.s32 @p0 $0x1  }
0x13: {  	[smem:$0x3FB8] =	sst s0;
	s0 =	simm.s32 @!p1 $0x0  }
0x14: {  	s2 =	sld [smem:$0x3F9C];
	s0 =	simm.s32 @p1 $0x1  }
0x15: {  	[smem:$0x3FB9] =	sst s0;
	s0 =	simm.s32 @!p2 $0x0  }
0x16: {  	s3 =	sld [smem:$0x3FDB];
	s0 =	simm.s32 @p2 $0x1  }
0x17: {  	s4 =	simm.s32 $0x1BF5;
	[smem:$0x3FBB] =	sst s0  }
0x18: {  	s0 =	sld [smem:$0x3F9E];
	_ =	swait.ge [sflag:s4], $0x0  }
0x19: {  	s7 =	sld [smem:$0x3F9F]  }
0x1a: {  	s8 =	sadd.s32 $0xFFFFE003, lr  }
0x1b: {  	s9 =	sadd.s32 $0xFFFFFEF7, lr;
	s5 =	simm.s32 $0xFFFFFFFF;
	p2 =	slt.u32 s8, $0xFFFFF086  }
0x1c: {  	p1 =	slt.u32 s9, $0xF7A;
	s5 =	simm.s32 @!p2 $0x0  }
0x1d: {  	s5 =	simm.s32 @p1 $0x1;
	p0 =	seq.s32 s7, s2  }
0x1e: {  	s7 =	smul.u32 @!p0 $0xF7A, s2;
	p2 =	seq.s32 @!p0 s5, $0x0  }
0x1f: {  	s9 =	smul.u32 $0xF7A, s1;
	s8 =	simm.s32 @!p0 $0x1BF5;
	p2 =	por !p2, p0  }
0x20: {  	[sflag:s8] =	ssyncset.s32 @!p0 $0xFFFFF086;
	s6 =	sadd.s32 @!p0 s3, s7;
	s7 =	simm.s32 @!p0 $0x108  }
0x21: {  	s3 =	sadd.s32 s3, s9;
	s6 =	sadd.s32 @!p0 $0x88, s6;
	s7 =	simm.s32 @p2 $0x1082  }
0x22: {  	[simem:s7], [sflag:s8] =	dma.local @!p0 [hbm:s6], $0xF7A  }
0x23: {  	s9 =	sor.u32 $0xD0000000, s2;
	s6 =	simm.s32 $0x108;
	_ =	swait.ge @!p0 [sflag:s8], $0x0  }
0x24: {  	s3 =	sadd.s32 $0x88, s3;
	s6 =	simm.s32 @!p1 $0x1082;
	[sflag:s4] =	ssyncset.s32 $0xFFFFF086  }
0x25: {  	[simem:s6], [sflag:s4] =	dma.local [hbm:s3], $0xF7A  }
0x26: {  	[smem:$0x3F9F] =	sst s1;
	(tag) =	ssettag s2;
	_ =	strace s9  }
0x27: {  	s1 =	sld [smem:$0x3FAF]  }
0x28: {  	s2 =	sld [smem:$0x3FB0]  }
0x29: {  	s4 =	sld [smem:$0x3FB2]  }
0x2a: {  	p0 =	seq.s32 s5, $0x0;
	s5 =	sld [smem:$0x3FB3]  }
0x2b: {  	s6 =	sld [smem:$0x3FB4]  }
0x2c: {  	s7 =	sld [smem:$0x3FB5]  }
0x2d: {  	s3 =	simm.s32 $0x108;
	s8 =	sld [smem:$0x3FB6]  }
0x2e: {  	s3 =	simm.s32 @!p0 $0x1082;
	s9 =	sld [smem:$0x3FB7]  }
0x2f: {  	lr =	sadd.s32 s0, s3;
	s0 =	sld [smem:$0x3FAE]  }
0x30: {  	s3 =	sld [smem:$0x3FB1]  }
0x31: {  	[smem:$0x3FBA] =	sst s10  }
0x32: {  	s10 =	sld [smem:$0x3FB8];
	_ =	sdelay $0x3  }
0x33: {  	p0 =	seq.s32 s10, $0x1;
	s10 =	sld [smem:$0x3FBA];
	_ =	sdelay $0x3  }
0x34: {  	[smem:$0x3FBA] =	sst s10  }
0x35: {  	s10 =	sld [smem:$0x3FB9];
	_ =	sdelay $0x3  }
0x36: {  	p1 =	seq.s32 s10, $0x1;
	s10 =	sld [smem:$0x3FBA];
	_ =	sdelay $0x3  }
0x37: {  	[smem:$0x3FBA] =	sst s10  }
0x38: {  	s10 =	sld [smem:$0x3FBB]  }
0x39: {  	_ = 	snop;
	(pc) =	sbr.ind lr, $3  }
0x3a: {  	_ = 	snop  }
0x3b: {  	_ = 	snop  }
0x3c: {  	p2 =	seq.s32 s10, $0x1;
	s10 =	sld [smem:$0x3FBA]  }
0x3d: {  	_ =	shalt  }
0x3e: {  	_ =	shalt  }
0x3f: {  	_ =	shalt  }
0x40: {  	_ =	shalt  }
0x41: {  	_ =	shalt  }
0x42: {  	_ =	shalt  }
0x43: {  	_ =	shalt  }
0x44: {  	_ =	shalt  }
0x45: {  	_ =	shalt  }
0x46: {  	_ =	shalt  }
0x47: {  	_ =	shalt  }
0x48: {  	_ =	shalt  }
0x49: {  	_ =	shalt  }
0x4a: {  	_ =	shalt  }
0x4b: {  	_ =	shalt  }
0x4c: {  	_ =	shalt  }
0x4d: {  	_ =	shalt  }
0x4e: {  	_ =	shalt  }
0x4f: {  	_ =	shalt  }
0x50: {  	_ =	shalt  }
0x51: {  	_ =	shalt  }
0x52: {  	_ =	shalt  }
0x53: {  	_ =	shalt  }
0x54: {  	_ =	shalt  }
0x55: {  	_ =	shalt  }
0x56: {  	_ =	shalt  }
0x57: {  	_ =	shalt  }
0x58: {  	_ =	shalt  }
0x59: {  	_ =	shalt  }
0x5a: {  	_ =	shalt  }
0x5b: {  	_ =	shalt  }
0x5c: {  	_ =	shalt  }
0x5d: {  	_ =	shalt  }
0x5e: {  	_ =	shalt  }
0x5f: {  	_ =	shalt  }
0x60: {  	_ =	shalt  }
0x61: {  	_ =	shalt  }
0x62: {  	_ =	shalt  }
0x63: {  	_ =	shalt  }
0x64: {  	_ =	shalt  }
0x65: {  	_ =	shalt  }
0x66: {  	_ =	shalt  }
0x67: {  	_ =	shalt  }
0x68: {  	_ =	shalt  }
0x69: {  	_ =	shalt  }
0x6a: {  	_ =	shalt  }
0x6b: {  	_ =	shalt  }
0x6c: {  	_ =	shalt  }
0x6d: {  	_ =	shalt  }
0x6e: {  	_ =	shalt  }
0x6f: {  	_ =	shalt  }
0x70: {  	_ =	shalt  }
0x71: {  	_ =	shalt  }
0x72: {  	_ =	shalt  }
0x73: {  	_ =	shalt  }
0x74: {  	_ =	shalt  }
0x75: {  	_ =	shalt  }
0x76: {  	_ =	shalt  }
0x77: {  	_ =	shalt  }
0x78: {  	_ =	shalt  }
0x79: {  	_ =	shalt  }
0x7a: {  	_ =	shalt  }
0x7b: {  	_ =	shalt  }
0x7c: {  	_ =	shalt  }
0x7d: {  	_ =	shalt  }
0x7e: {  	_ =	shalt  }
0x7f: {  	_ =	shalt  }
0x80: {  	_ =	shalt  }
0x81: {  	_ =	shalt  }
0x82: {  	_ =	shalt  }
0x83: {  	_ =	shalt  }
0x84: {  	_ =	shalt  }
0x85: {  	_ =	shalt  }
0x86: {  	_ =	shalt  }
0x87: {  	_ =	shalt  }
.Lfunc_end0:
.L_simem_size_0:
called_computation_lowered:
.L_overlay_start_0:
0x88: {  	s2 =	sld [smem:$0x3FD9]  }
0x89: {  	s3 =	sld [smem:$0x3FFE];
	_ =	sdelay $0x1  }
0x8a: {  	s1 =	srdreg.scid  }
0x8b: {  	s0 =	sand.u32 $0x1, s1  }
0x8c: {  	s16 =	sshll.u32 s0, $0xA;
	s2 =	sadd.s32 s3, s2  }
0x8d: {  	s2 =	sadd.s32 s2, s16  }
0x8e: {  	[smem:$0x3FC6] =	sst s2  }
0x8f: {  	_ = 	snop  }
0x90: {  	(tm) =	ssettm $0x1  }
0x91: {  	s17 =	sld [smem:$0x3FFB];
	_ =	sdelay $0x3  }
0x92: {  	_ =	strace s17  }
0x93: {  	s2 =	sld [smem:$0x3FFC];
	_ =	sdelay $0x3  }
0x94: {  	_ =	strace s2  }
0x95: {  	s2 =	sld [smem:$0x3FFD];
	_ =	sdelay $0x3  }
0x96: {  	_ =	strace s2  }
0x97: {  	_ =	strace $0x8FFFFFFF  }
0x98: {  	s18 =	sld [smem:$0x3FDB];
	_ =	sdelay $0x1  }
0x99: {  	s19 =	simm.s32 $_scs_section_size  }
0x9a: {  	s4 =	simm.s32 $_size__tile_overlayer_lowered;
	s5 =	simm.s32 $_tile_overlayer_lowered  }
0x9b: {  	s22 =	simm.s32 $0x1BFF;
	s21 =	sshll.u32 s5, $0x1;
	s2 =	sadd.s32 s19, s18  }
0x9c: {  	s6 =	simm.s32 $0x0;
	s20 =	sshll.u32 s4, $0x1;
	s4 =	sadd.s32 s21, s2  }
0x9d: {  	[timem:s6], [sflag:s22] =	dma.local [hbm:s4], s20  }
0x9e: {  	_ =	swait.ge [sflag:s22], s20  }
0x9f: {  	s3 =	ssub.s32 $0x0, s20;
	[sflag:s22] =	ssyncset.done $0x0  }
0xa0: {  	[sflag:s22] =	ssyncadd.s32 s3;
	_ =	sdelay $0x1  }
0xa1: {  	s23 =	simm.s32 $0x1B8B  }
0xa2: {  	_ =	swait.ge [sflag:s23], $0x1  }
0xa3: {  	[sflag:s23] =	ssyncset.done $0x0  }
0xa4: {  	s25 =	simm.s32 $0x1B8E;
	s24 =	sld [smem:$0x3FFE];
	[sflag:s23] =	ssyncadd.s32 $0xFFFFFFFF  }
0xa5: {  	s26 =	simm.s32 $execute0_lowered;
	[smem:$0x3FD2] =	sst s25  }
0xa6: {  	s4 =	sshll.u32 s26, $0x1;
	_ =	strace $0x80000046;
	[dreg:$0x1] =	wrdreg $0xFFFFFFFF  }
0xa7: {  	s28 =	simm.s32 $_size_execute0_lowered;
	s2 =	sadd.s32 s2, s4;
	[dreg:$0x0] =	wrdreg $0x0  }
0xa8: {  	s4 =	sshll.u32 s28, $0x1;
	[dreg:$0x2] =	wrdreg s2  }
0xa9: {  	[dreg:$0x3] =	wrdreg s4  }
0xaa: {  	[dreg:$0x4] =	wrdreg $0xC0  }
0xab: {  	_ =	task [dreg:s6], $0x5FFFF  }
0xac: {  	[dreg:$0x1] =	wrdreg $0xFFFFFFFF  }
0xad: {  	[dreg:$0x0] =	wrdreg $0x60  }
0xae: {  	[dreg:$0x2] =	wrdreg s24  }
0xaf: {  	[dreg:$0x3] =	wrdreg $0x9  }
0xb0: {  	_ =	task.clear_ibuf [dreg:s6], $0x4FFFF;
	_ =	strace $0x90000046  }
0xb1: {  	s29 =	simm.s32 $0x9;
	_ =	strace $0x80000048  }
0xb2: {  	_ =	swait.ge [sflag:s29], $0x1  }
0xb3: {  	[sflag:s29] =	ssyncadd.s32 $0xFFFFFFFF  }
0xb4: {  	_ =	strace $0x90000048  }
0xb5: {  	_ =	sfence  }
0xb6: {  	s30 =	sld [smem:$0x0];
	_ =	sdelay $0x2  }
0xb7: {  	s31 =	sshll.u32 s1, $0xD;
	s1 =	sshrl.u32 s1, $0x2  }
0xb8: {  	s3 =	sand.u32 $0x4000, s31;
	s1 =	sadd.s32 s1, s30  }
0xb9: {  	s0 =	sor.u32 s3, s0;
	s1 =	sshll.u32 s1, $0x11  }
0xba: {  	s0 =	sor.u32 s1, s0  }
0xbb: {  	s0 =	sadd.s32 $0x8F2B, s0  }
0xbc: {  	[sflag:s0] =	ssyncadd.remote.s32 $0x1  }
0xbd: {  	_ =	sfence.sel $0xFFFF  }
0xbe: {  	[dreg:$0x0] =	wrdreg $0xFFFFFFFF;
	(pc) =	sbr.abs _section_cstart, $3  }
0xbf: {  	[dreg:$0x1] =	wrdreg $0xFFFFFFFF  }
0xc0: {  	_ =	task.clear_ibuf [dreg:s6], $0x2FFFF;
	_ =	strace $0x9FFFFFFF  }
0xc1: {  	(tm) =	ssettm $0x7FFFFFFF  }
tec
execute0_lowered:
.L_overlay_start_1:
0x0: {  	(tag) =	ssettag $0x1  }
0x1: {  	s0 =	srdreg.scid;
	s2 =	stileid.u32  }
0x2: {  	s1 =	rddreg [dreg:$0x0];
	s10 =	simm.s32 $0x2780;
	s11 =	simm.s32 $0x1  }
0x3: {  	s12 =	simm.s32 $0x4F00;
	s13 =	simm.s32 $0x5280;
	s14 =	simm.s32 $0x5600  }
0x4: {  	s15 =	simm.s32 $0x2;
	s0 =	sand.u32 $0x1, s0;
	s3 =	sshll.u32 s2, $0x1  }
0x5: {  	s2 =	simm.s32 $0x0;
	s6 =	sadd.s32 $0x187400, s1;
	s4 =	sor.u32 s0, s3  }
0x6: {  	[smem:$0x7FF] =	sst s2;
	s3 =	sadd.s32 $0x30DE00, s1;
	s0 =	ssub.s32 $0x2, s0  }
0x7: {  	s1 =	sadd.s32 $0x400, s1;
	_ =	strace $0x80000047;
	[dreg:$0x2] =	wrdreg s6  }
0x8: {  	s5 =	smul.u32 $0x61A80, s4;
	s29 =	sshrl.u32 s0, $0x1;
	[dreg:$0x4] =	wrdreg s1  }
.Ltmp0:
0x9: {  	s31 =	sshll.u32 s4, $0x2;
	s0 =	ssub.s32 s0, s29;
	(pc) =	sbr.rel .LBB2_1-.Ltmp0, $4  }
0xa: {  	[dreg:$0x6] =	wrdreg s31;
	s5 =	sshrl.u32 s5, $0x3;
	s0 =	smax.u32 s0, $0x1  }
0xb: {  	s16 =	simm.s32 $0x5980;
	s5 =	sadd.s32 s3, s5;
	[dreg:$0x7] =	wrdreg s0  }
0xc: {  	v0 =	vlaneseq.u32;
	v1 =	vimm.s32 $0x0;
	s17 =	simm.s32 $0x5A00;
	[dreg:$0x3] =	wrdreg s5;
	s30 =	sadd.s32 $0x4E2, s5  }
0xd: {  	vm0 =	vmxor vm0, vm0;
	v2 =	vimm.f32 $0.0e+00;
	vm3 =	vcmask $0x3F04;
	s21 =	simm.s32 $0x4;
	s1 =	simm.s32 $0x0;
	[dreg:$0x5] =	wrdreg s30  }
.LBB2_101:
0xe: {  	s1 =	rddreg [dreg:$0x8]  }
0xf: {  	s0 =	rddreg [dreg:$0x7];
	s1 =	sadd.s32 $0x1, s1  }
0x10: {  	p0 =	sne.s32 s1, s0  }
.Ltmp1:
0x11: {  	_ = 	snop;
	(pc) =	sbr.rel @!p0 .LBB2_102-.Ltmp1, $1  }
0x12: {  	_ =	sdelay $0x3  }
.LBB2_1:
0x13: {  	[dreg:$0x8] =	wrdreg s1  }
0x14: {  	s0 =	rddreg [dreg:$0x3]  }
0x15: {  	[tilespmem:s2], [sflag:$0x1] =	stream.linear.gather [hbm4b:s0+s2], $0x2710, $0x38;
	[tilespmem:$0x5B80] =	vst v63  }
0x16: {  	s31 =	rddreg [dreg:$0x5];
	s24 =	simm.s32 $0x0  }
0x17: {  	[tilespmem:s10], [sflag:$0x2] =	stream.linear.gather [hbm4b:s31+s2], $0x2710, $0x38;
	[tilespmem:$0x5B80] =	vst v63  }
.LBB2_2:
0x18: {  	s0 =	rddreg [dreg:$0x6]  }
0x19: {  	s23 =	sadd.s32 s0, s24  }
0x1a: {  	s25 =	smul.u32 $0x186A0, s23  }
0x1b: {  	s1 =	simm.s32 $0x0;
	s30 =	simm.s32 $0x0;
	s0 =	simm.f32 $-Inf  }
0x1c: {  	s26 =	sadd.s32 $0x4E20, s25;
	s28 =	sadd.s32 $0x2710, s25;
	s29 =	sadd.s32 $0x7530, s25  }
.LBB2_3:
.Ltmp2:
0x1d: {  	(pc) =	sbr.rel .LBB2_4-.Ltmp2, $4  }
0x1e: {  	_ = 	snop  }
0x1f: {  	s31 =	smul.u32 $0x4E20, s30;
	_ =	swait.ge [sflag:s11], $0x2710  }
0x20: {  	[sflag:s11] =	ssyncset.done $0x0  }
0x21: {  	s9 =	simm.s32 $0x0;
	s7 =	sadd.s32 s25, s31;
	[sflag:s11] =	ssyncadd.s32 $0xFFFFD8F0  }
.LBB2_6:
0x22: {  	v23 =	vmov s0  }
.LBB2_34:
0x23: {  	vm8 =	vgt.f32 v28, v23;
	vm10 =	vgt.f32 v27, v23  }
0x24: {  	vm9 =	vgt.f32 v26, v23;
	vm5 =	vgt.f32 v25, v23;
	v29 =	vsel vm8, $0x1, v1  }
0x25: {  	vm6 =	vgt.f32 v24, v23;
	vm7 =	vgt.f32 v22, v23;
	v48 =	vsel vm10, $0x1, v1;
	(xrf0) =	vadd.scan.msk.s32 $0xffff, v29  }
0x26: {  	vm4 =	vgt.f32 v21, v23;
	vm11 =	vgt.f32 v19, v23;
	vm12 =	vgt.f32 v18, v23;
	(xrf0) =	vadd.scan.msk.s32 $0xffff, v48  }
0x27: {  	vm13 =	vgt.f32 v14, v23;
	vm14 =	vgt.f32 v13, v23;
	v49 =	vsel vm9, $0x1, v1  }
0x28: {  	vm15 =	vgt.f32 v12, v23;
	v30 =	vmpcnt.ones.xlane vm8;
	v31 =	vsel vm5, $0x1, v1;
	(xrf0) =	vadd.scan.msk.s32 $0xffff, v49  }
0x29: {  	v32 =	vmpcnt.ones.xlane vm10;
	v33 =	vsel vm6, $0x1, v1;
	v53 =	vmpcnt.ones.xlane vm9  }
0x2a: {  	p0 =	sgt.s32 s22, $0x300;
	v34 =	vsel vm7, $0x1, v1;
	v56 =	vmpcnt.ones.xlane vm5;
	v57 =	vsel vm4, $0x1, v1  }
0x2b: {  	s1 =	simm.s32 @p0 $0x64;
	v62 =	vmpcnt.ones.xlane vm6;
	v39 =	vmpcnt.ones.xlane vm7;
	v40 =	vsel vm11, $0x1, v1;
	v50, _, _ =	vpop (xrf0);
	(xrf0) =	vadd.scan.msk.s32 $0xffff, v31  }
0x2c: {  	v45 =	vmpcnt.ones.xlane vm4;
	v30 =	vadd.s32 s1, v30;
	v29 =	vadd.s32 s1, v50;
	v51, _, _ =	vpop (xrf0);
	(xrf0) =	vadd.scan.msk.s32 $0xffff, v33  }
0x2d: {  	v46 =	vsel vm12, $0x1, v1;
	s1 =	sadd.s32 s5, s7;
	v29 =	vadd.s32 $0xFFFFFFFF, v29;
	v31 =	vadd.s32 v51, v30  }
0x2e: {  	v30 =	vadd.s32 v30, v32;
	v52, _, _ =	vpop (xrf0);
	v35 =	vor.u32 s1, v0;
	(xrf0) =	vadd.scan.msk.s32 $0xffff, v34;
	s4 =	sadd.s32 $0x10, s1;
	v31 =	vadd.s32 $0xFFFFFFFF, v31  }
0x2f: {  	s5 =	sadd.s32 $0x20, s1;
	s6 =	sadd.s32 $0x30, s1;
	s8 =	sadd.s32 $0x40, s1;
	v32 =	vadd.s32 v30, v52;
	v54 =	vadd.s32 v30, v53;
	v58 =	vor.u32 s4, v0  }
0x30: {  	s18 =	sadd.s32 $0x50, s1;
	v36 =	vor.u32 s5, v0;
	v41 =	vor.u32 s6, v0;
	v47 =	vor.u32 s8, v0;
	s5 =	sadd.s32 $0x90, s1  }
0x31: {  	v52 =	vor.u32 s18, v0;
	v32 =	vadd.s32 $0xFFFFFFFF, v32;
	v33 =	vor.u32 s5, v0;
	v55, _, _ =	vpop (xrf0);
	(xrf0) =	vadd.scan.msk.s32 $0xffff, v57  }
0x32: {  	[tilespmem:v29+s12+$0x0] =	vst.idx.msk vm8, v28;
	v30 =	vadd.s32 v54, v55;
	v28 =	vadd.s32 v54, v56;
	v60, _, _ =	vpop (xrf0);
	v55 =	vmpcnt.ones.xlane vm11  }
0x33: {  	[tilespmem:v29+s13+$0x0] =	vst.idx.msk vm8, v35;
	v59 =	vadd.s32 $0xFFFFFFFF, v30;
	vm8 =	vgt.f32 v20, v23;
	v61 =	vadd.s32 v28, v60  }
0x34: {  	v37 =	vadd.s32 v28, v62;
	v38, _, _ =	vpop (xrf0);
	v60 =	vmpcnt.ones.xlane vm12;
	v63 =	vsel vm8, $0x1, v1  }
0x35: {  	s20 =	sadd.s32 $0x70, s1;
	[tilespmem:v31+s12+$0x0] =	vst.idx.msk vm10, v27;
	v29 =	vadd.s32 $0xFFFFFFFF, v61;
	v28 =	vadd.s32 v37, v38;
	v50 =	vmpcnt.ones.xlane vm8  }
0x36: {  	s19 =	sadd.s32 $0x60, s1;
	v61 =	vor.u32 s20, v0;
	[tilespmem:v31+s13+$0x0] =	vst.idx.msk vm10, v58;
	(xrf0) =	vadd.scan.msk.s32 $0xffff, v63;
	v42 =	vadd.s32 $0xFFFFFFFF, v28  }
0x37: {  	v58 =	vor.u32 s19, v0;
	vm10 =	vgt.f32 v15, v23;
	[tilespmem:v32+s12+$0x0] =	vst.idx.msk vm9, v26;
	v26 =	vadd.s32 v37, v39  }
0x38: {  	(xrf0) =	vadd.scan.msk.s32 $0xffff, v40;
	v28 =	vsel vm10, $0x1, v1;
	v37 =	vsel vm14, $0x1, v1;
	v40 =	vsel vm15, $0x1, v1  }
0x39: {  	[tilespmem:v32+s13+$0x0] =	vst.idx.msk vm9, v36;
	v43, _, _ =	vpop (xrf0);
	(xrf0) =	vadd.scan.msk.s32 $0xffff, v46;
	v48 =	vadd.s32 v26, v45;
	v32 =	vsel vm13, $0x1, v1  }
0x3a: {  	s6 =	sadd.s32 $0xA0, s1;
	v46 =	vmpcnt.ones.xlane vm13;
	vm9 =	vgt.f32 v7, v23;
	[tilespmem:v59+s12+$0x0] =	vst.idx.msk vm5, v25;
	v44 =	vadd.s32 v26, v43  }
0x3b: {  	s5 =	sadd.s32 $0xB0, s1;
	v43 =	vor.u32 s6, v0;
	[tilespmem:v59+s13+$0x0] =	vst.idx.msk vm5, v41;
	v27 =	vadd.s32 $0xFFFFFFFF, v44;
	vm5 =	vgt.f32 v17, v23  }
0x3c: {  	v41 =	vmpcnt.ones.xlane vm10;
	v44 =	vor.u32 s5, v0;
	[tilespmem:v29+s12+$0x0] =	vst.idx.msk vm6, v24;
	v51 =	vsel vm5, $0x1, v1  }
0x3d: {  	s22 =	sadd.s32 $0x80, s1;
	v24 =	vadd.s32 v48, v50;
	v31 =	vmpcnt.ones.xlane vm5;
	v49, _, _ =	vpop (xrf0);
	[tilespmem:v29+s13+$0x0] =	vst.idx.msk vm6, v47;
	(xrf0) =	vadd.scan.msk.s32 $0xffff, v51  }
0x3e: {  	s8 =	sadd.s32 $0xC0, s1;
	v50 =	vmpcnt.ones.xlane vm14;
	v29 =	vor.u32 s22, v0;
	v26 =	vadd.s32 v48, v49;
	[tilespmem:v42+s12+$0x0] =	vst.idx.msk vm7, v22  }
0x3f: {  	s18 =	sadd.s32 $0xD0, s1;
	v47 =	vor.u32 s8, v0;
	v53, _, _ =	vpop (xrf0);
	v26 =	vadd.s32 $0xFFFFFFFF, v26;
	[tilespmem:v42+s13+$0x0] =	vst.idx.msk vm7, v52;
	vm7 =	vgt.f32 v16, v23  }
0x40: {  	v51 =	vor.u32 s18, v0;
	v54 =	vadd.s32 v24, v53;
	v57 =	vsel vm7, $0x1, v1  }
0x41: {  	s19 =	sadd.s32 $0xE0, s1;
	vm6 =	vgt.f32 v3, v23;
	v24 =	vadd.s32 v24, v55;
	v59, _, _ =	vpop (xrf0);
	v56 =	vadd.s32 $0xFFFFFFFF, v54;
	(xrf0) =	vadd.scan.msk.s32 $0xffff, v57  }
0x42: {  	v52 =	vmpcnt.ones.xlane vm15;
	v55 =	vor.u32 s19, v0;
	[tilespmem:v27+s12+$0x0] =	vst.idx.msk vm4, v21;
	v25 =	vadd.s32 v24, v59  }
0x43: {  	v22 =	vadd.s32 v24, v60;
	v36 =	vmpcnt.ones.xlane vm7;
	[tilespmem:v27+s13+$0x0] =	vst.idx.msk vm4, v58;
	v62 =	vadd.s32 $0xFFFFFFFF, v25;
	v63, _, _ =	vpop (xrf0)  }
0x44: {  	vm4 =	vgt.f32 v11, v23;
	(xrf0) =	vadd.scan.msk.s32 $0xffff, v28;
	[tilespmem:v26+s12+$0x0] =	vst.idx.msk vm8, v20;
	v24 =	vadd.s32 v22, v63  }
0x45: {  	s22 =	sadd.s32 $0x100, s1;
	v42 =	vsel vm4, $0x1, v1;
	v60 =	vmpcnt.ones.xlane vm4;
	[tilespmem:v26+s13+$0x0] =	vst.idx.msk vm8, v61;
	v30 =	vadd.s32 $0xFFFFFFFF, v24  }
0x46: {  	v22 =	vadd.s32 v22, v31;
	(xrf0) =	vadd.scan.msk.s32 $0xffff, v32;
	v63 =	vor.u32 s22, v0;
	[tilespmem:v56+s12+$0x0] =	vst.idx.msk vm11, v19  }
0x47: {  	v38 =	vadd.s32 v22, v36;
	vm8 =	vgt.f32 v5, v23;
	[tilespmem:v56+s13+$0x0] =	vst.idx.msk vm11, v29;
	v34, _, _ =	vpop (xrf0);
	(xrf0) =	vadd.scan.msk.s32 $0xffff, v37  }
0x48: {  	v29 =	vsel vm9, $0x1, v1;
	v37 =	vsel vm8, $0x1, v1;
	[tilespmem:v62+s12+$0x0] =	vst.idx.msk vm12, v18;
	v35 =	vadd.s32 v22, v34  }
0x49: {  	s20 =	sadd.s32 $0xF0, s1;
	vm11 =	vgt.f32 v4, v23;
	(xrf0) =	vadd.scan.msk.s32 $0xffff, v40;
	[tilespmem:v62+s13+$0x0] =	vst.idx.msk vm12, v33;
	v18 =	vadd.s32 $0xFFFFFFFF, v35  }
0x4a: {  	v40 =	vmpcnt.ones.xlane vm11;
	v39, _, _ =	vpop (xrf0);
	(xrf0) =	vadd.scan.msk.s32 $0xffff, v42;
	v62 =	vor.u32 s20, v0;
	[tilespmem:v30+s12+$0x0] =	vst.idx.msk vm5, v17  }
0x4b: {  	v35 =	vmpcnt.ones.xlane vm8;
	v20 =	vadd.s32 v38, v39;
	[tilespmem:v30+s13+$0x0] =	vst.idx.msk vm5, v43;
	vm5 =	vgt.f32 v10, v23  }
0x4c: {  	v45, _, _ =	vpop (xrf0);
	v17 =	vadd.s32 v38, v41;
	v20 =	vadd.s32 $0xFFFFFFFF, v20;
	v48 =	vsel vm5, $0x1, v1  }
0x4d: {  	vm12 =	vgt.f32 v8, v23;
	v38 =	vmpcnt.ones.xlane vm6;
	v21 =	vadd.s32 v17, v45;
	(xrf0) =	vadd.scan.msk.s32 $0xffff, v48  }
0x4e: {  	v17 =	vadd.s32 v17, v46;
	v30 =	vmpcnt.ones.xlane vm9;
	v21 =	vadd.s32 $0xFFFFFFFF, v21;
	v49, _, _ =	vpop (xrf0);
	[tilespmem:v18+s12+$0x0] =	vst.idx.msk vm7, v16  }
0x4f: {  	v25 =	vmpcnt.ones.xlane vm5;
	v19 =	vadd.s32 v17, v49;
	[tilespmem:v18+s13+$0x0] =	vst.idx.msk vm7, v44;
	vm7 =	vgt.f32 v9, v23  }
0x50: {  	v17 =	vadd.s32 v17, v50;
	v54, _, _ =	vpop (xrf0);
	v53 =	vadd.s32 $0xFFFFFFFF, v19;
	v58 =	vsel vm7, $0x1, v1  }
0x51: {  	v56 =	vadd.s32 v17, v52;
	v57, _, _ =	vpop (xrf0);
	v17 =	vadd.s32 v17, v54;
	[tilespmem:v20+s12+$0x0] =	vst.idx.msk vm10, v15;
	(xrf0) =	vadd.scan.msk.s32 $0xffff, v58  }
0x52: {  	v59 =	vadd.s32 v56, v57;
	v61 =	vadd.s32 $0xFFFFFFFF, v17;
	v27 =	vmpcnt.ones.xlane vm7;
	[tilespmem:v20+s13+$0x0] =	vst.idx.msk vm10, v47  }
0x53: {  	v19 =	vadd.s32 $0xFFFFFFFF, v59;
	v20 =	vadd.s32 v56, v60;
	vm10 =	vgt.f32 v6, v23;
	v24, _, _ =	vpop (xrf0);
	(xrf0) =	vadd.scan.msk.s32 $0xffff, v29  }
0x54: {  	[tilespmem:v21+s12+$0x0] =	vst.idx.msk vm13, v14;
	v28 =	vadd.s32 v20, v25;
	v32 =	vsel vm10, $0x1, v1;
	v33 =	vmpcnt.ones.xlane vm10  }
0x55: {  	[tilespmem:v21+s13+$0x0] =	vst.idx.msk vm13, v51;
	v26 =	vadd.s32 v20, v24;
	v20 =	vadd.s32 v28, v27;
	(xrf0) =	vadd.scan.msk.s32 $0xffff, v32  }
0x56: {  	v39 =	vsel vm6, $0x1, v1;
	v43 =	vmpcnt.ones.xlane vm12;
	[tilespmem:v53+s12+$0x0] =	vst.idx.msk vm14, v13;
	v34 =	vadd.s32 v20, v30  }
0x57: {  	[tilespmem:v53+s13+$0x0] =	vst.idx.msk vm14, v55;
	v13 =	vadd.s32 $0xFFFFFFFF, v26;
	v36 =	vadd.s32 v34, v33;
	v31, _, _ =	vpop (xrf0);
	(xrf0) =	vadd.scan.msk.s32 $0xffff, v37  }
0x58: {  	v45 =	vsel vm11, $0x1, v1;
	[tilespmem:v61+s12+$0x0] =	vst.idx.msk vm15, v12;
	v16 =	vadd.s32 v36, v35;
	v12 =	vadd.s32 v28, v31  }
0x59: {  	[tilespmem:v61+s13+$0x0] =	vst.idx.msk vm15, v62;
	v42 =	vadd.s32 v16, v38;
	v12 =	vadd.s32 $0xFFFFFFFF, v12;
	v41, _, _ =	vpop (xrf0);
	(xrf0) =	vadd.scan.msk.s32 $0xffff, v39  }
0x5a: {  	v50 =	vsel vm12, $0x1, v1;
	[tilespmem:v19+s12+$0x0] =	vst.idx.msk vm4, v11;
	v46 =	vadd.s32 v42, v40;
	v44 =	vadd.s32 v20, v41  }
0x5b: {  	s5 =	sadd.s32 $0x110, s1;
	[tilespmem:v19+s13+$0x0] =	vst.idx.msk vm4, v63;
	v48, _, _ =	vpop (xrf0);
	(xrf0) =	vadd.scan.msk.s32 $0xffff, v45;
	v17 =	vadd.s32 v46, v43;
	v18 =	vadd.s32 $0xFFFFFFFF, v44  }
0x5c: {  	v47 =	vor.u32 s5, v0;
	[tilespmem:v13+s12+$0x0] =	vst.idx.msk vm5, v10;
	v49 =	vadd.s32 v34, v48;
	(v2sf) =	vpush v17, $0x0  }
0x5d: {  	s6 =	sadd.s32 $0x120, s1;
	[tilespmem:v13+s13+$0x0] =	vst.idx.msk vm5, v47;
	v10 =	vadd.s32 $0xFFFFFFFF, v49;
	v51, _, _ =	vpop (xrf0);
	(xrf0) =	vadd.scan.msk.s32 $0xffff, v50  }
0x5e: {  	v52 =	vor.u32 s6, v0;
	[tilespmem:v12+s12+$0x0] =	vst.idx.msk vm7, v9;
	v13 =	vadd.s32 v36, v51  }
0x5f: {  	s8 =	sadd.s32 $0x130, s1;
	v53, _, _ =	vpop (xrf0);
	[tilespmem:v12+s13+$0x0] =	vst.idx.msk vm7, v52;
	v54 =	vadd.s32 $0xFFFFFFFF, v13  }
0x60: {  	v55 =	vor.u32 s8, v0;
	[tilespmem:v18+s12+$0x0] =	vst.idx.msk vm9, v7;
	v56 =	vadd.s32 v16, v53  }
0x61: {  	s18 =	sadd.s32 $0x140, s1;
	v57, _, _ =	vpop (xrf0);
	[tilespmem:v18+s13+$0x0] =	vst.idx.msk vm9, v55;
	v58 =	vadd.s32 $0xFFFFFFFF, v56  }
0x62: {  	v59 =	vor.u32 s18, v0;
	v11 =	vadd.s32 v42, v57;
	[tilespmem:v10+s12+$0x0] =	vst.idx.msk vm10, v6  }
0x63: {  	s19 =	sadd.s32 $0x150, s1;
	v60 =	vadd.s32 $0xFFFFFFFF, v11;
	[tilespmem:v10+s13+$0x0] =	vst.idx.msk vm10, v59;
	v61, _, _ =	vpop (xrf0)  }
0x64: {  	v62 =	vor.u32 s19, v0;
	[tilespmem:v54+s12+$0x0] =	vst.idx.msk vm8, v5;
	v10 =	vadd.s32 v46, v61  }
0x65: {  	s20 =	sadd.s32 $0x160, s1;
	[tilespmem:v54+s13+$0x0] =	vst.idx.msk vm8, v62;
	v63 =	vadd.s32 $0xFFFFFFFF, v10  }
0x66: {  	[tilespmem:v58+s12+$0x0] =	vst.idx.msk vm6, v3;
	v3 =	vor.u32 s20, v0  }
0x67: {  	s22 =	sadd.s32 $0x170, s1;
	[tilespmem:v58+s13+$0x0] =	vst.idx.msk vm6, v3  }
0x68: {  	v3 =	vor.u32 s22, v0;
	[tilespmem:v60+s12+$0x0] =	vst.idx.msk vm11, v4  }
0x69: {  	s1 =	sadd.s32 $0x180, s1;
	[tilespmem:v60+s13+$0x0] =	vst.idx.msk vm11, v3  }
0x6a: {  	v3 =	vor.u32 s1, v0;
	[tilespmem:v63+s12+$0x0] =	vst.idx.msk vm12, v8  }
0x6b: {  	s1 =	spop (v2sf);
	[tilespmem:v63+s13+$0x0] =	vst.idx.msk vm12, v3  }
.LBB2_35:
0x6c: {  	s9 =	sadd.s32 $0x1, s9  }
0x6d: {  	p0 =	sne.s32 s9, $0x19  }
.Ltmp3:
0x6e: {  	_ = 	snop;
	(pc) =	sbr.rel @!p0 .LBB2_36-.Ltmp3, $1  }
0x6f: {  	_ =	sdelay $0x3  }
.LBB2_4:
0x70: {  	s5 =	smul.u32 $0x190, s9;
	_ =	sdelay $0x1  }
0x71: {  	v28 =	vld [tilespmem:s5+$0x0]  }
0x72: {  	v27 =	vld [tilespmem:s5+$0x10]  }
0x73: {  	v26 =	vld [tilespmem:s5+$0x20]  }
0x74: {  	v25 =	vld [tilespmem:s5+$0x30]  }
0x75: {  	v24 =	vld [tilespmem:s5+$0x40]  }
0x76: {  	v22 =	vld [tilespmem:s5+$0x50]  }
0x77: {  	v21 =	vld [tilespmem:s5+$0x60]  }
0x78: {  	v20 =	vld [tilespmem:s5+$0x70]  }
0x79: {  	v18 =	vld [tilespmem:s5+$0x90]  }
0x7a: {  	v17 =	vld [tilespmem:s5+$0xA0]  }
0x7b: {  	v16 =	vld [tilespmem:s5+$0xB0]  }
0x7c: {  	v15 =	vld [tilespmem:s5+$0xC0]  }
0x7d: {  	v14 =	vld [tilespmem:s5+$0xD0]  }
0x7e: {  	v13 =	vld [tilespmem:s5+$0xE0]  }
0x7f: {  	v12 =	vld [tilespmem:s5+$0xF0]  }
0x80: {  	s4 =	sand.u32 $0x3FF0, s5;
	v10 =	vld [tilespmem:s5+$0x110]  }
0x81: {  	v19 =	vld [tilespmem:s4+$0x80];
	vm4 =	vgt.f32 v28, s0  }
0x82: {  	v9 =	vld [tilespmem:s5+$0x120];
	vm5 =	vgt.f32 v27, s0;
	vm6 =	vgt.f32 v26, s0;
	vm7 =	vgt.f32 v25, s0  }
0x83: {  	v11 =	vld [tilespmem:s4+$0x100];
	vm8 =	vgt.f32 v24, s0;
	vm9 =	vgt.f32 v22, s0;
	vm10 =	vgt.f32 v21, s0  }
0x84: {  	v7 =	vld [tilespmem:s5+$0x130];
	vm11 =	vgt.f32 v20, s0;
	vm13 =	vgt.f32 v18, s0;
	vm14 =	vgt.f32 v17, s0  }
0x85: {  	v6 =	vld [tilespmem:s5+$0x140];
	vm15 =	vgt.f32 v16, s0;
	vm1 =	vgt.f32 v15, s0;
	vm2 =	vgt.f32 v14, s0  }
0x86: {  	v5 =	vld [tilespmem:s5+$0x150];
	vm12 =	vgt.f32 v19, s0;
	vm4 =	vmor vm4, vm5;
	vm5 =	vgt.f32 v13, s0  }
0x87: {  	v3 =	vld [tilespmem:s5+$0x160];
	vm6 =	vmor vm6, vm7;
	vm7 =	vgt.f32 v12, s0;
	vm8 =	vmor vm8, vm9  }
0x88: {  	v4 =	vld [tilespmem:s5+$0x170];
	vm9 =	vgt.f32 v11, s0;
	vm10 =	vmor vm10, vm11;
	vm11 =	vgt.f32 v10, s0  }
0x89: {  	vm14 =	vmor vm14, vm15;
	vm15 =	vgt.f32 v7, s0;
	vm1 =	vmor vm1, vm2  }
0x8a: {  	vm2 =	vgt.f32 v6, s0;
	vm12 =	vmor vm12, vm13;
	vm13 =	vgt.f32 v9, s0  }
0x8b: {  	v8 =	vld [tilespmem:s4+$0x180];
	vm5 =	vmor vm5, vm7;
	vm7 =	vgt.f32 v5, s0;
	vm9 =	vmor vm9, vm11  }
0x8c: {  	vm11 =	vgt.f32 v3, s0;
	vm4 =	vmor vm4, vm6;
	vm6 =	vmor vm8, vm10  }
0x8d: {  	vm13 =	vmor vm13, vm15;
	vm15 =	vgt.f32 v4, s0;
	vm2 =	vmor vm2, vm7  }
0x8e: {  	vm1 =	vmor vm1, vm5;
	vm4 =	vmor vm4, vm6;
	vm7 =	vmor vm11, vm15  }
0x8f: {  	vm15 =	vmor vm12, vm14;
	vm5 =	vmor vm9, vm13;
	vm2 =	vmor vm2, vm7  }
0x90: {  	vm1 =	vmor vm15, vm1;
	vm2 =	vmor vm5, vm2;
	vm5 =	vgt.f32 v8, s0  }
0x91: {  	vm1 =	vmor vm4, vm1;
	vm2 =	vmor vm5, vm2  }
0x92: {  	vm1 =	vmor vm1, vm2  }
0x93: {  	v23 =	vmpcnt.ones.xlane vm1;
	_ =	sdelay $0x1  }
0x94: {  	(v2sf) =	vpush v23, $0x0;
	_ =	sdelay $0xe  }
0x95: {  	s22 =	spop (v2sf)  }
0x96: {  	p0 =	slt.s32 s22, $0x1  }
.Ltmp4:
0x97: {  	_ = 	snop;
	(pc) =	sbr.rel @p0 .LBB2_35-.Ltmp4, $1  }
0x98: {  	_ =	sdelay $0x3  }
0x99: {  	s22 =	sadd.s32 $0x190, s1  }
0x9a: {  	p0 =	slt.s32 s22, $0x301  }
.Ltmp5:
0x9b: {  	_ = 	snop;
	(pc) =	sbr.rel @p0 .LBB2_6-.Ltmp5, $2  }
0x9c: {  	_ =	sdelay $0x2  }
0x9d: {  	s4 =	simm.s32 $0x0  }
0x9e: {  	s0 =	sshra.s32 s4, $0x2  }
0x9f: {  	s4 =	sadd.s32 $0x40, s4;
	v23 =	vld [tilespmem:s0+$0x4F00]  }
.LBB2_8:
0xa0: {  	p0 =	sne.s32 s4, $0xBC0  }
.Ltmp6:
0xa1: {  	_ = 	snop;
	(pc) =	sbr.rel @p0 .LBB2_8-.Ltmp6, $3  }
0xa2: {  	_ =	sdelay $0x1  }
0xa3: {  	[tilespmem:s0+$0x5600] =	vst v23;
	s0 =	sshra.s32 s4, $0x2;
	s4 =	sadd.s32 $0x40, s4  }
0xa4: {  	v23 =	vld [tilespmem:s0+$0x4F00]  }
.Ltmp7:
0xa5: {  	_ = 	snop;
	(pc) =	sbr.rel .LBB2_10-.Ltmp7, $2  }
0xa6: {  	_ =	sdelay $0x2  }
0xa7: {  	s18 =	simm.s32 $0x63;
	s4 =	smov.u32 s1;
	[tilespmem:s0+$0x5600] =	vst v23  }
.LBB2_17:
0xa8: {  	v23 =	vimm.s32 $0x0  }
.LBB2_25:
0xa9: {  	(v2sf) =	vpush v23, $0x0;
	_ =	sdelay $0xd  }
0xaa: {  	s0 =	simm.s32 @p0 $0x0  }
0xab: {  	s18 =	ssub.s32 s18, s0;
	s4 =	spop (v2sf)  }
.LBB2_10:
0xac: {  	s0 =	sadd.s32 $0xF, s4  }
0xad: {  	s6 =	sand.u32 $0xF, s0  }
0xae: {  	s20 =	sshra.s32 s0, $0x1F;
	p1 =	slt.s32 s0, $0x1;
	p0 =	sne.s32 s6, $0x0  }
0xaf: {  	s6 =	sshrl.u32 s20, $0x1C;
	p0 =	por !p1, !p0  }
0xb0: {  	s0 =	sadd.s32 s6, s0;
	s6 =	simm.s32 $0x1;
	p0 =	por !p0, !p0  }
0xb1: {  	s0 =	sshra.s32 s0, $0x4;
	s6 =	simm.s32 @!p0 $0x0  }
0xb2: {  	v31 =	vld [tilespmem:$0x5600];
	s6 =	ssub.s32 s0, s6  }
0xb3: {  	p1 =	slt.s32 s6, $0x1  }
.Ltmp8:
0xb4: {  	_ = 	snop;
	(pc) =	sbr.rel @p1 .LBB2_11-.Ltmp8, $3  }
0xb5: {  	_ =	sdelay $0x1  }
0xb6: {  	v23 =	vbroadcast v31, $0x0  }
0xb7: {  	v29 =	vmov s4  }
0xb8: {  	s0 =	simm.s32 $0x5600  }
0xb9: {  	p0 =	sne.s32 s6, $0x1;
	v33 =	vld [tilespmem:s0+$0x0]  }
.Ltmp9:
0xba: {  	_ = 	snop;
	(pc) =	sbr.rel @!p0 .LBB2_14-.Ltmp9, $4  }
0xbb: {  	s0 =	simm.s32 $0x0  }
0xbc: {  	v32 =	vbroadcast v31, $0x0;
	v34 =	vor.u32 s0, v0  }
0xbd: {  	v30 =	vimm.s32 $0x0;
	vm4 =	vlt.s32 v34, v29  }
0xbe: {  	s4 =	sadd.s32 $0xFFFFFFFF, s6;
	s8 =	simm.s32 $0x5610;
	vm5 =	vgt.f32 v33, v32;
	vm6 =	veq.f32 v33, v32;
	v33 =	vimm.s32 $0x0  }
.LBB2_13:
0xbf: {  	v34 =	vld [tilespmem:s8+$0x0];
	p0 =	sne.s32 s4, $0x1;
	s4 =	sadd.s32 $0xFFFFFFFF, s4;
	vm1 =	vmand vm4, vm5;
	vm2 =	vmand vm4, vm6  }
.Ltmp10:
0xc0: {  	v35 =	vmpcnt.ones.xlane vm1;
	v36 =	vmpcnt.ones.xlane vm2;
	(pc) =	sbr.rel @p0 .LBB2_13-.Ltmp10, $4  }
0xc1: {  	_ = 	snop  }
0xc2: {  	s0 =	sadd.s32 $0x10, s0;
	v30 =	vadd.s32 v30, v35;
	v33 =	vadd.s32 v33, v36  }
0xc3: {  	v35 =	vor.u32 s0, v0  }
0xc4: {  	s8 =	sadd.s32 $0x10, s8;
	vm4 =	vlt.s32 v35, v29;
	vm5 =	vgt.f32 v34, v32;
	vm6 =	veq.f32 v34, v32  }
.LBB2_14:
.Ltmp11:
0xc5: {  	(pc) =	sbr.rel .LBB2_15-.Ltmp11, $3  }
0xc6: {  	vm1 =	vmand vm4, vm5;
	vm2 =	vmand vm4, vm6  }
0xc7: {  	v32 =	vmpcnt.ones.xlane vm1;
	v34 =	vmpcnt.ones.xlane vm2;
	_ =	sdelay $0x1  }
0xc8: {  	v30 =	vadd.s32 v30, v32;
	v32 =	vadd.s32 v33, v34  }
.LBB2_11:
0xc9: {  	v30 =	vimm.s32 $0x0;
	v32 =	vimm.s32 $0x0  }
.LBB2_15:
0xca: {  	(v2sf) =	vpush v30, $0x0  }
0xcb: {  	(v2sf) =	vpush v32, $0x0;
	_ =	sdelay $0xd  }
0xcc: {  	s4 =	spop (v2sf)  }
0xcd: {  	s0 =	spop (v2sf)  }
0xce: {  	p0 =	sgt.s32 s4, s18;
	s0 =	sadd.s32 s4, s0  }
0xcf: {  	p2 =	sgt.s32 @!p0 s0, s18  }
0xd0: {  	p2 =	por p0, !p2  }
.Ltmp12:
0xd1: {  	_ = 	snop;
	(pc) =	sbr.rel @!p2 .LBB2_26-.Ltmp12, $1  }
0xd2: {  	_ =	sdelay $0x3  }
.Ltmp13:
0xd3: {  	(pc) =	sbr.rel @p1 .LBB2_17-.Ltmp13, $1  }
0xd4: {  	_ =	sdelay $0x3  }
0xd5: {  	p2 =	sne.s32 s6, $0x1  }
.Ltmp14:
0xd6: {  	_ = 	snop;
	(pc) =	sbr.rel @!p2 .LBB2_19-.Ltmp14, $3  }
0xd7: {  	_ =	sdelay $0x1  }
0xd8: {  	p1 =	sle.s32 s4, s18;
	vm4 =	vmmov vm0;
	vm5 =	vmmov vm0;
	s8 =	simm.s32 $0x5600  }
0xd9: {  	v33 =	vimm.s32 $0x0;
	s4 =	simm.s32 $0x0;
	s6 =	sadd.s32 $0xFFFFFFFF, s6;
	vm4 =	vmneg @p0 vm4;
	vm5 =	vmneg @p1 vm5;
	v30 =	vld [tilespmem:s8+$0x0];
	p1 =	por $0x0, $0x0  }
0xda: {  	_ =	sdelay $0x3  }
0xdb: {  	vm1 =	vgt.f32 v30, v23;
	vm2 =	vlt.f32 v30, v23  }
0xdc: {  	v31 =	vor.u32 s4, v0;
	vm1 =	vmand vm4, vm1;
	vm2 =	vmand vm5, vm2  }
0xdd: {  	vm6 =	vlt.s32 v31, v29;
	vm1 =	vmor vm1, vm2  }
0xde: {  	vm1 =	vmand vm6, vm1  }
0xdf: {  	v31 =	vsel vm1, $0x1, v1  }
0xe0: {  	(xrf0) =	vadd.scan.msk.s32 $0xffff, v31;
	_ =	sdelay $0x5  }
0xe1: {  	v31, _, _ =	vpop (xrf0)  }
0xe2: {  	v31 =	vadd.s32 v31, v33  }
0xe3: {  	v31 =	vadd.s32 $0xFFFFFFFF, v31  }
0xe4: {  	p2 =	sne.s32 s6, $0x1  }
.Ltmp15:
0xe5: {  	_ = 	snop;
	(pc) =	sbr.rel @!p2 .LBB2_21-.Ltmp15, $3  }
0xe6: {  	v32 =	vmpcnt.ones.xlane vm1;
	_ =	sdelay $0x1  }
0xe7: {  	s8 =	simm.s32 $0x5610;
	v32 =	vadd.s32 v33, v32;
	[tilespmem:v31+s14+$0x0] =	vst.idx.msk vm1, v30  }
0xe8: {  	s19 =	sadd.s32 $0xFFFFFFFF, s6;
	p1 =	por $0x1, $0x1;
	s6 =	simm.s32 $0x0;
	v31 =	vmov v32;
	v30 =	vld [tilespmem:s8+$0x0]  }
.LBB2_22:
0xe9: {  	p2 =	sne.s32 s19, $0x1;
	_ =	sdelay $0x3  }
0xea: {  	s6 =	sadd.s32 $0x10, s6;
	vm1 =	vgt.f32 v30, v23;
	vm2 =	vlt.f32 v30, v23  }
0xeb: {  	v33 =	vor.u32 s6, v0;
	vm1 =	vmand vm4, vm1;
	vm2 =	vmand vm5, vm2  }
0xec: {  	vm6 =	vlt.s32 v33, v29;
	vm1 =	vmor vm1, vm2  }
0xed: {  	vm1 =	vmand vm6, vm1  }
0xee: {  	v33 =	vsel vm1, $0x1, v1;
	v34 =	vmpcnt.ones.xlane vm1  }
0xef: {  	(xrf0) =	vadd.scan.msk.s32 $0xffff, v33  }
0xf0: {  	v32 =	vadd.s32 v32, v34;
	_ =	sdelay $0x4  }
0xf1: {  	v33, _, _ =	vpop (xrf0)  }
0xf2: {  	v33 =	vadd.s32 v33, v31;
	v31 =	vmov v32  }
0xf3: {  	v33 =	vadd.s32 $0xFFFFFFFF, v33;
	_ =	sdelay $0x1  }
.Ltmp16:
0xf4: {  	(pc) =	sbr.rel @p2 .LBB2_22-.Ltmp16, $3  }
0xf5: {  	_ =	sdelay $0x1  }
0xf6: {  	s8 =	sadd.s32 $0x10, s8;
	[tilespmem:v33+s14+$0x0] =	vst.idx.msk vm1, v30  }
0xf7: {  	s19 =	sadd.s32 $0xFFFFFFFF, s19;
	v30 =	vld [tilespmem:s8+$0x0]  }
0xf8: {  	v33 =	vmov v32  }
.LBB2_24:
0xf9: {  	_ =	sdelay $0x1  }
0xfa: {  	s6 =	sadd.s32 @p1 $0x10, s6  }
0xfb: {  	s4 =	smov.u32 @p1 s6;
	vm1 =	vgt.f32 v30, v23;
	vm2 =	vlt.f32 v30, v23  }
0xfc: {  	v23 =	vor.u32 s4, v0;
	vm1 =	vmand vm4, vm1;
	vm2 =	vmand vm5, vm2  }
0xfd: {  	vm4 =	vlt.s32 v23, v29;
	vm1 =	vmor vm1, vm2  }
0xfe: {  	vm1 =	vmand vm4, vm1  }
0xff: {  	v23 =	vsel vm1, $0x1, v1  }
0x100: {  	(xrf0) =	vadd.scan.msk.s32 $0xffff, v23;
	_ =	sdelay $0x5  }
0x101: {  	v23, _, _ =	vpop (xrf0)  }
0x102: {  	v23 =	vadd.s32 v23, v31  }
0x103: {  	v29 =	vadd.s32 $0xFFFFFFFF, v23  }
.Ltmp17:
0x104: {  	_ = 	snop;
	(pc) =	sbr.rel .LBB2_25-.Ltmp17, $3  }
0x105: {  	_ = 	snop  }
0x106: {  	v23 =	vmpcnt.ones.xlane vm1;
	_ =	sdelay $0x1  }
0x107: {  	v23 =	vadd.s32 v33, v23;
	[tilespmem:v29+s14+$0x0] =	vst.idx.msk vm1, v30  }
.LBB2_19:
.Ltmp18:
0x108: {  	(pc) =	sbr.rel .LBB2_24-.Ltmp18, $2  }
0x109: {  	_ =	sdelay $0x2  }
0x10a: {  	s6 =	simm.s32 $0x0;
	v31 =	vimm.s32 $0x0  }
.LBB2_21:
.Ltmp19:
0x10b: {  	(pc) =	sbr.rel .LBB2_24-.Ltmp19, $2  }
0x10c: {  	_ =	sdelay $0x2  }
0x10d: {  	s6 =	simm.s32 $0x0;
	v33 =	vmov v32;
	v31 =	vmov v32  }
.LBB2_26:
0x10e: {  	(v2sf) =	vpush v31, $0x0;
	_ =	sdelay $0x2  }
0x10f: {  	s0 =	sadd.s32 $0xF, s1  }
0x110: {  	s6 =	sand.u32 $0xF, s0  }
0x111: {  	s8 =	sshra.s32 s0, $0x1F;
	p0 =	slt.s32 s0, $0x0;
	p1 =	sne.s32 s6, $0x0  }
0x112: {  	s20 =	sshrl.u32 s8, $0x1C;
	p0 =	por !p0, !p1  }
0x113: {  	s6 =	simm.s32 $0x1;
	s0 =	sadd.s32 s20, s0;
	p0 =	por !p0, !p0  }
0x114: {  	s0 =	sshra.s32 s0, $0x4;
	s6 =	simm.s32 @!p0 $0x0  }
0x115: {  	s6 =	ssub.s32 s0, s6  }
0x116: {  	p0 =	sgt.s32 s6, $0x0  }
.Ltmp20:
0x117: {  	_ = 	snop;
	(pc) =	sbr.rel @!p0 .LBB2_34-.Ltmp20, $2  }
0x118: {  	_ =	sdelay $0x2  }
0x119: {  	s0 =	spop (v2sf)  }
0x11a: {  	p1 =	sne.s32 s6, $0x1  }
.Ltmp21:
0x11b: {  	_ = 	snop;
	(pc) =	sbr.rel @!p1 .LBB2_28-.Ltmp21, $4  }
0x11c: {  	_ = 	snop  }
0x11d: {  	s4 =	ssub.s32 s18, s4  }
0x11e: {  	s8 =	simm.s32 $0x4F00;
	s18 =	simm.s32 $0x5280;
	v23 =	vbroadcast v31, $0x0;
	s4 =	sadd.s32 $0x1, s4  }
0x11f: {  	v30 =	vmov s1;
	v34 =	vimm.s32 $0x0;
	s20 =	simm.s32 $0x0;
	p0 =	por $0x0, $0x0;
	v31 =	vld [tilespmem:s8+$0x0];
	v29 =	vmov s4;
	s4 =	sadd.s32 $0xFFFFFFFF, s6  }
0x120: {  	_ =	sdelay $0x2  }
0x121: {  	v32 =	vor.u32 s20, v0  }
0x122: {  	vm1 =	vlt.s32 v32, v30;
	vm2 =	veq.f32 v31, v23  }
0x123: {  	vm2 =	vmand vm1, vm2  }
0x124: {  	v61 =	vsel vm2, $0x1, v1  }
0x125: {  	(xrf0) =	vadd.scan.msk.s32 $0xffff, v61;
	_ =	sdelay $0x5  }
0x126: {  	v32, _, _ =	vpop (xrf0)  }
0x127: {  	v32 =	vadd.s32 v34, v32  }
0x128: {  	vm4 =	vgt.f32 v31, v23;
	vm5 =	vle.s32 v32, v29  }
0x129: {  	vm1 =	vmand vm1, vm4;
	vm4 =	vmand vm2, vm5  }
0x12a: {  	vm1 =	vmor vm1, vm4  }
0x12b: {  	v62 =	vsel vm1, $0x1, v1  }
0x12c: {  	(xrf0) =	vadd.scan.msk.s32 $0xffff, v62;
	_ =	sdelay $0x5  }
0x12d: {  	v32, _, _ =	vpop (xrf0)  }
0x12e: {  	v32 =	vadd.s32 v32, v34  }
0x12f: {  	v35 =	vadd.s32 $0xFFFFFFFF, v32  }
0x130: {  	v36 =	vld [tilespmem:s18+$0x0];
	_ =	sdelay $0x1  }
0x131: {  	p1 =	sne.s32 s4, $0x1  }
.Ltmp22:
0x132: {  	_ = 	snop;
	(pc) =	sbr.rel @!p1 .LBB2_30-.Ltmp22, $4  }
0x133: {  	v63 =	vmpcnt.ones.xlane vm2;
	v37 =	vmpcnt.ones.xlane vm1;
	[tilespmem:v35+s12+$0x0] =	vst.idx.msk vm1, v31  }
0x134: {  	s8 =	simm.s32 $0x4F10;
	[tilespmem:v35+s13+$0x0] =	vst.idx.msk vm1, v36  }
0x135: {  	s19 =	sadd.s32 $0xFFFFFFFF, s4;
	v33 =	vadd.s32 v34, v63;
	v32 =	vadd.s32 v34, v37;
	v31 =	vld [tilespmem:s8+$0x0]  }
0x136: {  	p0 =	por $0x1, $0x1;
	s6 =	simm.s32 $0x0;
	s4 =	simm.s32 $0x5280;
	v34 =	vmov v33;
	v35 =	vmov v32  }
.LBB2_31:
0x137: {  	p1 =	sne.s32 s19, $0x1  }
0x138: {  	s6 =	sadd.s32 $0x10, s6  }
0x139: {  	v36 =	vor.u32 s6, v0  }
0x13a: {  	vm1 =	vlt.s32 v36, v30;
	vm2 =	veq.f32 v31, v23  }
0x13b: {  	vm2 =	vmand vm1, vm2  }
0x13c: {  	v36 =	vsel vm2, $0x1, v1;
	v37 =	vmpcnt.ones.xlane vm2  }
0x13d: {  	(xrf0) =	vadd.scan.msk.s32 $0xffff, v36  }
0x13e: {  	v34 =	vadd.s32 v34, v37;
	_ =	sdelay $0x4  }
0x13f: {  	v36, _, _ =	vpop (xrf0)  }
0x140: {  	v36 =	vadd.s32 v33, v36;
	v33 =	vmov v34  }
0x141: {  	vm4 =	vgt.f32 v31, v23;
	vm5 =	vle.s32 v36, v29  }
0x142: {  	vm1 =	vmand vm1, vm4;
	vm2 =	vmand vm2, vm5  }
0x143: {  	vm1 =	vmor vm1, vm2  }
0x144: {  	v36 =	vsel vm1, $0x1, v1;
	v37 =	vmpcnt.ones.xlane vm1  }
0x145: {  	(xrf0) =	vadd.scan.msk.s32 $0xffff, v36  }
0x146: {  	v35 =	vadd.s32 v35, v37;
	_ =	sdelay $0x4  }
0x147: {  	v36, _, _ =	vpop (xrf0)  }
0x148: {  	v36 =	vadd.s32 v36, v32;
	v32 =	vmov v35  }
0x149: {  	s4 =	sadd.s32 $0x10, s4;
	v36 =	vadd.s32 $0xFFFFFFFF, v36  }
0x14a: {  	v37 =	vld [tilespmem:s4+$0x0];
	_ =	sdelay $0x2  }
.Ltmp23:
0x14b: {  	(pc) =	sbr.rel @p1 .LBB2_31-.Ltmp23, $4  }
0x14c: {  	[tilespmem:v36+s12+$0x0] =	vst.idx.msk vm1, v31  }
0x14d: {  	s8 =	sadd.s32 $0x10, s8;
	[tilespmem:v36+s13+$0x0] =	vst.idx.msk vm1, v37  }
0x14e: {  	v31 =	vld [tilespmem:s8+$0x0]  }
0x14f: {  	s19 =	sadd.s32 $0xFFFFFFFF, s19  }
0x150: {  	v34 =	vmov v33  }
.LBB2_33:
0x151: {  	s6 =	sadd.s32 @p0 $0x10, s6  }
0x152: {  	s20 =	smov.u32 @p0 s6  }
0x153: {  	v33 =	vor.u32 s20, v0  }
0x154: {  	vm2 =	veq.f32 v31, v23;
	vm1 =	vlt.s32 v33, v30  }
0x155: {  	vm2 =	vmand vm1, vm2  }
0x156: {  	v30 =	vsel vm2, $0x1, v1  }
0x157: {  	(xrf0) =	vadd.scan.msk.s32 $0xffff, v30;
	_ =	sdelay $0x5  }
0x158: {  	v30, _, _ =	vpop (xrf0)  }
0x159: {  	v30 =	vadd.s32 v34, v30  }
0x15a: {  	vm4 =	vgt.f32 v31, v23;
	vm5 =	vle.s32 v30, v29  }
0x15b: {  	vm1 =	vmand vm1, vm4;
	vm2 =	vmand vm2, vm5  }
0x15c: {  	vm1 =	vmor vm1, vm2  }
0x15d: {  	v29 =	vsel vm1, $0x1, v1  }
0x15e: {  	(xrf0) =	vadd.scan.msk.s32 $0xffff, v29;
	_ =	sdelay $0x5  }
0x15f: {  	v29, _, _ =	vpop (xrf0)  }
0x160: {  	s4 =	sadd.s32 @p0 $0x10, s4;
	v29 =	vadd.s32 v29, v32  }
0x161: {  	s18 =	smov.u32 @p0 s4;
	v29 =	vadd.s32 $0xFFFFFFFF, v29  }
0x162: {  	v30 =	vld [tilespmem:s18+$0x0]  }
.Ltmp24:
0x163: {  	_ = 	snop;
	(pc) =	sbr.rel .LBB2_34-.Ltmp24, $3  }
0x164: {  	_ =	sdelay $0x1  }
0x165: {  	[tilespmem:v29+s12+$0x0] =	vst.idx.msk vm1, v31  }
0x166: {  	[tilespmem:v29+s13+$0x0] =	vst.idx.msk vm1, v30  }
.LBB2_28:
.Ltmp25:
0x167: {  	(pc) =	sbr.rel .LBB2_33-.Ltmp25, $2  }
0x168: {  	_ =	sdelay $0x2  }
0x169: {  	s6 =	simm.s32 $0x0;
	v32 =	vimm.s32 $0x0;
	s4 =	simm.s32 $0x5280  }
.LBB2_30:
.Ltmp26:
0x16a: {  	(pc) =	sbr.rel .LBB2_33-.Ltmp26, $2  }
0x16b: {  	_ =	sdelay $0x2  }
0x16c: {  	s6 =	simm.s32 $0x0;
	v34 =	vmov v33;
	s4 =	simm.s32 $0x5280  }
.LBB2_36:
0x16d: {  	p0 =	seq.s32 s30, $0x4  }
0x16e: {  	s4 =	sadd.s32 @!p0 s31, s26  }
0x16f: {  	s4 =	sshrl.u32 @!p0 s4, $0x3  }
.Ltmp27:
0x170: {  	s5 =	simm.s32 @!p0 $0x0;
	s4 =	sadd.s32 @!p0 s3, s4;
	(pc) =	sbr.rel .LBB2_37-.Ltmp27, $4  }
0x171: {  	[tilespmem:s5], [sflag:$0x1] =	stream.linear.gather @!p0 [hbm4b:s4+s5], $0x2710, $0x38;
	[tilespmem:$0x5B80] =	vst v63  }
0x172: {  	_ =	swait.ge [sflag:s15], $0x2710  }
0x173: {  	[sflag:s15] =	ssyncset.done $0x0  }
0x174: {  	s7 =	sadd.s32 s31, s28;
	s9 =	simm.s32 $0x0;
	[sflag:s15] =	ssyncadd.s32 $0xFFFFD8F0  }
.LBB2_39:
0x175: {  	v23 =	vmov s0  }
.LBB2_67:
0x176: {  	vm8 =	vgt.f32 v28, v23;
	vm10 =	vgt.f32 v27, v23  }
0x177: {  	vm9 =	vgt.f32 v26, v23;
	vm5 =	vgt.f32 v25, v23;
	v29 =	vsel vm8, $0x1, v1  }
0x178: {  	vm6 =	vgt.f32 v24, v23;
	vm7 =	vgt.f32 v22, v23;
	v48 =	vsel vm10, $0x1, v1;
	(xrf0) =	vadd.scan.msk.s32 $0xffff, v29  }
0x179: {  	vm4 =	vgt.f32 v21, v23;
	vm11 =	vgt.f32 v19, v23;
	vm12 =	vgt.f32 v18, v23;
	(xrf0) =	vadd.scan.msk.s32 $0xffff, v48  }
0x17a: {  	vm13 =	vgt.f32 v14, v23;
	vm14 =	vgt.f32 v13, v23;
	v49 =	vsel vm9, $0x1, v1  }
0x17b: {  	vm15 =	vgt.f32 v12, v23;
	v30 =	vmpcnt.ones.xlane vm8;
	v31 =	vsel vm5, $0x1, v1;
	(xrf0) =	vadd.scan.msk.s32 $0xffff, v49  }
0x17c: {  	v32 =	vmpcnt.ones.xlane vm10;
	v33 =	vsel vm6, $0x1, v1;
	v53 =	vmpcnt.ones.xlane vm9  }
0x17d: {  	p1 =	sgt.s32 s22, $0x300;
	v34 =	vsel vm7, $0x1, v1;
	v56 =	vmpcnt.ones.xlane vm5;
	v57 =	vsel vm4, $0x1, v1  }
0x17e: {  	s1 =	simm.s32 @p1 $0x64;
	v62 =	vmpcnt.ones.xlane vm6;
	v39 =	vmpcnt.ones.xlane vm7;
	v40 =	vsel vm11, $0x1, v1;
	v50, _, _ =	vpop (xrf0);
	(xrf0) =	vadd.scan.msk.s32 $0xffff, v31  }
0x17f: {  	v45 =	vmpcnt.ones.xlane vm4;
	v30 =	vadd.s32 s1, v30;
	v29 =	vadd.s32 s1, v50;
	v51, _, _ =	vpop (xrf0);
	(xrf0) =	vadd.scan.msk.s32 $0xffff, v33  }
0x180: {  	v46 =	vsel vm12, $0x1, v1;
	s1 =	sadd.s32 s5, s7;
	v29 =	vadd.s32 $0xFFFFFFFF, v29;
	v31 =	vadd.s32 v51, v30  }
0x181: {  	v30 =	vadd.s32 v30, v32;
	v52, _, _ =	vpop (xrf0);
	v35 =	vor.u32 s1, v0;
	(xrf0) =	vadd.scan.msk.s32 $0xffff, v34;
	s4 =	sadd.s32 $0x10, s1;
	v31 =	vadd.s32 $0xFFFFFFFF, v31  }
0x182: {  	s5 =	sadd.s32 $0x20, s1;
	s6 =	sadd.s32 $0x30, s1;
	s8 =	sadd.s32 $0x40, s1;
	v32 =	vadd.s32 v30, v52;
	v54 =	vadd.s32 v30, v53;
	v58 =	vor.u32 s4, v0  }
0x183: {  	s18 =	sadd.s32 $0x50, s1;
	v36 =	vor.u32 s5, v0;
	v41 =	vor.u32 s6, v0;
	v47 =	vor.u32 s8, v0;
	s5 =	sadd.s32 $0x90, s1  }
0x184: {  	v52 =	vor.u32 s18, v0;
	v32 =	vadd.s32 $0xFFFFFFFF, v32;
	v33 =	vor.u32 s5, v0;
	v55, _, _ =	vpop (xrf0);
	(xrf0) =	vadd.scan.msk.s32 $0xffff, v57  }
0x185: {  	[tilespmem:v29+s12+$0x0] =	vst.idx.msk vm8, v28;
	v30 =	vadd.s32 v54, v55;
	v28 =	vadd.s32 v54, v56;
	v60, _, _ =	vpop (xrf0);
	v55 =	vmpcnt.ones.xlane vm11  }
0x186: {  	[tilespmem:v29+s13+$0x0] =	vst.idx.msk vm8, v35;
	v59 =	vadd.s32 $0xFFFFFFFF, v30;
	vm8 =	vgt.f32 v20, v23;
	v61 =	vadd.s32 v28, v60  }
0x187: {  	v37 =	vadd.s32 v28, v62;
	v38, _, _ =	vpop (xrf0);
	v60 =	vmpcnt.ones.xlane vm12;
	v63 =	vsel vm8, $0x1, v1  }
0x188: {  	s20 =	sadd.s32 $0x70, s1;
	[tilespmem:v31+s12+$0x0] =	vst.idx.msk vm10, v27;
	v29 =	vadd.s32 $0xFFFFFFFF, v61;
	v28 =	vadd.s32 v37, v38;
	v50 =	vmpcnt.ones.xlane vm8  }
0x189: {  	s19 =	sadd.s32 $0x60, s1;
	v61 =	vor.u32 s20, v0;
	[tilespmem:v31+s13+$0x0] =	vst.idx.msk vm10, v58;
	(xrf0) =	vadd.scan.msk.s32 $0xffff, v63;
	v42 =	vadd.s32 $0xFFFFFFFF, v28  }
0x18a: {  	v58 =	vor.u32 s19, v0;
	vm10 =	vgt.f32 v15, v23;
	[tilespmem:v32+s12+$0x0] =	vst.idx.msk vm9, v26;
	v26 =	vadd.s32 v37, v39  }
0x18b: {  	(xrf0) =	vadd.scan.msk.s32 $0xffff, v40;
	v28 =	vsel vm10, $0x1, v1;
	v37 =	vsel vm14, $0x1, v1;
	v40 =	vsel vm15, $0x1, v1  }
0x18c: {  	[tilespmem:v32+s13+$0x0] =	vst.idx.msk vm9, v36;
	v43, _, _ =	vpop (xrf0);
	(xrf0) =	vadd.scan.msk.s32 $0xffff, v46;
	v48 =	vadd.s32 v26, v45;
	v32 =	vsel vm13, $0x1, v1  }
0x18d: {  	s6 =	sadd.s32 $0xA0, s1;
	v46 =	vmpcnt.ones.xlane vm13;
	vm9 =	vgt.f32 v7, v23;
	[tilespmem:v59+s12+$0x0] =	vst.idx.msk vm5, v25;
	v44 =	vadd.s32 v26, v43  }
0x18e: {  	s5 =	sadd.s32 $0xB0, s1;
	v43 =	vor.u32 s6, v0;
	[tilespmem:v59+s13+$0x0] =	vst.idx.msk vm5, v41;
	v27 =	vadd.s32 $0xFFFFFFFF, v44;
	vm5 =	vgt.f32 v17, v23  }
0x18f: {  	v41 =	vmpcnt.ones.xlane vm10;
	v44 =	vor.u32 s5, v0;
	[tilespmem:v29+s12+$0x0] =	vst.idx.msk vm6, v24;
	v51 =	vsel vm5, $0x1, v1  }
0x190: {  	s22 =	sadd.s32 $0x80, s1;
	v24 =	vadd.s32 v48, v50;
	v31 =	vmpcnt.ones.xlane vm5;
	v49, _, _ =	vpop (xrf0);
	[tilespmem:v29+s13+$0x0] =	vst.idx.msk vm6, v47;
	(xrf0) =	vadd.scan.msk.s32 $0xffff, v51  }
0x191: {  	s8 =	sadd.s32 $0xC0, s1;
	v50 =	vmpcnt.ones.xlane vm14;
	v29 =	vor.u32 s22, v0;
	v26 =	vadd.s32 v48, v49;
	[tilespmem:v42+s12+$0x0] =	vst.idx.msk vm7, v22  }
0x192: {  	s18 =	sadd.s32 $0xD0, s1;
	v47 =	vor.u32 s8, v0;
	v53, _, _ =	vpop (xrf0);
	v26 =	vadd.s32 $0xFFFFFFFF, v26;
	[tilespmem:v42+s13+$0x0] =	vst.idx.msk vm7, v52;
	vm7 =	vgt.f32 v16, v23  }
0x193: {  	v51 =	vor.u32 s18, v0;
	v54 =	vadd.s32 v24, v53;
	v57 =	vsel vm7, $0x1, v1  }
0x194: {  	s19 =	sadd.s32 $0xE0, s1;
	vm6 =	vgt.f32 v3, v23;
	v24 =	vadd.s32 v24, v55;
	v59, _, _ =	vpop (xrf0);
	v56 =	vadd.s32 $0xFFFFFFFF, v54;
	(xrf0) =	vadd.scan.msk.s32 $0xffff, v57  }
0x195: {  	v52 =	vmpcnt.ones.xlane vm15;
	v55 =	vor.u32 s19, v0;
	[tilespmem:v27+s12+$0x0] =	vst.idx.msk vm4, v21;
	v25 =	vadd.s32 v24, v59  }
0x196: {  	v22 =	vadd.s32 v24, v60;
	v36 =	vmpcnt.ones.xlane vm7;
	[tilespmem:v27+s13+$0x0] =	vst.idx.msk vm4, v58;
	v62 =	vadd.s32 $0xFFFFFFFF, v25;
	v63, _, _ =	vpop (xrf0)  }
0x197: {  	vm4 =	vgt.f32 v11, v23;
	(xrf0) =	vadd.scan.msk.s32 $0xffff, v28;
	[tilespmem:v26+s12+$0x0] =	vst.idx.msk vm8, v20;
	v24 =	vadd.s32 v22, v63  }
0x198: {  	s22 =	sadd.s32 $0x100, s1;
	v42 =	vsel vm4, $0x1, v1;
	v60 =	vmpcnt.ones.xlane vm4;
	[tilespmem:v26+s13+$0x0] =	vst.idx.msk vm8, v61;
	v30 =	vadd.s32 $0xFFFFFFFF, v24  }
0x199: {  	v22 =	vadd.s32 v22, v31;
	(xrf0) =	vadd.scan.msk.s32 $0xffff, v32;
	v63 =	vor.u32 s22, v0;
	[tilespmem:v56+s12+$0x0] =	vst.idx.msk vm11, v19  }
0x19a: {  	v38 =	vadd.s32 v22, v36;
	vm8 =	vgt.f32 v5, v23;
	[tilespmem:v56+s13+$0x0] =	vst.idx.msk vm11, v29;
	v34, _, _ =	vpop (xrf0);
	(xrf0) =	vadd.scan.msk.s32 $0xffff, v37  }
0x19b: {  	v29 =	vsel vm9, $0x1, v1;
	v37 =	vsel vm8, $0x1, v1;
	[tilespmem:v62+s12+$0x0] =	vst.idx.msk vm12, v18;
	v35 =	vadd.s32 v22, v34  }
0x19c: {  	s20 =	sadd.s32 $0xF0, s1;
	vm11 =	vgt.f32 v4, v23;
	(xrf0) =	vadd.scan.msk.s32 $0xffff, v40;
	[tilespmem:v62+s13+$0x0] =	vst.idx.msk vm12, v33;
	v18 =	vadd.s32 $0xFFFFFFFF, v35  }
0x19d: {  	v40 =	vmpcnt.ones.xlane vm11;
	v39, _, _ =	vpop (xrf0);
	(xrf0) =	vadd.scan.msk.s32 $0xffff, v42;
	v62 =	vor.u32 s20, v0;
	[tilespmem:v30+s12+$0x0] =	vst.idx.msk vm5, v17  }
0x19e: {  	v35 =	vmpcnt.ones.xlane vm8;
	v20 =	vadd.s32 v38, v39;
	[tilespmem:v30+s13+$0x0] =	vst.idx.msk vm5, v43;
	vm5 =	vgt.f32 v10, v23  }
0x19f: {  	v45, _, _ =	vpop (xrf0);
	v17 =	vadd.s32 v38, v41;
	v20 =	vadd.s32 $0xFFFFFFFF, v20;
	v48 =	vsel vm5, $0x1, v1  }
0x1a0: {  	vm12 =	vgt.f32 v8, v23;
	v38 =	vmpcnt.ones.xlane vm6;
	v21 =	vadd.s32 v17, v45;
	(xrf0) =	vadd.scan.msk.s32 $0xffff, v48  }
0x1a1: {  	v17 =	vadd.s32 v17, v46;
	v30 =	vmpcnt.ones.xlane vm9;
	v21 =	vadd.s32 $0xFFFFFFFF, v21;
	v49, _, _ =	vpop (xrf0);
	[tilespmem:v18+s12+$0x0] =	vst.idx.msk vm7, v16  }
0x1a2: {  	v25 =	vmpcnt.ones.xlane vm5;
	v19 =	vadd.s32 v17, v49;
	[tilespmem:v18+s13+$0x0] =	vst.idx.msk vm7, v44;
	vm7 =	vgt.f32 v9, v23  }
0x1a3: {  	v17 =	vadd.s32 v17, v50;
	v54, _, _ =	vpop (xrf0);
	v53 =	vadd.s32 $0xFFFFFFFF, v19;
	v58 =	vsel vm7, $0x1, v1  }
0x1a4: {  	v56 =	vadd.s32 v17, v52;
	v57, _, _ =	vpop (xrf0);
	v17 =	vadd.s32 v17, v54;
	[tilespmem:v20+s12+$0x0] =	vst.idx.msk vm10, v15;
	(xrf0) =	vadd.scan.msk.s32 $0xffff, v58  }
0x1a5: {  	v59 =	vadd.s32 v56, v57;
	v61 =	vadd.s32 $0xFFFFFFFF, v17;
	v27 =	vmpcnt.ones.xlane vm7;
	[tilespmem:v20+s13+$0x0] =	vst.idx.msk vm10, v47  }
0x1a6: {  	v19 =	vadd.s32 $0xFFFFFFFF, v59;
	v20 =	vadd.s32 v56, v60;
	vm10 =	vgt.f32 v6, v23;
	v24, _, _ =	vpop (xrf0);
	(xrf0) =	vadd.scan.msk.s32 $0xffff, v29  }
0x1a7: {  	[tilespmem:v21+s12+$0x0] =	vst.idx.msk vm13, v14;
	v28 =	vadd.s32 v20, v25;
	v32 =	vsel vm10, $0x1, v1;
	v33 =	vmpcnt.ones.xlane vm10  }
0x1a8: {  	[tilespmem:v21+s13+$0x0] =	vst.idx.msk vm13, v51;
	v26 =	vadd.s32 v20, v24;
	v20 =	vadd.s32 v28, v27;
	(xrf0) =	vadd.scan.msk.s32 $0xffff, v32  }
0x1a9: {  	v39 =	vsel vm6, $0x1, v1;
	v43 =	vmpcnt.ones.xlane vm12;
	[tilespmem:v53+s12+$0x0] =	vst.idx.msk vm14, v13;
	v34 =	vadd.s32 v20, v30  }
0x1aa: {  	[tilespmem:v53+s13+$0x0] =	vst.idx.msk vm14, v55;
	v13 =	vadd.s32 $0xFFFFFFFF, v26;
	v36 =	vadd.s32 v34, v33;
	v31, _, _ =	vpop (xrf0);
	(xrf0) =	vadd.scan.msk.s32 $0xffff, v37  }
0x1ab: {  	v45 =	vsel vm11, $0x1, v1;
	[tilespmem:v61+s12+$0x0] =	vst.idx.msk vm15, v12;
	v16 =	vadd.s32 v36, v35;
	v12 =	vadd.s32 v28, v31  }
0x1ac: {  	[tilespmem:v61+s13+$0x0] =	vst.idx.msk vm15, v62;
	v42 =	vadd.s32 v16, v38;
	v12 =	vadd.s32 $0xFFFFFFFF, v12;
	v41, _, _ =	vpop (xrf0);
	(xrf0) =	vadd.scan.msk.s32 $0xffff, v39  }
0x1ad: {  	v50 =	vsel vm12, $0x1, v1;
	[tilespmem:v19+s12+$0x0] =	vst.idx.msk vm4, v11;
	v46 =	vadd.s32 v42, v40;
	v44 =	vadd.s32 v20, v41  }
0x1ae: {  	s5 =	sadd.s32 $0x110, s1;
	[tilespmem:v19+s13+$0x0] =	vst.idx.msk vm4, v63;
	v48, _, _ =	vpop (xrf0);
	(xrf0) =	vadd.scan.msk.s32 $0xffff, v45;
	v17 =	vadd.s32 v46, v43;
	v18 =	vadd.s32 $0xFFFFFFFF, v44  }
0x1af: {  	v47 =	vor.u32 s5, v0;
	[tilespmem:v13+s12+$0x0] =	vst.idx.msk vm5, v10;
	v49 =	vadd.s32 v34, v48;
	(v2sf) =	vpush v17, $0x0  }
0x1b0: {  	s6 =	sadd.s32 $0x120, s1;
	[tilespmem:v13+s13+$0x0] =	vst.idx.msk vm5, v47;
	v10 =	vadd.s32 $0xFFFFFFFF, v49;
	v51, _, _ =	vpop (xrf0);
	(xrf0) =	vadd.scan.msk.s32 $0xffff, v50  }
0x1b1: {  	v52 =	vor.u32 s6, v0;
	[tilespmem:v12+s12+$0x0] =	vst.idx.msk vm7, v9;
	v13 =	vadd.s32 v36, v51  }
0x1b2: {  	s8 =	sadd.s32 $0x130, s1;
	v53, _, _ =	vpop (xrf0);
	[tilespmem:v12+s13+$0x0] =	vst.idx.msk vm7, v52;
	v54 =	vadd.s32 $0xFFFFFFFF, v13  }
0x1b3: {  	v55 =	vor.u32 s8, v0;
	[tilespmem:v18+s12+$0x0] =	vst.idx.msk vm9, v7;
	v56 =	vadd.s32 v16, v53  }
0x1b4: {  	s18 =	sadd.s32 $0x140, s1;
	v57, _, _ =	vpop (xrf0);
	[tilespmem:v18+s13+$0x0] =	vst.idx.msk vm9, v55;
	v58 =	vadd.s32 $0xFFFFFFFF, v56  }
0x1b5: {  	v59 =	vor.u32 s18, v0;
	v11 =	vadd.s32 v42, v57;
	[tilespmem:v10+s12+$0x0] =	vst.idx.msk vm10, v6  }
0x1b6: {  	s19 =	sadd.s32 $0x150, s1;
	v60 =	vadd.s32 $0xFFFFFFFF, v11;
	[tilespmem:v10+s13+$0x0] =	vst.idx.msk vm10, v59;
	v61, _, _ =	vpop (xrf0)  }
0x1b7: {  	v62 =	vor.u32 s19, v0;
	[tilespmem:v54+s12+$0x0] =	vst.idx.msk vm8, v5;
	v10 =	vadd.s32 v46, v61  }
0x1b8: {  	s20 =	sadd.s32 $0x160, s1;
	[tilespmem:v54+s13+$0x0] =	vst.idx.msk vm8, v62;
	v63 =	vadd.s32 $0xFFFFFFFF, v10  }
0x1b9: {  	[tilespmem:v58+s12+$0x0] =	vst.idx.msk vm6, v3;
	v3 =	vor.u32 s20, v0  }
0x1ba: {  	s22 =	sadd.s32 $0x170, s1;
	[tilespmem:v58+s13+$0x0] =	vst.idx.msk vm6, v3  }
0x1bb: {  	v3 =	vor.u32 s22, v0;
	[tilespmem:v60+s12+$0x0] =	vst.idx.msk vm11, v4  }
0x1bc: {  	s1 =	sadd.s32 $0x180, s1;
	[tilespmem:v60+s13+$0x0] =	vst.idx.msk vm11, v3  }
0x1bd: {  	v3 =	vor.u32 s1, v0;
	[tilespmem:v63+s12+$0x0] =	vst.idx.msk vm12, v8  }
0x1be: {  	s1 =	spop (v2sf);
	[tilespmem:v63+s13+$0x0] =	vst.idx.msk vm12, v3  }
.LBB2_68:
0x1bf: {  	s9 =	sadd.s32 $0x1, s9  }
0x1c0: {  	p1 =	sne.s32 s9, $0x19  }
.Ltmp28:
0x1c1: {  	_ = 	snop;
	(pc) =	sbr.rel @!p1 .LBB2_69-.Ltmp28, $1  }
0x1c2: {  	_ =	sdelay $0x3  }
.LBB2_37:
0x1c3: {  	s5 =	smul.u32 $0x190, s9;
	_ =	sdelay $0x1  }
0x1c4: {  	v28 =	vld [tilespmem:s5+$0x2780]  }
0x1c5: {  	v27 =	vld [tilespmem:s5+$0x2790]  }
0x1c6: {  	v26 =	vld [tilespmem:s5+$0x27A0]  }
0x1c7: {  	v25 =	vld [tilespmem:s5+$0x27B0]  }
0x1c8: {  	v24 =	vld [tilespmem:s5+$0x27C0]  }
0x1c9: {  	v22 =	vld [tilespmem:s5+$0x27D0]  }
0x1ca: {  	v21 =	vld [tilespmem:s5+$0x27E0]  }
0x1cb: {  	v20 =	vld [tilespmem:s5+$0x27F0]  }
0x1cc: {  	v18 =	vld [tilespmem:s5+$0x2810]  }
0x1cd: {  	v17 =	vld [tilespmem:s5+$0x2820]  }
0x1ce: {  	v16 =	vld [tilespmem:s5+$0x2830]  }
0x1cf: {  	v15 =	vld [tilespmem:s5+$0x2840]  }
0x1d0: {  	v14 =	vld [tilespmem:s5+$0x2850]  }
0x1d1: {  	v13 =	vld [tilespmem:s5+$0x2860]  }
0x1d2: {  	v12 =	vld [tilespmem:s5+$0x2870]  }
0x1d3: {  	s4 =	sand.u32 $0x3FF0, s5;
	v10 =	vld [tilespmem:s5+$0x2890]  }
0x1d4: {  	v19 =	vld [tilespmem:s4+$0x2800];
	vm1 =	vgt.f32 v28, s0  }
0x1d5: {  	v9 =	vld [tilespmem:s5+$0x28A0];
	vm2 =	vgt.f32 v27, s0;
	vm4 =	vgt.f32 v26, s0;
	vm5 =	vgt.f32 v25, s0  }
0x1d6: {  	v11 =	vld [tilespmem:s4+$0x2880];
	vm6 =	vgt.f32 v24, s0;
	vm7 =	vgt.f32 v22, s0;
	vm8 =	vgt.f32 v21, s0  }
0x1d7: {  	v7 =	vld [tilespmem:s5+$0x28B0];
	vm9 =	vgt.f32 v20, s0;
	vm11 =	vgt.f32 v18, s0;
	vm12 =	vgt.f32 v17, s0  }
0x1d8: {  	v6 =	vld [tilespmem:s5+$0x28C0];
	vm13 =	vgt.f32 v16, s0;
	vm14 =	vgt.f32 v15, s0;
	vm15 =	vgt.f32 v14, s0  }
0x1d9: {  	v5 =	vld [tilespmem:s5+$0x28D0];
	vm10 =	vgt.f32 v19, s0;
	vm1 =	vmor vm1, vm2;
	vm2 =	vgt.f32 v13, s0  }
0x1da: {  	v3 =	vld [tilespmem:s5+$0x28E0];
	vm4 =	vmor vm4, vm5;
	vm5 =	vgt.f32 v12, s0;
	vm6 =	vmor vm6, vm7  }
0x1db: {  	v4 =	vld [tilespmem:s5+$0x28F0];
	vm7 =	vgt.f32 v11, s0;
	vm8 =	vmor vm8, vm9;
	vm9 =	vgt.f32 v10, s0  }
0x1dc: {  	vm12 =	vmor vm12, vm13;
	vm13 =	vgt.f32 v7, s0;
	vm14 =	vmor vm14, vm15  }
0x1dd: {  	vm15 =	vgt.f32 v6, s0;
	vm10 =	vmor vm10, vm11;
	vm11 =	vgt.f32 v9, s0  }
0x1de: {  	v8 =	vld [tilespmem:s4+$0x2900];
	vm2 =	vmor vm2, vm5;
	vm5 =	vgt.f32 v5, s0;
	vm7 =	vmor vm7, vm9  }
0x1df: {  	vm9 =	vgt.f32 v3, s0;
	vm1 =	vmor vm1, vm4;
	vm4 =	vmor vm6, vm8  }
0x1e0: {  	vm11 =	vmor vm11, vm13;
	vm13 =	vgt.f32 v4, s0;
	vm5 =	vmor vm15, vm5  }
0x1e1: {  	vm15 =	vmor vm10, vm12;
	vm2 =	vmor vm14, vm2;
	vm9 =	vmor vm9, vm13  }
0x1e2: {  	vm1 =	vmor vm1, vm4;
	vm7 =	vmor vm7, vm11;
	vm5 =	vmor vm5, vm9  }
0x1e3: {  	vm2 =	vmor vm15, vm2;
	vm4 =	vmor vm7, vm5;
	vm5 =	vgt.f32 v8, s0  }
0x1e4: {  	vm1 =	vmor vm1, vm2;
	vm2 =	vmor vm5, vm4  }
0x1e5: {  	vm1 =	vmor vm1, vm2  }
0x1e6: {  	v23 =	vmpcnt.ones.xlane vm1;
	_ =	sdelay $0x1  }
0x1e7: {  	(v2sf) =	vpush v23, $0x0;
	_ =	sdelay $0xe  }
0x1e8: {  	s22 =	spop (v2sf)  }
0x1e9: {  	p1 =	slt.s32 s22, $0x1  }
.Ltmp29:
0x1ea: {  	_ = 	snop;
	(pc) =	sbr.rel @p1 .LBB2_68-.Ltmp29, $1  }
0x1eb: {  	_ =	sdelay $0x3  }
0x1ec: {  	s22 =	sadd.s32 $0x190, s1  }
0x1ed: {  	p1 =	slt.s32 s22, $0x301  }
.Ltmp30:
0x1ee: {  	_ = 	snop;
	(pc) =	sbr.rel @p1 .LBB2_39-.Ltmp30, $2  }
0x1ef: {  	_ =	sdelay $0x2  }
0x1f0: {  	s4 =	simm.s32 $0x0  }
0x1f1: {  	s0 =	sshra.s32 s4, $0x2  }
0x1f2: {  	s4 =	sadd.s32 $0x40, s4;
	v23 =	vld [tilespmem:s0+$0x4F00]  }
.LBB2_41:
0x1f3: {  	p1 =	sne.s32 s4, $0xBC0  }
.Ltmp31:
0x1f4: {  	_ = 	snop;
	(pc) =	sbr.rel @p1 .LBB2_41-.Ltmp31, $3  }
0x1f5: {  	_ =	sdelay $0x1  }
0x1f6: {  	[tilespmem:s0+$0x5600] =	vst v23;
	s0 =	sshra.s32 s4, $0x2;
	s4 =	sadd.s32 $0x40, s4  }
0x1f7: {  	v23 =	vld [tilespmem:s0+$0x4F00]  }
.Ltmp32:
0x1f8: {  	_ = 	snop;
	(pc) =	sbr.rel .LBB2_43-.Ltmp32, $2  }
0x1f9: {  	_ =	sdelay $0x2  }
0x1fa: {  	s18 =	simm.s32 $0x63;
	s4 =	smov.u32 s1;
	[tilespmem:s0+$0x5600] =	vst v23  }
.LBB2_50:
0x1fb: {  	v23 =	vimm.s32 $0x0  }
.LBB2_58:
0x1fc: {  	(v2sf) =	vpush v23, $0x0;
	_ =	sdelay $0xd  }
0x1fd: {  	s0 =	simm.s32 @p1 $0x0  }
0x1fe: {  	s18 =	ssub.s32 s18, s0;
	s4 =	spop (v2sf)  }
.LBB2_43:
0x1ff: {  	s0 =	sadd.s32 $0xF, s4  }
0x200: {  	s6 =	sand.u32 $0xF, s0  }
0x201: {  	s20 =	sshra.s32 s0, $0x1F;
	p2 =	slt.s32 s0, $0x1;
	p1 =	sne.s32 s6, $0x0  }
0x202: {  	s6 =	sshrl.u32 s20, $0x1C;
	p1 =	por !p2, !p1  }
0x203: {  	s0 =	sadd.s32 s6, s0;
	s6 =	simm.s32 $0x1;
	p1 =	por !p1, !p1  }
0x204: {  	s0 =	sshra.s32 s0, $0x4;
	s6 =	simm.s32 @!p1 $0x0  }
0x205: {  	v31 =	vld [tilespmem:$0x5600];
	s6 =	ssub.s32 s0, s6  }
0x206: {  	p2 =	slt.s32 s6, $0x1  }
.Ltmp33:
0x207: {  	_ = 	snop;
	(pc) =	sbr.rel @p2 .LBB2_44-.Ltmp33, $3  }
0x208: {  	_ =	sdelay $0x1  }
0x209: {  	v23 =	vbroadcast v31, $0x0  }
0x20a: {  	v29 =	vmov s4  }
0x20b: {  	s0 =	simm.s32 $0x5600  }
0x20c: {  	p1 =	sne.s32 s6, $0x1;
	v33 =	vld [tilespmem:s0+$0x0]  }
.Ltmp34:
0x20d: {  	_ = 	snop;
	(pc) =	sbr.rel @!p1 .LBB2_47-.Ltmp34, $4  }
0x20e: {  	s0 =	simm.s32 $0x0  }
0x20f: {  	v32 =	vbroadcast v31, $0x0;
	v34 =	vor.u32 s0, v0  }
0x210: {  	v30 =	vimm.s32 $0x0;
	vm4 =	vlt.s32 v34, v29  }
0x211: {  	s4 =	sadd.s32 $0xFFFFFFFF, s6;
	s8 =	simm.s32 $0x5610;
	vm5 =	vgt.f32 v33, v32;
	vm6 =	veq.f32 v33, v32;
	v33 =	vimm.s32 $0x0  }
.LBB2_46:
0x212: {  	v34 =	vld [tilespmem:s8+$0x0];
	p1 =	sne.s32 s4, $0x1;
	s4 =	sadd.s32 $0xFFFFFFFF, s4;
	vm1 =	vmand vm4, vm5;
	vm2 =	vmand vm4, vm6  }
.Ltmp35:
0x213: {  	v35 =	vmpcnt.ones.xlane vm1;
	v36 =	vmpcnt.ones.xlane vm2;
	(pc) =	sbr.rel @p1 .LBB2_46-.Ltmp35, $4  }
0x214: {  	_ = 	snop  }
0x215: {  	s0 =	sadd.s32 $0x10, s0;
	v30 =	vadd.s32 v30, v35;
	v33 =	vadd.s32 v33, v36  }
0x216: {  	v35 =	vor.u32 s0, v0  }
0x217: {  	s8 =	sadd.s32 $0x10, s8;
	vm4 =	vlt.s32 v35, v29;
	vm5 =	vgt.f32 v34, v32;
	vm6 =	veq.f32 v34, v32  }
.LBB2_47:
.Ltmp36:
0x218: {  	(pc) =	sbr.rel .LBB2_48-.Ltmp36, $3  }
0x219: {  	vm1 =	vmand vm4, vm5;
	vm2 =	vmand vm4, vm6  }
0x21a: {  	v32 =	vmpcnt.ones.xlane vm1;
	v34 =	vmpcnt.ones.xlane vm2;
	_ =	sdelay $0x1  }
0x21b: {  	v30 =	vadd.s32 v30, v32;
	v32 =	vadd.s32 v33, v34  }
.LBB2_44:
0x21c: {  	v30 =	vimm.s32 $0x0;
	v32 =	vimm.s32 $0x0  }
.LBB2_48:
0x21d: {  	(v2sf) =	vpush v30, $0x0  }
0x21e: {  	(v2sf) =	vpush v32, $0x0;
	_ =	sdelay $0xd  }
0x21f: {  	s4 =	spop (v2sf)  }
0x220: {  	s0 =	spop (v2sf)  }
0x221: {  	p1 =	sgt.s32 s4, s18;
	s0 =	sadd.s32 s4, s0  }
0x222: {  	p3 =	sgt.s32 @!p1 s0, s18  }
0x223: {  	p3 =	por p1, !p3  }
.Ltmp37:
0x224: {  	_ = 	snop;
	(pc) =	sbr.rel @!p3 .LBB2_59-.Ltmp37, $1  }
0x225: {  	_ =	sdelay $0x3  }
.Ltmp38:
0x226: {  	(pc) =	sbr.rel @p2 .LBB2_50-.Ltmp38, $1  }
0x227: {  	_ =	sdelay $0x3  }
0x228: {  	p3 =	sne.s32 s6, $0x1  }
.Ltmp39:
0x229: {  	_ = 	snop;
	(pc) =	sbr.rel @!p3 .LBB2_52-.Ltmp39, $3  }
0x22a: {  	_ =	sdelay $0x1  }
0x22b: {  	p2 =	sle.s32 s4, s18;
	vm4 =	vmmov vm0;
	vm5 =	vmmov vm0;
	s8 =	simm.s32 $0x5600  }
0x22c: {  	v33 =	vimm.s32 $0x0;
	s4 =	simm.s32 $0x0;
	s6 =	sadd.s32 $0xFFFFFFFF, s6;
	vm4 =	vmneg @p1 vm4;
	vm5 =	vmneg @p2 vm5;
	v30 =	vld [tilespmem:s8+$0x0];
	p2 =	por $0x0, $0x0  }
0x22d: {  	_ =	sdelay $0x3  }
0x22e: {  	vm1 =	vgt.f32 v30, v23;
	vm2 =	vlt.f32 v30, v23  }
0x22f: {  	v31 =	vor.u32 s4, v0;
	vm1 =	vmand vm4, vm1;
	vm2 =	vmand vm5, vm2  }
0x230: {  	vm6 =	vlt.s32 v31, v29;
	vm1 =	vmor vm1, vm2  }
0x231: {  	vm1 =	vmand vm6, vm1  }
0x232: {  	v31 =	vsel vm1, $0x1, v1  }
0x233: {  	(xrf0) =	vadd.scan.msk.s32 $0xffff, v31;
	_ =	sdelay $0x5  }
0x234: {  	v31, _, _ =	vpop (xrf0)  }
0x235: {  	v31 =	vadd.s32 v31, v33  }
0x236: {  	v31 =	vadd.s32 $0xFFFFFFFF, v31  }
0x237: {  	p3 =	sne.s32 s6, $0x1  }
.Ltmp40:
0x238: {  	_ = 	snop;
	(pc) =	sbr.rel @!p3 .LBB2_54-.Ltmp40, $3  }
0x239: {  	v32 =	vmpcnt.ones.xlane vm1;
	_ =	sdelay $0x1  }
0x23a: {  	s8 =	simm.s32 $0x5610;
	v32 =	vadd.s32 v33, v32;
	[tilespmem:v31+s14+$0x0] =	vst.idx.msk vm1, v30  }
0x23b: {  	s19 =	sadd.s32 $0xFFFFFFFF, s6;
	p2 =	por $0x1, $0x1;
	s6 =	simm.s32 $0x0;
	v31 =	vmov v32;
	v30 =	vld [tilespmem:s8+$0x0]  }
.LBB2_55:
0x23c: {  	p3 =	sne.s32 s19, $0x1;
	_ =	sdelay $0x3  }
0x23d: {  	s6 =	sadd.s32 $0x10, s6;
	vm1 =	vgt.f32 v30, v23;
	vm2 =	vlt.f32 v30, v23  }
0x23e: {  	v33 =	vor.u32 s6, v0;
	vm1 =	vmand vm4, vm1;
	vm2 =	vmand vm5, vm2  }
0x23f: {  	vm6 =	vlt.s32 v33, v29;
	vm1 =	vmor vm1, vm2  }
0x240: {  	vm1 =	vmand vm6, vm1  }
0x241: {  	v33 =	vsel vm1, $0x1, v1;
	v34 =	vmpcnt.ones.xlane vm1  }
0x242: {  	(xrf0) =	vadd.scan.msk.s32 $0xffff, v33  }
0x243: {  	v32 =	vadd.s32 v32, v34;
	_ =	sdelay $0x4  }
0x244: {  	v33, _, _ =	vpop (xrf0)  }
0x245: {  	v33 =	vadd.s32 v33, v31;
	v31 =	vmov v32  }
0x246: {  	v33 =	vadd.s32 $0xFFFFFFFF, v33;
	_ =	sdelay $0x1  }
.Ltmp41:
0x247: {  	(pc) =	sbr.rel @p3 .LBB2_55-.Ltmp41, $3  }
0x248: {  	_ =	sdelay $0x1  }
0x249: {  	s8 =	sadd.s32 $0x10, s8;
	[tilespmem:v33+s14+$0x0] =	vst.idx.msk vm1, v30  }
0x24a: {  	s19 =	sadd.s32 $0xFFFFFFFF, s19;
	v30 =	vld [tilespmem:s8+$0x0]  }
0x24b: {  	v33 =	vmov v32  }
.LBB2_57:
0x24c: {  	_ =	sdelay $0x1  }
0x24d: {  	s6 =	sadd.s32 @p2 $0x10, s6  }
0x24e: {  	s4 =	smov.u32 @p2 s6;
	vm1 =	vgt.f32 v30, v23;
	vm2 =	vlt.f32 v30, v23  }
0x24f: {  	v23 =	vor.u32 s4, v0;
	vm1 =	vmand vm4, vm1;
	vm2 =	vmand vm5, vm2  }
0x250: {  	vm4 =	vlt.s32 v23, v29;
	vm1 =	vmor vm1, vm2  }
0x251: {  	vm1 =	vmand vm4, vm1  }
0x252: {  	v23 =	vsel vm1, $0x1, v1  }
0x253: {  	(xrf0) =	vadd.scan.msk.s32 $0xffff, v23;
	_ =	sdelay $0x5  }
0x254: {  	v23, _, _ =	vpop (xrf0)  }
0x255: {  	v23 =	vadd.s32 v23, v31  }
0x256: {  	v29 =	vadd.s32 $0xFFFFFFFF, v23  }
.Ltmp42:
0x257: {  	_ = 	snop;
	(pc) =	sbr.rel .LBB2_58-.Ltmp42, $3  }
0x258: {  	_ = 	snop  }
0x259: {  	v23 =	vmpcnt.ones.xlane vm1;
	_ =	sdelay $0x1  }
0x25a: {  	v23 =	vadd.s32 v33, v23;
	[tilespmem:v29+s14+$0x0] =	vst.idx.msk vm1, v30  }
.LBB2_52:
.Ltmp43:
0x25b: {  	(pc) =	sbr.rel .LBB2_57-.Ltmp43, $2  }
0x25c: {  	_ =	sdelay $0x2  }
0x25d: {  	s6 =	simm.s32 $0x0;
	v31 =	vimm.s32 $0x0  }
.LBB2_54:
.Ltmp44:
0x25e: {  	(pc) =	sbr.rel .LBB2_57-.Ltmp44, $2  }
0x25f: {  	_ =	sdelay $0x2  }
0x260: {  	s6 =	simm.s32 $0x0;
	v33 =	vmov v32;
	v31 =	vmov v32  }
.LBB2_59:
0x261: {  	(v2sf) =	vpush v31, $0x0;
	_ =	sdelay $0x2  }
0x262: {  	s0 =	sadd.s32 $0xF, s1  }
0x263: {  	s6 =	sand.u32 $0xF, s0  }
0x264: {  	s8 =	sshra.s32 s0, $0x1F;
	p1 =	slt.s32 s0, $0x0;
	p2 =	sne.s32 s6, $0x0  }
0x265: {  	s20 =	sshrl.u32 s8, $0x1C;
	p1 =	por !p1, !p2  }
0x266: {  	s6 =	simm.s32 $0x1;
	s0 =	sadd.s32 s20, s0;
	p1 =	por !p1, !p1  }
0x267: {  	s0 =	sshra.s32 s0, $0x4;
	s6 =	simm.s32 @!p1 $0x0  }
0x268: {  	s6 =	ssub.s32 s0, s6  }
0x269: {  	p1 =	sgt.s32 s6, $0x0  }
.Ltmp45:
0x26a: {  	_ = 	snop;
	(pc) =	sbr.rel @!p1 .LBB2_67-.Ltmp45, $2  }
0x26b: {  	_ =	sdelay $0x2  }
0x26c: {  	s0 =	spop (v2sf)  }
0x26d: {  	p2 =	sne.s32 s6, $0x1  }
.Ltmp46:
0x26e: {  	_ = 	snop;
	(pc) =	sbr.rel @!p2 .LBB2_61-.Ltmp46, $4  }
0x26f: {  	_ = 	snop  }
0x270: {  	s4 =	ssub.s32 s18, s4  }
0x271: {  	s8 =	simm.s32 $0x4F00;
	s18 =	simm.s32 $0x5280;
	v23 =	vbroadcast v31, $0x0;
	s4 =	sadd.s32 $0x1, s4  }
0x272: {  	v30 =	vmov s1;
	v34 =	vimm.s32 $0x0;
	s20 =	simm.s32 $0x0;
	p1 =	por $0x0, $0x0;
	v31 =	vld [tilespmem:s8+$0x0];
	v29 =	vmov s4;
	s4 =	sadd.s32 $0xFFFFFFFF, s6  }
0x273: {  	_ =	sdelay $0x2  }
0x274: {  	v32 =	vor.u32 s20, v0  }
0x275: {  	vm1 =	vlt.s32 v32, v30;
	vm2 =	veq.f32 v31, v23  }
0x276: {  	vm2 =	vmand vm1, vm2  }
0x277: {  	v61 =	vsel vm2, $0x1, v1  }
0x278: {  	(xrf0) =	vadd.scan.msk.s32 $0xffff, v61;
	_ =	sdelay $0x5  }
0x279: {  	v32, _, _ =	vpop (xrf0)  }
0x27a: {  	v32 =	vadd.s32 v34, v32  }
0x27b: {  	vm4 =	vgt.f32 v31, v23;
	vm5 =	vle.s32 v32, v29  }
0x27c: {  	vm1 =	vmand vm1, vm4;
	vm4 =	vmand vm2, vm5  }
0x27d: {  	vm1 =	vmor vm1, vm4  }
0x27e: {  	v62 =	vsel vm1, $0x1, v1  }
0x27f: {  	(xrf0) =	vadd.scan.msk.s32 $0xffff, v62;
	_ =	sdelay $0x5  }
0x280: {  	v32, _, _ =	vpop (xrf0)  }
0x281: {  	v32 =	vadd.s32 v32, v34  }
0x282: {  	v35 =	vadd.s32 $0xFFFFFFFF, v32  }
0x283: {  	v36 =	vld [tilespmem:s18+$0x0];
	_ =	sdelay $0x1  }
0x284: {  	p2 =	sne.s32 s4, $0x1  }
.Ltmp47:
0x285: {  	_ = 	snop;
	(pc) =	sbr.rel @!p2 .LBB2_63-.Ltmp47, $4  }
0x286: {  	v63 =	vmpcnt.ones.xlane vm2;
	v37 =	vmpcnt.ones.xlane vm1;
	[tilespmem:v35+s12+$0x0] =	vst.idx.msk vm1, v31  }
0x287: {  	s8 =	simm.s32 $0x4F10;
	[tilespmem:v35+s13+$0x0] =	vst.idx.msk vm1, v36  }
0x288: {  	s19 =	sadd.s32 $0xFFFFFFFF, s4;
	v33 =	vadd.s32 v34, v63;
	v32 =	vadd.s32 v34, v37;
	v31 =	vld [tilespmem:s8+$0x0]  }
0x289: {  	p1 =	por $0x1, $0x1;
	s6 =	simm.s32 $0x0;
	s4 =	simm.s32 $0x5280;
	v34 =	vmov v33;
	v35 =	vmov v32  }
.LBB2_64:
0x28a: {  	p2 =	sne.s32 s19, $0x1  }
0x28b: {  	s6 =	sadd.s32 $0x10, s6  }
0x28c: {  	v36 =	vor.u32 s6, v0  }
0x28d: {  	vm1 =	vlt.s32 v36, v30;
	vm2 =	veq.f32 v31, v23  }
0x28e: {  	vm2 =	vmand vm1, vm2  }
0x28f: {  	v36 =	vsel vm2, $0x1, v1;
	v37 =	vmpcnt.ones.xlane vm2  }
0x290: {  	(xrf0) =	vadd.scan.msk.s32 $0xffff, v36  }
0x291: {  	v34 =	vadd.s32 v34, v37;
	_ =	sdelay $0x4  }
0x292: {  	v36, _, _ =	vpop (xrf0)  }
0x293: {  	v36 =	vadd.s32 v33, v36;
	v33 =	vmov v34  }
0x294: {  	vm4 =	vgt.f32 v31, v23;
	vm5 =	vle.s32 v36, v29  }
0x295: {  	vm1 =	vmand vm1, vm4;
	vm2 =	vmand vm2, vm5  }
0x296: {  	vm1 =	vmor vm1, vm2  }
0x297: {  	v36 =	vsel vm1, $0x1, v1;
	v37 =	vmpcnt.ones.xlane vm1  }
0x298: {  	(xrf0) =	vadd.scan.msk.s32 $0xffff, v36  }
0x299: {  	v35 =	vadd.s32 v35, v37;
	_ =	sdelay $0x4  }
0x29a: {  	v36, _, _ =	vpop (xrf0)  }
0x29b: {  	v36 =	vadd.s32 v36, v32;
	v32 =	vmov v35  }
0x29c: {  	s4 =	sadd.s32 $0x10, s4;
	v36 =	vadd.s32 $0xFFFFFFFF, v36  }
0x29d: {  	v37 =	vld [tilespmem:s4+$0x0];
	_ =	sdelay $0x2  }
.Ltmp48:
0x29e: {  	(pc) =	sbr.rel @p2 .LBB2_64-.Ltmp48, $4  }
0x29f: {  	[tilespmem:v36+s12+$0x0] =	vst.idx.msk vm1, v31  }
0x2a0: {  	s8 =	sadd.s32 $0x10, s8;
	[tilespmem:v36+s13+$0x0] =	vst.idx.msk vm1, v37  }
0x2a1: {  	v31 =	vld [tilespmem:s8+$0x0]  }
0x2a2: {  	s19 =	sadd.s32 $0xFFFFFFFF, s19  }
0x2a3: {  	v34 =	vmov v33  }
.LBB2_66:
0x2a4: {  	s6 =	sadd.s32 @p1 $0x10, s6  }
0x2a5: {  	s20 =	smov.u32 @p1 s6  }
0x2a6: {  	v33 =	vor.u32 s20, v0  }
0x2a7: {  	vm2 =	veq.f32 v31, v23;
	vm1 =	vlt.s32 v33, v30  }
0x2a8: {  	vm2 =	vmand vm1, vm2  }
0x2a9: {  	v30 =	vsel vm2, $0x1, v1  }
0x2aa: {  	(xrf0) =	vadd.scan.msk.s32 $0xffff, v30;
	_ =	sdelay $0x5  }
0x2ab: {  	v30, _, _ =	vpop (xrf0)  }
0x2ac: {  	v30 =	vadd.s32 v34, v30  }
0x2ad: {  	vm4 =	vgt.f32 v31, v23;
	vm5 =	vle.s32 v30, v29  }
0x2ae: {  	vm1 =	vmand vm1, vm4;
	vm2 =	vmand vm2, vm5  }
0x2af: {  	vm1 =	vmor vm1, vm2  }
0x2b0: {  	v29 =	vsel vm1, $0x1, v1  }
0x2b1: {  	(xrf0) =	vadd.scan.msk.s32 $0xffff, v29;
	_ =	sdelay $0x5  }
0x2b2: {  	v29, _, _ =	vpop (xrf0)  }
0x2b3: {  	s4 =	sadd.s32 @p1 $0x10, s4;
	v29 =	vadd.s32 v29, v32  }
0x2b4: {  	s18 =	smov.u32 @p1 s4;
	v29 =	vadd.s32 $0xFFFFFFFF, v29  }
0x2b5: {  	v30 =	vld [tilespmem:s18+$0x0]  }
.Ltmp49:
0x2b6: {  	_ = 	snop;
	(pc) =	sbr.rel .LBB2_67-.Ltmp49, $3  }
0x2b7: {  	_ =	sdelay $0x1  }
0x2b8: {  	[tilespmem:v29+s12+$0x0] =	vst.idx.msk vm1, v31  }
0x2b9: {  	[tilespmem:v29+s13+$0x0] =	vst.idx.msk vm1, v30  }
.LBB2_61:
.Ltmp50:
0x2ba: {  	(pc) =	sbr.rel .LBB2_66-.Ltmp50, $2  }
0x2bb: {  	_ =	sdelay $0x2  }
0x2bc: {  	s6 =	simm.s32 $0x0;
	v32 =	vimm.s32 $0x0;
	s4 =	simm.s32 $0x5280  }
.LBB2_63:
.Ltmp51:
0x2bd: {  	(pc) =	sbr.rel .LBB2_66-.Ltmp51, $2  }
0x2be: {  	_ =	sdelay $0x2  }
0x2bf: {  	s6 =	simm.s32 $0x0;
	v34 =	vmov v33;
	s4 =	simm.s32 $0x5280  }
.LBB2_69:
.Ltmp52:
0x2c0: {  	(pc) =	sbr.rel @p0 .LBB2_71-.Ltmp52, $1  }
0x2c1: {  	_ =	sdelay $0x3  }
.Ltmp53:
0x2c2: {  	(pc) =	sbr.rel .LBB2_3-.Ltmp53, $4  }
0x2c3: {  	s4 =	sadd.s32 s31, s29  }
0x2c4: {  	s4 =	sshrl.u32 s4, $0x3  }
0x2c5: {  	s30 =	sadd.s32 $0x1, s30;
	s4 =	sadd.s32 s3, s4  }
0x2c6: {  	[tilespmem:s10], [sflag:$0x2] =	stream.linear.gather [hbm4b:s4+s2], $0x2710, $0x38;
	[tilespmem:$0x5B80] =	vst v63  }
.LBB2_71:
0x2c7: {  	p0 =	seq.s32 s24, $0x3  }
0x2c8: {  	s0 =	sshrl.u32 @!p0 s25, $0x3  }
0x2c9: {  	s0 =	sadd.s32 @!p0 s3, s0  }
0x2ca: {  	s5 =	simm.s32 @!p0 $0x0;
	s4 =	sadd.s32 @!p0 $0x30D4, s0  }
0x2cb: {  	[tilespmem:s5], [sflag:$0x1] =	stream.linear.gather @!p0 [hbm4b:s4+s5], $0x2710, $0x38;
	[tilespmem:$0x5B80] =	vst v63  }
0x2cc: {  	s0 =	sadd.s32 @!p0 $0x35B6, s0;
	s4 =	simm.s32 @!p0 $0x2780  }
0x2cd: {  	[tilespmem:s4], [sflag:$0x2] =	stream.linear.gather @!p0 [hbm4b:s0+s5], $0x2710, $0x38;
	[tilespmem:$0x5B80] =	vst v63  }
0x2ce: {  	v3 =	vmov s25;
	[tilespmem:$0x5980] =	vst v2  }
0x2cf: {  	[tilespmem:$0x5A00] =	vst v3  }
0x2d0: {  	[tilespmem:$0x5990] =	vst v2  }
0x2d1: {  	[tilespmem:$0x5A10] =	vst v3  }
0x2d2: {  	[tilespmem:$0x59A0] =	vst v2  }
0x2d3: {  	[tilespmem:$0x5A20] =	vst v3  }
0x2d4: {  	[tilespmem:$0x59B0] =	vst v2  }
0x2d5: {  	[tilespmem:$0x5A30] =	vst v3  }
0x2d6: {  	[tilespmem:$0x59C0] =	vst v2  }
0x2d7: {  	[tilespmem:$0x5A40] =	vst v3  }
0x2d8: {  	[tilespmem:$0x59D0] =	vst v2  }
0x2d9: {  	[tilespmem:$0x5A50] =	vst v3  }
0x2da: {  	[tilespmem:$0x59E0] =	vst v2  }
0x2db: {  	[tilespmem:$0x5A60] =	vst v3  }
0x2dc: {  	[tilespmem:$0x59F0] =	vst v2  }
0x2dd: {  	s0 =	simm.s32 $0x0;
	[tilespmem:$0x5A70] =	vst v3  }
0x2de: {  	s24 =	sadd.s32 $0x1, s24;
	s4 =	simm.s32 $0x40;
	v3 =	vld [tilespmem:s0+$0x4F00]  }
.LBB2_72:
0x2df: {  	p0 =	sne.s32 s4, $0xBC0  }
.Ltmp54:
0x2e0: {  	_ = 	snop;
	(pc) =	sbr.rel @p0 .LBB2_72-.Ltmp54, $3  }
0x2e1: {  	_ =	sdelay $0x1  }
0x2e2: {  	[tilespmem:s0+$0x5600] =	vst v3;
	s0 =	sshra.s32 s4, $0x2;
	s4 =	sadd.s32 $0x40, s4  }
0x2e3: {  	v3 =	vld [tilespmem:s0+$0x4F00]  }
.Ltmp55:
0x2e4: {  	_ = 	snop;
	(pc) =	sbr.rel .LBB2_74-.Ltmp55, $2  }
0x2e5: {  	_ =	sdelay $0x2  }
0x2e6: {  	s4 =	smov.u32 s1;
	[tilespmem:s0+$0x5600] =	vst v3;
	s0 =	simm.s32 $0x63  }
.LBB2_81:
0x2e7: {  	v3 =	vimm.s32 $0x0  }
.LBB2_89:
0x2e8: {  	(v2sf) =	vpush v3, $0x0;
	_ =	sdelay $0xd  }
0x2e9: {  	s5 =	simm.s32 @p0 $0x0  }
0x2ea: {  	s0 =	ssub.s32 s0, s5;
	s4 =	spop (v2sf)  }
.LBB2_74:
0x2eb: {  	s5 =	sadd.s32 $0xF, s4  }
0x2ec: {  	s6 =	sand.u32 $0xF, s5  }
0x2ed: {  	s31 =	sshra.s32 s5, $0x1F;
	p1 =	slt.s32 s5, $0x1;
	p0 =	sne.s32 s6, $0x0  }
0x2ee: {  	s6 =	sshrl.u32 s31, $0x1C;
	p0 =	por !p1, !p0  }
0x2ef: {  	s5 =	sadd.s32 s6, s5;
	s6 =	simm.s32 $0x1;
	p0 =	por !p0, !p0  }
0x2f0: {  	s5 =	sshra.s32 s5, $0x4;
	s6 =	simm.s32 @!p0 $0x0  }
0x2f1: {  	s6 =	ssub.s32 s5, s6  }
0x2f2: {  	v3 =	vld [tilespmem:$0x5600];
	p2 =	slt.s32 s6, $0x1  }
.Ltmp56:
0x2f3: {  	_ = 	snop;
	(pc) =	sbr.rel @p2 .LBB2_75-.Ltmp56, $2  }
0x2f4: {  	_ =	sdelay $0x2  }
0x2f5: {  	v4 =	vmov s4;
	v3 =	vbroadcast v3, $0x0;
	p1 =	sne.s32 s6, $0x1  }
0x2f6: {  	s4 =	simm.s32 $0x5600  }
0x2f7: {  	v6 =	vld [tilespmem:s4+$0x0]  }
.Ltmp57:
0x2f8: {  	_ = 	snop;
	(pc) =	sbr.rel @!p1 .LBB2_78-.Ltmp57, $4  }
0x2f9: {  	s4 =	simm.s32 $0x0  }
0x2fa: {  	v7 =	vor.u32 s4, v0  }
0x2fb: {  	v5 =	vimm.s32 $0x0;
	vm4 =	vlt.s32 v7, v4  }
0x2fc: {  	s5 =	sadd.s32 $0xFFFFFFFF, s6;
	s7 =	simm.s32 $0x5610;
	vm5 =	vgt.f32 v6, v3;
	vm6 =	veq.f32 v6, v3;
	v6 =	vimm.s32 $0x0  }
.LBB2_77:
0x2fd: {  	v7 =	vld [tilespmem:s7+$0x0];
	p0 =	sne.s32 s5, $0x1;
	s5 =	sadd.s32 $0xFFFFFFFF, s5;
	vm1 =	vmand vm4, vm5;
	vm2 =	vmand vm4, vm6  }
.Ltmp58:
0x2fe: {  	v8 =	vmpcnt.ones.xlane vm1;
	v9 =	vmpcnt.ones.xlane vm2;
	(pc) =	sbr.rel @p0 .LBB2_77-.Ltmp58, $4  }
0x2ff: {  	_ = 	snop  }
0x300: {  	s4 =	sadd.s32 $0x10, s4;
	v5 =	vadd.s32 v5, v8;
	v6 =	vadd.s32 v6, v9  }
0x301: {  	v8 =	vor.u32 s4, v0  }
0x302: {  	s7 =	sadd.s32 $0x10, s7;
	vm4 =	vlt.s32 v8, v4;
	vm5 =	vgt.f32 v7, v3;
	vm6 =	veq.f32 v7, v3  }
.LBB2_78:
.Ltmp59:
0x303: {  	(pc) =	sbr.rel .LBB2_79-.Ltmp59, $3  }
0x304: {  	vm1 =	vmand vm4, vm5;
	vm2 =	vmand vm4, vm6  }
0x305: {  	v7 =	vmpcnt.ones.xlane vm1;
	v8 =	vmpcnt.ones.xlane vm2;
	_ =	sdelay $0x1  }
0x306: {  	v5 =	vadd.s32 v5, v7;
	v6 =	vadd.s32 v6, v8  }
.LBB2_75:
0x307: {  	v5 =	vimm.s32 $0x0;
	v6 =	vimm.s32 $0x0  }
.LBB2_79:
0x308: {  	(v2sf) =	vpush v5, $0x0  }
0x309: {  	(v2sf) =	vpush v6, $0x0;
	_ =	sdelay $0xd  }
0x30a: {  	s4 =	spop (v2sf)  }
0x30b: {  	s5 =	spop (v2sf)  }
0x30c: {  	p0 =	sgt.s32 s4, s0;
	s5 =	sadd.s32 s4, s5  }
0x30d: {  	p3 =	sgt.s32 @!p0 s5, s0  }
0x30e: {  	p3 =	por p0, !p3  }
.Ltmp60:
0x30f: {  	_ = 	snop;
	(pc) =	sbr.rel @!p3 .LBB2_90-.Ltmp60, $1  }
0x310: {  	_ =	sdelay $0x3  }
.Ltmp61:
0x311: {  	(pc) =	sbr.rel @p2 .LBB2_81-.Ltmp61, $1  }
0x312: {  	_ =	sdelay $0x3  }
.Ltmp62:
0x313: {  	(pc) =	sbr.rel @!p1 .LBB2_83-.Ltmp62, $3  }
0x314: {  	_ =	sdelay $0x1  }
0x315: {  	p2 =	sle.s32 s4, s0;
	vm4 =	vmmov vm0;
	vm5 =	vmmov vm0;
	s7 =	simm.s32 $0x5600  }
0x316: {  	v8 =	vimm.s32 $0x0;
	s4 =	simm.s32 $0x0;
	s6 =	sadd.s32 $0xFFFFFFFF, s6;
	vm4 =	vmneg @p0 vm4;
	vm5 =	vmneg @p2 vm5;
	v5 =	vld [tilespmem:s7+$0x0];
	p2 =	por $0x0, $0x0  }
0x317: {  	_ =	sdelay $0x3  }
0x318: {  	vm1 =	vgt.f32 v5, v3;
	vm2 =	vlt.f32 v5, v3  }
0x319: {  	v6 =	vor.u32 s4, v0;
	vm1 =	vmand vm4, vm1;
	vm2 =	vmand vm5, vm2  }
0x31a: {  	vm6 =	vlt.s32 v6, v4;
	vm1 =	vmor vm1, vm2  }
0x31b: {  	vm1 =	vmand vm6, vm1  }
0x31c: {  	v6 =	vsel vm1, $0x1, v1  }
0x31d: {  	(xrf0) =	vadd.scan.msk.s32 $0xffff, v6;
	_ =	sdelay $0x5  }
0x31e: {  	v6, _, _ =	vpop (xrf0)  }
0x31f: {  	v6 =	vadd.s32 v6, v8  }
0x320: {  	v6 =	vadd.s32 $0xFFFFFFFF, v6  }
0x321: {  	p1 =	sne.s32 s6, $0x1  }
.Ltmp63:
0x322: {  	_ = 	snop;
	(pc) =	sbr.rel @!p1 .LBB2_85-.Ltmp63, $3  }
0x323: {  	v7 =	vmpcnt.ones.xlane vm1;
	_ =	sdelay $0x1  }
0x324: {  	s7 =	simm.s32 $0x5610;
	v7 =	vadd.s32 v8, v7;
	[tilespmem:v6+s14+$0x0] =	vst.idx.msk vm1, v5  }
0x325: {  	s8 =	sadd.s32 $0xFFFFFFFF, s6;
	p2 =	por $0x1, $0x1;
	s6 =	simm.s32 $0x0;
	v6 =	vmov v7;
	v5 =	vld [tilespmem:s7+$0x0]  }
.LBB2_86:
0x326: {  	p1 =	sne.s32 s8, $0x1;
	_ =	sdelay $0x3  }
0x327: {  	s6 =	sadd.s32 $0x10, s6;
	vm1 =	vgt.f32 v5, v3;
	vm2 =	vlt.f32 v5, v3  }
0x328: {  	v8 =	vor.u32 s6, v0;
	vm1 =	vmand vm4, vm1;
	vm2 =	vmand vm5, vm2  }
0x329: {  	vm6 =	vlt.s32 v8, v4;
	vm1 =	vmor vm1, vm2  }
0x32a: {  	vm1 =	vmand vm6, vm1  }
0x32b: {  	v8 =	vsel vm1, $0x1, v1;
	v9 =	vmpcnt.ones.xlane vm1  }
0x32c: {  	(xrf0) =	vadd.scan.msk.s32 $0xffff, v8  }
0x32d: {  	v7 =	vadd.s32 v7, v9;
	_ =	sdelay $0x4  }
0x32e: {  	v8, _, _ =	vpop (xrf0)  }
0x32f: {  	v8 =	vadd.s32 v8, v6;
	v6 =	vmov v7  }
0x330: {  	v8 =	vadd.s32 $0xFFFFFFFF, v8;
	_ =	sdelay $0x1  }
.Ltmp64:
0x331: {  	(pc) =	sbr.rel @p1 .LBB2_86-.Ltmp64, $3  }
0x332: {  	_ =	sdelay $0x1  }
0x333: {  	s7 =	sadd.s32 $0x10, s7;
	[tilespmem:v8+s14+$0x0] =	vst.idx.msk vm1, v5  }
0x334: {  	s8 =	sadd.s32 $0xFFFFFFFF, s8;
	v5 =	vld [tilespmem:s7+$0x0]  }
0x335: {  	v8 =	vmov v7  }
.LBB2_88:
0x336: {  	_ =	sdelay $0x1  }
0x337: {  	s6 =	sadd.s32 @p2 $0x10, s6  }
0x338: {  	s4 =	smov.u32 @p2 s6;
	vm1 =	vgt.f32 v5, v3;
	vm2 =	vlt.f32 v5, v3  }
0x339: {  	v3 =	vor.u32 s4, v0;
	vm1 =	vmand vm4, vm1;
	vm2 =	vmand vm5, vm2  }
0x33a: {  	vm4 =	vlt.s32 v3, v4;
	vm1 =	vmor vm1, vm2  }
0x33b: {  	vm1 =	vmand vm4, vm1  }
0x33c: {  	v3 =	vsel vm1, $0x1, v1  }
0x33d: {  	(xrf0) =	vadd.scan.msk.s32 $0xffff, v3;
	_ =	sdelay $0x5  }
0x33e: {  	v3, _, _ =	vpop (xrf0)  }
0x33f: {  	v3 =	vadd.s32 v3, v6  }
0x340: {  	v4 =	vadd.s32 $0xFFFFFFFF, v3  }
.Ltmp65:
0x341: {  	_ = 	snop;
	(pc) =	sbr.rel .LBB2_89-.Ltmp65, $3  }
0x342: {  	_ = 	snop  }
0x343: {  	v3 =	vmpcnt.ones.xlane vm1;
	_ =	sdelay $0x1  }
0x344: {  	v3 =	vadd.s32 v8, v3;
	[tilespmem:v4+s14+$0x0] =	vst.idx.msk vm1, v5  }
.LBB2_83:
.Ltmp66:
0x345: {  	(pc) =	sbr.rel .LBB2_88-.Ltmp66, $2  }
0x346: {  	_ =	sdelay $0x2  }
0x347: {  	s6 =	simm.s32 $0x0;
	v6 =	vimm.s32 $0x0  }
.LBB2_85:
.Ltmp67:
0x348: {  	(pc) =	sbr.rel .LBB2_88-.Ltmp67, $2  }
0x349: {  	_ =	sdelay $0x2  }
0x34a: {  	s6 =	simm.s32 $0x0;
	v8 =	vmov v7;
	v6 =	vmov v7  }
.LBB2_90:
0x34b: {  	s5 =	sadd.s32 $0xF, s1  }
0x34c: {  	s6 =	sand.u32 $0xF, s5  }
0x34d: {  	s7 =	sshra.s32 s5, $0x1F;
	p0 =	slt.s32 s5, $0x1;
	p1 =	sne.s32 s6, $0x0  }
0x34e: {  	s31 =	sshrl.u32 s7, $0x1C;
	p0 =	por !p0, !p1  }
0x34f: {  	s6 =	simm.s32 $0x1;
	s5 =	sadd.s32 s31, s5;
	p0 =	por !p0, !p0  }
0x350: {  	s5 =	sshra.s32 s5, $0x4;
	s6 =	simm.s32 @!p0 $0x0  }
0x351: {  	s5 =	ssub.s32 s5, s6  }
0x352: {  	p0 =	slt.s32 s5, $0x1  }
.Ltmp68:
0x353: {  	_ = 	snop;
	(pc) =	sbr.rel @p0 .LBB2_98-.Ltmp68, $1  }
0x354: {  	_ =	sdelay $0x3  }
0x355: {  	p1 =	sne.s32 s5, $0x1  }
.Ltmp69:
0x356: {  	_ = 	snop;
	(pc) =	sbr.rel @!p1 .LBB2_92-.Ltmp69, $4  }
0x357: {  	_ = 	snop  }
0x358: {  	s0 =	ssub.s32 s0, s4  }
0x359: {  	s6 =	simm.s32 $0x4F00;
	v6 =	vmov s1;
	s1 =	simm.s32 $0x0;
	s4 =	sadd.s32 $0x1, s0  }
0x35a: {  	v9 =	vimm.s32 $0x0;
	p0 =	por $0x0, $0x0;
	s0 =	simm.s32 $0x5280;
	v5 =	vld [tilespmem:s6+$0x0];
	v4 =	vmov s4;
	s4 =	sadd.s32 $0xFFFFFFFF, s5  }
0x35b: {  	_ =	sdelay $0x2  }
0x35c: {  	v7 =	vor.u32 s1, v0  }
0x35d: {  	vm1 =	vlt.s32 v7, v6;
	vm2 =	veq.f32 v5, v3  }
0x35e: {  	vm2 =	vmand vm1, vm2  }
0x35f: {  	v7 =	vsel vm2, $0x1, v1  }
0x360: {  	(xrf0) =	vadd.scan.msk.s32 $0xffff, v7;
	_ =	sdelay $0x5  }
0x361: {  	v7, _, _ =	vpop (xrf0)  }
0x362: {  	v7 =	vadd.s32 v9, v7  }
0x363: {  	vm4 =	vgt.f32 v5, v3;
	vm5 =	vle.s32 v7, v4  }
0x364: {  	vm1 =	vmand vm1, vm4;
	vm4 =	vmand vm2, vm5  }
0x365: {  	vm1 =	vmor vm1, vm4  }
0x366: {  	v7 =	vsel vm1, $0x1, v1  }
0x367: {  	(xrf0) =	vadd.scan.msk.s32 $0xffff, v7;
	_ =	sdelay $0x5  }
0x368: {  	v7, _, _ =	vpop (xrf0)  }
0x369: {  	v7 =	vadd.s32 v7, v9  }
0x36a: {  	v10 =	vadd.s32 $0xFFFFFFFF, v7  }
0x36b: {  	v11 =	vld [tilespmem:s0+$0x0];
	_ =	sdelay $0x1  }
0x36c: {  	p1 =	sne.s32 s4, $0x1  }
.Ltmp70:
0x36d: {  	_ = 	snop;
	(pc) =	sbr.rel @!p1 .LBB2_94-.Ltmp70, $4  }
0x36e: {  	v12 =	vmpcnt.ones.xlane vm1;
	v7 =	vmpcnt.ones.xlane vm2;
	[tilespmem:v10+s16+$0x0] =	vst.idx.msk vm1, v5  }
0x36f: {  	s6 =	simm.s32 $0x4F10;
	[tilespmem:v10+s17+$0x0] =	vst.idx.msk vm1, v11  }
0x370: {  	s7 =	sadd.s32 $0xFFFFFFFF, s4;
	v8 =	vadd.s32 v9, v7;
	v7 =	vadd.s32 v9, v12;
	v5 =	vld [tilespmem:s6+$0x0]  }
0x371: {  	p0 =	por $0x1, $0x1;
	s5 =	simm.s32 $0x0;
	s4 =	simm.s32 $0x5280;
	v9 =	vmov v8;
	v10 =	vmov v7  }
.LBB2_95:
0x372: {  	p1 =	sne.s32 s7, $0x1  }
0x373: {  	s5 =	sadd.s32 $0x10, s5  }
0x374: {  	v11 =	vor.u32 s5, v0  }
0x375: {  	vm1 =	vlt.s32 v11, v6;
	vm2 =	veq.f32 v5, v3  }
0x376: {  	vm2 =	vmand vm1, vm2  }
0x377: {  	v11 =	vsel vm2, $0x1, v1;
	v12 =	vmpcnt.ones.xlane vm2  }
0x378: {  	(xrf0) =	vadd.scan.msk.s32 $0xffff, v11  }
0x379: {  	v9 =	vadd.s32 v9, v12;
	_ =	sdelay $0x4  }
0x37a: {  	v11, _, _ =	vpop (xrf0)  }
0x37b: {  	v11 =	vadd.s32 v8, v11;
	v8 =	vmov v9  }
0x37c: {  	vm4 =	vgt.f32 v5, v3;
	vm5 =	vle.s32 v11, v4  }
0x37d: {  	vm1 =	vmand vm1, vm4;
	vm2 =	vmand vm2, vm5  }
0x37e: {  	vm1 =	vmor vm1, vm2  }
0x37f: {  	v11 =	vsel vm1, $0x1, v1;
	v12 =	vmpcnt.ones.xlane vm1  }
0x380: {  	(xrf0) =	vadd.scan.msk.s32 $0xffff, v11  }
0x381: {  	v10 =	vadd.s32 v10, v12;
	_ =	sdelay $0x4  }
0x382: {  	v11, _, _ =	vpop (xrf0)  }
0x383: {  	v11 =	vadd.s32 v11, v7;
	v7 =	vmov v10  }
0x384: {  	s4 =	sadd.s32 $0x10, s4;
	v11 =	vadd.s32 $0xFFFFFFFF, v11  }
0x385: {  	v12 =	vld [tilespmem:s4+$0x0];
	_ =	sdelay $0x2  }
.Ltmp71:
0x386: {  	(pc) =	sbr.rel @p1 .LBB2_95-.Ltmp71, $4  }
0x387: {  	[tilespmem:v11+s16+$0x0] =	vst.idx.msk vm1, v5  }
0x388: {  	s6 =	sadd.s32 $0x10, s6;
	[tilespmem:v11+s17+$0x0] =	vst.idx.msk vm1, v12  }
0x389: {  	v5 =	vld [tilespmem:s6+$0x0]  }
0x38a: {  	s7 =	sadd.s32 $0xFFFFFFFF, s7  }
0x38b: {  	v9 =	vmov v8  }
.LBB2_97:
0x38c: {  	s5 =	sadd.s32 @p0 $0x10, s5  }
0x38d: {  	s1 =	smov.u32 @p0 s5  }
0x38e: {  	v8 =	vor.u32 s1, v0  }
0x38f: {  	vm2 =	veq.f32 v5, v3;
	vm1 =	vlt.s32 v8, v6  }
0x390: {  	vm2 =	vmand vm1, vm2  }
0x391: {  	v62 =	vsel vm2, $0x1, v1  }
0x392: {  	(xrf0) =	vadd.scan.msk.s32 $0xffff, v62;
	_ =	sdelay $0x5  }
0x393: {  	v6, _, _ =	vpop (xrf0)  }
0x394: {  	v6 =	vadd.s32 v9, v6  }
0x395: {  	vm4 =	vgt.f32 v5, v3;
	vm5 =	vle.s32 v6, v4  }
0x396: {  	vm1 =	vmand vm1, vm4;
	vm2 =	vmand vm2, vm5  }
0x397: {  	vm1 =	vmor vm1, vm2  }
0x398: {  	v3 =	vsel vm1, $0x1, v1  }
0x399: {  	(xrf0) =	vadd.scan.msk.s32 $0xffff, v3;
	_ =	sdelay $0x5  }
0x39a: {  	v3, _, _ =	vpop (xrf0)  }
0x39b: {  	s1 =	sadd.s32 @p0 $0x10, s4;
	v3 =	vadd.s32 v3, v7  }
0x39c: {  	s0 =	smov.u32 @p0 s1;
	v3 =	vadd.s32 $0xFFFFFFFF, v3  }
0x39d: {  	v63 =	vld [tilespmem:s0+$0x0];
	_ =	sdelay $0x3  }
0x39e: {  	[tilespmem:v3+s16+$0x0] =	vst.idx.msk vm1, v5  }
0x39f: {  	[tilespmem:v3+s17+$0x0] =	vst.idx.msk vm1, v63  }
.LBB2_98:
0x3a0: {  	s0 =	simm.s32 $0x5A80  }
0x3a1: {  	s1 =	rddreg [dreg:$0x2];
	s4 =	simm.s32 $0x80;
	s30 =	simm.s32 $0x3  }
0x3a2: {  	[tilespmem:s0], [sflag:$0x3] =	stream.indirect.gather [hbm4b:s1+s4], $0x1, s17, s4, $0xb8;
	[tilespmem:$0x5B80] =	vst v63  }
0x3a3: {  	_ =	swait.ge [sflag:s30], $0x80  }
0x3a4: {  	[sflag:s30] =	ssyncset.done $0x0  }
0x3a5: {  	v3 =	vmul.u32 $0xFFFFFFFF, v0;
	[sflag:s30] =	ssyncadd.s32 $0xFFFFFF80  }
0x3a6: {  	s31 =	simm.s32 $0x0;
	v6 =	vld [tilespmem:s0+$0x0]  }
0x3a7: {  	v5 =	vmov s31;
	v4 =	vadd.s32 $0x64, v3;
	s0 =	simm.s32 $0x5980  }
0x3a8: {  	vm1 =	vlt.u32 v5, v4;
	v5 =	vld [tilespmem:s0+$0x0];
	_ =	sdelay $0x1  }
0x3a9: {  	v7 =	vimm.f32 $0.0e+00  }
0x3aa: {  	s1 =	simm.s32 $0x10;
	s4 =	simm.s32 $0x5A90;
	v3 =	vimm.f32 $0.0e+00;
	v8 =	vnsel vm1, $0x0, v6;
	v6 =	vimm.f32 $0.0e+00  }
.LBB2_99:
0x3ab: {  	p0 =	sne.s32 s1, $0x60  }
0x3ac: {  	v9 =	vld [tilespmem:s4+$0x0];
	v10 =	vmul.f32 v8, v5;
	v8 =	vmul.f32 v8, v8;
	s0 =	sadd.s32 $0x10, s0;
	s5 =	smov.u32 s1;
	s1 =	sadd.s32 $0x10, s1  }
.Ltmp72:
0x3ad: {  	v11 =	vmul.f32 v5, v5;
	v5 =	vld [tilespmem:s0+$0x0];
	(pc) =	sbr.rel @p0 .LBB2_99-.Ltmp72, $4  }
0x3ae: {  	v3 =	vadd.f32 v10, v3;
	v6 =	vadd.f32 v8, v6  }
0x3af: {  	v8 =	vmov s5;
	v7 =	vadd.f32 v11, v7  }
0x3b0: {  	vm1 =	vlt.u32 v8, v4  }
0x3b1: {  	s4 =	sadd.s32 $0x10, s4;
	v8 =	vnsel vm1, $0x0, v9  }
0x3b2: {  	v4 =	vmul.f32 v8, v5  }
0x3b3: {  	v61 =	vmul.f32 v8, v8  }
0x3b4: {  	v62 =	vmul.f32 v5, v5;
	v3 =	vadd.f32 v4, v3  }
0x3b5: {  	v63 =	vadd.f32 v61, v6  }
0x3b6: {  	v5 =	vadd.f32 v62, v7;
	(xrf2) =	vadd.scan.msk.f32 $0xffff, v3  }
0x3b7: {  	(xrf2) =	vadd.scan.msk.f32 $0xffff, v63  }
0x3b8: {  	(xrf2) =	vadd.scan.msk.f32 $0xffff, v5;
	_ =	sdelay $0x7  }
0x3b9: {  	v3, _, _ =	vpop (xrf2)  }
0x3ba: {  	v4, _, _ =	vpop (xrf2)  }
0x3bb: {  	v5, _, _ =	vpop (xrf2)  }
0x3bc: {  	v5 =	vbroadcast v5, $0xF  }
0x3bd: {  	vm1 =	vcmask $0xB08;
	v4 =	vbroadcast v4, $0xF  }
0x3be: {  	v3 =	vbroadcast v3, $0xF;
	v5 =	vnsel vm1, $0x0, v5;
	vm1 =	vcmask $0x3F08  }
0x3bf: {  	v4 =	vsel vm1, v5, v4  }
0x3c0: {  	s0 =	sshll.u32 s23, $0x1;
	s1 =	rddreg [dreg:$0x4];
	v3 =	vsel vm3, v4, v3  }
0x3c1: {  	s31 =	simm.s32 $0x5B00;
	p0 =	sne.s32 s24, $0x4;
	s0 =	sadd.s32 s1, s0;
	[tilespmem:$0x5B00] =	vst v3  }
0x3c2: {  	[hbm4b:s0+s2] =	stream.linear.scatter [tilespmem:s31], [sflag:$0x4], $0x10, $0x38;
	[tilespmem:$0x5B80] =	vst v63  }
.Ltmp73:
0x3c3: {  	_ = 	snop;
	(pc) =	sbr.rel @p0 .LBB2_2-.Ltmp73, $4  }
.Ltmp74:
0x3c4: {  	_ = 	snop;
	(pc) =	sbr.rel @!p0 .LBB2_101-.Ltmp74, $4  }
0x3c5: {  	_ =	swait.ge [sflag:s21], $0x10  }
0x3c6: {  	[sflag:s21] =	ssyncset.done $0x0  }
0x3c7: {  	[sflag:s21] =	ssyncadd.s32 $0xFFFFFFF0  }
0x3c8: {  	_ = 	snop  }
.LBB2_92:
.Ltmp75:
0x3c9: {  	(pc) =	sbr.rel .LBB2_97-.Ltmp75, $2  }
0x3ca: {  	_ =	sdelay $0x2  }
0x3cb: {  	s5 =	simm.s32 $0x0;
	v7 =	vimm.s32 $0x0;
	s4 =	simm.s32 $0x5280  }
.LBB2_94:
.Ltmp76:
0x3cc: {  	(pc) =	sbr.rel .LBB2_97-.Ltmp76, $2  }
0x3cd: {  	_ =	sdelay $0x2  }
0x3ce: {  	s5 =	simm.s32 $0x0;
	v9 =	vmov v8;
	s4 =	simm.s32 $0x5280  }
.LBB2_102:
0x3cf: {  	_ =	sfence.sel $0x180000  }
0x3d0: {  	[bflag:$0x0] =	sbarrier.arrive $0xFFFF  }
0x3d1: {  	_ =	strace $0x90000047  }
0x3d2: {  	s0 =	stileid.u32;
	[bflag:$0x2] =	sbarrier.arrive $0xFFFF  }
0x3d3: {  	p0 =	sne.s32 s0, $0x0;
	s0 =	rddreg [dreg:$0x1]  }
0x3d4: {  	s0 =	sadd.s32 @!p0 $0x100000, s0  }
0x3d5: {  	[sflag:s0] =	ssyncadd.tile.s32 @!p0 $0x1;
	_ =	shalt  }
.Lfunc_end2:
_tile_overlayer_lowered:
.L_overlay_start_2:
0x3d6: {  	(tag) =	ssettag $0x2  }
0x3d7: {  	s0 =	rddreg [dreg:$0x0];
	s2 =	stileid.u32  }
0x3d8: {  	s1 =	rddreg [dreg:$0x1];
	p0 =	sne.s32 s2, $0x0  }
0x3d9: {  	s3 =	rddreg [dreg:$0x2];
	[bflag:$0x3] =	sbarrier.arrive $0xFFFF;
	s2 =	simm.s32 @!p0 $0x1C04  }
0x3da: {  	[timem:s3], [sflag:s2] =	dma.local @!p0 [hbm:s0], s1  }
0x3db: {  	s0 =	simm.s32 @!p0 $0x4  }
0x3dc: {  	_ =	swait.ge @!p0 [sflag:s0], s1  }
0x3dd: {  	s1 =	ssub.s32 @!p0 $0x0, s1;
	[sflag:s0] =	ssyncset.done @!p0 $0x0  }
0x3de: {  	[sflag:s0] =	ssyncadd.s32 @!p0 s1  }
0x3df: {  	[bflag:$0x3] =	sbarrier.arrive $0xFFFF  }
0x3e0: {  	_ =	shalt  }

</sc_bundles>
